<compile_context>
chip_gen: v7x
topology: tpu7x:2x2x1
jax: 0.10.2.dev20260603
libtpu: 0.0.44.dev20260713+nightly
codegen_flags: <defaults>
</compile_context>

<pallas_src>
import functools

import jax
import jax.numpy as jnp
from jax import lax
from jax.experimental import pallas as pl
from jax.experimental.pallas import tpu as pltpu
from jax.experimental.pallas import tpu_sc as plsc

N_NODES = 10000
N_EDGES = 320000
D_FEAT = 128
N_CLASSES = 40

NC = 2
NS = 16
NW = NC * NS
CH = 128
GC = 20
E_PAD = 327680
EPW = E_PAD // NW
NCHUNK = EPW // CH
NG = NCHUNK // GC
N_PAD = 10240
RPT = N_PAD // NS
DEGW = 128

_mesh = plsc.VectorSubcoreMesh(core_axis_name="c", subcore_axis_name="s")


def _zero_vmem(ref, nrows, width):
    z = jnp.zeros((16,), jnp.float32)

    def body(i, carry):
        for k in range(width // 16):
            ref[i, pl.ds(k * 16, 16)] = z
        return carry

    lax.fori_loop(0, nrows, body, 0)


@functools.partial(
    pl.kernel,
    out_type=jax.ShapeDtypeStruct((NC, N_PAD, DEGW), jnp.float32),
    mesh=_mesh,
    scratch_types=[
        pltpu.VMEM((NCHUNK, CH), jnp.int32),
        pltpu.VMEM((CH, DEGW), jnp.float32),
        pltpu.VMEM((CH, DEGW), jnp.float32),
        pltpu.VMEM_SHARED((N_PAD, DEGW), jnp.float32),
    ],
)
def _deg_kernel(dst_hbm, out_hbm, dstv, onesv, stg, acc):
    c = lax.axis_index("c")
    s = lax.axis_index("s")
    w = c * NS + s
    one = jnp.ones((16,), jnp.float32)

    def init_ones(i, carry):
        for k in range(DEGW // 16):
            onesv[i, pl.ds(k * 16, 16)] = one
        return carry

    lax.fori_loop(0, CH, init_ones, 0)
    _zero_vmem(stg, CH, DEGW)
    base = s * RPT
    for b in range(RPT // CH):
        pltpu.sync_copy(stg, acc.at[pl.ds(base + b * CH, CH)])
    plsc.subcore_barrier()

    pltpu.sync_copy(dst_hbm.at[w], dstv)

    def chunk(j, carry):
        pltpu.sync_copy(onesv, acc.at[dstv.at[j]], add=True)
        return carry

    lax.fori_loop(0, NCHUNK, chunk, 0)
    plsc.subcore_barrier()

    for b in range(RPT // CH):
        r0 = base + b * CH
        pltpu.sync_copy(acc.at[pl.ds(r0, CH)], stg)
        pltpu.sync_copy(stg, out_hbm.at[c, pl.ds(r0, CH)])


@functools.partial(
    pl.kernel,
    out_type=jax.ShapeDtypeStruct((NC, N_PAD, D_FEAT), jnp.float32),
    mesh=_mesh,
    scratch_types=[
        pltpu.VMEM((GC, CH), jnp.int32),
        pltpu.VMEM((NCHUNK, CH), jnp.int32),
        pltpu.VMEM((CH, D_FEAT), jnp.float32),
        pltpu.VMEM((CH, D_FEAT), jnp.float32),
        pltpu.VMEM_SHARED((N_PAD, D_FEAT), jnp.float32),
        pltpu.SemaphoreType.DMA,
        pltpu.SemaphoreType.DMA,
        pltpu.SemaphoreType.DMA,
        pltpu.SemaphoreType.DMA,
    ],
)
def _hop_kernel(
    g_hbm, src_hbm, dst_hbm, out_hbm, srcg, dstv, rows0, rows1, acc,
    sem0, sem1, ssem0, ssem1
):
    c = lax.axis_index("c")
    s = lax.axis_index("s")
    w = c * NS + s

    _zero_vmem(rows0, CH, D_FEAT)
    base = s * RPT
    for b in range(RPT // CH):
        pltpu.sync_copy(rows0, acc.at[pl.ds(base + b * CH, CH)])
    plsc.subcore_barrier()

    pltpu.sync_copy(dst_hbm.at[w], dstv)

    bufs = (rows0, rows1)
    sems = (sem0, sem1)
    ssems = (ssem0, ssem1)

    def group(g, carry):
        pltpu.sync_copy(src_hbm.at[w, g], srcg)
        pltpu.async_copy(g_hbm.at[srcg.at[0]], rows0, sem0)
        pltpu.async_copy(g_hbm.at[srcg.at[1]], rows1, sem1)
        scat = [None, None]
        for k in range(GC):
            b = k % 2
            buf, sem = bufs[b], sems[b]
            pltpu.make_async_copy(g_hbm.at[srcg.at[k]], buf, sem).wait()
            scat[b] = pltpu.async_copy(buf, acc.at[dstv.at[g * GC + k]], ssems[b], add=True)
            if k + 2 < GC:
                scat[b].wait()
                pltpu.async_copy(g_hbm.at[srcg.at[k + 2]], buf, sem)
        scat[0].wait()
        scat[1].wait()
        return carry

    lax.fori_loop(0, NG, group, 0)
    plsc.subcore_barrier()

    for b in range(RPT // CH):
        r0 = base + b * CH
        pltpu.sync_copy(acc.at[pl.ds(r0, CH)], rows0)
        pltpu.sync_copy(rows0, out_hbm.at[c, pl.ds(r0, CH)])


_ROWS_BLK = 1000
_GRID = N_NODES // _ROWS_BLK


def _prep_body(f_ref, degp_ref, g0_ref, nrm_ref):
    deg = jnp.maximum(degp_ref[0][:, 0:1] + degp_ref[1][:, 0:1], 1.0)
    rn = lax.rsqrt(deg)
    inv = 1.0 / deg
    g0_ref[...] = f_ref[...] * rn
    nrm_ref[...] = jnp.concatenate([rn, inv, rn, inv, rn, inv, rn, inv], axis=1)


def _mid_body(p_ref, nrm_ref, g1_ref):
    g1_ref[...] = (p_ref[0] + p_ref[1]) * nrm_ref[:, 1:2]


def _head_body(q_ref, nrm_ref, wsg_ref, bsg_ref, wlin_ref, blin_ref, o_ref):
    h = (q_ref[0] + q_ref[1]) * nrm_ref[:, 0:1]
    z = jnp.dot(h, wsg_ref[...], preferred_element_type=jnp.float32) + bsg_ref[...]
    o_ref[...] = (
        jnp.dot(jnp.maximum(z, 0.0), wlin_ref[...], preferred_element_type=jnp.float32)
        + blin_ref[...]
    )


_degp_spec = pl.BlockSpec((NC, _ROWS_BLK, DEGW), lambda i: (0, i, 0))
_full_spec = pl.BlockSpec((_ROWS_BLK, D_FEAT), lambda i: (i, 0))
_pair_spec = pl.BlockSpec((NC, _ROWS_BLK, D_FEAT), lambda i: (0, i, 0))
_nrm_spec = pl.BlockSpec((_ROWS_BLK, 8), lambda i: (i, 0))

_prep = pl.pallas_call(
    _prep_body,
    grid=(_GRID,),
    in_specs=[_full_spec, _degp_spec],
    out_specs=(_full_spec, _nrm_spec),
    out_shape=(
        jax.ShapeDtypeStruct((N_NODES, D_FEAT), jnp.float32),
        jax.ShapeDtypeStruct((N_NODES, 8), jnp.float32),
    ),
)

_mid = pl.pallas_call(
    _mid_body,
    grid=(_GRID,),
    in_specs=[_pair_spec, _nrm_spec],
    out_specs=_full_spec,
    out_shape=jax.ShapeDtypeStruct((N_NODES, D_FEAT), jnp.float32),
)

_head = pl.pallas_call(
    _head_body,
    grid=(_GRID,),
    in_specs=[
        _pair_spec,
        _nrm_spec,
        pl.BlockSpec((D_FEAT, D_FEAT), lambda i: (0, 0)),
        pl.BlockSpec((1, D_FEAT), lambda i: (0, 0)),
        pl.BlockSpec((D_FEAT, N_CLASSES), lambda i: (0, 0)),
        pl.BlockSpec((1, N_CLASSES), lambda i: (0, 0)),
    ],
    out_specs=pl.BlockSpec((_ROWS_BLK, N_CLASSES), lambda i: (i, 0)),
    out_shape=jax.ShapeDtypeStruct((N_NODES, N_CLASSES), jnp.float32),
)


def kernel(features, edge_index, W_sg, b_sg, W_lin, b_lin):
    n_extra = E_PAD - N_EDGES
    pad_ids = jnp.arange(n_extra, dtype=jnp.int32)
    pad_src = pad_ids % N_NODES
    pad_dst = N_NODES + pad_ids % (N_PAD - N_NODES)
    src = jnp.concatenate([edge_index[0], pad_src]).reshape(NW, NG, GC, CH)
    dst = jnp.concatenate([edge_index[1], pad_dst]).reshape(NW, NCHUNK, CH)
    degp = _deg_kernel(dst)
    g0, nrm = _prep(features, degp)
    p1 = _hop_kernel(g0, src, dst)
    g1 = _mid(p1, nrm)
    p2 = _hop_kernel(g1, src, dst)
    return _head(
        p2, nrm, W_sg, b_sg.reshape(1, D_FEAT), W_lin, b_lin.reshape(1, N_CLASSES)
    )

# --- scband reference (transcript-rebuilt; emitter-appended) ---
"""Pipeline reference for scband-sgc-25864293056528 (READ-ONLY COPY).

The authoritative reference and input builder live on the scoring server;
editing this copy changes nothing except your own understanding.
"""

import jax, jax.numpy as jnp
import numpy as np

N_NODES = 10000
N_EDGES = 320000
D_FEAT = 128
N_HIDDEN = 128
N_CLASSES = 40
K = 2


def setup_inputs(seed: int = 0) -> dict:
    key = jax.random.key(seed)
    k1, k2, k3, k4 = jax.random.split(key, 4)
    features = jax.random.normal(k1, (N_NODES, D_FEAT), dtype=jnp.float32)
    edge_index = jax.random.randint(k2, (2, N_EDGES), 0, N_NODES, dtype=jnp.int32)
    W_sg = jax.random.normal(k3, (D_FEAT, N_HIDDEN), dtype=jnp.float32) * (1.0 / np.sqrt(D_FEAT))
    b_sg = jnp.zeros((N_HIDDEN,), dtype=jnp.float32)
    W_lin = jax.random.normal(k4, (N_HIDDEN, N_CLASSES), dtype=jnp.float32) * (1.0 / np.sqrt(N_HIDDEN))
    b_lin = jnp.zeros((N_CLASSES,), dtype=jnp.float32)
    return {"features": features, "edge_index": edge_index, "W_sg": W_sg, "b_sg": b_sg, "W_lin": W_lin, "b_lin": b_lin}


def reference(features, edge_index, W_sg, b_sg, W_lin, b_lin):
    # SGConv (DGL-style, k=2): symmetric degree normalization, k rounds of
    # sparse propagation, then a single linear transform. Final SGC head:
    # linear(relu(h)). Dropout is a no-op in eval / unused in forward.
    src = edge_index[0]
    dst = edge_index[1]
    deg = jnp.zeros((N_NODES,), dtype=jnp.float32).at[dst].add(1.0)
    norm = jnp.power(jnp.clip(deg, 1.0, None), -0.5)
    h = features
    for _ in range(K):
        h = h * norm[:, None]
        h = jax.ops.segment_sum(h[src], dst, num_segments=N_NODES)
        h = h * norm[:, None]
    h = h @ W_sg + b_sg
    out = jax.nn.relu(h) @ W_lin + b_lin
    return out

if __name__ == "__main__":
    import jax
    _d = setup_inputs()
    print(jax.jit(kernel)(*tuple(_d.values())))

</pallas_src>

<mosaic_0001>
#map = affine_map<(d0, d1) -> (0, 0, 0)>
module attributes {stable_mosaic.version = 14 : i64} {
  func.func @_deg_kernel(%arg0: i32, %arg1: i32, %arg2: memref<32x80x128xi32, #tpu.memory_space<hbm>>, %arg3: memref<2x10240x128xf32, #tpu.memory_space<hbm>>, %arg4: memref<80x128xi32, #tpu.memory_space<vmem>>, %arg5: memref<128x128xf32, #tpu.memory_space<vmem>>, %arg6: memref<128x128xf32, #tpu.memory_space<vmem>>, %arg7: memref<10240x128xf32, #tpu.memory_space<vmem_shared>>) attributes {dimension_semantics = [#tpu.dimension_semantics<core_parallel>, #tpu.dimension_semantics<subcore_parallel>], iteration_bounds = array<i64: 2, 16>, scalar_prefetch = 0 : i64, scratch_operands = 4 : i64, tpu.core_type = #tpu.core_type<sc_vector_subcore>, window_params = [{transform_indices = #map}, {transform_indices = #map}]} {
    %mul3A = arith.constant 16 : i32
    %mul3A_0 = arith.muli %arg0, %mul3A : i32
    %add3A = arith.addi %mul3A_0, %arg1 : i32
    %broadcast_in_dim3A = arith.constant 1.000000e+00 : f32
    %broadcast_in_dim3A_1 = vector.broadcast %broadcast_in_dim3A : f32 to vector<16xf32>
    %scan3A = arith.constant 0 : i32
    %scan3A_2 = arith.constant 0 : i32
    %scan3A_3 = arith.constant 128 : i32
    %scan3A_4 = arith.addi %scan3A_2, %scan3A_3 : i32
    %scan3A_5 = arith.constant 1 : i32
    scf.for %scan3A_44 = %scan3A_2 to %scan3A_4 step %scan3A_5  : i32 {
      %swap3A = arith.index_cast %scan3A_44 : i32 to index
      %swap3A_45 = arith.constant 0 : index
      %swap3A_46 = tpu.vector_load %arg5[%swap3A, %swap3A_45] {strides = array<i32>} : memref<128x128xf32, #tpu.memory_space<vmem>>, vector<1x16xf32>,
      %swap3A_47 = vector.shape_cast %swap3A_46 : vector<1x16xf32> to vector<16xf32>
      %swap3A_48 = vector.shape_cast %broadcast_in_dim3A_1 : vector<16xf32> to vector<1x16xf32>
      tpu.vector_store %arg5[%swap3A, %swap3A_45], %swap3A_48 {strides = array<i32>} : memref<128x128xf32, #tpu.memory_space<vmem>>, vector<1x16xf32>,
      %swap3A_49 = arith.index_cast %scan3A_44 : i32 to index
      %swap3A_50 = arith.constant 16 : index
      %swap3A_51 = tpu.vector_load %arg5[%swap3A_49, %swap3A_50] {strides = array<i32>} : memref<128x128xf32, #tpu.memory_space<vmem>>, vector<1x16xf32>,
      %swap3A_52 = vector.shape_cast %swap3A_51 : vector<1x16xf32> to vector<16xf32>
      %swap3A_53 = vector.shape_cast %broadcast_in_dim3A_1 : vector<16xf32> to vector<1x16xf32>
      tpu.vector_store %arg5[%swap3A_49, %swap3A_50], %swap3A_53 {strides = array<i32>} : memref<128x128xf32, #tpu.memory_space<vmem>>, vector<1x16xf32>,
      %swap3A_54 = arith.index_cast %scan3A_44 : i32 to index
      %swap3A_55 = arith.constant 32 : index
      %swap3A_56 = tpu.vector_load %arg5[%swap3A_54, %swap3A_55] {strides = array<i32>} : memref<128x128xf32, #tpu.memory_space<vmem>>, vector<1x16xf32>,
      %swap3A_57 = vector.shape_cast %swap3A_56 : vector<1x16xf32> to vector<16xf32>
      %swap3A_58 = vector.shape_cast %broadcast_in_dim3A_1 : vector<16xf32> to vector<1x16xf32>
      tpu.vector_store %arg5[%swap3A_54, %swap3A_55], %swap3A_58 {strides = array<i32>} : memref<128x128xf32, #tpu.memory_space<vmem>>, vector<1x16xf32>,
      %swap3A_59 = arith.index_cast %scan3A_44 : i32 to index
      %swap3A_60 = arith.constant 48 : index
      %swap3A_61 = tpu.vector_load %arg5[%swap3A_59, %swap3A_60] {strides = array<i32>} : memref<128x128xf32, #tpu.memory_space<vmem>>, vector<1x16xf32>,
      %swap3A_62 = vector.shape_cast %swap3A_61 : vector<1x16xf32> to vector<16xf32>
      %swap3A_63 = vector.shape_cast %broadcast_in_dim3A_1 : vector<16xf32> to vector<1x16xf32>
      tpu.vector_store %arg5[%swap3A_59, %swap3A_60], %swap3A_63 {strides = array<i32>} : memref<128x128xf32, #tpu.memory_space<vmem>>, vector<1x16xf32>,
      %swap3A_64 = arith.index_cast %scan3A_44 : i32 to index
      %swap3A_65 = arith.constant 64 : index
      %swap3A_66 = tpu.vector_load %arg5[%swap3A_64, %swap3A_65] {strides = array<i32>} : memref<128x128xf32, #tpu.memory_space<vmem>>, vector<1x16xf32>,
      %swap3A_67 = vector.shape_cast %swap3A_66 : vector<1x16xf32> to vector<16xf32>
      %swap3A_68 = vector.shape_cast %broadcast_in_dim3A_1 : vector<16xf32> to vector<1x16xf32>
      tpu.vector_store %arg5[%swap3A_64, %swap3A_65], %swap3A_68 {strides = array<i32>} : memref<128x128xf32, #tpu.memory_space<vmem>>, vector<1x16xf32>,
      %swap3A_69 = arith.index_cast %scan3A_44 : i32 to index
      %swap3A_70 = arith.constant 80 : index
      %swap3A_71 = tpu.vector_load %arg5[%swap3A_69, %swap3A_70] {strides = array<i32>} : memref<128x128xf32, #tpu.memory_space<vmem>>, vector<1x16xf32>,
      %swap3A_72 = vector.shape_cast %swap3A_71 : vector<1x16xf32> to vector<16xf32>
      %swap3A_73 = vector.shape_cast %broadcast_in_dim3A_1 : vector<16xf32> to vector<1x16xf32>
      tpu.vector_store %arg5[%swap3A_69, %swap3A_70], %swap3A_73 {strides = array<i32>} : memref<128x128xf32, #tpu.memory_space<vmem>>, vector<1x16xf32>,
      %swap3A_74 = arith.index_cast %scan3A_44 : i32 to index
      %swap3A_75 = arith.constant 96 : index
      %swap3A_76 = tpu.vector_load %arg5[%swap3A_74, %swap3A_75] {strides = array<i32>} : memref<128x128xf32, #tpu.memory_space<vmem>>, vector<1x16xf32>,
      %swap3A_77 = vector.shape_cast %swap3A_76 : vector<1x16xf32> to vector<16xf32>
      %swap3A_78 = vector.shape_cast %broadcast_in_dim3A_1 : vector<16xf32> to vector<1x16xf32>
      tpu.vector_store %arg5[%swap3A_74, %swap3A_75], %swap3A_78 {strides = array<i32>} : memref<128x128xf32, #tpu.memory_space<vmem>>, vector<1x16xf32>,
      %swap3A_79 = arith.index_cast %scan3A_44 : i32 to index
      %swap3A_80 = arith.constant 112 : index
      %swap3A_81 = tpu.vector_load %arg5[%swap3A_79, %swap3A_80] {strides = array<i32>} : memref<128x128xf32, #tpu.memory_space<vmem>>, vector<1x16xf32>,
      %swap3A_82 = vector.shape_cast %swap3A_81 : vector<1x16xf32> to vector<16xf32>
      %swap3A_83 = vector.shape_cast %broadcast_in_dim3A_1 : vector<16xf32> to vector<1x16xf32>
      tpu.vector_store %arg5[%swap3A_79, %swap3A_80], %swap3A_83 {strides = array<i32>} : memref<128x128xf32, #tpu.memory_space<vmem>>, vector<1x16xf32>,
    }
    %scan3A_6 = arith.constant 128 : i32
    %broadcast_in_dim3A_7 = arith.constant 0.000000e+00 : f32
    %broadcast_in_dim3A_8 = vector.broadcast %broadcast_in_dim3A_7 : f32 to vector<16xf32>
    %scan3A_9 = arith.constant 0 : i32
    %scan3A_10 = arith.constant 0 : i32
    %scan3A_11 = arith.constant 128 : i32
    %scan3A_12 = arith.addi %scan3A_10, %scan3A_11 : i32
    %scan3A_13 = arith.constant 1 : i32
    scf.for %scan3A_44 = %scan3A_10 to %scan3A_12 step %scan3A_13  : i32 {
      %swap3A = arith.index_cast %scan3A_44 : i32 to index
      %swap3A_45 = arith.constant 0 : index
      %swap3A_46 = tpu.vector_load %arg6[%swap3A, %swap3A_45] {strides = array<i32>} : memref<128x128xf32, #tpu.memory_space<vmem>>, vector<1x16xf32>,
      %swap3A_47 = vector.shape_cast %swap3A_46 : vector<1x16xf32> to vector<16xf32>
      %swap3A_48 = vector.shape_cast %broadcast_in_dim3A_8 : vector<16xf32> to vector<1x16xf32>
      tpu.vector_store %arg6[%swap3A, %swap3A_45], %swap3A_48 {strides = array<i32>} : memref<128x128xf32, #tpu.memory_space<vmem>>, vector<1x16xf32>,
      %swap3A_49 = arith.index_cast %scan3A_44 : i32 to index
      %swap3A_50 = arith.constant 16 : index
      %swap3A_51 = tpu.vector_load %arg6[%swap3A_49, %swap3A_50] {strides = array<i32>} : memref<128x128xf32, #tpu.memory_space<vmem>>, vector<1x16xf32>,
      %swap3A_52 = vector.shape_cast %swap3A_51 : vector<1x16xf32> to vector<16xf32>
      %swap3A_53 = vector.shape_cast %broadcast_in_dim3A_8 : vector<16xf32> to vector<1x16xf32>
      tpu.vector_store %arg6[%swap3A_49, %swap3A_50], %swap3A_53 {strides = array<i32>} : memref<128x128xf32, #tpu.memory_space<vmem>>, vector<1x16xf32>,
      %swap3A_54 = arith.index_cast %scan3A_44 : i32 to index
      %swap3A_55 = arith.constant 32 : index
      %swap3A_56 = tpu.vector_load %arg6[%swap3A_54, %swap3A_55] {strides = array<i32>} : memref<128x128xf32, #tpu.memory_space<vmem>>, vector<1x16xf32>,
      %swap3A_57 = vector.shape_cast %swap3A_56 : vector<1x16xf32> to vector<16xf32>
      %swap3A_58 = vector.shape_cast %broadcast_in_dim3A_8 : vector<16xf32> to vector<1x16xf32>
      tpu.vector_store %arg6[%swap3A_54, %swap3A_55], %swap3A_58 {strides = array<i32>} : memref<128x128xf32, #tpu.memory_space<vmem>>, vector<1x16xf32>,
      %swap3A_59 = arith.index_cast %scan3A_44 : i32 to index
      %swap3A_60 = arith.constant 48 : index
      %swap3A_61 = tpu.vector_load %arg6[%swap3A_59, %swap3A_60] {strides = array<i32>} : memref<128x128xf32, #tpu.memory_space<vmem>>, vector<1x16xf32>,
      %swap3A_62 = vector.shape_cast %swap3A_61 : vector<1x16xf32> to vector<16xf32>
      %swap3A_63 = vector.shape_cast %broadcast_in_dim3A_8 : vector<16xf32> to vector<1x16xf32>
      tpu.vector_store %arg6[%swap3A_59, %swap3A_60], %swap3A_63 {strides = array<i32>} : memref<128x128xf32, #tpu.memory_space<vmem>>, vector<1x16xf32>,
      %swap3A_64 = arith.index_cast %scan3A_44 : i32 to index
      %swap3A_65 = arith.constant 64 : index
      %swap3A_66 = tpu.vector_load %arg6[%swap3A_64, %swap3A_65] {strides = array<i32>} : memref<128x128xf32, #tpu.memory_space<vmem>>, vector<1x16xf32>,
      %swap3A_67 = vector.shape_cast %swap3A_66 : vector<1x16xf32> to vector<16xf32>
      %swap3A_68 = vector.shape_cast %broadcast_in_dim3A_8 : vector<16xf32> to vector<1x16xf32>
      tpu.vector_store %arg6[%swap3A_64, %swap3A_65], %swap3A_68 {strides = array<i32>} : memref<128x128xf32, #tpu.memory_space<vmem>>, vector<1x16xf32>,
      %swap3A_69 = arith.index_cast %scan3A_44 : i32 to index
      %swap3A_70 = arith.constant 80 : index
      %swap3A_71 = tpu.vector_load %arg6[%swap3A_69, %swap3A_70] {strides = array<i32>} : memref<128x128xf32, #tpu.memory_space<vmem>>, vector<1x16xf32>,
      %swap3A_72 = vector.shape_cast %swap3A_71 : vector<1x16xf32> to vector<16xf32>
      %swap3A_73 = vector.shape_cast %broadcast_in_dim3A_8 : vector<16xf32> to vector<1x16xf32>
      tpu.vector_store %arg6[%swap3A_69, %swap3A_70], %swap3A_73 {strides = array<i32>} : memref<128x128xf32, #tpu.memory_space<vmem>>, vector<1x16xf32>,
      %swap3A_74 = arith.index_cast %scan3A_44 : i32 to index
      %swap3A_75 = arith.constant 96 : index
      %swap3A_76 = tpu.vector_load %arg6[%swap3A_74, %swap3A_75] {strides = array<i32>} : memref<128x128xf32, #tpu.memory_space<vmem>>, vector<1x16xf32>,
      %swap3A_77 = vector.shape_cast %swap3A_76 : vector<1x16xf32> to vector<16xf32>
      %swap3A_78 = vector.shape_cast %broadcast_in_dim3A_8 : vector<16xf32> to vector<1x16xf32>
      tpu.vector_store %arg6[%swap3A_74, %swap3A_75], %swap3A_78 {strides = array<i32>} : memref<128x128xf32, #tpu.memory_space<vmem>>, vector<1x16xf32>,
      %swap3A_79 = arith.index_cast %scan3A_44 : i32 to index
      %swap3A_80 = arith.constant 112 : index
      %swap3A_81 = tpu.vector_load %arg6[%swap3A_79, %swap3A_80] {strides = array<i32>} : memref<128x128xf32, #tpu.memory_space<vmem>>, vector<1x16xf32>,
      %swap3A_82 = vector.shape_cast %swap3A_81 : vector<1x16xf32> to vector<16xf32>
      %swap3A_83 = vector.shape_cast %broadcast_in_dim3A_8 : vector<16xf32> to vector<1x16xf32>
      tpu.vector_store %arg6[%swap3A_79, %swap3A_80], %swap3A_83 {strides = array<i32>} : memref<128x128xf32, #tpu.memory_space<vmem>>, vector<1x16xf32>,
    }
    %scan3A_14 = arith.constant 128 : i32
    %mul3A_15 = arith.constant 640 : i32
    %mul3A_16 = arith.muli %arg1, %mul3A_15 : i32
    %add3A_17 = arith.constant 0 : i32
    %add3A_18 = arith.addi %mul3A_16, %add3A_17 : i32
    "tpu.region"() ({
      %run_scoped3A = tpu.sem_alloc : memref<!tpu.dma_semaphore, #tpu.memory_space<semaphore_mem>>
      %dma_start3A = arith.constant 0 : i32
      %dma_start3A_44 = tpu.memref_slice %arg7[%add3A_18, %dma_start3A] : memref<10240x128xf32, #tpu.memory_space<vmem_shared>> -> memref<128x128xf32, #tpu.memory_space<vmem_shared>>
      %dma_start3A_45 = arith.constant 0 : i32
      %dma_start3A_46 = tpu.memref_slice %arg7[%add3A_18, %dma_start3A_45] : memref<10240x128xf32, #tpu.memory_space<vmem_shared>> -> memref<128x128xf32, #tpu.memory_space<vmem_shared>>
      tpu.enqueue_dma source(%arg6 : memref<128x128xf32, #tpu.memory_space<vmem>>) target(%dma_start3A_46 : memref<128x128xf32, #tpu.memory_space<vmem_shared>>) target_semaphore(%run_scoped3A : memref<!tpu.dma_semaphore, #tpu.memory_space<semaphore_mem>>)
      %dma_wait3A = arith.constant 0 : i32
      %dma_wait3A_47 = tpu.memref_slice %arg7[%add3A_18, %dma_wait3A] : memref<10240x128xf32, #tpu.memory_space<vmem_shared>> -> memref<128x128xf32, #tpu.memory_space<vmem_shared>>
      %dma_wait3A_48 = arith.constant 0 : i32
      %dma_wait3A_49 = tpu.memref_slice %arg7[%add3A_18, %dma_wait3A_48] : memref<10240x128xf32, #tpu.memory_space<vmem_shared>> -> memref<128x128xf32, #tpu.memory_space<vmem_shared>>
      tpu.wait_dma2 semaphore(%run_scoped3A : memref<!tpu.dma_semaphore, #tpu.memory_space<semaphore_mem>>) src(%arg6 : memref<128x128xf32, #tpu.memory_space<vmem>>) dst(%dma_wait3A_49 : memref<128x128xf32, #tpu.memory_space<vmem_shared>>)
      tpu.yield
    }) : () -> ()
    %add3A_19 = arith.constant 128 : i32
    %add3A_20 = arith.addi %mul3A_16, %add3A_19 : i32
    "tpu.region"() ({
      %run_scoped3A = tpu.sem_alloc : memref<!tpu.dma_semaphore, #tpu.memory_space<semaphore_mem>>
      %dma_start3A = arith.constant 0 : i32
      %dma_start3A_44 = tpu.memref_slice %arg7[%add3A_20, %dma_start3A] : memref<10240x128xf32, #tpu.memory_space<vmem_shared>> -> memref<128x128xf32, #tpu.memory_space<vmem_shared>>
      %dma_start3A_45 = arith.constant 0 : i32
      %dma_start3A_46 = tpu.memref_slice %arg7[%add3A_20, %dma_start3A_45] : memref<10240x128xf32, #tpu.memory_space<vmem_shared>> -> memref<128x128xf32, #tpu.memory_space<vmem_shared>>
      tpu.enqueue_dma source(%arg6 : memref<128x128xf32, #tpu.memory_space<vmem>>) target(%dma_start3A_46 : memref<128x128xf32, #tpu.memory_space<vmem_shared>>) target_semaphore(%run_scoped3A : memref<!tpu.dma_semaphore, #tpu.memory_space<semaphore_mem>>)
      %dma_wait3A = arith.constant 0 : i32
      %dma_wait3A_47 = tpu.memref_slice %arg7[%add3A_20, %dma_wait3A] : memref<10240x128xf32, #tpu.memory_space<vmem_shared>> -> memref<128x128xf32, #tpu.memory_space<vmem_shared>>
      %dma_wait3A_48 = arith.constant 0 : i32
      %dma_wait3A_49 = tpu.memref_slice %arg7[%add3A_20, %dma_wait3A_48] : memref<10240x128xf32, #tpu.memory_space<vmem_shared>> -> memref<128x128xf32, #tpu.memory_space<vmem_shared>>
      tpu.wait_dma2 semaphore(%run_scoped3A : memref<!tpu.dma_semaphore, #tpu.memory_space<semaphore_mem>>) src(%arg6 : memref<128x128xf32, #tpu.memory_space<vmem>>) dst(%dma_wait3A_49 : memref<128x128xf32, #tpu.memory_space<vmem_shared>>)
      tpu.yield
    }) : () -> ()
    %add3A_21 = arith.constant 256 : i32
    %add3A_22 = arith.addi %mul3A_16, %add3A_21 : i32
    "tpu.region"() ({
      %run_scoped3A = tpu.sem_alloc : memref<!tpu.dma_semaphore, #tpu.memory_space<semaphore_mem>>
      %dma_start3A = arith.constant 0 : i32
      %dma_start3A_44 = tpu.memref_slice %arg7[%add3A_22, %dma_start3A] : memref<10240x128xf32, #tpu.memory_space<vmem_shared>> -> memref<128x128xf32, #tpu.memory_space<vmem_shared>>
      %dma_start3A_45 = arith.constant 0 : i32
      %dma_start3A_46 = tpu.memref_slice %arg7[%add3A_22, %dma_start3A_45] : memref<10240x128xf32, #tpu.memory_space<vmem_shared>> -> memref<128x128xf32, #tpu.memory_space<vmem_shared>>
      tpu.enqueue_dma source(%arg6 : memref<128x128xf32, #tpu.memory_space<vmem>>) target(%dma_start3A_46 : memref<128x128xf32, #tpu.memory_space<vmem_shared>>) target_semaphore(%run_scoped3A : memref<!tpu.dma_semaphore, #tpu.memory_space<semaphore_mem>>)
      %dma_wait3A = arith.constant 0 : i32
      %dma_wait3A_47 = tpu.memref_slice %arg7[%add3A_22, %dma_wait3A] : memref<10240x128xf32, #tpu.memory_space<vmem_shared>> -> memref<128x128xf32, #tpu.memory_space<vmem_shared>>
      %dma_wait3A_48 = arith.constant 0 : i32
      %dma_wait3A_49 = tpu.memref_slice %arg7[%add3A_22, %dma_wait3A_48] : memref<10240x128xf32, #tpu.memory_space<vmem_shared>> -> memref<128x128xf32, #tpu.memory_space<vmem_shared>>
      tpu.wait_dma2 semaphore(%run_scoped3A : memref<!tpu.dma_semaphore, #tpu.memory_space<semaphore_mem>>) src(%arg6 : memref<128x128xf32, #tpu.memory_space<vmem>>) dst(%dma_wait3A_49 : memref<128x128xf32, #tpu.memory_space<vmem_shared>>)
      tpu.yield
    }) : () -> ()
    %add3A_23 = arith.constant 384 : i32
    %add3A_24 = arith.addi %mul3A_16, %add3A_23 : i32
    "tpu.region"() ({
      %run_scoped3A = tpu.sem_alloc : memref<!tpu.dma_semaphore, #tpu.memory_space<semaphore_mem>>
      %dma_start3A = arith.constant 0 : i32
      %dma_start3A_44 = tpu.memref_slice %arg7[%add3A_24, %dma_start3A] : memref<10240x128xf32, #tpu.memory_space<vmem_shared>> -> memref<128x128xf32, #tpu.memory_space<vmem_shared>>
      %dma_start3A_45 = arith.constant 0 : i32
      %dma_start3A_46 = tpu.memref_slice %arg7[%add3A_24, %dma_start3A_45] : memref<10240x128xf32, #tpu.memory_space<vmem_shared>> -> memref<128x128xf32, #tpu.memory_space<vmem_shared>>
      tpu.enqueue_dma source(%arg6 : memref<128x128xf32, #tpu.memory_space<vmem>>) target(%dma_start3A_46 : memref<128x128xf32, #tpu.memory_space<vmem_shared>>) target_semaphore(%run_scoped3A : memref<!tpu.dma_semaphore, #tpu.memory_space<semaphore_mem>>)
      %dma_wait3A = arith.constant 0 : i32
      %dma_wait3A_47 = tpu.memref_slice %arg7[%add3A_24, %dma_wait3A] : memref<10240x128xf32, #tpu.memory_space<vmem_shared>> -> memref<128x128xf32, #tpu.memory_space<vmem_shared>>
      %dma_wait3A_48 = arith.constant 0 : i32
      %dma_wait3A_49 = tpu.memref_slice %arg7[%add3A_24, %dma_wait3A_48] : memref<10240x128xf32, #tpu.memory_space<vmem_shared>> -> memref<128x128xf32, #tpu.memory_space<vmem_shared>>
      tpu.wait_dma2 semaphore(%run_scoped3A : memref<!tpu.dma_semaphore, #tpu.memory_space<semaphore_mem>>) src(%arg6 : memref<128x128xf32, #tpu.memory_space<vmem>>) dst(%dma_wait3A_49 : memref<128x128xf32, #tpu.memory_space<vmem_shared>>)
      tpu.yield
    }) : () -> ()
    %add3A_25 = arith.constant 512 : i32
    %add3A_26 = arith.addi %mul3A_16, %add3A_25 : i32
    "tpu.region"() ({
      %run_scoped3A = tpu.sem_alloc : memref<!tpu.dma_semaphore, #tpu.memory_space<semaphore_mem>>
      %dma_start3A = arith.constant 0 : i32
      %dma_start3A_44 = tpu.memref_slice %arg7[%add3A_26, %dma_start3A] : memref<10240x128xf32, #tpu.memory_space<vmem_shared>> -> memref<128x128xf32, #tpu.memory_space<vmem_shared>>
      %dma_start3A_45 = arith.constant 0 : i32
      %dma_start3A_46 = tpu.memref_slice %arg7[%add3A_26, %dma_start3A_45] : memref<10240x128xf32, #tpu.memory_space<vmem_shared>> -> memref<128x128xf32, #tpu.memory_space<vmem_shared>>
      tpu.enqueue_dma source(%arg6 : memref<128x128xf32, #tpu.memory_space<vmem>>) target(%dma_start3A_46 : memref<128x128xf32, #tpu.memory_space<vmem_shared>>) target_semaphore(%run_scoped3A : memref<!tpu.dma_semaphore, #tpu.memory_space<semaphore_mem>>)
      %dma_wait3A = arith.constant 0 : i32
      %dma_wait3A_47 = tpu.memref_slice %arg7[%add3A_26, %dma_wait3A] : memref<10240x128xf32, #tpu.memory_space<vmem_shared>> -> memref<128x128xf32, #tpu.memory_space<vmem_shared>>
      %dma_wait3A_48 = arith.constant 0 : i32
      %dma_wait3A_49 = tpu.memref_slice %arg7[%add3A_26, %dma_wait3A_48] : memref<10240x128xf32, #tpu.memory_space<vmem_shared>> -> memref<128x128xf32, #tpu.memory_space<vmem_shared>>
      tpu.wait_dma2 semaphore(%run_scoped3A : memref<!tpu.dma_semaphore, #tpu.memory_space<semaphore_mem>>) src(%arg6 : memref<128x128xf32, #tpu.memory_space<vmem>>) dst(%dma_wait3A_49 : memref<128x128xf32, #tpu.memory_space<vmem_shared>>)
      tpu.yield
    }) : () -> ()
    %barrier3A = arith.constant 0 : index
    tpu.barrier barrier_id(%barrier3A)
    "tpu.region"() ({
      %run_scoped3A = tpu.sem_alloc : memref<!tpu.dma_semaphore, #tpu.memory_space<semaphore_mem>>
      %dma_start3A = arith.constant 0 : i32
      %dma_start3A_44 = arith.constant 0 : i32
      %dma_start3A_45 = tpu.memref_slice %arg2[%add3A, %dma_start3A, %dma_start3A_44] : memref<32x80x128xi32, #tpu.memory_space<hbm>> -> memref<1x80x128xi32, #tpu.memory_space<hbm>>
      %dma_start3A_46 = tpu.memref_squeeze %dma_start3A_45 : memref<1x80x128xi32, #tpu.memory_space<hbm>> -> memref<80x128xi32, #tpu.memory_space<hbm>>
      %dma_start3A_47 = arith.constant 0 : i32
      %dma_start3A_48 = arith.constant 0 : i32
      %dma_start3A_49 = tpu.memref_slice %arg2[%add3A, %dma_start3A_47, %dma_start3A_48] : memref<32x80x128xi32, #tpu.memory_space<hbm>> -> memref<1x80x128xi32, #tpu.memory_space<hbm>>
      %dma_start3A_50 = tpu.memref_squeeze %dma_start3A_49 : memref<1x80x128xi32, #tpu.memory_space<hbm>> -> memref<80x128xi32, #tpu.memory_space<hbm>>
      tpu.enqueue_dma source(%dma_start3A_50 : memref<80x128xi32, #tpu.memory_space<hbm>>) target(%arg4 : memref<80x128xi32, #tpu.memory_space<vmem>>) target_semaphore(%run_scoped3A : memref<!tpu.dma_semaphore, #tpu.memory_space<semaphore_mem>>)
      %dma_wait3A = arith.constant 0 : i32
      %dma_wait3A_51 = arith.constant 0 : i32
      %dma_wait3A_52 = tpu.memref_slice %arg2[%add3A, %dma_wait3A, %dma_wait3A_51] : memref<32x80x128xi32, #tpu.memory_space<hbm>> -> memref<1x80x128xi32, #tpu.memory_space<hbm>>
      %dma_wait3A_53 = tpu.memref_squeeze %dma_wait3A_52 : memref<1x80x128xi32, #tpu.memory_space<hbm>> -> memref<80x128xi32, #tpu.memory_space<hbm>>
      %dma_wait3A_54 = arith.constant 0 : i32
      %dma_wait3A_55 = arith.constant 0 : i32
      %dma_wait3A_56 = tpu.memref_slice %arg2[%add3A, %dma_wait3A_54, %dma_wait3A_55] : memref<32x80x128xi32, #tpu.memory_space<hbm>> -> memref<1x80x128xi32, #tpu.memory_space<hbm>>
      %dma_wait3A_57 = tpu.memref_squeeze %dma_wait3A_56 : memref<1x80x128xi32, #tpu.memory_space<hbm>> -> memref<80x128xi32, #tpu.memory_space<hbm>>
      tpu.wait_dma2 semaphore(%run_scoped3A : memref<!tpu.dma_semaphore, #tpu.memory_space<semaphore_mem>>) src(%dma_wait3A_57 : memref<80x128xi32, #tpu.memory_space<hbm>>) dst(%arg4 : memref<80x128xi32, #tpu.memory_space<vmem>>)
      tpu.yield
    }) : () -> ()
    %scan3A_27 = arith.constant 0 : i32
    %scan3A_28 = arith.constant 0 : i32
    %scan3A_29 = arith.constant 80 : i32
    %scan3A_30 = arith.addi %scan3A_28, %scan3A_29 : i32
    %scan3A_31 = arith.constant 1 : i32
    scf.for %scan3A_44 = %scan3A_28 to %scan3A_30 step %scan3A_31  : i32 {
      "tpu.region"() ({
        %run_scoped3A = tpu.sem_alloc : memref<!tpu.dma_semaphore, #tpu.memory_space<semaphore_mem>>
        %dma_start3A = arith.constant 0 : i32
        %dma_start3A_45 = tpu.memref_slice %arg4[%scan3A_44, %dma_start3A] : memref<80x128xi32, #tpu.memory_space<vmem>> -> memref<1x128xi32, #tpu.memory_space<vmem>>
        %dma_start3A_46 = tpu.memref_squeeze %dma_start3A_45 : memref<1x128xi32, #tpu.memory_space<vmem>> -> memref<128xi32, #tpu.memory_space<vmem>>
        %dma_start3A_47 = arith.constant 0 : i32
        %dma_start3A_48 = arith.constant 0 : i32
        %dma_start3A_49 = tpu.memref_slice %arg7[%dma_start3A_47, %dma_start3A_48] : memref<10240x128xf32, #tpu.memory_space<vmem_shared>> -> memref<10240x128xf32, #tpu.memory_space<vmem_shared>>
        tpu.enqueue_indirect_dma source(%arg5 : memref<128x128xf32, #tpu.memory_space<vmem>>) target(%dma_start3A_49 : memref<10240x128xf32, #tpu.memory_space<vmem_shared>>) offsets(%dma_start3A_46 : memref<128xi32, #tpu.memory_space<vmem>>) semaphore(%run_scoped3A : memref<!tpu.dma_semaphore, #tpu.memory_space<semaphore_mem>>) {add = true}
        %dma_wait3A = arith.constant 0 : i32
        %dma_wait3A_50 = tpu.memref_slice %arg4[%scan3A_44, %dma_wait3A] : memref<80x128xi32, #tpu.memory_space<vmem>> -> memref<1x128xi32, #tpu.memory_space<vmem>>
        %dma_wait3A_51 = tpu.memref_squeeze %dma_wait3A_50 : memref<1x128xi32, #tpu.memory_space<vmem>> -> memref<128xi32, #tpu.memory_space<vmem>>
        %dma_wait3A_52 = arith.constant 0 : i32
        %dma_wait3A_53 = arith.constant 0 : i32
        %dma_wait3A_54 = tpu.memref_slice %arg7[%dma_wait3A_52, %dma_wait3A_53] : memref<10240x128xf32, #tpu.memory_space<vmem_shared>> -> memref<10240x128xf32, #tpu.memory_space<vmem_shared>>
        tpu.wait_indirect_dma semaphore(%run_scoped3A : memref<!tpu.dma_semaphore, #tpu.memory_space<semaphore_mem>>) src(%arg5 : memref<128x128xf32, #tpu.memory_space<vmem>>) dst(%dma_wait3A_54 : memref<10240x128xf32, #tpu.memory_space<vmem_shared>>)
        tpu.yield
      }) : () -> ()
    }
    %scan3A_32 = arith.constant 80 : i32
    %barrier3A_33 = arith.constant 0 : index
    tpu.barrier barrier_id(%barrier3A_33)
    %add3A_34 = arith.constant 0 : i32
    %add3A_35 = arith.addi %mul3A_16, %add3A_34 : i32
    "tpu.region"() ({
      %run_scoped3A = tpu.sem_alloc : memref<!tpu.dma_semaphore, #tpu.memory_space<semaphore_mem>>
      %dma_start3A = arith.constant 0 : i32
      %dma_start3A_44 = tpu.memref_slice %arg7[%add3A_35, %dma_start3A] : memref<10240x128xf32, #tpu.memory_space<vmem_shared>> -> memref<128x128xf32, #tpu.memory_space<vmem_shared>>
      %dma_start3A_45 = arith.constant 0 : i32
      %dma_start3A_46 = tpu.memref_slice %arg7[%add3A_35, %dma_start3A_45] : memref<10240x128xf32, #tpu.memory_space<vmem_shared>> -> memref<128x128xf32, #tpu.memory_space<vmem_shared>>
      tpu.enqueue_dma source(%dma_start3A_46 : memref<128x128xf32, #tpu.memory_space<vmem_shared>>) target(%arg6 : memref<128x128xf32, #tpu.memory_space<vmem>>) target_semaphore(%run_scoped3A : memref<!tpu.dma_semaphore, #tpu.memory_space<semaphore_mem>>)
      %dma_wait3A = arith.constant 0 : i32
      %dma_wait3A_47 = tpu.memref_slice %arg7[%add3A_35, %dma_wait3A] : memref<10240x128xf32, #tpu.memory_space<vmem_shared>> -> memref<128x128xf32, #tpu.memory_space<vmem_shared>>
      %dma_wait3A_48 = arith.constant 0 : i32
      %dma_wait3A_49 = tpu.memref_slice %arg7[%add3A_35, %dma_wait3A_48] : memref<10240x128xf32, #tpu.memory_space<vmem_shared>> -> memref<128x128xf32, #tpu.memory_space<vmem_shared>>
      tpu.wait_dma2 semaphore(%run_scoped3A : memref<!tpu.dma_semaphore, #tpu.memory_space<semaphore_mem>>) src(%dma_wait3A_49 : memref<128x128xf32, #tpu.memory_space<vmem_shared>>) dst(%arg6 : memref<128x128xf32, #tpu.memory_space<vmem>>)
      tpu.yield
    }) : () -> ()
    "tpu.region"() ({
      %run_scoped3A = tpu.sem_alloc : memref<!tpu.dma_semaphore, #tpu.memory_space<semaphore_mem>>
      %dma_start3A = arith.constant 0 : i32
      %dma_start3A_44 = tpu.memref_slice %arg3[%arg0, %add3A_35, %dma_start3A] : memref<2x10240x128xf32, #tpu.memory_space<hbm>> -> memref<1x128x128xf32, #tpu.memory_space<hbm>>
      %dma_start3A_45 = tpu.memref_squeeze %dma_start3A_44 : memref<1x128x128xf32, #tpu.memory_space<hbm>> -> memref<128x128xf32, #tpu.memory_space<hbm>>
      %dma_start3A_46 = arith.constant 0 : i32
      %dma_start3A_47 = tpu.memref_slice %arg3[%arg0, %add3A_35, %dma_start3A_46] : memref<2x10240x128xf32, #tpu.memory_space<hbm>> -> memref<1x128x128xf32, #tpu.memory_space<hbm>>
      %dma_start3A_48 = tpu.memref_squeeze %dma_start3A_47 : memref<1x128x128xf32, #tpu.memory_space<hbm>> -> memref<128x128xf32, #tpu.memory_space<hbm>>
      tpu.enqueue_dma source(%arg6 : memref<128x128xf32, #tpu.memory_space<vmem>>) target(%dma_start3A_48 : memref<128x128xf32, #tpu.memory_space<hbm>>) target_semaphore(%run_scoped3A : memref<!tpu.dma_semaphore, #tpu.memory_space<semaphore_mem>>)
      %dma_wait3A = arith.constant 0 : i32
      %dma_wait3A_49 = tpu.memref_slice %arg3[%arg0, %add3A_35, %dma_wait3A] : memref<2x10240x128xf32, #tpu.memory_space<hbm>> -> memref<1x128x128xf32, #tpu.memory_space<hbm>>
      %dma_wait3A_50 = tpu.memref_squeeze %dma_wait3A_49 : memref<1x128x128xf32, #tpu.memory_space<hbm>> -> memref<128x128xf32, #tpu.memory_space<hbm>>
      %dma_wait3A_51 = arith.constant 0 : i32
      %dma_wait3A_52 = tpu.memref_slice %arg3[%arg0, %add3A_35, %dma_wait3A_51] : memref<2x10240x128xf32, #tpu.memory_space<hbm>> -> memref<1x128x128xf32, #tpu.memory_space<hbm>>
      %dma_wait3A_53 = tpu.memref_squeeze %dma_wait3A_52 : memref<1x128x128xf32, #tpu.memory_space<hbm>> -> memref<128x128xf32, #tpu.memory_space<hbm>>
      tpu.wait_dma2 semaphore(%run_scoped3A : memref<!tpu.dma_semaphore, #tpu.memory_space<semaphore_mem>>) src(%arg6 : memref<128x128xf32, #tpu.memory_space<vmem>>) dst(%dma_wait3A_53 : memref<128x128xf32, #tpu.memory_space<hbm>>)
      tpu.yield
    }) : () -> ()
    %add3A_36 = arith.constant 128 : i32
    %add3A_37 = arith.addi %mul3A_16, %add3A_36 : i32
    "tpu.region"() ({
      %run_scoped3A = tpu.sem_alloc : memref<!tpu.dma_semaphore, #tpu.memory_space<semaphore_mem>>
      %dma_start3A = arith.constant 0 : i32
      %dma_start3A_44 = tpu.memref_slice %arg7[%add3A_37, %dma_start3A] : memref<10240x128xf32, #tpu.memory_space<vmem_shared>> -> memref<128x128xf32, #tpu.memory_space<vmem_shared>>
      %dma_start3A_45 = arith.constant 0 : i32
      %dma_start3A_46 = tpu.memref_slice %arg7[%add3A_37, %dma_start3A_45] : memref<10240x128xf32, #tpu.memory_space<vmem_shared>> -> memref<128x128xf32, #tpu.memory_space<vmem_shared>>
      tpu.enqueue_dma source(%dma_start3A_46 : memref<128x128xf32, #tpu.memory_space<vmem_shared>>) target(%arg6 : memref<128x128xf32, #tpu.memory_space<vmem>>) target_semaphore(%run_scoped3A : memref<!tpu.dma_semaphore, #tpu.memory_space<semaphore_mem>>)
      %dma_wait3A = arith.constant 0 : i32
      %dma_wait3A_47 = tpu.memref_slice %arg7[%add3A_37, %dma_wait3A] : memref<10240x128xf32, #tpu.memory_space<vmem_shared>> -> memref<128x128xf32, #tpu.memory_space<vmem_shared>>
      %dma_wait3A_48 = arith.constant 0 : i32
      %dma_wait3A_49 = tpu.memref_slice %arg7[%add3A_37, %dma_wait3A_48] : memref<10240x128xf32, #tpu.memory_space<vmem_shared>> -> memref<128x128xf32, #tpu.memory_space<vmem_shared>>
      tpu.wait_dma2 semaphore(%run_scoped3A : memref<!tpu.dma_semaphore, #tpu.memory_space<semaphore_mem>>) src(%dma_wait3A_49 : memref<128x128xf32, #tpu.memory_space<vmem_shared>>) dst(%arg6 : memref<128x128xf32, #tpu.memory_space<vmem>>)
      tpu.yield
    }) : () -> ()
    "tpu.region"() ({
      %run_scoped3A = tpu.sem_alloc : memref<!tpu.dma_semaphore, #tpu.memory_space<semaphore_mem>>
      %dma_start3A = arith.constant 0 : i32
      %dma_start3A_44 = tpu.memref_slice %arg3[%arg0, %add3A_37, %dma_start3A] : memref<2x10240x128xf32, #tpu.memory_space<hbm>> -> memref<1x128x128xf32, #tpu.memory_space<hbm>>
      %dma_start3A_45 = tpu.memref_squeeze %dma_start3A_44 : memref<1x128x128xf32, #tpu.memory_space<hbm>> -> memref<128x128xf32, #tpu.memory_space<hbm>>
      %dma_start3A_46 = arith.constant 0 : i32
      %dma_start3A_47 = tpu.memref_slice %arg3[%arg0, %add3A_37, %dma_start3A_46] : memref<2x10240x128xf32, #tpu.memory_space<hbm>> -> memref<1x128x128xf32, #tpu.memory_space<hbm>>
      %dma_start3A_48 = tpu.memref_squeeze %dma_start3A_47 : memref<1x128x128xf32, #tpu.memory_space<hbm>> -> memref<128x128xf32, #tpu.memory_space<hbm>>
      tpu.enqueue_dma source(%arg6 : memref<128x128xf32, #tpu.memory_space<vmem>>) target(%dma_start3A_48 : memref<128x128xf32, #tpu.memory_space<hbm>>) target_semaphore(%run_scoped3A : memref<!tpu.dma_semaphore, #tpu.memory_space<semaphore_mem>>)
      %dma_wait3A = arith.constant 0 : i32
      %dma_wait3A_49 = tpu.memref_slice %arg3[%arg0, %add3A_37, %dma_wait3A] : memref<2x10240x128xf32, #tpu.memory_space<hbm>> -> memref<1x128x128xf32, #tpu.memory_space<hbm>>
      %dma_wait3A_50 = tpu.memref_squeeze %dma_wait3A_49 : memref<1x128x128xf32, #tpu.memory_space<hbm>> -> memref<128x128xf32, #tpu.memory_space<hbm>>
      %dma_wait3A_51 = arith.constant 0 : i32
      %dma_wait3A_52 = tpu.memref_slice %arg3[%arg0, %add3A_37, %dma_wait3A_51] : memref<2x10240x128xf32, #tpu.memory_space<hbm>> -> memref<1x128x128xf32, #tpu.memory_space<hbm>>
      %dma_wait3A_53 = tpu.memref_squeeze %dma_wait3A_52 : memref<1x128x128xf32, #tpu.memory_space<hbm>> -> memref<128x128xf32, #tpu.memory_space<hbm>>
      tpu.wait_dma2 semaphore(%run_scoped3A : memref<!tpu.dma_semaphore, #tpu.memory_space<semaphore_mem>>) src(%arg6 : memref<128x128xf32, #tpu.memory_space<vmem>>) dst(%dma_wait3A_53 : memref<128x128xf32, #tpu.memory_space<hbm>>)
      tpu.yield
    }) : () -> ()
    %add3A_38 = arith.constant 256 : i32
    %add3A_39 = arith.addi %mul3A_16, %add3A_38 : i32
    "tpu.region"() ({
      %run_scoped3A = tpu.sem_alloc : memref<!tpu.dma_semaphore, #tpu.memory_space<semaphore_mem>>
      %dma_start3A = arith.constant 0 : i32
      %dma_start3A_44 = tpu.memref_slice %arg7[%add3A_39, %dma_start3A] : memref<10240x128xf32, #tpu.memory_space<vmem_shared>> -> memref<128x128xf32, #tpu.memory_space<vmem_shared>>
      %dma_start3A_45 = arith.constant 0 : i32
      %dma_start3A_46 = tpu.memref_slice %arg7[%add3A_39, %dma_start3A_45] : memref<10240x128xf32, #tpu.memory_space<vmem_shared>> -> memref<128x128xf32, #tpu.memory_space<vmem_shared>>
      tpu.enqueue_dma source(%dma_start3A_46 : memref<128x128xf32, #tpu.memory_space<vmem_shared>>) target(%arg6 : memref<128x128xf32, #tpu.memory_space<vmem>>) target_semaphore(%run_scoped3A : memref<!tpu.dma_semaphore, #tpu.memory_space<semaphore_mem>>)
      %dma_wait3A = arith.constant 0 : i32
      %dma_wait3A_47 = tpu.memref_slice %arg7[%add3A_39, %dma_wait3A] : memref<10240x128xf32, #tpu.memory_space<vmem_shared>> -> memref<128x128xf32, #tpu.memory_space<vmem_shared>>
      %dma_wait3A_48 = arith.constant 0 : i32
      %dma_wait3A_49 = tpu.memref_slice %arg7[%add3A_39, %dma_wait3A_48] : memref<10240x128xf32, #tpu.memory_space<vmem_shared>> -> memref<128x128xf32, #tpu.memory_space<vmem_shared>>
      tpu.wait_dma2 semaphore(%run_scoped3A : memref<!tpu.dma_semaphore, #tpu.memory_space<semaphore_mem>>) src(%dma_wait3A_49 : memref<128x128xf32, #tpu.memory_space<vmem_shared>>) dst(%arg6 : memref<128x128xf32, #tpu.memory_space<vmem>>)
      tpu.yield
    }) : () -> ()
    "tpu.region"() ({
      %run_scoped3A = tpu.sem_alloc : memref<!tpu.dma_semaphore, #tpu.memory_space<semaphore_mem>>
      %dma_start3A = arith.constant 0 : i32
      %dma_start3A_44 = tpu.memref_slice %arg3[%arg0, %add3A_39, %dma_start3A] : memref<2x10240x128xf32, #tpu.memory_space<hbm>> -> memref<1x128x128xf32, #tpu.memory_space<hbm>>
      %dma_start3A_45 = tpu.memref_squeeze %dma_start3A_44 : memref<1x128x128xf32, #tpu.memory_space<hbm>> -> memref<128x128xf32, #tpu.memory_space<hbm>>
      %dma_start3A_46 = arith.constant 0 : i32
      %dma_start3A_47 = tpu.memref_slice %arg3[%arg0, %add3A_39, %dma_start3A_46] : memref<2x10240x128xf32, #tpu.memory_space<hbm>> -> memref<1x128x128xf32, #tpu.memory_space<hbm>>
      %dma_start3A_48 = tpu.memref_squeeze %dma_start3A_47 : memref<1x128x128xf32, #tpu.memory_space<hbm>> -> memref<128x128xf32, #tpu.memory_space<hbm>>
      tpu.enqueue_dma source(%arg6 : memref<128x128xf32, #tpu.memory_space<vmem>>) target(%dma_start3A_48 : memref<128x128xf32, #tpu.memory_space<hbm>>) target_semaphore(%run_scoped3A : memref<!tpu.dma_semaphore, #tpu.memory_space<semaphore_mem>>)
      %dma_wait3A = arith.constant 0 : i32
      %dma_wait3A_49 = tpu.memref_slice %arg3[%arg0, %add3A_39, %dma_wait3A] : memref<2x10240x128xf32, #tpu.memory_space<hbm>> -> memref<1x128x128xf32, #tpu.memory_space<hbm>>
      %dma_wait3A_50 = tpu.memref_squeeze %dma_wait3A_49 : memref<1x128x128xf32, #tpu.memory_space<hbm>> -> memref<128x128xf32, #tpu.memory_space<hbm>>
      %dma_wait3A_51 = arith.constant 0 : i32
      %dma_wait3A_52 = tpu.memref_slice %arg3[%arg0, %add3A_39, %dma_wait3A_51] : memref<2x10240x128xf32, #tpu.memory_space<hbm>> -> memref<1x128x128xf32, #tpu.memory_space<hbm>>
      %dma_wait3A_53 = tpu.memref_squeeze %dma_wait3A_52 : memref<1x128x128xf32, #tpu.memory_space<hbm>> -> memref<128x128xf32, #tpu.memory_space<hbm>>
      tpu.wait_dma2 semaphore(%run_scoped3A : memref<!tpu.dma_semaphore, #tpu.memory_space<semaphore_mem>>) src(%arg6 : memref<128x128xf32, #tpu.memory_space<vmem>>) dst(%dma_wait3A_53 : memref<128x128xf32, #tpu.memory_space<hbm>>)
      tpu.yield
    }) : () -> ()
    %add3A_40 = arith.constant 384 : i32
    %add3A_41 = arith.addi %mul3A_16, %add3A_40 : i32
    "tpu.region"() ({
      %run_scoped3A = tpu.sem_alloc : memref<!tpu.dma_semaphore, #tpu.memory_space<semaphore_mem>>
      %dma_start3A = arith.constant 0 : i32
      %dma_start3A_44 = tpu.memref_slice %arg7[%add3A_41, %dma_start3A] : memref<10240x128xf32, #tpu.memory_space<vmem_shared>> -> memref<128x128xf32, #tpu.memory_space<vmem_shared>>
      %dma_start3A_45 = arith.constant 0 : i32
      %dma_start3A_46 = tpu.memref_slice %arg7[%add3A_41, %dma_start3A_45] : memref<10240x128xf32, #tpu.memory_space<vmem_shared>> -> memref<128x128xf32, #tpu.memory_space<vmem_shared>>
      tpu.enqueue_dma source(%dma_start3A_46 : memref<128x128xf32, #tpu.memory_space<vmem_shared>>) target(%arg6 : memref<128x128xf32, #tpu.memory_space<vmem>>) target_semaphore(%run_scoped3A : memref<!tpu.dma_semaphore, #tpu.memory_space<semaphore_mem>>)
      %dma_wait3A = arith.constant 0 : i32
      %dma_wait3A_47 = tpu.memref_slice %arg7[%add3A_41, %dma_wait3A] : memref<10240x128xf32, #tpu.memory_space<vmem_shared>> -> memref<128x128xf32, #tpu.memory_space<vmem_shared>>
      %dma_wait3A_48 = arith.constant 0 : i32
      %dma_wait3A_49 = tpu.memref_slice %arg7[%add3A_41, %dma_wait3A_48] : memref<10240x128xf32, #tpu.memory_space<vmem_shared>> -> memref<128x128xf32, #tpu.memory_space<vmem_shared>>
      tpu.wait_dma2 semaphore(%run_scoped3A : memref<!tpu.dma_semaphore, #tpu.memory_space<semaphore_mem>>) src(%dma_wait3A_49 : memref<128x128xf32, #tpu.memory_space<vmem_shared>>) dst(%arg6 : memref<128x128xf32, #tpu.memory_space<vmem>>)
      tpu.yield
    }) : () -> ()
    "tpu.region"() ({
      %run_scoped3A = tpu.sem_alloc : memref<!tpu.dma_semaphore, #tpu.memory_space<semaphore_mem>>
      %dma_start3A = arith.constant 0 : i32
      %dma_start3A_44 = tpu.memref_slice %arg3[%arg0, %add3A_41, %dma_start3A] : memref<2x10240x128xf32, #tpu.memory_space<hbm>> -> memref<1x128x128xf32, #tpu.memory_space<hbm>>
      %dma_start3A_45 = tpu.memref_squeeze %dma_start3A_44 : memref<1x128x128xf32, #tpu.memory_space<hbm>> -> memref<128x128xf32, #tpu.memory_space<hbm>>
      %dma_start3A_46 = arith.constant 0 : i32
      %dma_start3A_47 = tpu.memref_slice %arg3[%arg0, %add3A_41, %dma_start3A_46] : memref<2x10240x128xf32, #tpu.memory_space<hbm>> -> memref<1x128x128xf32, #tpu.memory_space<hbm>>
      %dma_start3A_48 = tpu.memref_squeeze %dma_start3A_47 : memref<1x128x128xf32, #tpu.memory_space<hbm>> -> memref<128x128xf32, #tpu.memory_space<hbm>>
      tpu.enqueue_dma source(%arg6 : memref<128x128xf32, #tpu.memory_space<vmem>>) target(%dma_start3A_48 : memref<128x128xf32, #tpu.memory_space<hbm>>) target_semaphore(%run_scoped3A : memref<!tpu.dma_semaphore, #tpu.memory_space<semaphore_mem>>)
      %dma_wait3A = arith.constant 0 : i32
      %dma_wait3A_49 = tpu.memref_slice %arg3[%arg0, %add3A_41, %dma_wait3A] : memref<2x10240x128xf32, #tpu.memory_space<hbm>> -> memref<1x128x128xf32, #tpu.memory_space<hbm>>
      %dma_wait3A_50 = tpu.memref_squeeze %dma_wait3A_49 : memref<1x128x128xf32, #tpu.memory_space<hbm>> -> memref<128x128xf32, #tpu.memory_space<hbm>>
      %dma_wait3A_51 = arith.constant 0 : i32
      %dma_wait3A_52 = tpu.memref_slice %arg3[%arg0, %add3A_41, %dma_wait3A_51] : memref<2x10240x128xf32, #tpu.memory_space<hbm>> -> memref<1x128x128xf32, #tpu.memory_space<hbm>>
      %dma_wait3A_53 = tpu.memref_squeeze %dma_wait3A_52 : memref<1x128x128xf32, #tpu.memory_space<hbm>> -> memref<128x128xf32, #tpu.memory_space<hbm>>
      tpu.wait_dma2 semaphore(%run_scoped3A : memref<!tpu.dma_semaphore, #tpu.memory_space<semaphore_mem>>) src(%arg6 : memref<128x128xf32, #tpu.memory_space<vmem>>) dst(%dma_wait3A_53 : memref<128x128xf32, #tpu.memory_space<hbm>>)
      tpu.yield
    }) : () -> ()
    %add3A_42 = arith.constant 512 : i32
    %add3A_43 = arith.addi %mul3A_16, %add3A_42 : i32
    "tpu.region"() ({
      %run_scoped3A = tpu.sem_alloc : memref<!tpu.dma_semaphore, #tpu.memory_space<semaphore_mem>>
      %dma_start3A = arith.constant 0 : i32
      %dma_start3A_44 = tpu.memref_slice %arg7[%add3A_43, %dma_start3A] : memref<10240x128xf32, #tpu.memory_space<vmem_shared>> -> memref<128x128xf32, #tpu.memory_space<vmem_shared>>
      %dma_start3A_45 = arith.constant 0 : i32
      %dma_start3A_46 = tpu.memref_slice %arg7[%add3A_43, %dma_start3A_45] : memref<10240x128xf32, #tpu.memory_space<vmem_shared>> -> memref<128x128xf32, #tpu.memory_space<vmem_shared>>
      tpu.enqueue_dma source(%dma_start3A_46 : memref<128x128xf32, #tpu.memory_space<vmem_shared>>) target(%arg6 : memref<128x128xf32, #tpu.memory_space<vmem>>) target_semaphore(%run_scoped3A : memref<!tpu.dma_semaphore, #tpu.memory_space<semaphore_mem>>)
      %dma_wait3A = arith.constant 0 : i32
      %dma_wait3A_47 = tpu.memref_slice %arg7[%add3A_43, %dma_wait3A] : memref<10240x128xf32, #tpu.memory_space<vmem_shared>> -> memref<128x128xf32, #tpu.memory_space<vmem_shared>>
      %dma_wait3A_48 = arith.constant 0 : i32
      %dma_wait3A_49 = tpu.memref_slice %arg7[%add3A_43, %dma_wait3A_48] : memref<10240x128xf32, #tpu.memory_space<vmem_shared>> -> memref<128x128xf32, #tpu.memory_space<vmem_shared>>
      tpu.wait_dma2 semaphore(%run_scoped3A : memref<!tpu.dma_semaphore, #tpu.memory_space<semaphore_mem>>) src(%dma_wait3A_49 : memref<128x128xf32, #tpu.memory_space<vmem_shared>>) dst(%arg6 : memref<128x128xf32, #tpu.memory_space<vmem>>)
      tpu.yield
    }) : () -> ()
    "tpu.region"() ({
      %run_scoped3A = tpu.sem_alloc : memref<!tpu.dma_semaphore, #tpu.memory_space<semaphore_mem>>
      %dma_start3A = arith.constant 0 : i32
      %dma_start3A_44 = tpu.memref_slice %arg3[%arg0, %add3A_43, %dma_start3A] : memref<2x10240x128xf32, #tpu.memory_space<hbm>> -> memref<1x128x128xf32, #tpu.memory_space<hbm>>
      %dma_start3A_45 = tpu.memref_squeeze %dma_start3A_44 : memref<1x128x128xf32, #tpu.memory_space<hbm>> -> memref<128x128xf32, #tpu.memory_space<hbm>>
      %dma_start3A_46 = arith.constant 0 : i32
      %dma_start3A_47 = tpu.memref_slice %arg3[%arg0, %add3A_43, %dma_start3A_46] : memref<2x10240x128xf32, #tpu.memory_space<hbm>> -> memref<1x128x128xf32, #tpu.memory_space<hbm>>
      %dma_start3A_48 = tpu.memref_squeeze %dma_start3A_47 : memref<1x128x128xf32, #tpu.memory_space<hbm>> -> memref<128x128xf32, #tpu.memory_space<hbm>>
      tpu.enqueue_dma source(%arg6 : memref<128x128xf32, #tpu.memory_space<vmem>>) target(%dma_start3A_48 : memref<128x128xf32, #tpu.memory_space<hbm>>) target_semaphore(%run_scoped3A : memref<!tpu.dma_semaphore, #tpu.memory_space<semaphore_mem>>)
      %dma_wait3A = arith.constant 0 : i32
      %dma_wait3A_49 = tpu.memref_slice %arg3[%arg0, %add3A_43, %dma_wait3A] : memref<2x10240x128xf32, #tpu.memory_space<hbm>> -> memref<1x128x128xf32, #tpu.memory_space<hbm>>
      %dma_wait3A_50 = tpu.memref_squeeze %dma_wait3A_49 : memref<1x128x128xf32, #tpu.memory_space<hbm>> -> memref<128x128xf32, #tpu.memory_space<hbm>>
      %dma_wait3A_51 = arith.constant 0 : i32
      %dma_wait3A_52 = tpu.memref_slice %arg3[%arg0, %add3A_43, %dma_wait3A_51] : memref<2x10240x128xf32, #tpu.memory_space<hbm>> -> memref<1x128x128xf32, #tpu.memory_space<hbm>>
      %dma_wait3A_53 = tpu.memref_squeeze %dma_wait3A_52 : memref<1x128x128xf32, #tpu.memory_space<hbm>> -> memref<128x128xf32, #tpu.memory_space<hbm>>
      tpu.wait_dma2 semaphore(%run_scoped3A : memref<!tpu.dma_semaphore, #tpu.memory_space<semaphore_mem>>) src(%arg6 : memref<128x128xf32, #tpu.memory_space<vmem>>) dst(%dma_wait3A_53 : memref<128x128xf32, #tpu.memory_space<hbm>>)
      tpu.yield
    }) : () -> ()
    return
  }
}

#map = affine_map<(d0, d1) -> (0, 0)>
#map1 = affine_map<(d0, d1) -> (0, 0, 0, 0)>
#map2 = affine_map<(d0, d1) -> (0, 0, 0)>
module attributes {stable_mosaic.version = 14 : i64} {
  func.func @_hop_kernel(%arg0: i32, %arg1: i32, %arg2: memref<10000x128xf32, #tpu.memory_space<hbm>>, %arg3: memref<32x4x20x128xi32, #tpu.memory_space<hbm>>, %arg4: memref<32x80x128xi32, #tpu.memory_space<hbm>>, %arg5: memref<2x10240x128xf32, #tpu.memory_space<hbm>>, %arg6: memref<20x128xi32, #tpu.memory_space<vmem>>, %arg7: memref<80x128xi32, #tpu.memory_space<vmem>>, %arg8: memref<128x128xf32, #tpu.memory_space<vmem>>, %arg9: memref<128x128xf32, #tpu.memory_space<vmem>>, %arg10: memref<10240x128xf32, #tpu.memory_space<vmem_shared>>, %arg11: memref<!tpu.dma_semaphore, #tpu.memory_space<semaphore_mem>>, %arg12: memref<!tpu.dma_semaphore, #tpu.memory_space<semaphore_mem>>, %arg13: memref<!tpu.dma_semaphore, #tpu.memory_space<semaphore_mem>>, %arg14: memref<!tpu.dma_semaphore, #tpu.memory_space<semaphore_mem>>) attributes {dimension_semantics = [#tpu.dimension_semantics<core_parallel>, #tpu.dimension_semantics<subcore_parallel>], iteration_bounds = array<i64: 2, 16>, scalar_prefetch = 0 : i64, scratch_operands = 9 : i64, tpu.core_type = #tpu.core_type<sc_vector_subcore>, window_params = [{transform_indices = #map}, {transform_indices = #map1}, {transform_indices = #map2}, {transform_indices = #map2}]} {
    %mul3A = arith.constant 16 : i32
    %mul3A_0 = arith.muli %arg0, %mul3A : i32
    %add3A = arith.addi %mul3A_0, %arg1 : i32
    %broadcast_in_dim3A = arith.constant 0.000000e+00 : f32
    %broadcast_in_dim3A_1 = vector.broadcast %broadcast_in_dim3A : f32 to vector<16xf32>
    %scan3A = arith.constant 0 : i32
    %scan3A_2 = arith.constant 0 : i32
    %scan3A_3 = arith.constant 128 : i32
    %scan3A_4 = arith.addi %scan3A_2, %scan3A_3 : i32
    %scan3A_5 = arith.constant 1 : i32
    scf.for %scan3A_36 = %scan3A_2 to %scan3A_4 step %scan3A_5  : i32 {
      %swap3A = arith.index_cast %scan3A_36 : i32 to index
      %swap3A_37 = arith.constant 0 : index
      %swap3A_38 = tpu.vector_load %arg8[%swap3A, %swap3A_37] {strides = array<i32>} : memref<128x128xf32, #tpu.memory_space<vmem>>, vector<1x16xf32>,
      %swap3A_39 = vector.shape_cast %swap3A_38 : vector<1x16xf32> to vector<16xf32>
      %swap3A_40 = vector.shape_cast %broadcast_in_dim3A_1 : vector<16xf32> to vector<1x16xf32>
      tpu.vector_store %arg8[%swap3A, %swap3A_37], %swap3A_40 {strides = array<i32>} : memref<128x128xf32, #tpu.memory_space<vmem>>, vector<1x16xf32>,
      %swap3A_41 = arith.index_cast %scan3A_36 : i32 to index
      %swap3A_42 = arith.constant 16 : index
      %swap3A_43 = tpu.vector_load %arg8[%swap3A_41, %swap3A_42] {strides = array<i32>} : memref<128x128xf32, #tpu.memory_space<vmem>>, vector<1x16xf32>,
      %swap3A_44 = vector.shape_cast %swap3A_43 : vector<1x16xf32> to vector<16xf32>
      %swap3A_45 = vector.shape_cast %broadcast_in_dim3A_1 : vector<16xf32> to vector<1x16xf32>
      tpu.vector_store %arg8[%swap3A_41, %swap3A_42], %swap3A_45 {strides = array<i32>} : memref<128x128xf32, #tpu.memory_space<vmem>>, vector<1x16xf32>,
      %swap3A_46 = arith.index_cast %scan3A_36 : i32 to index
      %swap3A_47 = arith.constant 32 : index
      %swap3A_48 = tpu.vector_load %arg8[%swap3A_46, %swap3A_47] {strides = array<i32>} : memref<128x128xf32, #tpu.memory_space<vmem>>, vector<1x16xf32>,
      %swap3A_49 = vector.shape_cast %swap3A_48 : vector<1x16xf32> to vector<16xf32>
      %swap3A_50 = vector.shape_cast %broadcast_in_dim3A_1 : vector<16xf32> to vector<1x16xf32>
      tpu.vector_store %arg8[%swap3A_46, %swap3A_47], %swap3A_50 {strides = array<i32>} : memref<128x128xf32, #tpu.memory_space<vmem>>, vector<1x16xf32>,
      %swap3A_51 = arith.index_cast %scan3A_36 : i32 to index
      %swap3A_52 = arith.constant 48 : index
      %swap3A_53 = tpu.vector_load %arg8[%swap3A_51, %swap3A_52] {strides = array<i32>} : memref<128x128xf32, #tpu.memory_space<vmem>>, vector<1x16xf32>,
      %swap3A_54 = vector.shape_cast %swap3A_53 : vector<1x16xf32> to vector<16xf32>
      %swap3A_55 = vector.shape_cast %broadcast_in_dim3A_1 : vector<16xf32> to vector<1x16xf32>
      tpu.vector_store %arg8[%swap3A_51, %swap3A_52], %swap3A_55 {strides = array<i32>} : memref<128x128xf32, #tpu.memory_space<vmem>>, vector<1x16xf32>,
      %swap3A_56 = arith.index_cast %scan3A_36 : i32 to index
      %swap3A_57 = arith.constant 64 : index
      %swap3A_58 = tpu.vector_load %arg8[%swap3A_56, %swap3A_57] {strides = array<i32>} : memref<128x128xf32, #tpu.memory_space<vmem>>, vector<1x16xf32>,
      %swap3A_59 = vector.shape_cast %swap3A_58 : vector<1x16xf32> to vector<16xf32>
      %swap3A_60 = vector.shape_cast %broadcast_in_dim3A_1 : vector<16xf32> to vector<1x16xf32>
      tpu.vector_store %arg8[%swap3A_56, %swap3A_57], %swap3A_60 {strides = array<i32>} : memref<128x128xf32, #tpu.memory_space<vmem>>, vector<1x16xf32>,
      %swap3A_61 = arith.index_cast %scan3A_36 : i32 to index
      %swap3A_62 = arith.constant 80 : index
      %swap3A_63 = tpu.vector_load %arg8[%swap3A_61, %swap3A_62] {strides = array<i32>} : memref<128x128xf32, #tpu.memory_space<vmem>>, vector<1x16xf32>,
      %swap3A_64 = vector.shape_cast %swap3A_63 : vector<1x16xf32> to vector<16xf32>
      %swap3A_65 = vector.shape_cast %broadcast_in_dim3A_1 : vector<16xf32> to vector<1x16xf32>
      tpu.vector_store %arg8[%swap3A_61, %swap3A_62], %swap3A_65 {strides = array<i32>} : memref<128x128xf32, #tpu.memory_space<vmem>>, vector<1x16xf32>,
      %swap3A_66 = arith.index_cast %scan3A_36 : i32 to index
      %swap3A_67 = arith.constant 96 : index
      %swap3A_68 = tpu.vector_load %arg8[%swap3A_66, %swap3A_67] {strides = array<i32>} : memref<128x128xf32, #tpu.memory_space<vmem>>, vector<1x16xf32>,
      %swap3A_69 = vector.shape_cast %swap3A_68 : vector<1x16xf32> to vector<16xf32>
      %swap3A_70 = vector.shape_cast %broadcast_in_dim3A_1 : vector<16xf32> to vector<1x16xf32>
      tpu.vector_store %arg8[%swap3A_66, %swap3A_67], %swap3A_70 {strides = array<i32>} : memref<128x128xf32, #tpu.memory_space<vmem>>, vector<1x16xf32>,
      %swap3A_71 = arith.index_cast %scan3A_36 : i32 to index
      %swap3A_72 = arith.constant 112 : index
      %swap3A_73 = tpu.vector_load %arg8[%swap3A_71, %swap3A_72] {strides = array<i32>} : memref<128x128xf32, #tpu.memory_space<vmem>>, vector<1x16xf32>,
      %swap3A_74 = vector.shape_cast %swap3A_73 : vector<1x16xf32> to vector<16xf32>
      %swap3A_75 = vector.shape_cast %broadcast_in_dim3A_1 : vector<16xf32> to vector<1x16xf32>
      tpu.vector_store %arg8[%swap3A_71, %swap3A_72], %swap3A_75 {strides = array<i32>} : memref<128x128xf32, #tpu.memory_space<vmem>>, vector<1x16xf32>,
    }
    %scan3A_6 = arith.constant 128 : i32
    %mul3A_7 = arith.constant 640 : i32
    %mul3A_8 = arith.muli %arg1, %mul3A_7 : i32
    %add3A_9 = arith.constant 0 : i32
    %add3A_10 = arith.addi %mul3A_8, %add3A_9 : i32
    "tpu.region"() ({
      %run_scoped3A = tpu.sem_alloc : memref<!tpu.dma_semaphore, #tpu.memory_space<semaphore_mem>>
      %dma_start3A = arith.constant 0 : i32
      %dma_start3A_36 = tpu.memref_slice %arg10[%add3A_10, %dma_start3A] : memref<10240x128xf32, #tpu.memory_space<vmem_shared>> -> memref<128x128xf32, #tpu.memory_space<vmem_shared>>
      %dma_start3A_37 = arith.constant 0 : i32
      %dma_start3A_38 = tpu.memref_slice %arg10[%add3A_10, %dma_start3A_37] : memref<10240x128xf32, #tpu.memory_space<vmem_shared>> -> memref<128x128xf32, #tpu.memory_space<vmem_shared>>
      tpu.enqueue_dma source(%arg8 : memref<128x128xf32, #tpu.memory_space<vmem>>) target(%dma_start3A_38 : memref<128x128xf32, #tpu.memory_space<vmem_shared>>) target_semaphore(%run_scoped3A : memref<!tpu.dma_semaphore, #tpu.memory_space<semaphore_mem>>)
      %dma_wait3A = arith.constant 0 : i32
      %dma_wait3A_39 = tpu.memref_slice %arg10[%add3A_10, %dma_wait3A] : memref<10240x128xf32, #tpu.memory_space<vmem_shared>> -> memref<128x128xf32, #tpu.memory_space<vmem_shared>>
      %dma_wait3A_40 = arith.constant 0 : i32
      %dma_wait3A_41 = tpu.memref_slice %arg10[%add3A_10, %dma_wait3A_40] : memref<10240x128xf32, #tpu.memory_space<vmem_shared>> -> memref<128x128xf32, #tpu.memory_space<vmem_shared>>
      tpu.wait_dma2 semaphore(%run_scoped3A : memref<!tpu.dma_semaphore, #tpu.memory_space<semaphore_mem>>) src(%arg8 : memref<128x128xf32, #tpu.memory_space<vmem>>) dst(%dma_wait3A_41 : memref<128x128xf32, #tpu.memory_space<vmem_shared>>)
      tpu.yield
    }) : () -> ()
    %add3A_11 = arith.constant 128 : i32
    %add3A_12 = arith.addi %mul3A_8, %add3A_11 : i32
    "tpu.region"() ({
      %run_scoped3A = tpu.sem_alloc : memref<!tpu.dma_semaphore, #tpu.memory_space<semaphore_mem>>
      %dma_start3A = arith.constant 0 : i32
      %dma_start3A_36 = tpu.memref_slice %arg10[%add3A_12, %dma_start3A] : memref<10240x128xf32, #tpu.memory_space<vmem_shared>> -> memref<128x128xf32, #tpu.memory_space<vmem_shared>>
      %dma_start3A_37 = arith.constant 0 : i32
      %dma_start3A_38 = tpu.memref_slice %arg10[%add3A_12, %dma_start3A_37] : memref<10240x128xf32, #tpu.memory_space<vmem_shared>> -> memref<128x128xf32, #tpu.memory_space<vmem_shared>>
      tpu.enqueue_dma source(%arg8 : memref<128x128xf32, #tpu.memory_space<vmem>>) target(%dma_start3A_38 : memref<128x128xf32, #tpu.memory_space<vmem_shared>>) target_semaphore(%run_scoped3A : memref<!tpu.dma_semaphore, #tpu.memory_space<semaphore_mem>>)
      %dma_wait3A = arith.constant 0 : i32
      %dma_wait3A_39 = tpu.memref_slice %arg10[%add3A_12, %dma_wait3A] : memref<10240x128xf32, #tpu.memory_space<vmem_shared>> -> memref<128x128xf32, #tpu.memory_space<vmem_shared>>
      %dma_wait3A_40 = arith.constant 0 : i32
      %dma_wait3A_41 = tpu.memref_slice %arg10[%add3A_12, %dma_wait3A_40] : memref<10240x128xf32, #tpu.memory_space<vmem_shared>> -> memref<128x128xf32, #tpu.memory_space<vmem_shared>>
      tpu.wait_dma2 semaphore(%run_scoped3A : memref<!tpu.dma_semaphore, #tpu.memory_space<semaphore_mem>>) src(%arg8 : memref<128x128xf32, #tpu.memory_space<vmem>>) dst(%dma_wait3A_41 : memref<128x128xf32, #tpu.memory_space<vmem_shared>>)
      tpu.yield
    }) : () -> ()
    %add3A_13 = arith.constant 256 : i32
    %add3A_14 = arith.addi %mul3A_8, %add3A_13 : i32
    "tpu.region"() ({
      %run_scoped3A = tpu.sem_alloc : memref<!tpu.dma_semaphore, #tpu.memory_space<semaphore_mem>>
      %dma_start3A = arith.constant 0 : i32
      %dma_start3A_36 = tpu.memref_slice %arg10[%add3A_14, %dma_start3A] : memref<10240x128xf32, #tpu.memory_space<vmem_shared>> -> memref<128x128xf32, #tpu.memory_space<vmem_shared>>
      %dma_start3A_37 = arith.constant 0 : i32
      %dma_start3A_38 = tpu.memref_slice %arg10[%add3A_14, %dma_start3A_37] : memref<10240x128xf32, #tpu.memory_space<vmem_shared>> -> memref<128x128xf32, #tpu.memory_space<vmem_shared>>
      tpu.enqueue_dma source(%arg8 : memref<128x128xf32, #tpu.memory_space<vmem>>) target(%dma_start3A_38 : memref<128x128xf32, #tpu.memory_space<vmem_shared>>) target_semaphore(%run_scoped3A : memref<!tpu.dma_semaphore, #tpu.memory_space<semaphore_mem>>)
      %dma_wait3A = arith.constant 0 : i32
      %dma_wait3A_39 = tpu.memref_slice %arg10[%add3A_14, %dma_wait3A] : memref<10240x128xf32, #tpu.memory_space<vmem_shared>> -> memref<128x128xf32, #tpu.memory_space<vmem_shared>>
      %dma_wait3A_40 = arith.constant 0 : i32
      %dma_wait3A_41 = tpu.memref_slice %arg10[%add3A_14, %dma_wait3A_40] : memref<10240x128xf32, #tpu.memory_space<vmem_shared>> -> memref<128x128xf32, #tpu.memory_space<vmem_shared>>
      tpu.wait_dma2 semaphore(%run_scoped3A : memref<!tpu.dma_semaphore, #tpu.memory_space<semaphore_mem>>) src(%arg8 : memref<128x128xf32, #tpu.memory_space<vmem>>) dst(%dma_wait3A_41 : memref<128x128xf32, #tpu.memory_space<vmem_shared>>)
      tpu.yield
    }) : () -> ()
    %add3A_15 = arith.constant 384 : i32
    %add3A_16 = arith.addi %mul3A_8, %add3A_15 : i32
    "tpu.region"() ({
      %run_scoped3A = tpu.sem_alloc : memref<!tpu.dma_semaphore, #tpu.memory_space<semaphore_mem>>
      %dma_start3A = arith.constant 0 : i32
      %dma_start3A_36 = tpu.memref_slice %arg10[%add3A_16, %dma_start3A] : memref<10240x128xf32, #tpu.memory_space<vmem_shared>> -> memref<128x128xf32, #tpu.memory_space<vmem_shared>>
      %dma_start3A_37 = arith.constant 0 : i32
      %dma_start3A_38 = tpu.memref_slice %arg10[%add3A_16, %dma_start3A_37] : memref<10240x128xf32, #tpu.memory_space<vmem_shared>> -> memref<128x128xf32, #tpu.memory_space<vmem_shared>>
      tpu.enqueue_dma source(%arg8 : memref<128x128xf32, #tpu.memory_space<vmem>>) target(%dma_start3A_38 : memref<128x128xf32, #tpu.memory_space<vmem_shared>>) target_semaphore(%run_scoped3A : memref<!tpu.dma_semaphore, #tpu.memory_space<semaphore_mem>>)
      %dma_wait3A = arith.constant 0 : i32
      %dma_wait3A_39 = tpu.memref_slice %arg10[%add3A_16, %dma_wait3A] : memref<10240x128xf32, #tpu.memory_space<vmem_shared>> -> memref<128x128xf32, #tpu.memory_space<vmem_shared>>
      %dma_wait3A_40 = arith.constant 0 : i32
      %dma_wait3A_41 = tpu.memref_slice %arg10[%add3A_16, %dma_wait3A_40] : memref<10240x128xf32, #tpu.memory_space<vmem_shared>> -> memref<128x128xf32, #tpu.memory_space<vmem_shared>>
      tpu.wait_dma2 semaphore(%run_scoped3A : memref<!tpu.dma_semaphore, #tpu.memory_space<semaphore_mem>>) src(%arg8 : memref<128x128xf32, #tpu.memory_space<vmem>>) dst(%dma_wait3A_41 : memref<128x128xf32, #tpu.memory_space<vmem_shared>>)
      tpu.yield
    }) : () -> ()
    %add3A_17 = arith.constant 512 : i32
    %add3A_18 = arith.addi %mul3A_8, %add3A_17 : i32
    "tpu.region"() ({
      %run_scoped3A = tpu.sem_alloc : memref<!tpu.dma_semaphore, #tpu.memory_space<semaphore_mem>>
      %dma_start3A = arith.constant 0 : i32
      %dma_start3A_36 = tpu.memref_slice %arg10[%add3A_18, %dma_start3A] : memref<10240x128xf32, #tpu.memory_space<vmem_shared>> -> memref<128x128xf32, #tpu.memory_space<vmem_shared>>
      %dma_start3A_37 = arith.constant 0 : i32
      %dma_start3A_38 = tpu.memref_slice %arg10[%add3A_18, %dma_start3A_37] : memref<10240x128xf32, #tpu.memory_space<vmem_shared>> -> memref<128x128xf32, #tpu.memory_space<vmem_shared>>
      tpu.enqueue_dma source(%arg8 : memref<128x128xf32, #tpu.memory_space<vmem>>) target(%dma_start3A_38 : memref<128x128xf32, #tpu.memory_space<vmem_shared>>) target_semaphore(%run_scoped3A : memref<!tpu.dma_semaphore, #tpu.memory_space<semaphore_mem>>)
      %dma_wait3A = arith.constant 0 : i32
      %dma_wait3A_39 = tpu.memref_slice %arg10[%add3A_18, %dma_wait3A] : memref<10240x128xf32, #tpu.memory_space<vmem_shared>> -> memref<128x128xf32, #tpu.memory_space<vmem_shared>>
      %dma_wait3A_40 = arith.constant 0 : i32
      %dma_wait3A_41 = tpu.memref_slice %arg10[%add3A_18, %dma_wait3A_40] : memref<10240x128xf32, #tpu.memory_space<vmem_shared>> -> memref<128x128xf32, #tpu.memory_space<vmem_shared>>
      tpu.wait_dma2 semaphore(%run_scoped3A : memref<!tpu.dma_semaphore, #tpu.memory_space<semaphore_mem>>) src(%arg8 : memref<128x128xf32, #tpu.memory_space<vmem>>) dst(%dma_wait3A_41 : memref<128x128xf32, #tpu.memory_space<vmem_shared>>)
      tpu.yield
    }) : () -> ()
    %barrier3A = arith.constant 0 : index
    tpu.barrier barrier_id(%barrier3A)
    "tpu.region"() ({
      %run_scoped3A = tpu.sem_alloc : memref<!tpu.dma_semaphore, #tpu.memory_space<semaphore_mem>>
      %dma_start3A = arith.constant 0 : i32
      %dma_start3A_36 = arith.constant 0 : i32
      %dma_start3A_37 = tpu.memref_slice %arg4[%add3A, %dma_start3A, %dma_start3A_36] : memref<32x80x128xi32, #tpu.memory_space<hbm>> -> memref<1x80x128xi32, #tpu.memory_space<hbm>>
      %dma_start3A_38 = tpu.memref_squeeze %dma_start3A_37 : memref<1x80x128xi32, #tpu.memory_space<hbm>> -> memref<80x128xi32, #tpu.memory_space<hbm>>
      %dma_start3A_39 = arith.constant 0 : i32
      %dma_start3A_40 = arith.constant 0 : i32
      %dma_start3A_41 = tpu.memref_slice %arg4[%add3A, %dma_start3A_39, %dma_start3A_40] : memref<32x80x128xi32, #tpu.memory_space<hbm>> -> memref<1x80x128xi32, #tpu.memory_space<hbm>>
      %dma_start3A_42 = tpu.memref_squeeze %dma_start3A_41 : memref<1x80x128xi32, #tpu.memory_space<hbm>> -> memref<80x128xi32, #tpu.memory_space<hbm>>
      tpu.enqueue_dma source(%dma_start3A_42 : memref<80x128xi32, #tpu.memory_space<hbm>>) target(%arg7 : memref<80x128xi32, #tpu.memory_space<vmem>>) target_semaphore(%run_scoped3A : memref<!tpu.dma_semaphore, #tpu.memory_space<semaphore_mem>>)
      %dma_wait3A = arith.constant 0 : i32
      %dma_wait3A_43 = arith.constant 0 : i32
      %dma_wait3A_44 = tpu.memref_slice %arg4[%add3A, %dma_wait3A, %dma_wait3A_43] : memref<32x80x128xi32, #tpu.memory_space<hbm>> -> memref<1x80x128xi32, #tpu.memory_space<hbm>>
      %dma_wait3A_45 = tpu.memref_squeeze %dma_wait3A_44 : memref<1x80x128xi32, #tpu.memory_space<hbm>> -> memref<80x128xi32, #tpu.memory_space<hbm>>
      %dma_wait3A_46 = arith.constant 0 : i32
      %dma_wait3A_47 = arith.constant 0 : i32
      %dma_wait3A_48 = tpu.memref_slice %arg4[%add3A, %dma_wait3A_46, %dma_wait3A_47] : memref<32x80x128xi32, #tpu.memory_space<hbm>> -> memref<1x80x128xi32, #tpu.memory_space<hbm>>
      %dma_wait3A_49 = tpu.memref_squeeze %dma_wait3A_48 : memref<1x80x128xi32, #tpu.memory_space<hbm>> -> memref<80x128xi32, #tpu.memory_space<hbm>>
      tpu.wait_dma2 semaphore(%run_scoped3A : memref<!tpu.dma_semaphore, #tpu.memory_space<semaphore_mem>>) src(%dma_wait3A_49 : memref<80x128xi32, #tpu.memory_space<hbm>>) dst(%arg7 : memref<80x128xi32, #tpu.memory_space<vmem>>)
      tpu.yield
    }) : () -> ()
    %scan3A_19 = arith.constant 0 : i32
    %scan3A_20 = arith.constant 0 : i32
    %scan3A_21 = arith.constant 4 : i32
    %scan3A_22 = arith.addi %scan3A_20, %scan3A_21 : i32
    %scan3A_23 = arith.constant 1 : i32
    scf.for %scan3A_36 = %scan3A_20 to %scan3A_22 step %scan3A_23  : i32 {
      "tpu.region"() ({
        %run_scoped3A = tpu.sem_alloc : memref<!tpu.dma_semaphore, #tpu.memory_space<semaphore_mem>>
        %dma_start3A_635 = arith.constant 0 : i32
        %dma_start3A_636 = arith.constant 0 : i32
        %dma_start3A_637 = tpu.memref_slice %arg3[%add3A, %scan3A_36, %dma_start3A_635, %dma_start3A_636] : memref<32x4x20x128xi32, #tpu.memory_space<hbm>> -> memref<1x1x20x128xi32, #tpu.memory_space<hbm>>
        %dma_start3A_638 = tpu.memref_squeeze %dma_start3A_637 : memref<1x1x20x128xi32, #tpu.memory_space<hbm>> -> memref<20x128xi32, #tpu.memory_space<hbm>>
        %dma_start3A_639 = arith.constant 0 : i32
        %dma_start3A_640 = arith.constant 0 : i32
        %dma_start3A_641 = tpu.memref_slice %arg3[%add3A, %scan3A_36, %dma_start3A_639, %dma_start3A_640] : memref<32x4x20x128xi32, #tpu.memory_space<hbm>> -> memref<1x1x20x128xi32, #tpu.memory_space<hbm>>
        %dma_start3A_642 = tpu.memref_squeeze %dma_start3A_641 : memref<1x1x20x128xi32, #tpu.memory_space<hbm>> -> memref<20x128xi32, #tpu.memory_space<hbm>>
        tpu.enqueue_dma source(%dma_start3A_642 : memref<20x128xi32, #tpu.memory_space<hbm>>) target(%arg6 : memref<20x128xi32, #tpu.memory_space<vmem>>) target_semaphore(%run_scoped3A : memref<!tpu.dma_semaphore, #tpu.memory_space<semaphore_mem>>)
        %dma_wait3A_643 = arith.constant 0 : i32
        %dma_wait3A_644 = arith.constant 0 : i32
        %dma_wait3A_645 = tpu.memref_slice %arg3[%add3A, %scan3A_36, %dma_wait3A_643, %dma_wait3A_644] : memref<32x4x20x128xi32, #tpu.memory_space<hbm>> -> memref<1x1x20x128xi32, #tpu.memory_space<hbm>>
        %dma_wait3A_646 = tpu.memref_squeeze %dma_wait3A_645 : memref<1x1x20x128xi32, #tpu.memory_space<hbm>> -> memref<20x128xi32, #tpu.memory_space<hbm>>
        %dma_wait3A_647 = arith.constant 0 : i32
        %dma_wait3A_648 = arith.constant 0 : i32
        %dma_wait3A_649 = tpu.memref_slice %arg3[%add3A, %scan3A_36, %dma_wait3A_647, %dma_wait3A_648] : memref<32x4x20x128xi32, #tpu.memory_space<hbm>> -> memref<1x1x20x128xi32, #tpu.memory_space<hbm>>
        %dma_wait3A_650 = tpu.memref_squeeze %dma_wait3A_649 : memref<1x1x20x128xi32, #tpu.memory_space<hbm>> -> memref<20x128xi32, #tpu.memory_space<hbm>>
        tpu.wait_dma2 semaphore(%run_scoped3A : memref<!tpu.dma_semaphore, #tpu.memory_space<semaphore_mem>>) src(%dma_wait3A_650 : memref<20x128xi32, #tpu.memory_space<hbm>>) dst(%arg6 : memref<20x128xi32, #tpu.memory_space<vmem>>)
        tpu.yield
      }) : () -> ()
      %dma_start3A = arith.constant 0 : i32
      %dma_start3A_37 = arith.constant 0 : i32
      %dma_start3A_38 = tpu.memref_slice %arg6[%dma_start3A, %dma_start3A_37] : memref<20x128xi32, #tpu.memory_space<vmem>> -> memref<1x128xi32, #tpu.memory_space<vmem>>
      %dma_start3A_39 = tpu.memref_squeeze %dma_start3A_38 : memref<1x128xi32, #tpu.memory_space<vmem>> -> memref<128xi32, #tpu.memory_space<vmem>>
      %dma_start3A_40 = arith.constant 0 : i32
      %dma_start3A_41 = arith.constant 0 : i32
      %dma_start3A_42 = tpu.memref_slice %arg2[%dma_start3A_40, %dma_start3A_41] : memref<10000x128xf32, #tpu.memory_space<hbm>> -> memref<10000x128xf32, #tpu.memory_space<hbm>>
      tpu.enqueue_indirect_dma source(%dma_start3A_42 : memref<10000x128xf32, #tpu.memory_space<hbm>>) target(%arg8 : memref<128x128xf32, #tpu.memory_space<vmem>>) offsets(%dma_start3A_39 : memref<128xi32, #tpu.memory_space<vmem>>) semaphore(%arg11 : memref<!tpu.dma_semaphore, #tpu.memory_space<semaphore_mem>>)
      %dma_start3A_43 = arith.constant 1 : i32
      %dma_start3A_44 = arith.constant 0 : i32
      %dma_start3A_45 = tpu.memref_slice %arg6[%dma_start3A_43, %dma_start3A_44] : memref<20x128xi32, #tpu.memory_space<vmem>> -> memref<1x128xi32, #tpu.memory_space<vmem>>
      %dma_start3A_46 = tpu.memref_squeeze %dma_start3A_45 : memref<1x128xi32, #tpu.memory_space<vmem>> -> memref<128xi32, #tpu.memory_space<vmem>>
      %dma_start3A_47 = arith.constant 0 : i32
      %dma_start3A_48 = arith.constant 0 : i32
      %dma_start3A_49 = tpu.memref_slice %arg2[%dma_start3A_47, %dma_start3A_48] : memref<10000x128xf32, #tpu.memory_space<hbm>> -> memref<10000x128xf32, #tpu.memory_space<hbm>>
      tpu.enqueue_indirect_dma source(%dma_start3A_49 : memref<10000x128xf32, #tpu.memory_space<hbm>>) target(%arg9 : memref<128x128xf32, #tpu.memory_space<vmem>>) offsets(%dma_start3A_46 : memref<128xi32, #tpu.memory_space<vmem>>) semaphore(%arg12 : memref<!tpu.dma_semaphore, #tpu.memory_space<semaphore_mem>>)
      %dma_wait3A = arith.constant 0 : i32
      %dma_wait3A_50 = arith.constant 0 : i32
      %dma_wait3A_51 = tpu.memref_slice %arg6[%dma_wait3A, %dma_wait3A_50] : memref<20x128xi32, #tpu.memory_space<vmem>> -> memref<1x128xi32, #tpu.memory_space<vmem>>
      %dma_wait3A_52 = tpu.memref_squeeze %dma_wait3A_51 : memref<1x128xi32, #tpu.memory_space<vmem>> -> memref<128xi32, #tpu.memory_space<vmem>>
      %dma_wait3A_53 = arith.constant 0 : i32
      %dma_wait3A_54 = arith.constant 0 : i32
      %dma_wait3A_55 = tpu.memref_slice %arg2[%dma_wait3A_53, %dma_wait3A_54] : memref<10000x128xf32, #tpu.memory_space<hbm>> -> memref<10000x128xf32, #tpu.memory_space<hbm>>
      tpu.wait_indirect_dma semaphore(%arg11 : memref<!tpu.dma_semaphore, #tpu.memory_space<semaphore_mem>>) src(%dma_wait3A_55 : memref<10000x128xf32, #tpu.memory_space<hbm>>) dst(%arg8 : memref<128x128xf32, #tpu.memory_space<vmem>>)
      %mul3A_56 = arith.constant 20 : i32
      %mul3A_57 = arith.muli %scan3A_36, %mul3A_56 : i32
      %add3A_58 = arith.constant 0 : i32
      %add3A_59 = arith.addi %mul3A_57, %add3A_58 : i32
      %dma_start3A_60 = arith.constant 0 : i32
      %dma_start3A_61 = tpu.memref_slice %arg7[%add3A_59, %dma_start3A_60] : memref<80x128xi32, #tpu.memory_space<vmem>> -> memref<1x128xi32, #tpu.memory_space<vmem>>
      %dma_start3A_62 = tpu.memref_squeeze %dma_start3A_61 : memref<1x128xi32, #tpu.memory_space<vmem>> -> memref<128xi32, #tpu.memory_space<vmem>>
      %dma_start3A_63 = arith.constant 0 : i32
      %dma_start3A_64 = arith.constant 0 : i32
      %dma_start3A_65 = tpu.memref_slice %arg10[%dma_start3A_63, %dma_start3A_64] : memref<10240x128xf32, #tpu.memory_space<vmem_shared>> -> memref<10240x128xf32, #tpu.memory_space<vmem_shared>>
      tpu.enqueue_indirect_dma source(%arg8 : memref<128x128xf32, #tpu.memory_space<vmem>>) target(%dma_start3A_65 : memref<10240x128xf32, #tpu.memory_space<vmem_shared>>) offsets(%dma_start3A_62 : memref<128xi32, #tpu.memory_space<vmem>>) semaphore(%arg13 : memref<!tpu.dma_semaphore, #tpu.memory_space<semaphore_mem>>) {add = true}
      %dma_wait3A_66 = arith.constant 0 : i32
      %dma_wait3A_67 = tpu.memref_slice %arg7[%add3A_59, %dma_wait3A_66] : memref<80x128xi32, #tpu.memory_space<vmem>> -> memref<1x128xi32, #tpu.memory_space<vmem>>
      %dma_wait3A_68 = tpu.memref_squeeze %dma_wait3A_67 : memref<1x128xi32, #tpu.memory_space<vmem>> -> memref<128xi32, #tpu.memory_space<vmem>>
      %dma_wait3A_69 = arith.constant 0 : i32
      %dma_wait3A_70 = arith.constant 0 : i32
      %dma_wait3A_71 = tpu.memref_slice %arg10[%dma_wait3A_69, %dma_wait3A_70] : memref<10240x128xf32, #tpu.memory_space<vmem_shared>> -> memref<10240x128xf32, #tpu.memory_space<vmem_shared>>
      tpu.wait_indirect_dma semaphore(%arg13 : memref<!tpu.dma_semaphore, #tpu.memory_space<semaphore_mem>>) src(%arg8 : memref<128x128xf32, #tpu.memory_space<vmem>>) dst(%dma_wait3A_71 : memref<10240x128xf32, #tpu.memory_space<vmem_shared>>)
      %dma_start3A_72 = arith.constant 2 : i32
      %dma_start3A_73 = arith.constant 0 : i32
      %dma_start3A_74 = tpu.memref_slice %arg6[%dma_start3A_72, %dma_start3A_73] : memref<20x128xi32, #tpu.memory_space<vmem>> -> memref<1x128xi32, #tpu.memory_space<vmem>>
      %dma_start3A_75 = tpu.memref_squeeze %dma_start3A_74 : memref<1x128xi32, #tpu.memory_space<vmem>> -> memref<128xi32, #tpu.memory_space<vmem>>
      %dma_start3A_76 = arith.constant 0 : i32
      %dma_start3A_77 = arith.constant 0 : i32
      %dma_start3A_78 = tpu.memref_slice %arg2[%dma_start3A_76, %dma_start3A_77] : memref<10000x128xf32, #tpu.memory_space<hbm>> -> memref<10000x128xf32, #tpu.memory_space<hbm>>
      tpu.enqueue_indirect_dma source(%dma_start3A_78 : memref<10000x128xf32, #tpu.memory_space<hbm>>) target(%arg8 : memref<128x128xf32, #tpu.memory_space<vmem>>) offsets(%dma_start3A_75 : memref<128xi32, #tpu.memory_space<vmem>>) semaphore(%arg11 : memref<!tpu.dma_semaphore, #tpu.memory_space<semaphore_mem>>)
      %dma_wait3A_79 = arith.constant 1 : i32
      %dma_wait3A_80 = arith.constant 0 : i32
      %dma_wait3A_81 = tpu.memref_slice %arg6[%dma_wait3A_79, %dma_wait3A_80] : memref<20x128xi32, #tpu.memory_space<vmem>> -> memref<1x128xi32, #tpu.memory_space<vmem>>
      %dma_wait3A_82 = tpu.memref_squeeze %dma_wait3A_81 : memref<1x128xi32, #tpu.memory_space<vmem>> -> memref<128xi32, #tpu.memory_space<vmem>>
      %dma_wait3A_83 = arith.constant 0 : i32
      %dma_wait3A_84 = arith.constant 0 : i32
      %dma_wait3A_85 = tpu.memref_slice %arg2[%dma_wait3A_83, %dma_wait3A_84] : memref<10000x128xf32, #tpu.memory_space<hbm>> -> memref<10000x128xf32, #tpu.memory_space<hbm>>
      tpu.wait_indirect_dma semaphore(%arg12 : memref<!tpu.dma_semaphore, #tpu.memory_space<semaphore_mem>>) src(%dma_wait3A_85 : memref<10000x128xf32, #tpu.memory_space<hbm>>) dst(%arg9 : memref<128x128xf32, #tpu.memory_space<vmem>>)
      %mul3A_86 = arith.constant 20 : i32
      %mul3A_87 = arith.muli %scan3A_36, %mul3A_86 : i32
      %add3A_88 = arith.constant 1 : i32
      %add3A_89 = arith.addi %mul3A_87, %add3A_88 : i32
      %dma_start3A_90 = arith.constant 0 : i32
      %dma_start3A_91 = tpu.memref_slice %arg7[%add3A_89, %dma_start3A_90] : memref<80x128xi32, #tpu.memory_space<vmem>> -> memref<1x128xi32, #tpu.memory_space<vmem>>
      %dma_start3A_92 = tpu.memref_squeeze %dma_start3A_91 : memref<1x128xi32, #tpu.memory_space<vmem>> -> memref<128xi32, #tpu.memory_space<vmem>>
      %dma_start3A_93 = arith.constant 0 : i32
      %dma_start3A_94 = arith.constant 0 : i32
      %dma_start3A_95 = tpu.memref_slice %arg10[%dma_start3A_93, %dma_start3A_94] : memref<10240x128xf32, #tpu.memory_space<vmem_shared>> -> memref<10240x128xf32, #tpu.memory_space<vmem_shared>>
      tpu.enqueue_indirect_dma source(%arg9 : memref<128x128xf32, #tpu.memory_space<vmem>>) target(%dma_start3A_95 : memref<10240x128xf32, #tpu.memory_space<vmem_shared>>) offsets(%dma_start3A_92 : memref<128xi32, #tpu.memory_space<vmem>>) semaphore(%arg14 : memref<!tpu.dma_semaphore, #tpu.memory_space<semaphore_mem>>) {add = true}
      %dma_wait3A_96 = arith.constant 0 : i32
      %dma_wait3A_97 = tpu.memref_slice %arg7[%add3A_89, %dma_wait3A_96] : memref<80x128xi32, #tpu.memory_space<vmem>> -> memref<1x128xi32, #tpu.memory_space<vmem>>
      %dma_wait3A_98 = tpu.memref_squeeze %dma_wait3A_97 : memref<1x128xi32, #tpu.memory_space<vmem>> -> memref<128xi32, #tpu.memory_space<vmem>>
      %dma_wait3A_99 = arith.constant 0 : i32
      %dma_wait3A_100 = arith.constant 0 : i32
      %dma_wait3A_101 = tpu.memref_slice %arg10[%dma_wait3A_99, %dma_wait3A_100] : memref<10240x128xf32, #tpu.memory_space<vmem_shared>> -> memref<10240x128xf32, #tpu.memory_space<vmem_shared>>
      tpu.wait_indirect_dma semaphore(%arg14 : memref<!tpu.dma_semaphore, #tpu.memory_space<semaphore_mem>>) src(%arg9 : memref<128x128xf32, #tpu.memory_space<vmem>>) dst(%dma_wait3A_101 : memref<10240x128xf32, #tpu.memory_space<vmem_shared>>)
      %dma_start3A_102 = arith.constant 3 : i32
      %dma_start3A_103 = arith.constant 0 : i32
      %dma_start3A_104 = tpu.memref_slice %arg6[%dma_start3A_102, %dma_start3A_103] : memref<20x128xi32, #tpu.memory_space<vmem>> -> memref<1x128xi32, #tpu.memory_space<vmem>>
      %dma_start3A_105 = tpu.memref_squeeze %dma_start3A_104 : memref<1x128xi32, #tpu.memory_space<vmem>> -> memref<128xi32, #tpu.memory_space<vmem>>
      %dma_start3A_106 = arith.constant 0 : i32
      %dma_start3A_107 = arith.constant 0 : i32
      %dma_start3A_108 = tpu.memref_slice %arg2[%dma_start3A_106, %dma_start3A_107] : memref<10000x128xf32, #tpu.memory_space<hbm>> -> memref<10000x128xf32, #tpu.memory_space<hbm>>
      tpu.enqueue_indirect_dma source(%dma_start3A_108 : memref<10000x128xf32, #tpu.memory_space<hbm>>) target(%arg9 : memref<128x128xf32, #tpu.memory_space<vmem>>) offsets(%dma_start3A_105 : memref<128xi32, #tpu.memory_space<vmem>>) semaphore(%arg12 : memref<!tpu.dma_semaphore, #tpu.memory_space<semaphore_mem>>)
      %dma_wait3A_109 = arith.constant 2 : i32
      %dma_wait3A_110 = arith.constant 0 : i32
      %dma_wait3A_111 = tpu.memref_slice %arg6[%dma_wait3A_109, %dma_wait3A_110] : memref<20x128xi32, #tpu.memory_space<vmem>> -> memref<1x128xi32, #tpu.memory_space<vmem>>
      %dma_wait3A_112 = tpu.memref_squeeze %dma_wait3A_111 : memref<1x128xi32, #tpu.memory_space<vmem>> -> memref<128xi32, #tpu.memory_space<vmem>>
      %dma_wait3A_113 = arith.constant 0 : i32
      %dma_wait3A_114 = arith.constant 0 : i32
      %dma_wait3A_115 = tpu.memref_slice %arg2[%dma_wait3A_113, %dma_wait3A_114] : memref<10000x128xf32, #tpu.memory_space<hbm>> -> memref<10000x128xf32, #tpu.memory_space<hbm>>
      tpu.wait_indirect_dma semaphore(%arg11 : memref<!tpu.dma_semaphore, #tpu.memory_space<semaphore_mem>>) src(%dma_wait3A_115 : memref<10000x128xf32, #tpu.memory_space<hbm>>) dst(%arg8 : memref<128x128xf32, #tpu.memory_space<vmem>>)
      %mul3A_116 = arith.constant 20 : i32
      %mul3A_117 = arith.muli %scan3A_36, %mul3A_116 : i32
      %add3A_118 = arith.constant 2 : i32
      %add3A_119 = arith.addi %mul3A_117, %add3A_118 : i32
      %dma_start3A_120 = arith.constant 0 : i32
      %dma_start3A_121 = tpu.memref_slice %arg7[%add3A_119, %dma_start3A_120] : memref<80x128xi32, #tpu.memory_space<vmem>> -> memref<1x128xi32, #tpu.memory_space<vmem>>
      %dma_start3A_122 = tpu.memref_squeeze %dma_start3A_121 : memref<1x128xi32, #tpu.memory_space<vmem>> -> memref<128xi32, #tpu.memory_space<vmem>>
      %dma_start3A_123 = arith.constant 0 : i32
      %dma_start3A_124 = arith.constant 0 : i32
      %dma_start3A_125 = tpu.memref_slice %arg10[%dma_start3A_123, %dma_start3A_124] : memref<10240x128xf32, #tpu.memory_space<vmem_shared>> -> memref<10240x128xf32, #tpu.memory_space<vmem_shared>>
      tpu.enqueue_indirect_dma source(%arg8 : memref<128x128xf32, #tpu.memory_space<vmem>>) target(%dma_start3A_125 : memref<10240x128xf32, #tpu.memory_space<vmem_shared>>) offsets(%dma_start3A_122 : memref<128xi32, #tpu.memory_space<vmem>>) semaphore(%arg13 : memref<!tpu.dma_semaphore, #tpu.memory_space<semaphore_mem>>) {add = true}
      %dma_wait3A_126 = arith.constant 0 : i32
      %dma_wait3A_127 = tpu.memref_slice %arg7[%add3A_119, %dma_wait3A_126] : memref<80x128xi32, #tpu.memory_space<vmem>> -> memref<1x128xi32, #tpu.memory_space<vmem>>
      %dma_wait3A_128 = tpu.memref_squeeze %dma_wait3A_127 : memref<1x128xi32, #tpu.memory_space<vmem>> -> memref<128xi32, #tpu.memory_space<vmem>>
      %dma_wait3A_129 = arith.constant 0 : i32
      %dma_wait3A_130 = arith.constant 0 : i32
      %dma_wait3A_131 = tpu.memref_slice %arg10[%dma_wait3A_129, %dma_wait3A_130] : memref<10240x128xf32, #tpu.memory_space<vmem_shared>> -> memref<10240x128xf32, #tpu.memory_space<vmem_shared>>
      tpu.wait_indirect_dma semaphore(%arg13 : memref<!tpu.dma_semaphore, #tpu.memory_space<semaphore_mem>>) src(%arg8 : memref<128x128xf32, #tpu.memory_space<vmem>>) dst(%dma_wait3A_131 : memref<10240x128xf32, #tpu.memory_space<vmem_shared>>)
      %dma_start3A_132 = arith.constant 4 : i32
      %dma_start3A_133 = arith.constant 0 : i32
      %dma_start3A_134 = tpu.memref_slice %arg6[%dma_start3A_132, %dma_start3A_133] : memref<20x128xi32, #tpu.memory_space<vmem>> -> memref<1x128xi32, #tpu.memory_space<vmem>>
      %dma_start3A_135 = tpu.memref_squeeze %dma_start3A_134 : memref<1x128xi32, #tpu.memory_space<vmem>> -> memref<128xi32, #tpu.memory_space<vmem>>
      %dma_start3A_136 = arith.constant 0 : i32
      %dma_start3A_137 = arith.constant 0 : i32
      %dma_start3A_138 = tpu.memref_slice %arg2[%dma_start3A_136, %dma_start3A_137] : memref<10000x128xf32, #tpu.memory_space<hbm>> -> memref<10000x128xf32, #tpu.memory_space<hbm>>
      tpu.enqueue_indirect_dma source(%dma_start3A_138 : memref<10000x128xf32, #tpu.memory_space<hbm>>) target(%arg8 : memref<128x128xf32, #tpu.memory_space<vmem>>) offsets(%dma_start3A_135 : memref<128xi32, #tpu.memory_space<vmem>>) semaphore(%arg11 : memref<!tpu.dma_semaphore, #tpu.memory_space<semaphore_mem>>)
      %dma_wait3A_139 = arith.constant 3 : i32
      %dma_wait3A_140 = arith.constant 0 : i32
      %dma_wait3A_141 = tpu.memref_slice %arg6[%dma_wait3A_139, %dma_wait3A_140] : memref<20x128xi32, #tpu.memory_space<vmem>> -> memref<1x128xi32, #tpu.memory_space<vmem>>
      %dma_wait3A_142 = tpu.memref_squeeze %dma_wait3A_141 : memref<1x128xi32, #tpu.memory_space<vmem>> -> memref<128xi32, #tpu.memory_space<vmem>>
      %dma_wait3A_143 = arith.constant 0 : i32
      %dma_wait3A_144 = arith.constant 0 : i32
      %dma_wait3A_145 = tpu.memref_slice %arg2[%dma_wait3A_143, %dma_wait3A_144] : memref<10000x128xf32, #tpu.memory_space<hbm>> -> memref<10000x128xf32, #tpu.memory_space<hbm>>
      tpu.wait_indirect_dma semaphore(%arg12 : memref<!tpu.dma_semaphore, #tpu.memory_space<semaphore_mem>>) src(%dma_wait3A_145 : memref<10000x128xf32, #tpu.memory_space<hbm>>) dst(%arg9 : memref<128x128xf32, #tpu.memory_space<vmem>>)
      %mul3A_146 = arith.constant 20 : i32
      %mul3A_147 = arith.muli %scan3A_36, %mul3A_146 : i32
      %add3A_148 = arith.constant 3 : i32
      %add3A_149 = arith.addi %mul3A_147, %add3A_148 : i32
      %dma_start3A_150 = arith.constant 0 : i32
      %dma_start3A_151 = tpu.memref_slice %arg7[%add3A_149, %dma_start3A_150] : memref<80x128xi32, #tpu.memory_space<vmem>> -> memref<1x128xi32, #tpu.memory_space<vmem>>
      %dma_start3A_152 = tpu.memref_squeeze %dma_start3A_151 : memref<1x128xi32, #tpu.memory_space<vmem>> -> memref<128xi32, #tpu.memory_space<vmem>>
      %dma_start3A_153 = arith.constant 0 : i32
      %dma_start3A_154 = arith.constant 0 : i32
      %dma_start3A_155 = tpu.memref_slice %arg10[%dma_start3A_153, %dma_start3A_154] : memref<10240x128xf32, #tpu.memory_space<vmem_shared>> -> memref<10240x128xf32, #tpu.memory_space<vmem_shared>>
      tpu.enqueue_indirect_dma source(%arg9 : memref<128x128xf32, #tpu.memory_space<vmem>>) target(%dma_start3A_155 : memref<10240x128xf32, #tpu.memory_space<vmem_shared>>) offsets(%dma_start3A_152 : memref<128xi32, #tpu.memory_space<vmem>>) semaphore(%arg14 : memref<!tpu.dma_semaphore, #tpu.memory_space<semaphore_mem>>) {add = true}
      %dma_wait3A_156 = arith.constant 0 : i32
      %dma_wait3A_157 = tpu.memref_slice %arg7[%add3A_149, %dma_wait3A_156] : memref<80x128xi32, #tpu.memory_space<vmem>> -> memref<1x128xi32, #tpu.memory_space<vmem>>
      %dma_wait3A_158 = tpu.memref_squeeze %dma_wait3A_157 : memref<1x128xi32, #tpu.memory_space<vmem>> -> memref<128xi32, #tpu.memory_space<vmem>>
      %dma_wait3A_159 = arith.constant 0 : i32
      %dma_wait3A_160 = arith.constant 0 : i32
      %dma_wait3A_161 = tpu.memref_slice %arg10[%dma_wait3A_159, %dma_wait3A_160] : memref<10240x128xf32, #tpu.memory_space<vmem_shared>> -> memref<10240x128xf32, #tpu.memory_space<vmem_shared>>
      tpu.wait_indirect_dma semaphore(%arg14 : memref<!tpu.dma_semaphore, #tpu.memory_space<semaphore_mem>>) src(%arg9 : memref<128x128xf32, #tpu.memory_space<vmem>>) dst(%dma_wait3A_161 : memref<10240x128xf32, #tpu.memory_space<vmem_shared>>)
      %dma_start3A_162 = arith.constant 5 : i32
      %dma_start3A_163 = arith.constant 0 : i32
      %dma_start3A_164 = tpu.memref_slice %arg6[%dma_start3A_162, %dma_start3A_163] : memref<20x128xi32, #tpu.memory_space<vmem>> -> memref<1x128xi32, #tpu.memory_space<vmem>>
      %dma_start3A_165 = tpu.memref_squeeze %dma_start3A_164 : memref<1x128xi32, #tpu.memory_space<vmem>> -> memref<128xi32, #tpu.memory_space<vmem>>
      %dma_start3A_166 = arith.constant 0 : i32
      %dma_start3A_167 = arith.constant 0 : i32
      %dma_start3A_168 = tpu.memref_slice %arg2[%dma_start3A_166, %dma_start3A_167] : memref<10000x128xf32, #tpu.memory_space<hbm>> -> memref<10000x128xf32, #tpu.memory_space<hbm>>
      tpu.enqueue_indirect_dma source(%dma_start3A_168 : memref<10000x128xf32, #tpu.memory_space<hbm>>) target(%arg9 : memref<128x128xf32, #tpu.memory_space<vmem>>) offsets(%dma_start3A_165 : memref<128xi32, #tpu.memory_space<vmem>>) semaphore(%arg12 : memref<!tpu.dma_semaphore, #tpu.memory_space<semaphore_mem>>)
      %dma_wait3A_169 = arith.constant 4 : i32
      %dma_wait3A_170 = arith.constant 0 : i32
      %dma_wait3A_171 = tpu.memref_slice %arg6[%dma_wait3A_169, %dma_wait3A_170] : memref<20x128xi32, #tpu.memory_space<vmem>> -> memref<1x128xi32, #tpu.memory_space<vmem>>
      %dma_wait3A_172 = tpu.memref_squeeze %dma_wait3A_171 : memref<1x128xi32, #tpu.memory_space<vmem>> -> memref<128xi32, #tpu.memory_space<vmem>>
      %dma_wait3A_173 = arith.constant 0 : i32
      %dma_wait3A_174 = arith.constant 0 : i32
      %dma_wait3A_175 = tpu.memref_slice %arg2[%dma_wait3A_173, %dma_wait3A_174] : memref<10000x128xf32, #tpu.memory_space<hbm>> -> memref<10000x128xf32, #tpu.memory_space<hbm>>
      tpu.wait_indirect_dma semaphore(%arg11 : memref<!tpu.dma_semaphore, #tpu.memory_space<semaphore_mem>>) src(%dma_wait3A_175 : memref<10000x128xf32, #tpu.memory_space<hbm>>) dst(%arg8 : memref<128x128xf32, #tpu.memory_space<vmem>>)
      %mul3A_176 = arith.constant 20 : i32
      %mul3A_177 = arith.muli %scan3A_36, %mul3A_176 : i32
      %add3A_178 = arith.constant 4 : i32
      %add3A_179 = arith.addi %mul3A_177, %add3A_178 : i32
      %dma_start3A_180 = arith.constant 0 : i32
      %dma_start3A_181 = tpu.memref_slice %arg7[%add3A_179, %dma_start3A_180] : memref<80x128xi32, #tpu.memory_space<vmem>> -> memref<1x128xi32, #tpu.memory_space<vmem>>
      %dma_start3A_182 = tpu.memref_squeeze %dma_start3A_181 : memref<1x128xi32, #tpu.memory_space<vmem>> -> memref<128xi32, #tpu.memory_space<vmem>>
      %dma_start3A_183 = arith.constant 0 : i32
      %dma_start3A_184 = arith.constant 0 : i32
      %dma_start3A_185 = tpu.memref_slice %arg10[%dma_start3A_183, %dma_start3A_184] : memref<10240x128xf32, #tpu.memory_space<vmem_shared>> -> memref<10240x128xf32, #tpu.memory_space<vmem_shared>>
      tpu.enqueue_indirect_dma source(%arg8 : memref<128x128xf32, #tpu.memory_space<vmem>>) target(%dma_start3A_185 : memref<10240x128xf32, #tpu.memory_space<vmem_shared>>) offsets(%dma_start3A_182 : memref<128xi32, #tpu.memory_space<vmem>>) semaphore(%arg13 : memref<!tpu.dma_semaphore, #tpu.memory_space<semaphore_mem>>) {add = true}
      %dma_wait3A_186 = arith.constant 0 : i32
      %dma_wait3A_187 = tpu.memref_slice %arg7[%add3A_179, %dma_wait3A_186] : memref<80x128xi32, #tpu.memory_space<vmem>> -> memref<1x128xi32, #tpu.memory_space<vmem>>
      %dma_wait3A_188 = tpu.memref_squeeze %dma_wait3A_187 : memref<1x128xi32, #tpu.memory_space<vmem>> -> memref<128xi32, #tpu.memory_space<vmem>>
      %dma_wait3A_189 = arith.constant 0 : i32
      %dma_wait3A_190 = arith.constant 0 : i32
      %dma_wait3A_191 = tpu.memref_slice %arg10[%dma_wait3A_189, %dma_wait3A_190] : memref<10240x128xf32, #tpu.memory_space<vmem_shared>> -> memref<10240x128xf32, #tpu.memory_space<vmem_shared>>
      tpu.wait_indirect_dma semaphore(%arg13 : memref<!tpu.dma_semaphore, #tpu.memory_space<semaphore_mem>>) src(%arg8 : memref<128x128xf32, #tpu.memory_space<vmem>>) dst(%dma_wait3A_191 : memref<10240x128xf32, #tpu.memory_space<vmem_shared>>)
      %dma_start3A_192 = arith.constant 6 : i32
      %dma_start3A_193 = arith.constant 0 : i32
      %dma_start3A_194 = tpu.memref_slice %arg6[%dma_start3A_192, %dma_start3A_193] : memref<20x128xi32, #tpu.memory_space<vmem>> -> memref<1x128xi32, #tpu.memory_space<vmem>>
      %dma_start3A_195 = tpu.memref_squeeze %dma_start3A_194 : memref<1x128xi32, #tpu.memory_space<vmem>> -> memref<128xi32, #tpu.memory_space<vmem>>
      %dma_start3A_196 = arith.constant 0 : i32
      %dma_start3A_197 = arith.constant 0 : i32
      %dma_start3A_198 = tpu.memref_slice %arg2[%dma_start3A_196, %dma_start3A_197] : memref<10000x128xf32, #tpu.memory_space<hbm>> -> memref<10000x128xf32, #tpu.memory_space<hbm>>
      tpu.enqueue_indirect_dma source(%dma_start3A_198 : memref<10000x128xf32, #tpu.memory_space<hbm>>) target(%arg8 : memref<128x128xf32, #tpu.memory_space<vmem>>) offsets(%dma_start3A_195 : memref<128xi32, #tpu.memory_space<vmem>>) semaphore(%arg11 : memref<!tpu.dma_semaphore, #tpu.memory_space<semaphore_mem>>)
      %dma_wait3A_199 = arith.constant 5 : i32
      %dma_wait3A_200 = arith.constant 0 : i32
      %dma_wait3A_201 = tpu.memref_slice %arg6[%dma_wait3A_199, %dma_wait3A_200] : memref<20x128xi32, #tpu.memory_space<vmem>> -> memref<1x128xi32, #tpu.memory_space<vmem>>
      %dma_wait3A_202 = tpu.memref_squeeze %dma_wait3A_201 : memref<1x128xi32, #tpu.memory_space<vmem>> -> memref<128xi32, #tpu.memory_space<vmem>>
      %dma_wait3A_203 = arith.constant 0 : i32
      %dma_wait3A_204 = arith.constant 0 : i32
      %dma_wait3A_205 = tpu.memref_slice %arg2[%dma_wait3A_203, %dma_wait3A_204] : memref<10000x128xf32, #tpu.memory_space<hbm>> -> memref<10000x128xf32, #tpu.memory_space<hbm>>
      tpu.wait_indirect_dma semaphore(%arg12 : memref<!tpu.dma_semaphore, #tpu.memory_space<semaphore_mem>>) src(%dma_wait3A_205 : memref<10000x128xf32, #tpu.memory_space<hbm>>) dst(%arg9 : memref<128x128xf32, #tpu.memory_space<vmem>>)
      %mul3A_206 = arith.constant 20 : i32
      %mul3A_207 = arith.muli %scan3A_36, %mul3A_206 : i32
      %add3A_208 = arith.constant 5 : i32
      %add3A_209 = arith.addi %mul3A_207, %add3A_208 : i32
      %dma_start3A_210 = arith.constant 0 : i32
      %dma_start3A_211 = tpu.memref_slice %arg7[%add3A_209, %dma_start3A_210] : memref<80x128xi32, #tpu.memory_space<vmem>> -> memref<1x128xi32, #tpu.memory_space<vmem>>
      %dma_start3A_212 = tpu.memref_squeeze %dma_start3A_211 : memref<1x128xi32, #tpu.memory_space<vmem>> -> memref<128xi32, #tpu.memory_space<vmem>>
      %dma_start3A_213 = arith.constant 0 : i32
      %dma_start3A_214 = arith.constant 0 : i32
      %dma_start3A_215 = tpu.memref_slice %arg10[%dma_start3A_213, %dma_start3A_214] : memref<10240x128xf32, #tpu.memory_space<vmem_shared>> -> memref<10240x128xf32, #tpu.memory_space<vmem_shared>>
      tpu.enqueue_indirect_dma source(%arg9 : memref<128x128xf32, #tpu.memory_space<vmem>>) target(%dma_start3A_215 : memref<10240x128xf32, #tpu.memory_space<vmem_shared>>) offsets(%dma_start3A_212 : memref<128xi32, #tpu.memory_space<vmem>>) semaphore(%arg14 : memref<!tpu.dma_semaphore, #tpu.memory_space<semaphore_mem>>) {add = true}
      %dma_wait3A_216 = arith.constant 0 : i32
      %dma_wait3A_217 = tpu.memref_slice %arg7[%add3A_209, %dma_wait3A_216] : memref<80x128xi32, #tpu.memory_space<vmem>> -> memref<1x128xi32, #tpu.memory_space<vmem>>
      %dma_wait3A_218 = tpu.memref_squeeze %dma_wait3A_217 : memref<1x128xi32, #tpu.memory_space<vmem>> -> memref<128xi32, #tpu.memory_space<vmem>>
      %dma_wait3A_219 = arith.constant 0 : i32
      %dma_wait3A_220 = arith.constant 0 : i32
      %dma_wait3A_221 = tpu.memref_slice %arg10[%dma_wait3A_219, %dma_wait3A_220] : memref<10240x128xf32, #tpu.memory_space<vmem_shared>> -> memref<10240x128xf32, #tpu.memory_space<vmem_shared>>
      tpu.wait_indirect_dma semaphore(%arg14 : memref<!tpu.dma_semaphore, #tpu.memory_space<semaphore_mem>>) src(%arg9 : memref<128x128xf32, #tpu.memory_space<vmem>>) dst(%dma_wait3A_221 : memref<10240x128xf32, #tpu.memory_space<vmem_shared>>)
      %dma_start3A_222 = arith.constant 7 : i32
      %dma_start3A_223 = arith.constant 0 : i32
      %dma_start3A_224 = tpu.memref_slice %arg6[%dma_start3A_222, %dma_start3A_223] : memref<20x128xi32, #tpu.memory_space<vmem>> -> memref<1x128xi32, #tpu.memory_space<vmem>>
      %dma_start3A_225 = tpu.memref_squeeze %dma_start3A_224 : memref<1x128xi32, #tpu.memory_space<vmem>> -> memref<128xi32, #tpu.memory_space<vmem>>
      %dma_start3A_226 = arith.constant 0 : i32
      %dma_start3A_227 = arith.constant 0 : i32
      %dma_start3A_228 = tpu.memref_slice %arg2[%dma_start3A_226, %dma_start3A_227] : memref<10000x128xf32, #tpu.memory_space<hbm>> -> memref<10000x128xf32, #tpu.memory_space<hbm>>
      tpu.enqueue_indirect_dma source(%dma_start3A_228 : memref<10000x128xf32, #tpu.memory_space<hbm>>) target(%arg9 : memref<128x128xf32, #tpu.memory_space<vmem>>) offsets(%dma_start3A_225 : memref<128xi32, #tpu.memory_space<vmem>>) semaphore(%arg12 : memref<!tpu.dma_semaphore, #tpu.memory_space<semaphore_mem>>)
      %dma_wait3A_229 = arith.constant 6 : i32
      %dma_wait3A_230 = arith.constant 0 : i32
      %dma_wait3A_231 = tpu.memref_slice %arg6[%dma_wait3A_229, %dma_wait3A_230] : memref<20x128xi32, #tpu.memory_space<vmem>> -> memref<1x128xi32, #tpu.memory_space<vmem>>
      %dma_wait3A_232 = tpu.memref_squeeze %dma_wait3A_231 : memref<1x128xi32, #tpu.memory_space<vmem>> -> memref<128xi32, #tpu.memory_space<vmem>>
      %dma_wait3A_233 = arith.constant 0 : i32
      %dma_wait3A_234 = arith.constant 0 : i32
      %dma_wait3A_235 = tpu.memref_slice %arg2[%dma_wait3A_233, %dma_wait3A_234] : memref<10000x128xf32, #tpu.memory_space<hbm>> -> memref<10000x128xf32, #tpu.memory_space<hbm>>
      tpu.wait_indirect_dma semaphore(%arg11 : memref<!tpu.dma_semaphore, #tpu.memory_space<semaphore_mem>>) src(%dma_wait3A_235 : memref<10000x128xf32, #tpu.memory_space<hbm>>) dst(%arg8 : memref<128x128xf32, #tpu.memory_space<vmem>>)
      %mul3A_236 = arith.constant 20 : i32
      %mul3A_237 = arith.muli %scan3A_36, %mul3A_236 : i32
      %add3A_238 = arith.constant 6 : i32
      %add3A_239 = arith.addi %mul3A_237, %add3A_238 : i32
      %dma_start3A_240 = arith.constant 0 : i32
      %dma_start3A_241 = tpu.memref_slice %arg7[%add3A_239, %dma_start3A_240] : memref<80x128xi32, #tpu.memory_space<vmem>> -> memref<1x128xi32, #tpu.memory_space<vmem>>
      %dma_start3A_242 = tpu.memref_squeeze %dma_start3A_241 : memref<1x128xi32, #tpu.memory_space<vmem>> -> memref<128xi32, #tpu.memory_space<vmem>>
      %dma_start3A_243 = arith.constant 0 : i32
      %dma_start3A_244 = arith.constant 0 : i32
      %dma_start3A_245 = tpu.memref_slice %arg10[%dma_start3A_243, %dma_start3A_244] : memref<10240x128xf32, #tpu.memory_space<vmem_shared>> -> memref<10240x128xf32, #tpu.memory_space<vmem_shared>>
      tpu.enqueue_indirect_dma source(%arg8 : memref<128x128xf32, #tpu.memory_space<vmem>>) target(%dma_start3A_245 : memref<10240x128xf32, #tpu.memory_space<vmem_shared>>) offsets(%dma_start3A_242 : memref<128xi32, #tpu.memory_space<vmem>>) semaphore(%arg13 : memref<!tpu.dma_semaphore, #tpu.memory_space<semaphore_mem>>) {add = true}
      %dma_wait3A_246 = arith.constant 0 : i32
      %dma_wait3A_247 = tpu.memref_slice %arg7[%add3A_239, %dma_wait3A_246] : memref<80x128xi32, #tpu.memory_space<vmem>> -> memref<1x128xi32, #tpu.memory_space<vmem>>
      %dma_wait3A_248 = tpu.memref_squeeze %dma_wait3A_247 : memref<1x128xi32, #tpu.memory_space<vmem>> -> memref<128xi32, #tpu.memory_space<vmem>>
      %dma_wait3A_249 = arith.constant 0 : i32
      %dma_wait3A_250 = arith.constant 0 : i32
      %dma_wait3A_251 = tpu.memref_slice %arg10[%dma_wait3A_249, %dma_wait3A_250] : memref<10240x128xf32, #tpu.memory_space<vmem_shared>> -> memref<10240x128xf32, #tpu.memory_space<vmem_shared>>
      tpu.wait_indirect_dma semaphore(%arg13 : memref<!tpu.dma_semaphore, #tpu.memory_space<semaphore_mem>>) src(%arg8 : memref<128x128xf32, #tpu.memory_space<vmem>>) dst(%dma_wait3A_251 : memref<10240x128xf32, #tpu.memory_space<vmem_shared>>)
      %dma_start3A_252 = arith.constant 8 : i32
      %dma_start3A_253 = arith.constant 0 : i32
      %dma_start3A_254 = tpu.memref_slice %arg6[%dma_start3A_252, %dma_start3A_253] : memref<20x128xi32, #tpu.memory_space<vmem>> -> memref<1x128xi32, #tpu.memory_space<vmem>>
      %dma_start3A_255 = tpu.memref_squeeze %dma_start3A_254 : memref<1x128xi32, #tpu.memory_space<vmem>> -> memref<128xi32, #tpu.memory_space<vmem>>
      %dma_start3A_256 = arith.constant 0 : i32
      %dma_start3A_257 = arith.constant 0 : i32
      %dma_start3A_258 = tpu.memref_slice %arg2[%dma_start3A_256, %dma_start3A_257] : memref<10000x128xf32, #tpu.memory_space<hbm>> -> memref<10000x128xf32, #tpu.memory_space<hbm>>
      tpu.enqueue_indirect_dma source(%dma_start3A_258 : memref<10000x128xf32, #tpu.memory_space<hbm>>) target(%arg8 : memref<128x128xf32, #tpu.memory_space<vmem>>) offsets(%dma_start3A_255 : memref<128xi32, #tpu.memory_space<vmem>>) semaphore(%arg11 : memref<!tpu.dma_semaphore, #tpu.memory_space<semaphore_mem>>)
      %dma_wait3A_259 = arith.constant 7 : i32
      %dma_wait3A_260 = arith.constant 0 : i32
      %dma_wait3A_261 = tpu.memref_slice %arg6[%dma_wait3A_259, %dma_wait3A_260] : memref<20x128xi32, #tpu.memory_space<vmem>> -> memref<1x128xi32, #tpu.memory_space<vmem>>
      %dma_wait3A_262 = tpu.memref_squeeze %dma_wait3A_261 : memref<1x128xi32, #tpu.memory_space<vmem>> -> memref<128xi32, #tpu.memory_space<vmem>>
      %dma_wait3A_263 = arith.constant 0 : i32
      %dma_wait3A_264 = arith.constant 0 : i32
      %dma_wait3A_265 = tpu.memref_slice %arg2[%dma_wait3A_263, %dma_wait3A_264] : memref<10000x128xf32, #tpu.memory_space<hbm>> -> memref<10000x128xf32, #tpu.memory_space<hbm>>
      tpu.wait_indirect_dma semaphore(%arg12 : memref<!tpu.dma_semaphore, #tpu.memory_space<semaphore_mem>>) src(%dma_wait3A_265 : memref<10000x128xf32, #tpu.memory_space<hbm>>) dst(%arg9 : memref<128x128xf32, #tpu.memory_space<vmem>>)
      %mul3A_266 = arith.constant 20 : i32
      %mul3A_267 = arith.muli %scan3A_36, %mul3A_266 : i32
      %add3A_268 = arith.constant 7 : i32
      %add3A_269 = arith.addi %mul3A_267, %add3A_268 : i32
      %dma_start3A_270 = arith.constant 0 : i32
      %dma_start3A_271 = tpu.memref_slice %arg7[%add3A_269, %dma_start3A_270] : memref<80x128xi32, #tpu.memory_space<vmem>> -> memref<1x128xi32, #tpu.memory_space<vmem>>
      %dma_start3A_272 = tpu.memref_squeeze %dma_start3A_271 : memref<1x128xi32, #tpu.memory_space<vmem>> -> memref<128xi32, #tpu.memory_space<vmem>>
      %dma_start3A_273 = arith.constant 0 : i32
      %dma_start3A_274 = arith.constant 0 : i32
      %dma_start3A_275 = tpu.memref_slice %arg10[%dma_start3A_273, %dma_start3A_274] : memref<10240x128xf32, #tpu.memory_space<vmem_shared>> -> memref<10240x128xf32, #tpu.memory_space<vmem_shared>>
      tpu.enqueue_indirect_dma source(%arg9 : memref<128x128xf32, #tpu.memory_space<vmem>>) target(%dma_start3A_275 : memref<10240x128xf32, #tpu.memory_space<vmem_shared>>) offsets(%dma_start3A_272 : memref<128xi32, #tpu.memory_space<vmem>>) semaphore(%arg14 : memref<!tpu.dma_semaphore, #tpu.memory_space<semaphore_mem>>) {add = true}
      %dma_wait3A_276 = arith.constant 0 : i32
      %dma_wait3A_277 = tpu.memref_slice %arg7[%add3A_269, %dma_wait3A_276] : memref<80x128xi32, #tpu.memory_space<vmem>> -> memref<1x128xi32, #tpu.memory_space<vmem>>
      %dma_wait3A_278 = tpu.memref_squeeze %dma_wait3A_277 : memref<1x128xi32, #tpu.memory_space<vmem>> -> memref<128xi32, #tpu.memory_space<vmem>>
      %dma_wait3A_279 = arith.constant 0 : i32
      %dma_wait3A_280 = arith.constant 0 : i32
      %dma_wait3A_281 = tpu.memref_slice %arg10[%dma_wait3A_279, %dma_wait3A_280] : memref<10240x128xf32, #tpu.memory_space<vmem_shared>> -> memref<10240x128xf32, #tpu.memory_space<vmem_shared>>
      tpu.wait_indirect_dma semaphore(%arg14 : memref<!tpu.dma_semaphore, #tpu.memory_space<semaphore_mem>>) src(%arg9 : memref<128x128xf32, #tpu.memory_space<vmem>>) dst(%dma_wait3A_281 : memref<10240x128xf32, #tpu.memory_space<vmem_shared>>)
      %dma_start3A_282 = arith.constant 9 : i32
      %dma_start3A_283 = arith.constant 0 : i32
      %dma_start3A_284 = tpu.memref_slice %arg6[%dma_start3A_282, %dma_start3A_283] : memref<20x128xi32, #tpu.memory_space<vmem>> -> memref<1x128xi32, #tpu.memory_space<vmem>>
      %dma_start3A_285 = tpu.memref_squeeze %dma_start3A_284 : memref<1x128xi32, #tpu.memory_space<vmem>> -> memref<128xi32, #tpu.memory_space<vmem>>
      %dma_start3A_286 = arith.constant 0 : i32
      %dma_start3A_287 = arith.constant 0 : i32
      %dma_start3A_288 = tpu.memref_slice %arg2[%dma_start3A_286, %dma_start3A_287] : memref<10000x128xf32, #tpu.memory_space<hbm>> -> memref<10000x128xf32, #tpu.memory_space<hbm>>
      tpu.enqueue_indirect_dma source(%dma_start3A_288 : memref<10000x128xf32, #tpu.memory_space<hbm>>) target(%arg9 : memref<128x128xf32, #tpu.memory_space<vmem>>) offsets(%dma_start3A_285 : memref<128xi32, #tpu.memory_space<vmem>>) semaphore(%arg12 : memref<!tpu.dma_semaphore, #tpu.memory_space<semaphore_mem>>)
      %dma_wait3A_289 = arith.constant 8 : i32
      %dma_wait3A_290 = arith.constant 0 : i32
      %dma_wait3A_291 = tpu.memref_slice %arg6[%dma_wait3A_289, %dma_wait3A_290] : memref<20x128xi32, #tpu.memory_space<vmem>> -> memref<1x128xi32, #tpu.memory_space<vmem>>
      %dma_wait3A_292 = tpu.memref_squeeze %dma_wait3A_291 : memref<1x128xi32, #tpu.memory_space<vmem>> -> memref<128xi32, #tpu.memory_space<vmem>>
      %dma_wait3A_293 = arith.constant 0 : i32
      %dma_wait3A_294 = arith.constant 0 : i32
      %dma_wait3A_295 = tpu.memref_slice %arg2[%dma_wait3A_293, %dma_wait3A_294] : memref<10000x128xf32, #tpu.memory_space<hbm>> -> memref<10000x128xf32, #tpu.memory_space<hbm>>
      tpu.wait_indirect_dma semaphore(%arg11 : memref<!tpu.dma_semaphore, #tpu.memory_space<semaphore_mem>>) src(%dma_wait3A_295 : memref<10000x128xf32, #tpu.memory_space<hbm>>) dst(%arg8 : memref<128x128xf32, #tpu.memory_space<vmem>>)
      %mul3A_296 = arith.constant 20 : i32
      %mul3A_297 = arith.muli %scan3A_36, %mul3A_296 : i32
      %add3A_298 = arith.constant 8 : i32
      %add3A_299 = arith.addi %mul3A_297, %add3A_298 : i32
      %dma_start3A_300 = arith.constant 0 : i32
      %dma_start3A_301 = tpu.memref_slice %arg7[%add3A_299, %dma_start3A_300] : memref<80x128xi32, #tpu.memory_space<vmem>> -> memref<1x128xi32, #tpu.memory_space<vmem>>
      %dma_start3A_302 = tpu.memref_squeeze %dma_start3A_301 : memref<1x128xi32, #tpu.memory_space<vmem>> -> memref<128xi32, #tpu.memory_space<vmem>>
      %dma_start3A_303 = arith.constant 0 : i32
      %dma_start3A_304 = arith.constant 0 : i32
      %dma_start3A_305 = tpu.memref_slice %arg10[%dma_start3A_303, %dma_start3A_304] : memref<10240x128xf32, #tpu.memory_space<vmem_shared>> -> memref<10240x128xf32, #tpu.memory_space<vmem_shared>>
      tpu.enqueue_indirect_dma source(%arg8 : memref<128x128xf32, #tpu.memory_space<vmem>>) target(%dma_start3A_305 : memref<10240x128xf32, #tpu.memory_space<vmem_shared>>) offsets(%dma_start3A_302 : memref<128xi32, #tpu.memory_space<vmem>>) semaphore(%arg13 : memref<!tpu.dma_semaphore, #tpu.memory_space<semaphore_mem>>) {add = true}
      %dma_wait3A_306 = arith.constant 0 : i32
      %dma_wait3A_307 = tpu.memref_slice %arg7[%add3A_299, %dma_wait3A_306] : memref<80x128xi32, #tpu.memory_space<vmem>> -> memref<1x128xi32, #tpu.memory_space<vmem>>
      %dma_wait3A_308 = tpu.memref_squeeze %dma_wait3A_307 : memref<1x128xi32, #tpu.memory_space<vmem>> -> memref<128xi32, #tpu.memory_space<vmem>>
      %dma_wait3A_309 = arith.constant 0 : i32
      %dma_wait3A_310 = arith.constant 0 : i32
      %dma_wait3A_311 = tpu.memref_slice %arg10[%dma_wait3A_309, %dma_wait3A_310] : memref<10240x128xf32, #tpu.memory_space<vmem_shared>> -> memref<10240x128xf32, #tpu.memory_space<vmem_shared>>
      tpu.wait_indirect_dma semaphore(%arg13 : memref<!tpu.dma_semaphore, #tpu.memory_space<semaphore_mem>>) src(%arg8 : memref<128x128xf32, #tpu.memory_space<vmem>>) dst(%dma_wait3A_311 : memref<10240x128xf32, #tpu.memory_space<vmem_shared>>)
      %dma_start3A_312 = arith.constant 10 : i32
      %dma_start3A_313 = arith.constant 0 : i32
      %dma_start3A_314 = tpu.memref_slice %arg6[%dma_start3A_312, %dma_start3A_313] : memref<20x128xi32, #tpu.memory_space<vmem>> -> memref<1x128xi32, #tpu.memory_space<vmem>>
      %dma_start3A_315 = tpu.memref_squeeze %dma_start3A_314 : memref<1x128xi32, #tpu.memory_space<vmem>> -> memref<128xi32, #tpu.memory_space<vmem>>
      %dma_start3A_316 = arith.constant 0 : i32
      %dma_start3A_317 = arith.constant 0 : i32
      %dma_start3A_318 = tpu.memref_slice %arg2[%dma_start3A_316, %dma_start3A_317] : memref<10000x128xf32, #tpu.memory_space<hbm>> -> memref<10000x128xf32, #tpu.memory_space<hbm>>
      tpu.enqueue_indirect_dma source(%dma_start3A_318 : memref<10000x128xf32, #tpu.memory_space<hbm>>) target(%arg8 : memref<128x128xf32, #tpu.memory_space<vmem>>) offsets(%dma_start3A_315 : memref<128xi32, #tpu.memory_space<vmem>>) semaphore(%arg11 : memref<!tpu.dma_semaphore, #tpu.memory_space<semaphore_mem>>)
      %dma_wait3A_319 = arith.constant 9 : i32
      %dma_wait3A_320 = arith.constant 0 : i32
      %dma_wait3A_321 = tpu.memref_slice %arg6[%dma_wait3A_319, %dma_wait3A_320] : memref<20x128xi32, #tpu.memory_space<vmem>> -> memref<1x128xi32, #tpu.memory_space<vmem>>
      %dma_wait3A_322 = tpu.memref_squeeze %dma_wait3A_321 : memref<1x128xi32, #tpu.memory_space<vmem>> -> memref<128xi32, #tpu.memory_space<vmem>>
      %dma_wait3A_323 = arith.constant 0 : i32
      %dma_wait3A_324 = arith.constant 0 : i32
      %dma_wait3A_325 = tpu.memref_slice %arg2[%dma_wait3A_323, %dma_wait3A_324] : memref<10000x128xf32, #tpu.memory_space<hbm>> -> memref<10000x128xf32, #tpu.memory_space<hbm>>
      tpu.wait_indirect_dma semaphore(%arg12 : memref<!tpu.dma_semaphore, #tpu.memory_space<semaphore_mem>>) src(%dma_wait3A_325 : memref<10000x128xf32, #tpu.memory_space<hbm>>) dst(%arg9 : memref<128x128xf32, #tpu.memory_space<vmem>>)
      %mul3A_326 = arith.constant 20 : i32
      %mul3A_327 = arith.muli %scan3A_36, %mul3A_326 : i32
      %add3A_328 = arith.constant 9 : i32
      %add3A_329 = arith.addi %mul3A_327, %add3A_328 : i32
      %dma_start3A_330 = arith.constant 0 : i32
      %dma_start3A_331 = tpu.memref_slice %arg7[%add3A_329, %dma_start3A_330] : memref<80x128xi32, #tpu.memory_space<vmem>> -> memref<1x128xi32, #tpu.memory_space<vmem>>
      %dma_start3A_332 = tpu.memref_squeeze %dma_start3A_331 : memref<1x128xi32, #tpu.memory_space<vmem>> -> memref<128xi32, #tpu.memory_space<vmem>>
      %dma_start3A_333 = arith.constant 0 : i32
      %dma_start3A_334 = arith.constant 0 : i32
      %dma_start3A_335 = tpu.memref_slice %arg10[%dma_start3A_333, %dma_start3A_334] : memref<10240x128xf32, #tpu.memory_space<vmem_shared>> -> memref<10240x128xf32, #tpu.memory_space<vmem_shared>>
      tpu.enqueue_indirect_dma source(%arg9 : memref<128x128xf32, #tpu.memory_space<vmem>>) target(%dma_start3A_335 : memref<10240x128xf32, #tpu.memory_space<vmem_shared>>) offsets(%dma_start3A_332 : memref<128xi32, #tpu.memory_space<vmem>>) semaphore(%arg14 : memref<!tpu.dma_semaphore, #tpu.memory_space<semaphore_mem>>) {add = true}
      %dma_wait3A_336 = arith.constant 0 : i32
      %dma_wait3A_337 = tpu.memref_slice %arg7[%add3A_329, %dma_wait3A_336] : memref<80x128xi32, #tpu.memory_space<vmem>> -> memref<1x128xi32, #tpu.memory_space<vmem>>
      %dma_wait3A_338 = tpu.memref_squeeze %dma_wait3A_337 : memref<1x128xi32, #tpu.memory_space<vmem>> -> memref<128xi32, #tpu.memory_space<vmem>>
      %dma_wait3A_339 = arith.constant 0 : i32
      %dma_wait3A_340 = arith.constant 0 : i32
      %dma_wait3A_341 = tpu.memref_slice %arg10[%dma_wait3A_339, %dma_wait3A_340] : memref<10240x128xf32, #tpu.memory_space<vmem_shared>> -> memref<10240x128xf32, #tpu.memory_space<vmem_shared>>
      tpu.wait_indirect_dma semaphore(%arg14 : memref<!tpu.dma_semaphore, #tpu.memory_space<semaphore_mem>>) src(%arg9 : memref<128x128xf32, #tpu.memory_space<vmem>>) dst(%dma_wait3A_341 : memref<10240x128xf32, #tpu.memory_space<vmem_shared>>)
      %dma_start3A_342 = arith.constant 11 : i32
      %dma_start3A_343 = arith.constant 0 : i32
      %dma_start3A_344 = tpu.memref_slice %arg6[%dma_start3A_342, %dma_start3A_343] : memref<20x128xi32, #tpu.memory_space<vmem>> -> memref<1x128xi32, #tpu.memory_space<vmem>>
      %dma_start3A_345 = tpu.memref_squeeze %dma_start3A_344 : memref<1x128xi32, #tpu.memory_space<vmem>> -> memref<128xi32, #tpu.memory_space<vmem>>
      %dma_start3A_346 = arith.constant 0 : i32
      %dma_start3A_347 = arith.constant 0 : i32
      %dma_start3A_348 = tpu.memref_slice %arg2[%dma_start3A_346, %dma_start3A_347] : memref<10000x128xf32, #tpu.memory_space<hbm>> -> memref<10000x128xf32, #tpu.memory_space<hbm>>
      tpu.enqueue_indirect_dma source(%dma_start3A_348 : memref<10000x128xf32, #tpu.memory_space<hbm>>) target(%arg9 : memref<128x128xf32, #tpu.memory_space<vmem>>) offsets(%dma_start3A_345 : memref<128xi32, #tpu.memory_space<vmem>>) semaphore(%arg12 : memref<!tpu.dma_semaphore, #tpu.memory_space<semaphore_mem>>)
      %dma_wait3A_349 = arith.constant 10 : i32
      %dma_wait3A_350 = arith.constant 0 : i32
      %dma_wait3A_351 = tpu.memref_slice %arg6[%dma_wait3A_349, %dma_wait3A_350] : memref<20x128xi32, #tpu.memory_space<vmem>> -> memref<1x128xi32, #tpu.memory_space<vmem>>
      %dma_wait3A_352 = tpu.memref_squeeze %dma_wait3A_351 : memref<1x128xi32, #tpu.memory_space<vmem>> -> memref<128xi32, #tpu.memory_space<vmem>>
      %dma_wait3A_353 = arith.constant 0 : i32
      %dma_wait3A_354 = arith.constant 0 : i32
      %dma_wait3A_355 = tpu.memref_slice %arg2[%dma_wait3A_353, %dma_wait3A_354] : memref<10000x128xf32, #tpu.memory_space<hbm>> -> memref<10000x128xf32, #tpu.memory_space<hbm>>
      tpu.wait_indirect_dma semaphore(%arg11 : memref<!tpu.dma_semaphore, #tpu.memory_space<semaphore_mem>>) src(%dma_wait3A_355 : memref<10000x128xf32, #tpu.memory_space<hbm>>) dst(%arg8 : memref<128x128xf32, #tpu.memory_space<vmem>>)
      %mul3A_356 = arith.constant 20 : i32
      %mul3A_357 = arith.muli %scan3A_36, %mul3A_356 : i32
      %add3A_358 = arith.constant 10 : i32
      %add3A_359 = arith.addi %mul3A_357, %add3A_358 : i32
      %dma_start3A_360 = arith.constant 0 : i32
      %dma_start3A_361 = tpu.memref_slice %arg7[%add3A_359, %dma_start3A_360] : memref<80x128xi32, #tpu.memory_space<vmem>> -> memref<1x128xi32, #tpu.memory_space<vmem>>
      %dma_start3A_362 = tpu.memref_squeeze %dma_start3A_361 : memref<1x128xi32, #tpu.memory_space<vmem>> -> memref<128xi32, #tpu.memory_space<vmem>>
      %dma_start3A_363 = arith.constant 0 : i32
      %dma_start3A_364 = arith.constant 0 : i32
      %dma_start3A_365 = tpu.memref_slice %arg10[%dma_start3A_363, %dma_start3A_364] : memref<10240x128xf32, #tpu.memory_space<vmem_shared>> -> memref<10240x128xf32, #tpu.memory_space<vmem_shared>>
      tpu.enqueue_indirect_dma source(%arg8 : memref<128x128xf32, #tpu.memory_space<vmem>>) target(%dma_start3A_365 : memref<10240x128xf32, #tpu.memory_space<vmem_shared>>) offsets(%dma_start3A_362 : memref<128xi32, #tpu.memory_space<vmem>>) semaphore(%arg13 : memref<!tpu.dma_semaphore, #tpu.memory_space<semaphore_mem>>) {add = true}
      %dma_wait3A_366 = arith.constant 0 : i32
      %dma_wait3A_367 = tpu.memref_slice %arg7[%add3A_359, %dma_wait3A_366] : memref<80x128xi32, #tpu.memory_space<vmem>> -> memref<1x128xi32, #tpu.memory_space<vmem>>
      %dma_wait3A_368 = tpu.memref_squeeze %dma_wait3A_367 : memref<1x128xi32, #tpu.memory_space<vmem>> -> memref<128xi32, #tpu.memory_space<vmem>>
      %dma_wait3A_369 = arith.constant 0 : i32
      %dma_wait3A_370 = arith.constant 0 : i32
      %dma_wait3A_371 = tpu.memref_slice %arg10[%dma_wait3A_369, %dma_wait3A_370] : memref<10240x128xf32, #tpu.memory_space<vmem_shared>> -> memref<10240x128xf32, #tpu.memory_space<vmem_shared>>
      tpu.wait_indirect_dma semaphore(%arg13 : memref<!tpu.dma_semaphore, #tpu.memory_space<semaphore_mem>>) src(%arg8 : memref<128x128xf32, #tpu.memory_space<vmem>>) dst(%dma_wait3A_371 : memref<10240x128xf32, #tpu.memory_space<vmem_shared>>)
      %dma_start3A_372 = arith.constant 12 : i32
      %dma_start3A_373 = arith.constant 0 : i32
      %dma_start3A_374 = tpu.memref_slice %arg6[%dma_start3A_372, %dma_start3A_373] : memref<20x128xi32, #tpu.memory_space<vmem>> -> memref<1x128xi32, #tpu.memory_space<vmem>>
      %dma_start3A_375 = tpu.memref_squeeze %dma_start3A_374 : memref<1x128xi32, #tpu.memory_space<vmem>> -> memref<128xi32, #tpu.memory_space<vmem>>
      %dma_start3A_376 = arith.constant 0 : i32
      %dma_start3A_377 = arith.constant 0 : i32
      %dma_start3A_378 = tpu.memref_slice %arg2[%dma_start3A_376, %dma_start3A_377] : memref<10000x128xf32, #tpu.memory_space<hbm>> -> memref<10000x128xf32, #tpu.memory_space<hbm>>
      tpu.enqueue_indirect_dma source(%dma_start3A_378 : memref<10000x128xf32, #tpu.memory_space<hbm>>) target(%arg8 : memref<128x128xf32, #tpu.memory_space<vmem>>) offsets(%dma_start3A_375 : memref<128xi32, #tpu.memory_space<vmem>>) semaphore(%arg11 : memref<!tpu.dma_semaphore, #tpu.memory_space<semaphore_mem>>)
      %dma_wait3A_379 = arith.constant 11 : i32
      %dma_wait3A_380 = arith.constant 0 : i32
      %dma_wait3A_381 = tpu.memref_slice %arg6[%dma_wait3A_379, %dma_wait3A_380] : memref<20x128xi32, #tpu.memory_space<vmem>> -> memref<1x128xi32, #tpu.memory_space<vmem>>
      %dma_wait3A_382 = tpu.memref_squeeze %dma_wait3A_381 : memref<1x128xi32, #tpu.memory_space<vmem>> -> memref<128xi32, #tpu.memory_space<vmem>>
      %dma_wait3A_383 = arith.constant 0 : i32
      %dma_wait3A_384 = arith.constant 0 : i32
      %dma_wait3A_385 = tpu.memref_slice %arg2[%dma_wait3A_383, %dma_wait3A_384] : memref<10000x128xf32, #tpu.memory_space<hbm>> -> memref<10000x128xf32, #tpu.memory_space<hbm>>
      tpu.wait_indirect_dma semaphore(%arg12 : memref<!tpu.dma_semaphore, #tpu.memory_space<semaphore_mem>>) src(%dma_wait3A_385 : memref<10000x128xf32, #tpu.memory_space<hbm>>) dst(%arg9 : memref<128x128xf32, #tpu.memory_space<vmem>>)
      %mul3A_386 = arith.constant 20 : i32
      %mul3A_387 = arith.muli %scan3A_36, %mul3A_386 : i32
      %add3A_388 = arith.constant 11 : i32
      %add3A_389 = arith.addi %mul3A_387, %add3A_388 : i32
      %dma_start3A_390 = arith.constant 0 : i32
      %dma_start3A_391 = tpu.memref_slice %arg7[%add3A_389, %dma_start3A_390] : memref<80x128xi32, #tpu.memory_space<vmem>> -> memref<1x128xi32, #tpu.memory_space<vmem>>
      %dma_start3A_392 = tpu.memref_squeeze %dma_start3A_391 : memref<1x128xi32, #tpu.memory_space<vmem>> -> memref<128xi32, #tpu.memory_space<vmem>>
      %dma_start3A_393 = arith.constant 0 : i32
      %dma_start3A_394 = arith.constant 0 : i32
      %dma_start3A_395 = tpu.memref_slice %arg10[%dma_start3A_393, %dma_start3A_394] : memref<10240x128xf32, #tpu.memory_space<vmem_shared>> -> memref<10240x128xf32, #tpu.memory_space<vmem_shared>>
      tpu.enqueue_indirect_dma source(%arg9 : memref<128x128xf32, #tpu.memory_space<vmem>>) target(%dma_start3A_395 : memref<10240x128xf32, #tpu.memory_space<vmem_shared>>) offsets(%dma_start3A_392 : memref<128xi32, #tpu.memory_space<vmem>>) semaphore(%arg14 : memref<!tpu.dma_semaphore, #tpu.memory_space<semaphore_mem>>) {add = true}
      %dma_wait3A_396 = arith.constant 0 : i32
      %dma_wait3A_397 = tpu.memref_slice %arg7[%add3A_389, %dma_wait3A_396] : memref<80x128xi32, #tpu.memory_space<vmem>> -> memref<1x128xi32, #tpu.memory_space<vmem>>
      %dma_wait3A_398 = tpu.memref_squeeze %dma_wait3A_397 : memref<1x128xi32, #tpu.memory_space<vmem>> -> memref<128xi32, #tpu.memory_space<vmem>>
      %dma_wait3A_399 = arith.constant 0 : i32
      %dma_wait3A_400 = arith.constant 0 : i32
      %dma_wait3A_401 = tpu.memref_slice %arg10[%dma_wait3A_399, %dma_wait3A_400] : memref<10240x128xf32, #tpu.memory_space<vmem_shared>> -> memref<10240x128xf32, #tpu.memory_space<vmem_shared>>
      tpu.wait_indirect_dma semaphore(%arg14 : memref<!tpu.dma_semaphore, #tpu.memory_space<semaphore_mem>>) src(%arg9 : memref<128x128xf32, #tpu.memory_space<vmem>>) dst(%dma_wait3A_401 : memref<10240x128xf32, #tpu.memory_space<vmem_shared>>)
      %dma_start3A_402 = arith.constant 13 : i32
      %dma_start3A_403 = arith.constant 0 : i32
      %dma_start3A_404 = tpu.memref_slice %arg6[%dma_start3A_402, %dma_start3A_403] : memref<20x128xi32, #tpu.memory_space<vmem>> -> memref<1x128xi32, #tpu.memory_space<vmem>>
      %dma_start3A_405 = tpu.memref_squeeze %dma_start3A_404 : memref<1x128xi32, #tpu.memory_space<vmem>> -> memref<128xi32, #tpu.memory_space<vmem>>
      %dma_start3A_406 = arith.constant 0 : i32
      %dma_start3A_407 = arith.constant 0 : i32
      %dma_start3A_408 = tpu.memref_slice %arg2[%dma_start3A_406, %dma_start3A_407] : memref<10000x128xf32, #tpu.memory_space<hbm>> -> memref<10000x128xf32, #tpu.memory_space<hbm>>
      tpu.enqueue_indirect_dma source(%dma_start3A_408 : memref<10000x128xf32, #tpu.memory_space<hbm>>) target(%arg9 : memref<128x128xf32, #tpu.memory_space<vmem>>) offsets(%dma_start3A_405 : memref<128xi32, #tpu.memory_space<vmem>>) semaphore(%arg12 : memref<!tpu.dma_semaphore, #tpu.memory_space<semaphore_mem>>)
      %dma_wait3A_409 = arith.constant 12 : i32
      %dma_wait3A_410 = arith.constant 0 : i32
      %dma_wait3A_411 = tpu.memref_slice %arg6[%dma_wait3A_409, %dma_wait3A_410] : memref<20x128xi32, #tpu.memory_space<vmem>> -> memref<1x128xi32, #tpu.memory_space<vmem>>
      %dma_wait3A_412 = tpu.memref_squeeze %dma_wait3A_411 : memref<1x128xi32, #tpu.memory_space<vmem>> -> memref<128xi32, #tpu.memory_space<vmem>>
      %dma_wait3A_413 = arith.constant 0 : i32
      %dma_wait3A_414 = arith.constant 0 : i32
      %dma_wait3A_415 = tpu.memref_slice %arg2[%dma_wait3A_413, %dma_wait3A_414] : memref<10000x128xf32, #tpu.memory_space<hbm>> -> memref<10000x128xf32, #tpu.memory_space<hbm>>
      tpu.wait_indirect_dma semaphore(%arg11 : memref<!tpu.dma_semaphore, #tpu.memory_space<semaphore_mem>>) src(%dma_wait3A_415 : memref<10000x128xf32, #tpu.memory_space<hbm>>) dst(%arg8 : memref<128x128xf32, #tpu.memory_space<vmem>>)
      %mul3A_416 = arith.constant 20 : i32
      %mul3A_417 = arith.muli %scan3A_36, %mul3A_416 : i32
      %add3A_418 = arith.constant 12 : i32
      %add3A_419 = arith.addi %mul3A_417, %add3A_418 : i32
      %dma_start3A_420 = arith.constant 0 : i32
      %dma_start3A_421 = tpu.memref_slice %arg7[%add3A_419, %dma_start3A_420] : memref<80x128xi32, #tpu.memory_space<vmem>> -> memref<1x128xi32, #tpu.memory_space<vmem>>
      %dma_start3A_422 = tpu.memref_squeeze %dma_start3A_421 : memref<1x128xi32, #tpu.memory_space<vmem>> -> memref<128xi32, #tpu.memory_space<vmem>>
      %dma_start3A_423 = arith.constant 0 : i32
      %dma_start3A_424 = arith.constant 0 : i32
      %dma_start3A_425 = tpu.memref_slice %arg10[%dma_start3A_423, %dma_start3A_424] : memref<10240x128xf32, #tpu.memory_space<vmem_shared>> -> memref<10240x128xf32, #tpu.memory_space<vmem_shared>>
      tpu.enqueue_indirect_dma source(%arg8 : memref<128x128xf32, #tpu.memory_space<vmem>>) target(%dma_start3A_425 : memref<10240x128xf32, #tpu.memory_space<vmem_shared>>) offsets(%dma_start3A_422 : memref<128xi32, #tpu.memory_space<vmem>>) semaphore(%arg13 : memref<!tpu.dma_semaphore, #tpu.memory_space<semaphore_mem>>) {add = true}
      %dma_wait3A_426 = arith.constant 0 : i32
      %dma_wait3A_427 = tpu.memref_slice %arg7[%add3A_419, %dma_wait3A_426] : memref<80x128xi32, #tpu.memory_space<vmem>> -> memref<1x128xi32, #tpu.memory_space<vmem>>
      %dma_wait3A_428 = tpu.memref_squeeze %dma_wait3A_427 : memref<1x128xi32, #tpu.memory_space<vmem>> -> memref<128xi32, #tpu.memory_space<vmem>>
      %dma_wait3A_429 = arith.constant 0 : i32
      %dma_wait3A_430 = arith.constant 0 : i32
      %dma_wait3A_431 = tpu.memref_slice %arg10[%dma_wait3A_429, %dma_wait3A_430] : memref<10240x128xf32, #tpu.memory_space<vmem_shared>> -> memref<10240x128xf32, #tpu.memory_space<vmem_shared>>
      tpu.wait_indirect_dma semaphore(%arg13 : memref<!tpu.dma_semaphore, #tpu.memory_space<semaphore_mem>>) src(%arg8 : memref<128x128xf32, #tpu.memory_space<vmem>>) dst(%dma_wait3A_431 : memref<10240x128xf32, #tpu.memory_space<vmem_shared>>)
      %dma_start3A_432 = arith.constant 14 : i32
      %dma_start3A_433 = arith.constant 0 : i32
      %dma_start3A_434 = tpu.memref_slice %arg6[%dma_start3A_432, %dma_start3A_433] : memref<20x128xi32, #tpu.memory_space<vmem>> -> memref<1x128xi32, #tpu.memory_space<vmem>>
      %dma_start3A_435 = tpu.memref_squeeze %dma_start3A_434 : memref<1x128xi32, #tpu.memory_space<vmem>> -> memref<128xi32, #tpu.memory_space<vmem>>
      %dma_start3A_436 = arith.constant 0 : i32
      %dma_start3A_437 = arith.constant 0 : i32
      %dma_start3A_438 = tpu.memref_slice %arg2[%dma_start3A_436, %dma_start3A_437] : memref<10000x128xf32, #tpu.memory_space<hbm>> -> memref<10000x128xf32, #tpu.memory_space<hbm>>
      tpu.enqueue_indirect_dma source(%dma_start3A_438 : memref<10000x128xf32, #tpu.memory_space<hbm>>) target(%arg8 : memref<128x128xf32, #tpu.memory_space<vmem>>) offsets(%dma_start3A_435 : memref<128xi32, #tpu.memory_space<vmem>>) semaphore(%arg11 : memref<!tpu.dma_semaphore, #tpu.memory_space<semaphore_mem>>)
      %dma_wait3A_439 = arith.constant 13 : i32
      %dma_wait3A_440 = arith.constant 0 : i32
      %dma_wait3A_441 = tpu.memref_slice %arg6[%dma_wait3A_439, %dma_wait3A_440] : memref<20x128xi32, #tpu.memory_space<vmem>> -> memref<1x128xi32, #tpu.memory_space<vmem>>
      %dma_wait3A_442 = tpu.memref_squeeze %dma_wait3A_441 : memref<1x128xi32, #tpu.memory_space<vmem>> -> memref<128xi32, #tpu.memory_space<vmem>>
      %dma_wait3A_443 = arith.constant 0 : i32
      %dma_wait3A_444 = arith.constant 0 : i32
      %dma_wait3A_445 = tpu.memref_slice %arg2[%dma_wait3A_443, %dma_wait3A_444] : memref<10000x128xf32, #tpu.memory_space<hbm>> -> memref<10000x128xf32, #tpu.memory_space<hbm>>
      tpu.wait_indirect_dma semaphore(%arg12 : memref<!tpu.dma_semaphore, #tpu.memory_space<semaphore_mem>>) src(%dma_wait3A_445 : memref<10000x128xf32, #tpu.memory_space<hbm>>) dst(%arg9 : memref<128x128xf32, #tpu.memory_space<vmem>>)
      %mul3A_446 = arith.constant 20 : i32
      %mul3A_447 = arith.muli %scan3A_36, %mul3A_446 : i32
      %add3A_448 = arith.constant 13 : i32
      %add3A_449 = arith.addi %mul3A_447, %add3A_448 : i32
      %dma_start3A_450 = arith.constant 0 : i32
      %dma_start3A_451 = tpu.memref_slice %arg7[%add3A_449, %dma_start3A_450] : memref<80x128xi32, #tpu.memory_space<vmem>> -> memref<1x128xi32, #tpu.memory_space<vmem>>
      %dma_start3A_452 = tpu.memref_squeeze %dma_start3A_451 : memref<1x128xi32, #tpu.memory_space<vmem>> -> memref<128xi32, #tpu.memory_space<vmem>>
      %dma_start3A_453 = arith.constant 0 : i32
      %dma_start3A_454 = arith.constant 0 : i32
      %dma_start3A_455 = tpu.memref_slice %arg10[%dma_start3A_453, %dma_start3A_454] : memref<10240x128xf32, #tpu.memory_space<vmem_shared>> -> memref<10240x128xf32, #tpu.memory_space<vmem_shared>>
      tpu.enqueue_indirect_dma source(%arg9 : memref<128x128xf32, #tpu.memory_space<vmem>>) target(%dma_start3A_455 : memref<10240x128xf32, #tpu.memory_space<vmem_shared>>) offsets(%dma_start3A_452 : memref<128xi32, #tpu.memory_space<vmem>>) semaphore(%arg14 : memref<!tpu.dma_semaphore, #tpu.memory_space<semaphore_mem>>) {add = true}
      %dma_wait3A_456 = arith.constant 0 : i32
      %dma_wait3A_457 = tpu.memref_slice %arg7[%add3A_449, %dma_wait3A_456] : memref<80x128xi32, #tpu.memory_space<vmem>> -> memref<1x128xi32, #tpu.memory_space<vmem>>
      %dma_wait3A_458 = tpu.memref_squeeze %dma_wait3A_457 : memref<1x128xi32, #tpu.memory_space<vmem>> -> memref<128xi32, #tpu.memory_space<vmem>>
      %dma_wait3A_459 = arith.constant 0 : i32
      %dma_wait3A_460 = arith.constant 0 : i32
      %dma_wait3A_461 = tpu.memref_slice %arg10[%dma_wait3A_459, %dma_wait3A_460] : memref<10240x128xf32, #tpu.memory_space<vmem_shared>> -> memref<10240x128xf32, #tpu.memory_space<vmem_shared>>
      tpu.wait_indirect_dma semaphore(%arg14 : memref<!tpu.dma_semaphore, #tpu.memory_space<semaphore_mem>>) src(%arg9 : memref<128x128xf32, #tpu.memory_space<vmem>>) dst(%dma_wait3A_461 : memref<10240x128xf32, #tpu.memory_space<vmem_shared>>)
      %dma_start3A_462 = arith.constant 15 : i32
      %dma_start3A_463 = arith.constant 0 : i32
      %dma_start3A_464 = tpu.memref_slice %arg6[%dma_start3A_462, %dma_start3A_463] : memref<20x128xi32, #tpu.memory_space<vmem>> -> memref<1x128xi32, #tpu.memory_space<vmem>>
      %dma_start3A_465 = tpu.memref_squeeze %dma_start3A_464 : memref<1x128xi32, #tpu.memory_space<vmem>> -> memref<128xi32, #tpu.memory_space<vmem>>
      %dma_start3A_466 = arith.constant 0 : i32
      %dma_start3A_467 = arith.constant 0 : i32
      %dma_start3A_468 = tpu.memref_slice %arg2[%dma_start3A_466, %dma_start3A_467] : memref<10000x128xf32, #tpu.memory_space<hbm>> -> memref<10000x128xf32, #tpu.memory_space<hbm>>
      tpu.enqueue_indirect_dma source(%dma_start3A_468 : memref<10000x128xf32, #tpu.memory_space<hbm>>) target(%arg9 : memref<128x128xf32, #tpu.memory_space<vmem>>) offsets(%dma_start3A_465 : memref<128xi32, #tpu.memory_space<vmem>>) semaphore(%arg12 : memref<!tpu.dma_semaphore, #tpu.memory_space<semaphore_mem>>)
      %dma_wait3A_469 = arith.constant 14 : i32
      %dma_wait3A_470 = arith.constant 0 : i32
      %dma_wait3A_471 = tpu.memref_slice %arg6[%dma_wait3A_469, %dma_wait3A_470] : memref<20x128xi32, #tpu.memory_space<vmem>> -> memref<1x128xi32, #tpu.memory_space<vmem>>
      %dma_wait3A_472 = tpu.memref_squeeze %dma_wait3A_471 : memref<1x128xi32, #tpu.memory_space<vmem>> -> memref<128xi32, #tpu.memory_space<vmem>>
      %dma_wait3A_473 = arith.constant 0 : i32
      %dma_wait3A_474 = arith.constant 0 : i32
      %dma_wait3A_475 = tpu.memref_slice %arg2[%dma_wait3A_473, %dma_wait3A_474] : memref<10000x128xf32, #tpu.memory_space<hbm>> -> memref<10000x128xf32, #tpu.memory_space<hbm>>
      tpu.wait_indirect_dma semaphore(%arg11 : memref<!tpu.dma_semaphore, #tpu.memory_space<semaphore_mem>>) src(%dma_wait3A_475 : memref<10000x128xf32, #tpu.memory_space<hbm>>) dst(%arg8 : memref<128x128xf32, #tpu.memory_space<vmem>>)
      %mul3A_476 = arith.constant 20 : i32
      %mul3A_477 = arith.muli %scan3A_36, %mul3A_476 : i32
      %add3A_478 = arith.constant 14 : i32
      %add3A_479 = arith.addi %mul3A_477, %add3A_478 : i32
      %dma_start3A_480 = arith.constant 0 : i32
      %dma_start3A_481 = tpu.memref_slice %arg7[%add3A_479, %dma_start3A_480] : memref<80x128xi32, #tpu.memory_space<vmem>> -> memref<1x128xi32, #tpu.memory_space<vmem>>
      %dma_start3A_482 = tpu.memref_squeeze %dma_start3A_481 : memref<1x128xi32, #tpu.memory_space<vmem>> -> memref<128xi32, #tpu.memory_space<vmem>>
      %dma_start3A_483 = arith.constant 0 : i32
      %dma_start3A_484 = arith.constant 0 : i32
      %dma_start3A_485 = tpu.memref_slice %arg10[%dma_start3A_483, %dma_start3A_484] : memref<10240x128xf32, #tpu.memory_space<vmem_shared>> -> memref<10240x128xf32, #tpu.memory_space<vmem_shared>>
      tpu.enqueue_indirect_dma source(%arg8 : memref<128x128xf32, #tpu.memory_space<vmem>>) target(%dma_start3A_485 : memref<10240x128xf32, #tpu.memory_space<vmem_shared>>) offsets(%dma_start3A_482 : memref<128xi32, #tpu.memory_space<vmem>>) semaphore(%arg13 : memref<!tpu.dma_semaphore, #tpu.memory_space<semaphore_mem>>) {add = true}
      %dma_wait3A_486 = arith.constant 0 : i32
      %dma_wait3A_487 = tpu.memref_slice %arg7[%add3A_479, %dma_wait3A_486] : memref<80x128xi32, #tpu.memory_space<vmem>> -> memref<1x128xi32, #tpu.memory_space<vmem>>
      %dma_wait3A_488 = tpu.memref_squeeze %dma_wait3A_487 : memref<1x128xi32, #tpu.memory_space<vmem>> -> memref<128xi32, #tpu.memory_space<vmem>>
      %dma_wait3A_489 = arith.constant 0 : i32
      %dma_wait3A_490 = arith.constant 0 : i32
      %dma_wait3A_491 = tpu.memref_slice %arg10[%dma_wait3A_489, %dma_wait3A_490] : memref<10240x128xf32, #tpu.memory_space<vmem_shared>> -> memref<10240x128xf32, #tpu.memory_space<vmem_shared>>
      tpu.wait_indirect_dma semaphore(%arg13 : memref<!tpu.dma_semaphore, #tpu.memory_space<semaphore_mem>>) src(%arg8 : memref<128x128xf32, #tpu.memory_space<vmem>>) dst(%dma_wait3A_491 : memref<10240x128xf32, #tpu.memory_space<vmem_shared>>)
      %dma_start3A_492 = arith.constant 16 : i32
      %dma_start3A_493 = arith.constant 0 : i32
      %dma_start3A_494 = tpu.memref_slice %arg6[%dma_start3A_492, %dma_start3A_493] : memref<20x128xi32, #tpu.memory_space<vmem>> -> memref<1x128xi32, #tpu.memory_space<vmem>>
      %dma_start3A_495 = tpu.memref_squeeze %dma_start3A_494 : memref<1x128xi32, #tpu.memory_space<vmem>> -> memref<128xi32, #tpu.memory_space<vmem>>
      %dma_start3A_496 = arith.constant 0 : i32
      %dma_start3A_497 = arith.constant 0 : i32
      %dma_start3A_498 = tpu.memref_slice %arg2[%dma_start3A_496, %dma_start3A_497] : memref<10000x128xf32, #tpu.memory_space<hbm>> -> memref<10000x128xf32, #tpu.memory_space<hbm>>
      tpu.enqueue_indirect_dma source(%dma_start3A_498 : memref<10000x128xf32, #tpu.memory_space<hbm>>) target(%arg8 : memref<128x128xf32, #tpu.memory_space<vmem>>) offsets(%dma_start3A_495 : memref<128xi32, #tpu.memory_space<vmem>>) semaphore(%arg11 : memref<!tpu.dma_semaphore, #tpu.memory_space<semaphore_mem>>)
      %dma_wait3A_499 = arith.constant 15 : i32
      %dma_wait3A_500 = arith.constant 0 : i32
      %dma_wait3A_501 = tpu.memref_slice %arg6[%dma_wait3A_499, %dma_wait3A_500] : memref<20x128xi32, #tpu.memory_space<vmem>> -> memref<1x128xi32, #tpu.memory_space<vmem>>
      %dma_wait3A_502 = tpu.memref_squeeze %dma_wait3A_501 : memref<1x128xi32, #tpu.memory_space<vmem>> -> memref<128xi32, #tpu.memory_space<vmem>>
      %dma_wait3A_503 = arith.constant 0 : i32
      %dma_wait3A_504 = arith.constant 0 : i32
      %dma_wait3A_505 = tpu.memref_slice %arg2[%dma_wait3A_503, %dma_wait3A_504] : memref<10000x128xf32, #tpu.memory_space<hbm>> -> memref<10000x128xf32, #tpu.memory_space<hbm>>
      tpu.wait_indirect_dma semaphore(%arg12 : memref<!tpu.dma_semaphore, #tpu.memory_space<semaphore_mem>>) src(%dma_wait3A_505 : memref<10000x128xf32, #tpu.memory_space<hbm>>) dst(%arg9 : memref<128x128xf32, #tpu.memory_space<vmem>>)
      %mul3A_506 = arith.constant 20 : i32
      %mul3A_507 = arith.muli %scan3A_36, %mul3A_506 : i32
      %add3A_508 = arith.constant 15 : i32
      %add3A_509 = arith.addi %mul3A_507, %add3A_508 : i32
      %dma_start3A_510 = arith.constant 0 : i32
      %dma_start3A_511 = tpu.memref_slice %arg7[%add3A_509, %dma_start3A_510] : memref<80x128xi32, #tpu.memory_space<vmem>> -> memref<1x128xi32, #tpu.memory_space<vmem>>
      %dma_start3A_512 = tpu.memref_squeeze %dma_start3A_511 : memref<1x128xi32, #tpu.memory_space<vmem>> -> memref<128xi32, #tpu.memory_space<vmem>>
      %dma_start3A_513 = arith.constant 0 : i32
      %dma_start3A_514 = arith.constant 0 : i32
      %dma_start3A_515 = tpu.memref_slice %arg10[%dma_start3A_513, %dma_start3A_514] : memref<10240x128xf32, #tpu.memory_space<vmem_shared>> -> memref<10240x128xf32, #tpu.memory_space<vmem_shared>>
      tpu.enqueue_indirect_dma source(%arg9 : memref<128x128xf32, #tpu.memory_space<vmem>>) target(%dma_start3A_515 : memref<10240x128xf32, #tpu.memory_space<vmem_shared>>) offsets(%dma_start3A_512 : memref<128xi32, #tpu.memory_space<vmem>>) semaphore(%arg14 : memref<!tpu.dma_semaphore, #tpu.memory_space<semaphore_mem>>) {add = true}
      %dma_wait3A_516 = arith.constant 0 : i32
      %dma_wait3A_517 = tpu.memref_slice %arg7[%add3A_509, %dma_wait3A_516] : memref<80x128xi32, #tpu.memory_space<vmem>> -> memref<1x128xi32, #tpu.memory_space<vmem>>
      %dma_wait3A_518 = tpu.memref_squeeze %dma_wait3A_517 : memref<1x128xi32, #tpu.memory_space<vmem>> -> memref<128xi32, #tpu.memory_space<vmem>>
      %dma_wait3A_519 = arith.constant 0 : i32
      %dma_wait3A_520 = arith.constant 0 : i32
      %dma_wait3A_521 = tpu.memref_slice %arg10[%dma_wait3A_519, %dma_wait3A_520] : memref<10240x128xf32, #tpu.memory_space<vmem_shared>> -> memref<10240x128xf32, #tpu.memory_space<vmem_shared>>
      tpu.wait_indirect_dma semaphore(%arg14 : memref<!tpu.dma_semaphore, #tpu.memory_space<semaphore_mem>>) src(%arg9 : memref<128x128xf32, #tpu.memory_space<vmem>>) dst(%dma_wait3A_521 : memref<10240x128xf32, #tpu.memory_space<vmem_shared>>)
      %dma_start3A_522 = arith.constant 17 : i32
      %dma_start3A_523 = arith.constant 0 : i32
      %dma_start3A_524 = tpu.memref_slice %arg6[%dma_start3A_522, %dma_start3A_523] : memref<20x128xi32, #tpu.memory_space<vmem>> -> memref<1x128xi32, #tpu.memory_space<vmem>>
      %dma_start3A_525 = tpu.memref_squeeze %dma_start3A_524 : memref<1x128xi32, #tpu.memory_space<vmem>> -> memref<128xi32, #tpu.memory_space<vmem>>
      %dma_start3A_526 = arith.constant 0 : i32
      %dma_start3A_527 = arith.constant 0 : i32
      %dma_start3A_528 = tpu.memref_slice %arg2[%dma_start3A_526, %dma_start3A_527] : memref<10000x128xf32, #tpu.memory_space<hbm>> -> memref<10000x128xf32, #tpu.memory_space<hbm>>
      tpu.enqueue_indirect_dma source(%dma_start3A_528 : memref<10000x128xf32, #tpu.memory_space<hbm>>) target(%arg9 : memref<128x128xf32, #tpu.memory_space<vmem>>) offsets(%dma_start3A_525 : memref<128xi32, #tpu.memory_space<vmem>>) semaphore(%arg12 : memref<!tpu.dma_semaphore, #tpu.memory_space<semaphore_mem>>)
      %dma_wait3A_529 = arith.constant 16 : i32
      %dma_wait3A_530 = arith.constant 0 : i32
      %dma_wait3A_531 = tpu.memref_slice %arg6[%dma_wait3A_529, %dma_wait3A_530] : memref<20x128xi32, #tpu.memory_space<vmem>> -> memref<1x128xi32, #tpu.memory_space<vmem>>
      %dma_wait3A_532 = tpu.memref_squeeze %dma_wait3A_531 : memref<1x128xi32, #tpu.memory_space<vmem>> -> memref<128xi32, #tpu.memory_space<vmem>>
      %dma_wait3A_533 = arith.constant 0 : i32
      %dma_wait3A_534 = arith.constant 0 : i32
      %dma_wait3A_535 = tpu.memref_slice %arg2[%dma_wait3A_533, %dma_wait3A_534] : memref<10000x128xf32, #tpu.memory_space<hbm>> -> memref<10000x128xf32, #tpu.memory_space<hbm>>
      tpu.wait_indirect_dma semaphore(%arg11 : memref<!tpu.dma_semaphore, #tpu.memory_space<semaphore_mem>>) src(%dma_wait3A_535 : memref<10000x128xf32, #tpu.memory_space<hbm>>) dst(%arg8 : memref<128x128xf32, #tpu.memory_space<vmem>>)
      %mul3A_536 = arith.constant 20 : i32
      %mul3A_537 = arith.muli %scan3A_36, %mul3A_536 : i32
      %add3A_538 = arith.constant 16 : i32
      %add3A_539 = arith.addi %mul3A_537, %add3A_538 : i32
      %dma_start3A_540 = arith.constant 0 : i32
      %dma_start3A_541 = tpu.memref_slice %arg7[%add3A_539, %dma_start3A_540] : memref<80x128xi32, #tpu.memory_space<vmem>> -> memref<1x128xi32, #tpu.memory_space<vmem>>
      %dma_start3A_542 = tpu.memref_squeeze %dma_start3A_541 : memref<1x128xi32, #tpu.memory_space<vmem>> -> memref<128xi32, #tpu.memory_space<vmem>>
      %dma_start3A_543 = arith.constant 0 : i32
      %dma_start3A_544 = arith.constant 0 : i32
      %dma_start3A_545 = tpu.memref_slice %arg10[%dma_start3A_543, %dma_start3A_544] : memref<10240x128xf32, #tpu.memory_space<vmem_shared>> -> memref<10240x128xf32, #tpu.memory_space<vmem_shared>>
      tpu.enqueue_indirect_dma source(%arg8 : memref<128x128xf32, #tpu.memory_space<vmem>>) target(%dma_start3A_545 : memref<10240x128xf32, #tpu.memory_space<vmem_shared>>) offsets(%dma_start3A_542 : memref<128xi32, #tpu.memory_space<vmem>>) semaphore(%arg13 : memref<!tpu.dma_semaphore, #tpu.memory_space<semaphore_mem>>) {add = true}
      %dma_wait3A_546 = arith.constant 0 : i32
      %dma_wait3A_547 = tpu.memref_slice %arg7[%add3A_539, %dma_wait3A_546] : memref<80x128xi32, #tpu.memory_space<vmem>> -> memref<1x128xi32, #tpu.memory_space<vmem>>
      %dma_wait3A_548 = tpu.memref_squeeze %dma_wait3A_547 : memref<1x128xi32, #tpu.memory_space<vmem>> -> memref<128xi32, #tpu.memory_space<vmem>>
      %dma_wait3A_549 = arith.constant 0 : i32
      %dma_wait3A_550 = arith.constant 0 : i32
      %dma_wait3A_551 = tpu.memref_slice %arg10[%dma_wait3A_549, %dma_wait3A_550] : memref<10240x128xf32, #tpu.memory_space<vmem_shared>> -> memref<10240x128xf32, #tpu.memory_space<vmem_shared>>
      tpu.wait_indirect_dma semaphore(%arg13 : memref<!tpu.dma_semaphore, #tpu.memory_space<semaphore_mem>>) src(%arg8 : memref<128x128xf32, #tpu.memory_space<vmem>>) dst(%dma_wait3A_551 : memref<10240x128xf32, #tpu.memory_space<vmem_shared>>)
      %dma_start3A_552 = arith.constant 18 : i32
      %dma_start3A_553 = arith.constant 0 : i32
      %dma_start3A_554 = tpu.memref_slice %arg6[%dma_start3A_552, %dma_start3A_553] : memref<20x128xi32, #tpu.memory_space<vmem>> -> memref<1x128xi32, #tpu.memory_space<vmem>>
      %dma_start3A_555 = tpu.memref_squeeze %dma_start3A_554 : memref<1x128xi32, #tpu.memory_space<vmem>> -> memref<128xi32, #tpu.memory_space<vmem>>
      %dma_start3A_556 = arith.constant 0 : i32
      %dma_start3A_557 = arith.constant 0 : i32
      %dma_start3A_558 = tpu.memref_slice %arg2[%dma_start3A_556, %dma_start3A_557] : memref<10000x128xf32, #tpu.memory_space<hbm>> -> memref<10000x128xf32, #tpu.memory_space<hbm>>
      tpu.enqueue_indirect_dma source(%dma_start3A_558 : memref<10000x128xf32, #tpu.memory_space<hbm>>) target(%arg8 : memref<128x128xf32, #tpu.memory_space<vmem>>) offsets(%dma_start3A_555 : memref<128xi32, #tpu.memory_space<vmem>>) semaphore(%arg11 : memref<!tpu.dma_semaphore, #tpu.memory_space<semaphore_mem>>)
      %dma_wait3A_559 = arith.constant 17 : i32
      %dma_wait3A_560 = arith.constant 0 : i32
      %dma_wait3A_561 = tpu.memref_slice %arg6[%dma_wait3A_559, %dma_wait3A_560] : memref<20x128xi32, #tpu.memory_space<vmem>> -> memref<1x128xi32, #tpu.memory_space<vmem>>
      %dma_wait3A_562 = tpu.memref_squeeze %dma_wait3A_561 : memref<1x128xi32, #tpu.memory_space<vmem>> -> memref<128xi32, #tpu.memory_space<vmem>>
      %dma_wait3A_563 = arith.constant 0 : i32
      %dma_wait3A_564 = arith.constant 0 : i32
      %dma_wait3A_565 = tpu.memref_slice %arg2[%dma_wait3A_563, %dma_wait3A_564] : memref<10000x128xf32, #tpu.memory_space<hbm>> -> memref<10000x128xf32, #tpu.memory_space<hbm>>
      tpu.wait_indirect_dma semaphore(%arg12 : memref<!tpu.dma_semaphore, #tpu.memory_space<semaphore_mem>>) src(%dma_wait3A_565 : memref<10000x128xf32, #tpu.memory_space<hbm>>) dst(%arg9 : memref<128x128xf32, #tpu.memory_space<vmem>>)
      %mul3A_566 = arith.constant 20 : i32
      %mul3A_567 = arith.muli %scan3A_36, %mul3A_566 : i32
      %add3A_568 = arith.constant 17 : i32
      %add3A_569 = arith.addi %mul3A_567, %add3A_568 : i32
      %dma_start3A_570 = arith.constant 0 : i32
      %dma_start3A_571 = tpu.memref_slice %arg7[%add3A_569, %dma_start3A_570] : memref<80x128xi32, #tpu.memory_space<vmem>> -> memref<1x128xi32, #tpu.memory_space<vmem>>
      %dma_start3A_572 = tpu.memref_squeeze %dma_start3A_571 : memref<1x128xi32, #tpu.memory_space<vmem>> -> memref<128xi32, #tpu.memory_space<vmem>>
      %dma_start3A_573 = arith.constant 0 : i32
      %dma_start3A_574 = arith.constant 0 : i32
      %dma_start3A_575 = tpu.memref_slice %arg10[%dma_start3A_573, %dma_start3A_574] : memref<10240x128xf32, #tpu.memory_space<vmem_shared>> -> memref<10240x128xf32, #tpu.memory_space<vmem_shared>>
      tpu.enqueue_indirect_dma source(%arg9 : memref<128x128xf32, #tpu.memory_space<vmem>>) target(%dma_start3A_575 : memref<10240x128xf32, #tpu.memory_space<vmem_shared>>) offsets(%dma_start3A_572 : memref<128xi32, #tpu.memory_space<vmem>>) semaphore(%arg14 : memref<!tpu.dma_semaphore, #tpu.memory_space<semaphore_mem>>) {add = true}
      %dma_wait3A_576 = arith.constant 0 : i32
      %dma_wait3A_577 = tpu.memref_slice %arg7[%add3A_569, %dma_wait3A_576] : memref<80x128xi32, #tpu.memory_space<vmem>> -> memref<1x128xi32, #tpu.memory_space<vmem>>
      %dma_wait3A_578 = tpu.memref_squeeze %dma_wait3A_577 : memref<1x128xi32, #tpu.memory_space<vmem>> -> memref<128xi32, #tpu.memory_space<vmem>>
      %dma_wait3A_579 = arith.constant 0 : i32
      %dma_wait3A_580 = arith.constant 0 : i32
      %dma_wait3A_581 = tpu.memref_slice %arg10[%dma_wait3A_579, %dma_wait3A_580] : memref<10240x128xf32, #tpu.memory_space<vmem_shared>> -> memref<10240x128xf32, #tpu.memory_space<vmem_shared>>
      tpu.wait_indirect_dma semaphore(%arg14 : memref<!tpu.dma_semaphore, #tpu.memory_space<semaphore_mem>>) src(%arg9 : memref<128x128xf32, #tpu.memory_space<vmem>>) dst(%dma_wait3A_581 : memref<10240x128xf32, #tpu.memory_space<vmem_shared>>)
      %dma_start3A_582 = arith.constant 19 : i32
      %dma_start3A_583 = arith.constant 0 : i32
      %dma_start3A_584 = tpu.memref_slice %arg6[%dma_start3A_582, %dma_start3A_583] : memref<20x128xi32, #tpu.memory_space<vmem>> -> memref<1x128xi32, #tpu.memory_space<vmem>>
      %dma_start3A_585 = tpu.memref_squeeze %dma_start3A_584 : memref<1x128xi32, #tpu.memory_space<vmem>> -> memref<128xi32, #tpu.memory_space<vmem>>
      %dma_start3A_586 = arith.constant 0 : i32
      %dma_start3A_587 = arith.constant 0 : i32
      %dma_start3A_588 = tpu.memref_slice %arg2[%dma_start3A_586, %dma_start3A_587] : memref<10000x128xf32, #tpu.memory_space<hbm>> -> memref<10000x128xf32, #tpu.memory_space<hbm>>
      tpu.enqueue_indirect_dma source(%dma_start3A_588 : memref<10000x128xf32, #tpu.memory_space<hbm>>) target(%arg9 : memref<128x128xf32, #tpu.memory_space<vmem>>) offsets(%dma_start3A_585 : memref<128xi32, #tpu.memory_space<vmem>>) semaphore(%arg12 : memref<!tpu.dma_semaphore, #tpu.memory_space<semaphore_mem>>)
      %dma_wait3A_589 = arith.constant 18 : i32
      %dma_wait3A_590 = arith.constant 0 : i32
      %dma_wait3A_591 = tpu.memref_slice %arg6[%dma_wait3A_589, %dma_wait3A_590] : memref<20x128xi32, #tpu.memory_space<vmem>> -> memref<1x128xi32, #tpu.memory_space<vmem>>
      %dma_wait3A_592 = tpu.memref_squeeze %dma_wait3A_591 : memref<1x128xi32, #tpu.memory_space<vmem>> -> memref<128xi32, #tpu.memory_space<vmem>>
      %dma_wait3A_593 = arith.constant 0 : i32
      %dma_wait3A_594 = arith.constant 0 : i32
      %dma_wait3A_595 = tpu.memref_slice %arg2[%dma_wait3A_593, %dma_wait3A_594] : memref<10000x128xf32, #tpu.memory_space<hbm>> -> memref<10000x128xf32, #tpu.memory_space<hbm>>
      tpu.wait_indirect_dma semaphore(%arg11 : memref<!tpu.dma_semaphore, #tpu.memory_space<semaphore_mem>>) src(%dma_wait3A_595 : memref<10000x128xf32, #tpu.memory_space<hbm>>) dst(%arg8 : memref<128x128xf32, #tpu.memory_space<vmem>>)
      %mul3A_596 = arith.constant 20 : i32
      %mul3A_597 = arith.muli %scan3A_36, %mul3A_596 : i32
      %add3A_598 = arith.constant 18 : i32
      %add3A_599 = arith.addi %mul3A_597, %add3A_598 : i32
      %dma_start3A_600 = arith.constant 0 : i32
      %dma_start3A_601 = tpu.memref_slice %arg7[%add3A_599, %dma_start3A_600] : memref<80x128xi32, #tpu.memory_space<vmem>> -> memref<1x128xi32, #tpu.memory_space<vmem>>
      %dma_start3A_602 = tpu.memref_squeeze %dma_start3A_601 : memref<1x128xi32, #tpu.memory_space<vmem>> -> memref<128xi32, #tpu.memory_space<vmem>>
      %dma_start3A_603 = arith.constant 0 : i32
      %dma_start3A_604 = arith.constant 0 : i32
      %dma_start3A_605 = tpu.memref_slice %arg10[%dma_start3A_603, %dma_start3A_604] : memref<10240x128xf32, #tpu.memory_space<vmem_shared>> -> memref<10240x128xf32, #tpu.memory_space<vmem_shared>>
      tpu.enqueue_indirect_dma source(%arg8 : memref<128x128xf32, #tpu.memory_space<vmem>>) target(%dma_start3A_605 : memref<10240x128xf32, #tpu.memory_space<vmem_shared>>) offsets(%dma_start3A_602 : memref<128xi32, #tpu.memory_space<vmem>>) semaphore(%arg13 : memref<!tpu.dma_semaphore, #tpu.memory_space<semaphore_mem>>) {add = true}
      %dma_wait3A_606 = arith.constant 19 : i32
      %dma_wait3A_607 = arith.constant 0 : i32
      %dma_wait3A_608 = tpu.memref_slice %arg6[%dma_wait3A_606, %dma_wait3A_607] : memref<20x128xi32, #tpu.memory_space<vmem>> -> memref<1x128xi32, #tpu.memory_space<vmem>>
      %dma_wait3A_609 = tpu.memref_squeeze %dma_wait3A_608 : memref<1x128xi32, #tpu.memory_space<vmem>> -> memref<128xi32, #tpu.memory_space<vmem>>
      %dma_wait3A_610 = arith.constant 0 : i32
      %dma_wait3A_611 = arith.constant 0 : i32
      %dma_wait3A_612 = tpu.memref_slice %arg2[%dma_wait3A_610, %dma_wait3A_611] : memref<10000x128xf32, #tpu.memory_space<hbm>> -> memref<10000x128xf32, #tpu.memory_space<hbm>>
      tpu.wait_indirect_dma semaphore(%arg12 : memref<!tpu.dma_semaphore, #tpu.memory_space<semaphore_mem>>) src(%dma_wait3A_612 : memref<10000x128xf32, #tpu.memory_space<hbm>>) dst(%arg9 : memref<128x128xf32, #tpu.memory_space<vmem>>)
      %mul3A_613 = arith.constant 20 : i32
      %mul3A_614 = arith.muli %scan3A_36, %mul3A_613 : i32
      %add3A_615 = arith.constant 19 : i32
      %add3A_616 = arith.addi %mul3A_614, %add3A_615 : i32
      %dma_start3A_617 = arith.constant 0 : i32
      %dma_start3A_618 = tpu.memref_slice %arg7[%add3A_616, %dma_start3A_617] : memref<80x128xi32, #tpu.memory_space<vmem>> -> memref<1x128xi32, #tpu.memory_space<vmem>>
      %dma_start3A_619 = tpu.memref_squeeze %dma_start3A_618 : memref<1x128xi32, #tpu.memory_space<vmem>> -> memref<128xi32, #tpu.memory_space<vmem>>
      %dma_start3A_620 = arith.constant 0 : i32
      %dma_start3A_621 = arith.constant 0 : i32
      %dma_start3A_622 = tpu.memref_slice %arg10[%dma_start3A_620, %dma_start3A_621] : memref<10240x128xf32, #tpu.memory_space<vmem_shared>> -> memref<10240x128xf32, #tpu.memory_space<vmem_shared>>
      tpu.enqueue_indirect_dma source(%arg9 : memref<128x128xf32, #tpu.memory_space<vmem>>) target(%dma_start3A_622 : memref<10240x128xf32, #tpu.memory_space<vmem_shared>>) offsets(%dma_start3A_619 : memref<128xi32, #tpu.memory_space<vmem>>) semaphore(%arg14 : memref<!tpu.dma_semaphore, #tpu.memory_space<semaphore_mem>>) {add = true}
      %dma_wait3A_623 = arith.constant 0 : i32
      %dma_wait3A_624 = tpu.memref_slice %arg7[%add3A_599, %dma_wait3A_623] : memref<80x128xi32, #tpu.memory_space<vmem>> -> memref<1x128xi32, #tpu.memory_space<vmem>>
      %dma_wait3A_625 = tpu.memref_squeeze %dma_wait3A_624 : memref<1x128xi32, #tpu.memory_space<vmem>> -> memref<128xi32, #tpu.memory_space<vmem>>
      %dma_wait3A_626 = arith.constant 0 : i32
      %dma_wait3A_627 = arith.constant 0 : i32
      %dma_wait3A_628 = tpu.memref_slice %arg10[%dma_wait3A_626, %dma_wait3A_627] : memref<10240x128xf32, #tpu.memory_space<vmem_shared>> -> memref<10240x128xf32, #tpu.memory_space<vmem_shared>>
      tpu.wait_indirect_dma semaphore(%arg13 : memref<!tpu.dma_semaphore, #tpu.memory_space<semaphore_mem>>) src(%arg8 : memref<128x128xf32, #tpu.memory_space<vmem>>) dst(%dma_wait3A_628 : memref<10240x128xf32, #tpu.memory_space<vmem_shared>>)
      %dma_wait3A_629 = arith.constant 0 : i32
      %dma_wait3A_630 = tpu.memref_slice %arg7[%add3A_616, %dma_wait3A_629] : memref<80x128xi32, #tpu.memory_space<vmem>> -> memref<1x128xi32, #tpu.memory_space<vmem>>
      %dma_wait3A_631 = tpu.memref_squeeze %dma_wait3A_630 : memref<1x128xi32, #tpu.memory_space<vmem>> -> memref<128xi32, #tpu.memory_space<vmem>>
      %dma_wait3A_632 = arith.constant 0 : i32
      %dma_wait3A_633 = arith.constant 0 : i32
      %dma_wait3A_634 = tpu.memref_slice %arg10[%dma_wait3A_632, %dma_wait3A_633] : memref<10240x128xf32, #tpu.memory_space<vmem_shared>> -> memref<10240x128xf32, #tpu.memory_space<vmem_shared>>
      tpu.wait_indirect_dma semaphore(%arg14 : memref<!tpu.dma_semaphore, #tpu.memory_space<semaphore_mem>>) src(%arg9 : memref<128x128xf32, #tpu.memory_space<vmem>>) dst(%dma_wait3A_634 : memref<10240x128xf32, #tpu.memory_space<vmem_shared>>)
    }
    %scan3A_24 = arith.constant 4 : i32
    %barrier3A_25 = arith.constant 0 : index
    tpu.barrier barrier_id(%barrier3A_25)
    %add3A_26 = arith.constant 0 : i32
    %add3A_27 = arith.addi %mul3A_8, %add3A_26 : i32
    "tpu.region"() ({
      %run_scoped3A = tpu.sem_alloc : memref<!tpu.dma_semaphore, #tpu.memory_space<semaphore_mem>>
      %dma_start3A = arith.constant 0 : i32
      %dma_start3A_36 = tpu.memref_slice %arg10[%add3A_27, %dma_start3A] : memref<10240x128xf32, #tpu.memory_space<vmem_shared>> -> memref<128x128xf32, #tpu.memory_space<vmem_shared>>
      %dma_start3A_37 = arith.constant 0 : i32
      %dma_start3A_38 = tpu.memref_slice %arg10[%add3A_27, %dma_start3A_37] : memref<10240x128xf32, #tpu.memory_space<vmem_shared>> -> memref<128x128xf32, #tpu.memory_space<vmem_shared>>
      tpu.enqueue_dma source(%dma_start3A_38 : memref<128x128xf32, #tpu.memory_space<vmem_shared>>) target(%arg8 : memref<128x128xf32, #tpu.memory_space<vmem>>) target_semaphore(%run_scoped3A : memref<!tpu.dma_semaphore, #tpu.memory_space<semaphore_mem>>)
      %dma_wait3A = arith.constant 0 : i32
      %dma_wait3A_39 = tpu.memref_slice %arg10[%add3A_27, %dma_wait3A] : memref<10240x128xf32, #tpu.memory_space<vmem_shared>> -> memref<128x128xf32, #tpu.memory_space<vmem_shared>>
      %dma_wait3A_40 = arith.constant 0 : i32
      %dma_wait3A_41 = tpu.memref_slice %arg10[%add3A_27, %dma_wait3A_40] : memref<10240x128xf32, #tpu.memory_space<vmem_shared>> -> memref<128x128xf32, #tpu.memory_space<vmem_shared>>
      tpu.wait_dma2 semaphore(%run_scoped3A : memref<!tpu.dma_semaphore, #tpu.memory_space<semaphore_mem>>) src(%dma_wait3A_41 : memref<128x128xf32, #tpu.memory_space<vmem_shared>>) dst(%arg8 : memref<128x128xf32, #tpu.memory_space<vmem>>)
      tpu.yield
    }) : () -> ()
    "tpu.region"() ({
      %run_scoped3A = tpu.sem_alloc : memref<!tpu.dma_semaphore, #tpu.memory_space<semaphore_mem>>
      %dma_start3A = arith.constant 0 : i32
      %dma_start3A_36 = tpu.memref_slice %arg5[%arg0, %add3A_27, %dma_start3A] : memref<2x10240x128xf32, #tpu.memory_space<hbm>> -> memref<1x128x128xf32, #tpu.memory_space<hbm>>
      %dma_start3A_37 = tpu.memref_squeeze %dma_start3A_36 : memref<1x128x128xf32, #tpu.memory_space<hbm>> -> memref<128x128xf32, #tpu.memory_space<hbm>>
      %dma_start3A_38 = arith.constant 0 : i32
      %dma_start3A_39 = tpu.memref_slice %arg5[%arg0, %add3A_27, %dma_start3A_38] : memref<2x10240x128xf32, #tpu.memory_space<hbm>> -> memref<1x128x128xf32, #tpu.memory_space<hbm>>
      %dma_start3A_40 = tpu.memref_squeeze %dma_start3A_39 : memref<1x128x128xf32, #tpu.memory_space<hbm>> -> memref<128x128xf32, #tpu.memory_space<hbm>>
      tpu.enqueue_dma source(%arg8 : memref<128x128xf32, #tpu.memory_space<vmem>>) target(%dma_start3A_40 : memref<128x128xf32, #tpu.memory_space<hbm>>) target_semaphore(%run_scoped3A : memref<!tpu.dma_semaphore, #tpu.memory_space<semaphore_mem>>)
      %dma_wait3A = arith.constant 0 : i32
      %dma_wait3A_41 = tpu.memref_slice %arg5[%arg0, %add3A_27, %dma_wait3A] : memref<2x10240x128xf32, #tpu.memory_space<hbm>> -> memref<1x128x128xf32, #tpu.memory_space<hbm>>
      %dma_wait3A_42 = tpu.memref_squeeze %dma_wait3A_41 : memref<1x128x128xf32, #tpu.memory_space<hbm>> -> memref<128x128xf32, #tpu.memory_space<hbm>>
      %dma_wait3A_43 = arith.constant 0 : i32
      %dma_wait3A_44 = tpu.memref_slice %arg5[%arg0, %add3A_27, %dma_wait3A_43] : memref<2x10240x128xf32, #tpu.memory_space<hbm>> -> memref<1x128x128xf32, #tpu.memory_space<hbm>>
      %dma_wait3A_45 = tpu.memref_squeeze %dma_wait3A_44 : memref<1x128x128xf32, #tpu.memory_space<hbm>> -> memref<128x128xf32, #tpu.memory_space<hbm>>
      tpu.wait_dma2 semaphore(%run_scoped3A : memref<!tpu.dma_semaphore, #tpu.memory_space<semaphore_mem>>) src(%arg8 : memref<128x128xf32, #tpu.memory_space<vmem>>) dst(%dma_wait3A_45 : memref<128x128xf32, #tpu.memory_space<hbm>>)
      tpu.yield
    }) : () -> ()
    %add3A_28 = arith.constant 128 : i32
    %add3A_29 = arith.addi %mul3A_8, %add3A_28 : i32
    "tpu.region"() ({
      %run_scoped3A = tpu.sem_alloc : memref<!tpu.dma_semaphore, #tpu.memory_space<semaphore_mem>>
      %dma_start3A = arith.constant 0 : i32
      %dma_start3A_36 = tpu.memref_slice %arg10[%add3A_29, %dma_start3A] : memref<10240x128xf32, #tpu.memory_space<vmem_shared>> -> memref<128x128xf32, #tpu.memory_space<vmem_shared>>
      %dma_start3A_37 = arith.constant 0 : i32
      %dma_start3A_38 = tpu.memref_slice %arg10[%add3A_29, %dma_start3A_37] : memref<10240x128xf32, #tpu.memory_space<vmem_shared>> -> memref<128x128xf32, #tpu.memory_space<vmem_shared>>
      tpu.enqueue_dma source(%dma_start3A_38 : memref<128x128xf32, #tpu.memory_space<vmem_shared>>) target(%arg8 : memref<128x128xf32, #tpu.memory_space<vmem>>) target_semaphore(%run_scoped3A : memref<!tpu.dma_semaphore, #tpu.memory_space<semaphore_mem>>)
      %dma_wait3A = arith.constant 0 : i32
      %dma_wait3A_39 = tpu.memref_slice %arg10[%add3A_29, %dma_wait3A] : memref<10240x128xf32, #tpu.memory_space<vmem_shared>> -> memref<128x128xf32, #tpu.memory_space<vmem_shared>>
      %dma_wait3A_40 = arith.constant 0 : i32
      %dma_wait3A_41 = tpu.memref_slice %arg10[%add3A_29, %dma_wait3A_40] : memref<10240x128xf32, #tpu.memory_space<vmem_shared>> -> memref<128x128xf32, #tpu.memory_space<vmem_shared>>
      tpu.wait_dma2 semaphore(%run_scoped3A : memref<!tpu.dma_semaphore, #tpu.memory_space<semaphore_mem>>) src(%dma_wait3A_41 : memref<128x128xf32, #tpu.memory_space<vmem_shared>>) dst(%arg8 : memref<128x128xf32, #tpu.memory_space<vmem>>)
      tpu.yield
    }) : () -> ()
    "tpu.region"() ({
      %run_scoped3A = tpu.sem_alloc : memref<!tpu.dma_semaphore, #tpu.memory_space<semaphore_mem>>
      %dma_start3A = arith.constant 0 : i32
      %dma_start3A_36 = tpu.memref_slice %arg5[%arg0, %add3A_29, %dma_start3A] : memref<2x10240x128xf32, #tpu.memory_space<hbm>> -> memref<1x128x128xf32, #tpu.memory_space<hbm>>
      %dma_start3A_37 = tpu.memref_squeeze %dma_start3A_36 : memref<1x128x128xf32, #tpu.memory_space<hbm>> -> memref<128x128xf32, #tpu.memory_space<hbm>>
      %dma_start3A_38 = arith.constant 0 : i32
      %dma_start3A_39 = tpu.memref_slice %arg5[%arg0, %add3A_29, %dma_start3A_38] : memref<2x10240x128xf32, #tpu.memory_space<hbm>> -> memref<1x128x128xf32, #tpu.memory_space<hbm>>
      %dma_start3A_40 = tpu.memref_squeeze %dma_start3A_39 : memref<1x128x128xf32, #tpu.memory_space<hbm>> -> memref<128x128xf32, #tpu.memory_space<hbm>>
      tpu.enqueue_dma source(%arg8 : memref<128x128xf32, #tpu.memory_space<vmem>>) target(%dma_start3A_40 : memref<128x128xf32, #tpu.memory_space<hbm>>) target_semaphore(%run_scoped3A : memref<!tpu.dma_semaphore, #tpu.memory_space<semaphore_mem>>)
      %dma_wait3A = arith.constant 0 : i32
      %dma_wait3A_41 = tpu.memref_slice %arg5[%arg0, %add3A_29, %dma_wait3A] : memref<2x10240x128xf32, #tpu.memory_space<hbm>> -> memref<1x128x128xf32, #tpu.memory_space<hbm>>
      %dma_wait3A_42 = tpu.memref_squeeze %dma_wait3A_41 : memref<1x128x128xf32, #tpu.memory_space<hbm>> -> memref<128x128xf32, #tpu.memory_space<hbm>>
      %dma_wait3A_43 = arith.constant 0 : i32
      %dma_wait3A_44 = tpu.memref_slice %arg5[%arg0, %add3A_29, %dma_wait3A_43] : memref<2x10240x128xf32, #tpu.memory_space<hbm>> -> memref<1x128x128xf32, #tpu.memory_space<hbm>>
      %dma_wait3A_45 = tpu.memref_squeeze %dma_wait3A_44 : memref<1x128x128xf32, #tpu.memory_space<hbm>> -> memref<128x128xf32, #tpu.memory_space<hbm>>
      tpu.wait_dma2 semaphore(%run_scoped3A : memref<!tpu.dma_semaphore, #tpu.memory_space<semaphore_mem>>) src(%arg8 : memref<128x128xf32, #tpu.memory_space<vmem>>) dst(%dma_wait3A_45 : memref<128x128xf32, #tpu.memory_space<hbm>>)
      tpu.yield
    }) : () -> ()
    %add3A_30 = arith.constant 256 : i32
    %add3A_31 = arith.addi %mul3A_8, %add3A_30 : i32
    "tpu.region"() ({
      %run_scoped3A = tpu.sem_alloc : memref<!tpu.dma_semaphore, #tpu.memory_space<semaphore_mem>>
      %dma_start3A = arith.constant 0 : i32
      %dma_start3A_36 = tpu.memref_slice %arg10[%add3A_31, %dma_start3A] : memref<10240x128xf32, #tpu.memory_space<vmem_shared>> -> memref<128x128xf32, #tpu.memory_space<vmem_shared>>
      %dma_start3A_37 = arith.constant 0 : i32
      %dma_start3A_38 = tpu.memref_slice %arg10[%add3A_31, %dma_start3A_37] : memref<10240x128xf32, #tpu.memory_space<vmem_shared>> -> memref<128x128xf32, #tpu.memory_space<vmem_shared>>
      tpu.enqueue_dma source(%dma_start3A_38 : memref<128x128xf32, #tpu.memory_space<vmem_shared>>) target(%arg8 : memref<128x128xf32, #tpu.memory_space<vmem>>) target_semaphore(%run_scoped3A : memref<!tpu.dma_semaphore, #tpu.memory_space<semaphore_mem>>)
      %dma_wait3A = arith.constant 0 : i32
      %dma_wait3A_39 = tpu.memref_slice %arg10[%add3A_31, %dma_wait3A] : memref<10240x128xf32, #tpu.memory_space<vmem_shared>> -> memref<128x128xf32, #tpu.memory_space<vmem_shared>>
      %dma_wait3A_40 = arith.constant 0 : i32
      %dma_wait3A_41 = tpu.memref_slice %arg10[%add3A_31, %dma_wait3A_40] : memref<10240x128xf32, #tpu.memory_space<vmem_shared>> -> memref<128x128xf32, #tpu.memory_space<vmem_shared>>
      tpu.wait_dma2 semaphore(%run_scoped3A : memref<!tpu.dma_semaphore, #tpu.memory_space<semaphore_mem>>) src(%dma_wait3A_41 : memref<128x128xf32, #tpu.memory_space<vmem_shared>>) dst(%arg8 : memref<128x128xf32, #tpu.memory_space<vmem>>)
      tpu.yield
    }) : () -> ()
    "tpu.region"() ({
      %run_scoped3A = tpu.sem_alloc : memref<!tpu.dma_semaphore, #tpu.memory_space<semaphore_mem>>
      %dma_start3A = arith.constant 0 : i32
      %dma_start3A_36 = tpu.memref_slice %arg5[%arg0, %add3A_31, %dma_start3A] : memref<2x10240x128xf32, #tpu.memory_space<hbm>> -> memref<1x128x128xf32, #tpu.memory_space<hbm>>
      %dma_start3A_37 = tpu.memref_squeeze %dma_start3A_36 : memref<1x128x128xf32, #tpu.memory_space<hbm>> -> memref<128x128xf32, #tpu.memory_space<hbm>>
      %dma_start3A_38 = arith.constant 0 : i32
      %dma_start3A_39 = tpu.memref_slice %arg5[%arg0, %add3A_31, %dma_start3A_38] : memref<2x10240x128xf32, #tpu.memory_space<hbm>> -> memref<1x128x128xf32, #tpu.memory_space<hbm>>
      %dma_start3A_40 = tpu.memref_squeeze %dma_start3A_39 : memref<1x128x128xf32, #tpu.memory_space<hbm>> -> memref<128x128xf32, #tpu.memory_space<hbm>>
      tpu.enqueue_dma source(%arg8 : memref<128x128xf32, #tpu.memory_space<vmem>>) target(%dma_start3A_40 : memref<128x128xf32, #tpu.memory_space<hbm>>) target_semaphore(%run_scoped3A : memref<!tpu.dma_semaphore, #tpu.memory_space<semaphore_mem>>)
      %dma_wait3A = arith.constant 0 : i32
      %dma_wait3A_41 = tpu.memref_slice %arg5[%arg0, %add3A_31, %dma_wait3A] : memref<2x10240x128xf32, #tpu.memory_space<hbm>> -> memref<1x128x128xf32, #tpu.memory_space<hbm>>
      %dma_wait3A_42 = tpu.memref_squeeze %dma_wait3A_41 : memref<1x128x128xf32, #tpu.memory_space<hbm>> -> memref<128x128xf32, #tpu.memory_space<hbm>>
      %dma_wait3A_43 = arith.constant 0 : i32
      %dma_wait3A_44 = tpu.memref_slice %arg5[%arg0, %add3A_31, %dma_wait3A_43] : memref<2x10240x128xf32, #tpu.memory_space<hbm>> -> memref<1x128x128xf32, #tpu.memory_space<hbm>>
      %dma_wait3A_45 = tpu.memref_squeeze %dma_wait3A_44 : memref<1x128x128xf32, #tpu.memory_space<hbm>> -> memref<128x128xf32, #tpu.memory_space<hbm>>
      tpu.wait_dma2 semaphore(%run_scoped3A : memref<!tpu.dma_semaphore, #tpu.memory_space<semaphore_mem>>) src(%arg8 : memref<128x128xf32, #tpu.memory_space<vmem>>) dst(%dma_wait3A_45 : memref<128x128xf32, #tpu.memory_space<hbm>>)
      tpu.yield
    }) : () -> ()
    %add3A_32 = arith.constant 384 : i32
    %add3A_33 = arith.addi %mul3A_8, %add3A_32 : i32
    "tpu.region"() ({
      %run_scoped3A = tpu.sem_alloc : memref<!tpu.dma_semaphore, #tpu.memory_space<semaphore_mem>>
      %dma_start3A = arith.constant 0 : i32
      %dma_start3A_36 = tpu.memref_slice %arg10[%add3A_33, %dma_start3A] : memref<10240x128xf32, #tpu.memory_space<vmem_shared>> -> memref<128x128xf32, #tpu.memory_space<vmem_shared>>
      %dma_start3A_37 = arith.constant 0 : i32
      %dma_start3A_38 = tpu.memref_slice %arg10[%add3A_33, %dma_start3A_37] : memref<10240x128xf32, #tpu.memory_space<vmem_shared>> -> memref<128x128xf32, #tpu.memory_space<vmem_shared>>
      tpu.enqueue_dma source(%dma_start3A_38 : memref<128x128xf32, #tpu.memory_space<vmem_shared>>) target(%arg8 : memref<128x128xf32, #tpu.memory_space<vmem>>) target_semaphore(%run_scoped3A : memref<!tpu.dma_semaphore, #tpu.memory_space<semaphore_mem>>)
      %dma_wait3A = arith.constant 0 : i32
      %dma_wait3A_39 = tpu.memref_slice %arg10[%add3A_33, %dma_wait3A] : memref<10240x128xf32, #tpu.memory_space<vmem_shared>> -> memref<128x128xf32, #tpu.memory_space<vmem_shared>>
      %dma_wait3A_40 = arith.constant 0 : i32
      %dma_wait3A_41 = tpu.memref_slice %arg10[%add3A_33, %dma_wait3A_40] : memref<10240x128xf32, #tpu.memory_space<vmem_shared>> -> memref<128x128xf32, #tpu.memory_space<vmem_shared>>
      tpu.wait_dma2 semaphore(%run_scoped3A : memref<!tpu.dma_semaphore, #tpu.memory_space<semaphore_mem>>) src(%dma_wait3A_41 : memref<128x128xf32, #tpu.memory_space<vmem_shared>>) dst(%arg8 : memref<128x128xf32, #tpu.memory_space<vmem>>)
      tpu.yield
    }) : () -> ()
    "tpu.region"() ({
      %run_scoped3A = tpu.sem_alloc : memref<!tpu.dma_semaphore, #tpu.memory_space<semaphore_mem>>
      %dma_start3A = arith.constant 0 : i32
      %dma_start3A_36 = tpu.memref_slice %arg5[%arg0, %add3A_33, %dma_start3A] : memref<2x10240x128xf32, #tpu.memory_space<hbm>> -> memref<1x128x128xf32, #tpu.memory_space<hbm>>
      %dma_start3A_37 = tpu.memref_squeeze %dma_start3A_36 : memref<1x128x128xf32, #tpu.memory_space<hbm>> -> memref<128x128xf32, #tpu.memory_space<hbm>>
      %dma_start3A_38 = arith.constant 0 : i32
      %dma_start3A_39 = tpu.memref_slice %arg5[%arg0, %add3A_33, %dma_start3A_38] : memref<2x10240x128xf32, #tpu.memory_space<hbm>> -> memref<1x128x128xf32, #tpu.memory_space<hbm>>
      %dma_start3A_40 = tpu.memref_squeeze %dma_start3A_39 : memref<1x128x128xf32, #tpu.memory_space<hbm>> -> memref<128x128xf32, #tpu.memory_space<hbm>>
      tpu.enqueue_dma source(%arg8 : memref<128x128xf32, #tpu.memory_space<vmem>>) target(%dma_start3A_40 : memref<128x128xf32, #tpu.memory_space<hbm>>) target_semaphore(%run_scoped3A : memref<!tpu.dma_semaphore, #tpu.memory_space<semaphore_mem>>)
      %dma_wait3A = arith.constant 0 : i32
      %dma_wait3A_41 = tpu.memref_slice %arg5[%arg0, %add3A_33, %dma_wait3A] : memref<2x10240x128xf32, #tpu.memory_space<hbm>> -> memref<1x128x128xf32, #tpu.memory_space<hbm>>
      %dma_wait3A_42 = tpu.memref_squeeze %dma_wait3A_41 : memref<1x128x128xf32, #tpu.memory_space<hbm>> -> memref<128x128xf32, #tpu.memory_space<hbm>>
      %dma_wait3A_43 = arith.constant 0 : i32
      %dma_wait3A_44 = tpu.memref_slice %arg5[%arg0, %add3A_33, %dma_wait3A_43] : memref<2x10240x128xf32, #tpu.memory_space<hbm>> -> memref<1x128x128xf32, #tpu.memory_space<hbm>>
      %dma_wait3A_45 = tpu.memref_squeeze %dma_wait3A_44 : memref<1x128x128xf32, #tpu.memory_space<hbm>> -> memref<128x128xf32, #tpu.memory_space<hbm>>
      tpu.wait_dma2 semaphore(%run_scoped3A : memref<!tpu.dma_semaphore, #tpu.memory_space<semaphore_mem>>) src(%arg8 : memref<128x128xf32, #tpu.memory_space<vmem>>) dst(%dma_wait3A_45 : memref<128x128xf32, #tpu.memory_space<hbm>>)
      tpu.yield
    }) : () -> ()
    %add3A_34 = arith.constant 512 : i32
    %add3A_35 = arith.addi %mul3A_8, %add3A_34 : i32
    "tpu.region"() ({
      %run_scoped3A = tpu.sem_alloc : memref<!tpu.dma_semaphore, #tpu.memory_space<semaphore_mem>>
      %dma_start3A = arith.constant 0 : i32
      %dma_start3A_36 = tpu.memref_slice %arg10[%add3A_35, %dma_start3A] : memref<10240x128xf32, #tpu.memory_space<vmem_shared>> -> memref<128x128xf32, #tpu.memory_space<vmem_shared>>
      %dma_start3A_37 = arith.constant 0 : i32
      %dma_start3A_38 = tpu.memref_slice %arg10[%add3A_35, %dma_start3A_37] : memref<10240x128xf32, #tpu.memory_space<vmem_shared>> -> memref<128x128xf32, #tpu.memory_space<vmem_shared>>
      tpu.enqueue_dma source(%dma_start3A_38 : memref<128x128xf32, #tpu.memory_space<vmem_shared>>) target(%arg8 : memref<128x128xf32, #tpu.memory_space<vmem>>) target_semaphore(%run_scoped3A : memref<!tpu.dma_semaphore, #tpu.memory_space<semaphore_mem>>)
      %dma_wait3A = arith.constant 0 : i32
      %dma_wait3A_39 = tpu.memref_slice %arg10[%add3A_35, %dma_wait3A] : memref<10240x128xf32, #tpu.memory_space<vmem_shared>> -> memref<128x128xf32, #tpu.memory_space<vmem_shared>>
      %dma_wait3A_40 = arith.constant 0 : i32
      %dma_wait3A_41 = tpu.memref_slice %arg10[%add3A_35, %dma_wait3A_40] : memref<10240x128xf32, #tpu.memory_space<vmem_shared>> -> memref<128x128xf32, #tpu.memory_space<vmem_shared>>
      tpu.wait_dma2 semaphore(%run_scoped3A : memref<!tpu.dma_semaphore, #tpu.memory_space<semaphore_mem>>) src(%dma_wait3A_41 : memref<128x128xf32, #tpu.memory_space<vmem_shared>>) dst(%arg8 : memref<128x128xf32, #tpu.memory_space<vmem>>)
      tpu.yield
    }) : () -> ()
    "tpu.region"() ({
      %run_scoped3A = tpu.sem_alloc : memref<!tpu.dma_semaphore, #tpu.memory_space<semaphore_mem>>
      %dma_start3A = arith.constant 0 : i32
      %dma_start3A_36 = tpu.memref_slice %arg5[%arg0, %add3A_35, %dma_start3A] : memref<2x10240x128xf32, #tpu.memory_space<hbm>> -> memref<1x128x128xf32, #tpu.memory_space<hbm>>
      %dma_start3A_37 = tpu.memref_squeeze %dma_start3A_36 : memref<1x128x128xf32, #tpu.memory_space<hbm>> -> memref<128x128xf32, #tpu.memory_space<hbm>>
      %dma_start3A_38 = arith.constant 0 : i32
      %dma_start3A_39 = tpu.memref_slice %arg5[%arg0, %add3A_35, %dma_start3A_38] : memref<2x10240x128xf32, #tpu.memory_space<hbm>> -> memref<1x128x128xf32, #tpu.memory_space<hbm>>
      %dma_start3A_40 = tpu.memref_squeeze %dma_start3A_39 : memref<1x128x128xf32, #tpu.memory_space<hbm>> -> memref<128x128xf32, #tpu.memory_space<hbm>>
      tpu.enqueue_dma source(%arg8 : memref<128x128xf32, #tpu.memory_space<vmem>>) target(%dma_start3A_40 : memref<128x128xf32, #tpu.memory_space<hbm>>) target_semaphore(%run_scoped3A : memref<!tpu.dma_semaphore, #tpu.memory_space<semaphore_mem>>)
      %dma_wait3A = arith.constant 0 : i32
      %dma_wait3A_41 = tpu.memref_slice %arg5[%arg0, %add3A_35, %dma_wait3A] : memref<2x10240x128xf32, #tpu.memory_space<hbm>> -> memref<1x128x128xf32, #tpu.memory_space<hbm>>
      %dma_wait3A_42 = tpu.memref_squeeze %dma_wait3A_41 : memref<1x128x128xf32, #tpu.memory_space<hbm>> -> memref<128x128xf32, #tpu.memory_space<hbm>>
      %dma_wait3A_43 = arith.constant 0 : i32
      %dma_wait3A_44 = tpu.memref_slice %arg5[%arg0, %add3A_35, %dma_wait3A_43] : memref<2x10240x128xf32, #tpu.memory_space<hbm>> -> memref<1x128x128xf32, #tpu.memory_space<hbm>>
      %dma_wait3A_45 = tpu.memref_squeeze %dma_wait3A_44 : memref<1x128x128xf32, #tpu.memory_space<hbm>> -> memref<128x128xf32, #tpu.memory_space<hbm>>
      tpu.wait_dma2 semaphore(%run_scoped3A : memref<!tpu.dma_semaphore, #tpu.memory_space<semaphore_mem>>) src(%arg8 : memref<128x128xf32, #tpu.memory_space<vmem>>) dst(%dma_wait3A_45 : memref<128x128xf32, #tpu.memory_space<hbm>>)
      tpu.yield
    }) : () -> ()
    return
  }
}

#map = affine_map<(d0, d1) -> (0, 0)>
#map1 = affine_map<(d0, d1) -> (0, 0, 0, 0)>
#map2 = affine_map<(d0, d1) -> (0, 0, 0)>
module attributes {stable_mosaic.version = 14 : i64} {
  func.func @_hop_kernel(%arg0: i32, %arg1: i32, %arg2: memref<10000x128xf32, #tpu.memory_space<hbm>>, %arg3: memref<32x4x20x128xi32, #tpu.memory_space<hbm>>, %arg4: memref<32x80x128xi32, #tpu.memory_space<hbm>>, %arg5: memref<2x10240x128xf32, #tpu.memory_space<hbm>>, %arg6: memref<20x128xi32, #tpu.memory_space<vmem>>, %arg7: memref<80x128xi32, #tpu.memory_space<vmem>>, %arg8: memref<128x128xf32, #tpu.memory_space<vmem>>, %arg9: memref<128x128xf32, #tpu.memory_space<vmem>>, %arg10: memref<10240x128xf32, #tpu.memory_space<vmem_shared>>, %arg11: memref<!tpu.dma_semaphore, #tpu.memory_space<semaphore_mem>>, %arg12: memref<!tpu.dma_semaphore, #tpu.memory_space<semaphore_mem>>, %arg13: memref<!tpu.dma_semaphore, #tpu.memory_space<semaphore_mem>>, %arg14: memref<!tpu.dma_semaphore, #tpu.memory_space<semaphore_mem>>) attributes {dimension_semantics = [#tpu.dimension_semantics<core_parallel>, #tpu.dimension_semantics<subcore_parallel>], iteration_bounds = array<i64: 2, 16>, scalar_prefetch = 0 : i64, scratch_operands = 9 : i64, tpu.core_type = #tpu.core_type<sc_vector_subcore>, window_params = [{transform_indices = #map}, {transform_indices = #map1}, {transform_indices = #map2}, {transform_indices = #map2}]} {
    %mul3A = arith.constant 16 : i32
    %mul3A_0 = arith.muli %arg0, %mul3A : i32
    %add3A = arith.addi %mul3A_0, %arg1 : i32
    %broadcast_in_dim3A = arith.constant 0.000000e+00 : f32
    %broadcast_in_dim3A_1 = vector.broadcast %broadcast_in_dim3A : f32 to vector<16xf32>
    %scan3A = arith.constant 0 : i32
    %scan3A_2 = arith.constant 0 : i32
    %scan3A_3 = arith.constant 128 : i32
    %scan3A_4 = arith.addi %scan3A_2, %scan3A_3 : i32
    %scan3A_5 = arith.constant 1 : i32
    scf.for %scan3A_36 = %scan3A_2 to %scan3A_4 step %scan3A_5  : i32 {
      %swap3A = arith.index_cast %scan3A_36 : i32 to index
      %swap3A_37 = arith.constant 0 : index
      %swap3A_38 = tpu.vector_load %arg8[%swap3A, %swap3A_37] {strides = array<i32>} : memref<128x128xf32, #tpu.memory_space<vmem>>, vector<1x16xf32>,
      %swap3A_39 = vector.shape_cast %swap3A_38 : vector<1x16xf32> to vector<16xf32>
      %swap3A_40 = vector.shape_cast %broadcast_in_dim3A_1 : vector<16xf32> to vector<1x16xf32>
      tpu.vector_store %arg8[%swap3A, %swap3A_37], %swap3A_40 {strides = array<i32>} : memref<128x128xf32, #tpu.memory_space<vmem>>, vector<1x16xf32>,
      %swap3A_41 = arith.index_cast %scan3A_36 : i32 to index
      %swap3A_42 = arith.constant 16 : index
      %swap3A_43 = tpu.vector_load %arg8[%swap3A_41, %swap3A_42] {strides = array<i32>} : memref<128x128xf32, #tpu.memory_space<vmem>>, vector<1x16xf32>,
      %swap3A_44 = vector.shape_cast %swap3A_43 : vector<1x16xf32> to vector<16xf32>
      %swap3A_45 = vector.shape_cast %broadcast_in_dim3A_1 : vector<16xf32> to vector<1x16xf32>
      tpu.vector_store %arg8[%swap3A_41, %swap3A_42], %swap3A_45 {strides = array<i32>} : memref<128x128xf32, #tpu.memory_space<vmem>>, vector<1x16xf32>,
      %swap3A_46 = arith.index_cast %scan3A_36 : i32 to index
      %swap3A_47 = arith.constant 32 : index
      %swap3A_48 = tpu.vector_load %arg8[%swap3A_46, %swap3A_47] {strides = array<i32>} : memref<128x128xf32, #tpu.memory_space<vmem>>, vector<1x16xf32>,
      %swap3A_49 = vector.shape_cast %swap3A_48 : vector<1x16xf32> to vector<16xf32>
      %swap3A_50 = vector.shape_cast %broadcast_in_dim3A_1 : vector<16xf32> to vector<1x16xf32>
      tpu.vector_store %arg8[%swap3A_46, %swap3A_47], %swap3A_50 {strides = array<i32>} : memref<128x128xf32, #tpu.memory_space<vmem>>, vector<1x16xf32>,
      %swap3A_51 = arith.index_cast %scan3A_36 : i32 to index
      %swap3A_52 = arith.constant 48 : index
      %swap3A_53 = tpu.vector_load %arg8[%swap3A_51, %swap3A_52] {strides = array<i32>} : memref<128x128xf32, #tpu.memory_space<vmem>>, vector<1x16xf32>,
      %swap3A_54 = vector.shape_cast %swap3A_53 : vector<1x16xf32> to vector<16xf32>
      %swap3A_55 = vector.shape_cast %broadcast_in_dim3A_1 : vector<16xf32> to vector<1x16xf32>
      tpu.vector_store %arg8[%swap3A_51, %swap3A_52], %swap3A_55 {strides = array<i32>} : memref<128x128xf32, #tpu.memory_space<vmem>>, vector<1x16xf32>,
      %swap3A_56 = arith.index_cast %scan3A_36 : i32 to index
      %swap3A_57 = arith.constant 64 : index
      %swap3A_58 = tpu.vector_load %arg8[%swap3A_56, %swap3A_57] {strides = array<i32>} : memref<128x128xf32, #tpu.memory_space<vmem>>, vector<1x16xf32>,
      %swap3A_59 = vector.shape_cast %swap3A_58 : vector<1x16xf32> to vector<16xf32>
      %swap3A_60 = vector.shape_cast %broadcast_in_dim3A_1 : vector<16xf32> to vector<1x16xf32>
      tpu.vector_store %arg8[%swap3A_56, %swap3A_57], %swap3A_60 {strides = array<i32>} : memref<128x128xf32, #tpu.memory_space<vmem>>, vector<1x16xf32>,
      %swap3A_61 = arith.index_cast %scan3A_36 : i32 to index
      %swap3A_62 = arith.constant 80 : index
      %swap3A_63 = tpu.vector_load %arg8[%swap3A_61, %swap3A_62] {strides = array<i32>} : memref<128x128xf32, #tpu.memory_space<vmem>>, vector<1x16xf32>,
      %swap3A_64 = vector.shape_cast %swap3A_63 : vector<1x16xf32> to vector<16xf32>
      %swap3A_65 = vector.shape_cast %broadcast_in_dim3A_1 : vector<16xf32> to vector<1x16xf32>
      tpu.vector_store %arg8[%swap3A_61, %swap3A_62], %swap3A_65 {strides = array<i32>} : memref<128x128xf32, #tpu.memory_space<vmem>>, vector<1x16xf32>,
      %swap3A_66 = arith.index_cast %scan3A_36 : i32 to index
      %swap3A_67 = arith.constant 96 : index
      %swap3A_68 = tpu.vector_load %arg8[%swap3A_66, %swap3A_67] {strides = array<i32>} : memref<128x128xf32, #tpu.memory_space<vmem>>, vector<1x16xf32>,
      %swap3A_69 = vector.shape_cast %swap3A_68 : vector<1x16xf32> to vector<16xf32>
      %swap3A_70 = vector.shape_cast %broadcast_in_dim3A_1 : vector<16xf32> to vector<1x16xf32>
      tpu.vector_store %arg8[%swap3A_66, %swap3A_67], %swap3A_70 {strides = array<i32>} : memref<128x128xf32, #tpu.memory_space<vmem>>, vector<1x16xf32>,
      %swap3A_71 = arith.index_cast %scan3A_36 : i32 to index
      %swap3A_72 = arith.constant 112 : index
      %swap3A_73 = tpu.vector_load %arg8[%swap3A_71, %swap3A_72] {strides = array<i32>} : memref<128x128xf32, #tpu.memory_space<vmem>>, vector<1x16xf32>,
      %swap3A_74 = vector.shape_cast %swap3A_73 : vector<1x16xf32> to vector<16xf32>
      %swap3A_75 = vector.shape_cast %broadcast_in_dim3A_1 : vector<16xf32> to vector<1x16xf32>
      tpu.vector_store %arg8[%swap3A_71, %swap3A_72], %swap3A_75 {strides = array<i32>} : memref<128x128xf32, #tpu.memory_space<vmem>>, vector<1x16xf32>,
    }
    %scan3A_6 = arith.constant 128 : i32
    %mul3A_7 = arith.constant 640 : i32
    %mul3A_8 = arith.muli %arg1, %mul3A_7 : i32
    %add3A_9 = arith.constant 0 : i32
    %add3A_10 = arith.addi %mul3A_8, %add3A_9 : i32
    "tpu.region"() ({
      %run_scoped3A = tpu.sem_alloc : memref<!tpu.dma_semaphore, #tpu.memory_space<semaphore_mem>>
      %dma_start3A = arith.constant 0 : i32
      %dma_start3A_36 = tpu.memref_slice %arg10[%add3A_10, %dma_start3A] : memref<10240x128xf32, #tpu.memory_space<vmem_shared>> -> memref<128x128xf32, #tpu.memory_space<vmem_shared>>
      %dma_start3A_37 = arith.constant 0 : i32
      %dma_start3A_38 = tpu.memref_slice %arg10[%add3A_10, %dma_start3A_37] : memref<10240x128xf32, #tpu.memory_space<vmem_shared>> -> memref<128x128xf32, #tpu.memory_space<vmem_shared>>
      tpu.enqueue_dma source(%arg8 : memref<128x128xf32, #tpu.memory_space<vmem>>) target(%dma_start3A_38 : memref<128x128xf32, #tpu.memory_space<vmem_shared>>) target_semaphore(%run_scoped3A : memref<!tpu.dma_semaphore, #tpu.memory_space<semaphore_mem>>)
      %dma_wait3A = arith.constant 0 : i32
      %dma_wait3A_39 = tpu.memref_slice %arg10[%add3A_10, %dma_wait3A] : memref<10240x128xf32, #tpu.memory_space<vmem_shared>> -> memref<128x128xf32, #tpu.memory_space<vmem_shared>>
      %dma_wait3A_40 = arith.constant 0 : i32
      %dma_wait3A_41 = tpu.memref_slice %arg10[%add3A_10, %dma_wait3A_40] : memref<10240x128xf32, #tpu.memory_space<vmem_shared>> -> memref<128x128xf32, #tpu.memory_space<vmem_shared>>
      tpu.wait_dma2 semaphore(%run_scoped3A : memref<!tpu.dma_semaphore, #tpu.memory_space<semaphore_mem>>) src(%arg8 : memref<128x128xf32, #tpu.memory_space<vmem>>) dst(%dma_wait3A_41 : memref<128x128xf32, #tpu.memory_space<vmem_shared>>)
      tpu.yield
    }) : () -> ()
    %add3A_11 = arith.constant 128 : i32
    %add3A_12 = arith.addi %mul3A_8, %add3A_11 : i32
    "tpu.region"() ({
      %run_scoped3A = tpu.sem_alloc : memref<!tpu.dma_semaphore, #tpu.memory_space<semaphore_mem>>
      %dma_start3A = arith.constant 0 : i32
      %dma_start3A_36 = tpu.memref_slice %arg10[%add3A_12, %dma_start3A] : memref<10240x128xf32, #tpu.memory_space<vmem_shared>> -> memref<128x128xf32, #tpu.memory_space<vmem_shared>>
      %dma_start3A_37 = arith.constant 0 : i32
      %dma_start3A_38 = tpu.memref_slice %arg10[%add3A_12, %dma_start3A_37] : memref<10240x128xf32, #tpu.memory_space<vmem_shared>> -> memref<128x128xf32, #tpu.memory_space<vmem_shared>>
      tpu.enqueue_dma source(%arg8 : memref<128x128xf32, #tpu.memory_space<vmem>>) target(%dma_start3A_38 : memref<128x128xf32, #tpu.memory_space<vmem_shared>>) target_semaphore(%run_scoped3A : memref<!tpu.dma_semaphore, #tpu.memory_space<semaphore_mem>>)
      %dma_wait3A = arith.constant 0 : i32
      %dma_wait3A_39 = tpu.memref_slice %arg10[%add3A_12, %dma_wait3A] : memref<10240x128xf32, #tpu.memory_space<vmem_shared>> -> memref<128x128xf32, #tpu.memory_space<vmem_shared>>
      %dma_wait3A_40 = arith.constant 0 : i32
      %dma_wait3A_41 = tpu.memref_slice %arg10[%add3A_12, %dma_wait3A_40] : memref<10240x128xf32, #tpu.memory_space<vmem_shared>> -> memref<128x128xf32, #tpu.memory_space<vmem_shared>>
      tpu.wait_dma2 semaphore(%run_scoped3A : memref<!tpu.dma_semaphore, #tpu.memory_space<semaphore_mem>>) src(%arg8 : memref<128x128xf32, #tpu.memory_space<vmem>>) dst(%dma_wait3A_41 : memref<128x128xf32, #tpu.memory_space<vmem_shared>>)
      tpu.yield
    }) : () -> ()
    %add3A_13 = arith.constant 256 : i32
    %add3A_14 = arith.addi %mul3A_8, %add3A_13 : i32
    "tpu.region"() ({
      %run_scoped3A = tpu.sem_alloc : memref<!tpu.dma_semaphore, #tpu.memory_space<semaphore_mem>>
      %dma_start3A = arith.constant 0 : i32
      %dma_start3A_36 = tpu.memref_slice %arg10[%add3A_14, %dma_start3A] : memref<10240x128xf32, #tpu.memory_space<vmem_shared>> -> memref<128x128xf32, #tpu.memory_space<vmem_shared>>
      %dma_start3A_37 = arith.constant 0 : i32
      %dma_start3A_38 = tpu.memref_slice %arg10[%add3A_14, %dma_start3A_37] : memref<10240x128xf32, #tpu.memory_space<vmem_shared>> -> memref<128x128xf32, #tpu.memory_space<vmem_shared>>
      tpu.enqueue_dma source(%arg8 : memref<128x128xf32, #tpu.memory_space<vmem>>) target(%dma_start3A_38 : memref<128x128xf32, #tpu.memory_space<vmem_shared>>) target_semaphore(%run_scoped3A : memref<!tpu.dma_semaphore, #tpu.memory_space<semaphore_mem>>)
      %dma_wait3A = arith.constant 0 : i32
      %dma_wait3A_39 = tpu.memref_slice %arg10[%add3A_14, %dma_wait3A] : memref<10240x128xf32, #tpu.memory_space<vmem_shared>> -> memref<128x128xf32, #tpu.memory_space<vmem_shared>>
      %dma_wait3A_40 = arith.constant 0 : i32
      %dma_wait3A_41 = tpu.memref_slice %arg10[%add3A_14, %dma_wait3A_40] : memref<10240x128xf32, #tpu.memory_space<vmem_shared>> -> memref<128x128xf32, #tpu.memory_space<vmem_shared>>
      tpu.wait_dma2 semaphore(%run_scoped3A : memref<!tpu.dma_semaphore, #tpu.memory_space<semaphore_mem>>) src(%arg8 : memref<128x128xf32, #tpu.memory_space<vmem>>) dst(%dma_wait3A_41 : memref<128x128xf32, #tpu.memory_space<vmem_shared>>)
      tpu.yield
    }) : () -> ()
    %add3A_15 = arith.constant 384 : i32
    %add3A_16 = arith.addi %mul3A_8, %add3A_15 : i32
    "tpu.region"() ({
      %run_scoped3A = tpu.sem_alloc : memref<!tpu.dma_semaphore, #tpu.memory_space<semaphore_mem>>
      %dma_start3A = arith.constant 0 : i32
      %dma_start3A_36 = tpu.memref_slice %arg10[%add3A_16, %dma_start3A] : memref<10240x128xf32, #tpu.memory_space<vmem_shared>> -> memref<128x128xf32, #tpu.memory_space<vmem_shared>>
      %dma_start3A_37 = arith.constant 0 : i32
      %dma_start3A_38 = tpu.memref_slice %arg10[%add3A_16, %dma_start3A_37] : memref<10240x128xf32, #tpu.memory_space<vmem_shared>> -> memref<128x128xf32, #tpu.memory_space<vmem_shared>>
      tpu.enqueue_dma source(%arg8 : memref<128x128xf32, #tpu.memory_space<vmem>>) target(%dma_start3A_38 : memref<128x128xf32, #tpu.memory_space<vmem_shared>>) target_semaphore(%run_scoped3A : memref<!tpu.dma_semaphore, #tpu.memory_space<semaphore_mem>>)
      %dma_wait3A = arith.constant 0 : i32
      %dma_wait3A_39 = tpu.memref_slice %arg10[%add3A_16, %dma_wait3A] : memref<10240x128xf32, #tpu.memory_space<vmem_shared>> -> memref<128x128xf32, #tpu.memory_space<vmem_shared>>
      %dma_wait3A_40 = arith.constant 0 : i32
      %dma_wait3A_41 = tpu.memref_slice %arg10[%add3A_16, %dma_wait3A_40] : memref<10240x128xf32, #tpu.memory_space<vmem_shared>> -> memref<128x128xf32, #tpu.memory_space<vmem_shared>>
      tpu.wait_dma2 semaphore(%run_scoped3A : memref<!tpu.dma_semaphore, #tpu.memory_space<semaphore_mem>>) src(%arg8 : memref<128x128xf32, #tpu.memory_space<vmem>>) dst(%dma_wait3A_41 : memref<128x128xf32, #tpu.memory_space<vmem_shared>>)
      tpu.yield
    }) : () -> ()
    %add3A_17 = arith.constant 512 : i32
    %add3A_18 = arith.addi %mul3A_8, %add3A_17 : i32
    "tpu.region"() ({
      %run_scoped3A = tpu.sem_alloc : memref<!tpu.dma_semaphore, #tpu.memory_space<semaphore_mem>>
      %dma_start3A = arith.constant 0 : i32
      %dma_start3A_36 = tpu.memref_slice %arg10[%add3A_18, %dma_start3A] : memref<10240x128xf32, #tpu.memory_space<vmem_shared>> -> memref<128x128xf32, #tpu.memory_space<vmem_shared>>
      %dma_start3A_37 = arith.constant 0 : i32
      %dma_start3A_38 = tpu.memref_slice %arg10[%add3A_18, %dma_start3A_37] : memref<10240x128xf32, #tpu.memory_space<vmem_shared>> -> memref<128x128xf32, #tpu.memory_space<vmem_shared>>
      tpu.enqueue_dma source(%arg8 : memref<128x128xf32, #tpu.memory_space<vmem>>) target(%dma_start3A_38 : memref<128x128xf32, #tpu.memory_space<vmem_shared>>) target_semaphore(%run_scoped3A : memref<!tpu.dma_semaphore, #tpu.memory_space<semaphore_mem>>)
      %dma_wait3A = arith.constant 0 : i32
      %dma_wait3A_39 = tpu.memref_slice %arg10[%add3A_18, %dma_wait3A] : memref<10240x128xf32, #tpu.memory_space<vmem_shared>> -> memref<128x128xf32, #tpu.memory_space<vmem_shared>>
      %dma_wait3A_40 = arith.constant 0 : i32
      %dma_wait3A_41 = tpu.memref_slice %arg10[%add3A_18, %dma_wait3A_40] : memref<10240x128xf32, #tpu.memory_space<vmem_shared>> -> memref<128x128xf32, #tpu.memory_space<vmem_shared>>
      tpu.wait_dma2 semaphore(%run_scoped3A : memref<!tpu.dma_semaphore, #tpu.memory_space<semaphore_mem>>) src(%arg8 : memref<128x128xf32, #tpu.memory_space<vmem>>) dst(%dma_wait3A_41 : memref<128x128xf32, #tpu.memory_space<vmem_shared>>)
      tpu.yield
    }) : () -> ()
    %barrier3A = arith.constant 0 : index
    tpu.barrier barrier_id(%barrier3A)
    "tpu.region"() ({
      %run_scoped3A = tpu.sem_alloc : memref<!tpu.dma_semaphore, #tpu.memory_space<semaphore_mem>>
      %dma_start3A = arith.constant 0 : i32
      %dma_start3A_36 = arith.constant 0 : i32
      %dma_start3A_37 = tpu.memref_slice %arg4[%add3A, %dma_start3A, %dma_start3A_36] : memref<32x80x128xi32, #tpu.memory_space<hbm>> -> memref<1x80x128xi32, #tpu.memory_space<hbm>>
      %dma_start3A_38 = tpu.memref_squeeze %dma_start3A_37 : memref<1x80x128xi32, #tpu.memory_space<hbm>> -> memref<80x128xi32, #tpu.memory_space<hbm>>
      %dma_start3A_39 = arith.constant 0 : i32
      %dma_start3A_40 = arith.constant 0 : i32
      %dma_start3A_41 = tpu.memref_slice %arg4[%add3A, %dma_start3A_39, %dma_start3A_40] : memref<32x80x128xi32, #tpu.memory_space<hbm>> -> memref<1x80x128xi32, #tpu.memory_space<hbm>>
      %dma_start3A_42 = tpu.memref_squeeze %dma_start3A_41 : memref<1x80x128xi32, #tpu.memory_space<hbm>> -> memref<80x128xi32, #tpu.memory_space<hbm>>
      tpu.enqueue_dma source(%dma_start3A_42 : memref<80x128xi32, #tpu.memory_space<hbm>>) target(%arg7 : memref<80x128xi32, #tpu.memory_space<vmem>>) target_semaphore(%run_scoped3A : memref<!tpu.dma_semaphore, #tpu.memory_space<semaphore_mem>>)
      %dma_wait3A = arith.constant 0 : i32
      %dma_wait3A_43 = arith.constant 0 : i32
      %dma_wait3A_44 = tpu.memref_slice %arg4[%add3A, %dma_wait3A, %dma_wait3A_43] : memref<32x80x128xi32, #tpu.memory_space<hbm>> -> memref<1x80x128xi32, #tpu.memory_space<hbm>>
      %dma_wait3A_45 = tpu.memref_squeeze %dma_wait3A_44 : memref<1x80x128xi32, #tpu.memory_space<hbm>> -> memref<80x128xi32, #tpu.memory_space<hbm>>
      %dma_wait3A_46 = arith.constant 0 : i32
      %dma_wait3A_47 = arith.constant 0 : i32
      %dma_wait3A_48 = tpu.memref_slice %arg4[%add3A, %dma_wait3A_46, %dma_wait3A_47] : memref<32x80x128xi32, #tpu.memory_space<hbm>> -> memref<1x80x128xi32, #tpu.memory_space<hbm>>
      %dma_wait3A_49 = tpu.memref_squeeze %dma_wait3A_48 : memref<1x80x128xi32, #tpu.memory_space<hbm>> -> memref<80x128xi32, #tpu.memory_space<hbm>>
      tpu.wait_dma2 semaphore(%run_scoped3A : memref<!tpu.dma_semaphore, #tpu.memory_space<semaphore_mem>>) src(%dma_wait3A_49 : memref<80x128xi32, #tpu.memory_space<hbm>>) dst(%arg7 : memref<80x128xi32, #tpu.memory_space<vmem>>)
      tpu.yield
    }) : () -> ()
    %scan3A_19 = arith.constant 0 : i32
    %scan3A_20 = arith.constant 0 : i32
    %scan3A_21 = arith.constant 4 : i32
    %scan3A_22 = arith.addi %scan3A_20, %scan3A_21 : i32
    %scan3A_23 = arith.constant 1 : i32
    scf.for %scan3A_36 = %scan3A_20 to %scan3A_22 step %scan3A_23  : i32 {
      "tpu.region"() ({
        %run_scoped3A = tpu.sem_alloc : memref<!tpu.dma_semaphore, #tpu.memory_space<semaphore_mem>>
        %dma_start3A_635 = arith.constant 0 : i32
        %dma_start3A_636 = arith.constant 0 : i32
        %dma_start3A_637 = tpu.memref_slice %arg3[%add3A, %scan3A_36, %dma_start3A_635, %dma_start3A_636] : memref<32x4x20x128xi32, #tpu.memory_space<hbm>> -> memref<1x1x20x128xi32, #tpu.memory_space<hbm>>
        %dma_start3A_638 = tpu.memref_squeeze %dma_start3A_637 : memref<1x1x20x128xi32, #tpu.memory_space<hbm>> -> memref<20x128xi32, #tpu.memory_space<hbm>>
        %dma_start3A_639 = arith.constant 0 : i32
        %dma_start3A_640 = arith.constant 0 : i32
        %dma_start3A_641 = tpu.memref_slice %arg3[%add3A, %scan3A_36, %dma_start3A_639, %dma_start3A_640] : memref<32x4x20x128xi32, #tpu.memory_space<hbm>> -> memref<1x1x20x128xi32, #tpu.memory_space<hbm>>
        %dma_start3A_642 = tpu.memref_squeeze %dma_start3A_641 : memref<1x1x20x128xi32, #tpu.memory_space<hbm>> -> memref<20x128xi32, #tpu.memory_space<hbm>>
        tpu.enqueue_dma source(%dma_start3A_642 : memref<20x128xi32, #tpu.memory_space<hbm>>) target(%arg6 : memref<20x128xi32, #tpu.memory_space<vmem>>) target_semaphore(%run_scoped3A : memref<!tpu.dma_semaphore, #tpu.memory_space<semaphore_mem>>)
        %dma_wait3A_643 = arith.constant 0 : i32
        %dma_wait3A_644 = arith.constant 0 : i32
        %dma_wait3A_645 = tpu.memref_slice %arg3[%add3A, %scan3A_36, %dma_wait3A_643, %dma_wait3A_644] : memref<32x4x20x128xi32, #tpu.memory_space<hbm>> -> memref<1x1x20x128xi32, #tpu.memory_space<hbm>>
        %dma_wait3A_646 = tpu.memref_squeeze %dma_wait3A_645 : memref<1x1x20x128xi32, #tpu.memory_space<hbm>> -> memref<20x128xi32, #tpu.memory_space<hbm>>
        %dma_wait3A_647 = arith.constant 0 : i32
        %dma_wait3A_648 = arith.constant 0 : i32
        %dma_wait3A_649 = tpu.memref_slice %arg3[%add3A, %scan3A_36, %dma_wait3A_647, %dma_wait3A_648] : memref<32x4x20x128xi32, #tpu.memory_space<hbm>> -> memref<1x1x20x128xi32, #tpu.memory_space<hbm>>
        %dma_wait3A_650 = tpu.memref_squeeze %dma_wait3A_649 : memref<1x1x20x128xi32, #tpu.memory_space<hbm>> -> memref<20x128xi32, #tpu.memory_space<hbm>>
        tpu.wait_dma2 semaphore(%run_scoped3A : memref<!tpu.dma_semaphore, #tpu.memory_space<semaphore_mem>>) src(%dma_wait3A_650 : memref<20x128xi32, #tpu.memory_space<hbm>>) dst(%arg6 : memref<20x128xi32, #tpu.memory_space<vmem>>)
        tpu.yield
      }) : () -> ()
      %dma_start3A = arith.constant 0 : i32
      %dma_start3A_37 = arith.constant 0 : i32
      %dma_start3A_38 = tpu.memref_slice %arg6[%dma_start3A, %dma_start3A_37] : memref<20x128xi32, #tpu.memory_space<vmem>> -> memref<1x128xi32, #tpu.memory_space<vmem>>
      %dma_start3A_39 = tpu.memref_squeeze %dma_start3A_38 : memref<1x128xi32, #tpu.memory_space<vmem>> -> memref<128xi32, #tpu.memory_space<vmem>>
      %dma_start3A_40 = arith.constant 0 : i32
      %dma_start3A_41 = arith.constant 0 : i32
      %dma_start3A_42 = tpu.memref_slice %arg2[%dma_start3A_40, %dma_start3A_41] : memref<10000x128xf32, #tpu.memory_space<hbm>> -> memref<10000x128xf32, #tpu.memory_space<hbm>>
      tpu.enqueue_indirect_dma source(%dma_start3A_42 : memref<10000x128xf32, #tpu.memory_space<hbm>>) target(%arg8 : memref<128x128xf32, #tpu.memory_space<vmem>>) offsets(%dma_start3A_39 : memref<128xi32, #tpu.memory_space<vmem>>) semaphore(%arg11 : memref<!tpu.dma_semaphore, #tpu.memory_space<semaphore_mem>>)
      %dma_start3A_43 = arith.constant 1 : i32
      %dma_start3A_44 = arith.constant 0 : i32
      %dma_start3A_45 = tpu.memref_slice %arg6[%dma_start3A_43, %dma_start3A_44] : memref<20x128xi32, #tpu.memory_space<vmem>> -> memref<1x128xi32, #tpu.memory_space<vmem>>
      %dma_start3A_46 = tpu.memref_squeeze %dma_start3A_45 : memref<1x128xi32, #tpu.memory_space<vmem>> -> memref<128xi32, #tpu.memory_space<vmem>>
      %dma_start3A_47 = arith.constant 0 : i32
      %dma_start3A_48 = arith.constant 0 : i32
      %dma_start3A_49 = tpu.memref_slice %arg2[%dma_start3A_47, %dma_start3A_48] : memref<10000x128xf32, #tpu.memory_space<hbm>> -> memref<10000x128xf32, #tpu.memory_space<hbm>>
      tpu.enqueue_indirect_dma source(%dma_start3A_49 : memref<10000x128xf32, #tpu.memory_space<hbm>>) target(%arg9 : memref<128x128xf32, #tpu.memory_space<vmem>>) offsets(%dma_start3A_46 : memref<128xi32, #tpu.memory_space<vmem>>) semaphore(%arg12 : memref<!tpu.dma_semaphore, #tpu.memory_space<semaphore_mem>>)
      %dma_wait3A = arith.constant 0 : i32
      %dma_wait3A_50 = arith.constant 0 : i32
      %dma_wait3A_51 = tpu.memref_slice %arg6[%dma_wait3A, %dma_wait3A_50] : memref<20x128xi32, #tpu.memory_space<vmem>> -> memref<1x128xi32, #tpu.memory_space<vmem>>
      %dma_wait3A_52 = tpu.memref_squeeze %dma_wait3A_51 : memref<1x128xi32, #tpu.memory_space<vmem>> -> memref<128xi32, #tpu.memory_space<vmem>>
      %dma_wait3A_53 = arith.constant 0 : i32
      %dma_wait3A_54 = arith.constant 0 : i32
      %dma_wait3A_55 = tpu.memref_slice %arg2[%dma_wait3A_53, %dma_wait3A_54] : memref<10000x128xf32, #tpu.memory_space<hbm>> -> memref<10000x128xf32, #tpu.memory_space<hbm>>
      tpu.wait_indirect_dma semaphore(%arg11 : memref<!tpu.dma_semaphore, #tpu.memory_space<semaphore_mem>>) src(%dma_wait3A_55 : memref<10000x128xf32, #tpu.memory_space<hbm>>) dst(%arg8 : memref<128x128xf32, #tpu.memory_space<vmem>>)
      %mul3A_56 = arith.constant 20 : i32
      %mul3A_57 = arith.muli %scan3A_36, %mul3A_56 : i32
      %add3A_58 = arith.constant 0 : i32
      %add3A_59 = arith.addi %mul3A_57, %add3A_58 : i32
      %dma_start3A_60 = arith.constant 0 : i32
      %dma_start3A_61 = tpu.memref_slice %arg7[%add3A_59, %dma_start3A_60] : memref<80x128xi32, #tpu.memory_space<vmem>> -> memref<1x128xi32, #tpu.memory_space<vmem>>
      %dma_start3A_62 = tpu.memref_squeeze %dma_start3A_61 : memref<1x128xi32, #tpu.memory_space<vmem>> -> memref<128xi32, #tpu.memory_space<vmem>>
      %dma_start3A_63 = arith.constant 0 : i32
      %dma_start3A_64 = arith.constant 0 : i32
      %dma_start3A_65 = tpu.memref_slice %arg10[%dma_start3A_63, %dma_start3A_64] : memref<10240x128xf32, #tpu.memory_space<vmem_shared>> -> memref<10240x128xf32, #tpu.memory_space<vmem_shared>>
      tpu.enqueue_indirect_dma source(%arg8 : memref<128x128xf32, #tpu.memory_space<vmem>>) target(%dma_start3A_65 : memref<10240x128xf32, #tpu.memory_space<vmem_shared>>) offsets(%dma_start3A_62 : memref<128xi32, #tpu.memory_space<vmem>>) semaphore(%arg13 : memref<!tpu.dma_semaphore, #tpu.memory_space<semaphore_mem>>) {add = true}
      %dma_wait3A_66 = arith.constant 0 : i32
      %dma_wait3A_67 = tpu.memref_slice %arg7[%add3A_59, %dma_wait3A_66] : memref<80x128xi32, #tpu.memory_space<vmem>> -> memref<1x128xi32, #tpu.memory_space<vmem>>
      %dma_wait3A_68 = tpu.memref_squeeze %dma_wait3A_67 : memref<1x128xi32, #tpu.memory_space<vmem>> -> memref<128xi32, #tpu.memory_space<vmem>>
      %dma_wait3A_69 = arith.constant 0 : i32
      %dma_wait3A_70 = arith.constant 0 : i32
      %dma_wait3A_71 = tpu.memref_slice %arg10[%dma_wait3A_69, %dma_wait3A_70] : memref<10240x128xf32, #tpu.memory_space<vmem_shared>> -> memref<10240x128xf32, #tpu.memory_space<vmem_shared>>
      tpu.wait_indirect_dma semaphore(%arg13 : memref<!tpu.dma_semaphore, #tpu.memory_space<semaphore_mem>>) src(%arg8 : memref<128x128xf32, #tpu.memory_space<vmem>>) dst(%dma_wait3A_71 : memref<10240x128xf32, #tpu.memory_space<vmem_shared>>)
      %dma_start3A_72 = arith.constant 2 : i32
      %dma_start3A_73 = arith.constant 0 : i32
      %dma_start3A_74 = tpu.memref_slice %arg6[%dma_start3A_72, %dma_start3A_73] : memref<20x128xi32, #tpu.memory_space<vmem>> -> memref<1x128xi32, #tpu.memory_space<vmem>>
      %dma_start3A_75 = tpu.memref_squeeze %dma_start3A_74 : memref<1x128xi32, #tpu.memory_space<vmem>> -> memref<128xi32, #tpu.memory_space<vmem>>
      %dma_start3A_76 = arith.constant 0 : i32
      %dma_start3A_77 = arith.constant 0 : i32
      %dma_start3A_78 = tpu.memref_slice %arg2[%dma_start3A_76, %dma_start3A_77] : memref<10000x128xf32, #tpu.memory_space<hbm>> -> memref<10000x128xf32, #tpu.memory_space<hbm>>
      tpu.enqueue_indirect_dma source(%dma_start3A_78 : memref<10000x128xf32, #tpu.memory_space<hbm>>) target(%arg8 : memref<128x128xf32, #tpu.memory_space<vmem>>) offsets(%dma_start3A_75 : memref<128xi32, #tpu.memory_space<vmem>>) semaphore(%arg11 : memref<!tpu.dma_semaphore, #tpu.memory_space<semaphore_mem>>)
      %dma_wait3A_79 = arith.constant 1 : i32
      %dma_wait3A_80 = arith.constant 0 : i32
      %dma_wait3A_81 = tpu.memref_slice %arg6[%dma_wait3A_79, %dma_wait3A_80] : memref<20x128xi32, #tpu.memory_space<vmem>> -> memref<1x128xi32, #tpu.memory_space<vmem>>
      %dma_wait3A_82 = tpu.memref_squeeze %dma_wait3A_81 : memref<1x128xi32, #tpu.memory_space<vmem>> -> memref<128xi32, #tpu.memory_space<vmem>>
      %dma_wait3A_83 = arith.constant 0 : i32
      %dma_wait3A_84 = arith.constant 0 : i32
      %dma_wait3A_85 = tpu.memref_slice %arg2[%dma_wait3A_83, %dma_wait3A_84] : memref<10000x128xf32, #tpu.memory_space<hbm>> -> memref<10000x128xf32, #tpu.memory_space<hbm>>
      tpu.wait_indirect_dma semaphore(%arg12 : memref<!tpu.dma_semaphore, #tpu.memory_space<semaphore_mem>>) src(%dma_wait3A_85 : memref<10000x128xf32, #tpu.memory_space<hbm>>) dst(%arg9 : memref<128x128xf32, #tpu.memory_space<vmem>>)
      %mul3A_86 = arith.constant 20 : i32
      %mul3A_87 = arith.muli %scan3A_36, %mul3A_86 : i32
      %add3A_88 = arith.constant 1 : i32
      %add3A_89 = arith.addi %mul3A_87, %add3A_88 : i32
      %dma_start3A_90 = arith.constant 0 : i32
      %dma_start3A_91 = tpu.memref_slice %arg7[%add3A_89, %dma_start3A_90] : memref<80x128xi32, #tpu.memory_space<vmem>> -> memref<1x128xi32, #tpu.memory_space<vmem>>
      %dma_start3A_92 = tpu.memref_squeeze %dma_start3A_91 : memref<1x128xi32, #tpu.memory_space<vmem>> -> memref<128xi32, #tpu.memory_space<vmem>>
      %dma_start3A_93 = arith.constant 0 : i32
      %dma_start3A_94 = arith.constant 0 : i32
      %dma_start3A_95 = tpu.memref_slice %arg10[%dma_start3A_93, %dma_start3A_94] : memref<10240x128xf32, #tpu.memory_space<vmem_shared>> -> memref<10240x128xf32, #tpu.memory_space<vmem_shared>>
      tpu.enqueue_indirect_dma source(%arg9 : memref<128x128xf32, #tpu.memory_space<vmem>>) target(%dma_start3A_95 : memref<10240x128xf32, #tpu.memory_space<vmem_shared>>) offsets(%dma_start3A_92 : memref<128xi32, #tpu.memory_space<vmem>>) semaphore(%arg14 : memref<!tpu.dma_semaphore, #tpu.memory_space<semaphore_mem>>) {add = true}
      %dma_wait3A_96 = arith.constant 0 : i32
      %dma_wait3A_97 = tpu.memref_slice %arg7[%add3A_89, %dma_wait3A_96] : memref<80x128xi32, #tpu.memory_space<vmem>> -> memref<1x128xi32, #tpu.memory_space<vmem>>
      %dma_wait3A_98 = tpu.memref_squeeze %dma_wait3A_97 : memref<1x128xi32, #tpu.memory_space<vmem>> -> memref<128xi32, #tpu.memory_space<vmem>>
      %dma_wait3A_99 = arith.constant 0 : i32
      %dma_wait3A_100 = arith.constant 0 : i32
      %dma_wait3A_101 = tpu.memref_slice %arg10[%dma_wait3A_99, %dma_wait3A_100] : memref<10240x128xf32, #tpu.memory_space<vmem_shared>> -> memref<10240x128xf32, #tpu.memory_space<vmem_shared>>
      tpu.wait_indirect_dma semaphore(%arg14 : memref<!tpu.dma_semaphore, #tpu.memory_space<semaphore_mem>>) src(%arg9 : memref<128x128xf32, #tpu.memory_space<vmem>>) dst(%dma_wait3A_101 : memref<10240x128xf32, #tpu.memory_space<vmem_shared>>)
      %dma_start3A_102 = arith.constant 3 : i32
      %dma_start3A_103 = arith.constant 0 : i32
      %dma_start3A_104 = tpu.memref_slice %arg6[%dma_start3A_102, %dma_start3A_103] : memref<20x128xi32, #tpu.memory_space<vmem>> -> memref<1x128xi32, #tpu.memory_space<vmem>>
      %dma_start3A_105 = tpu.memref_squeeze %dma_start3A_104 : memref<1x128xi32, #tpu.memory_space<vmem>> -> memref<128xi32, #tpu.memory_space<vmem>>
      %dma_start3A_106 = arith.constant 0 : i32
      %dma_start3A_107 = arith.constant 0 : i32
      %dma_start3A_108 = tpu.memref_slice %arg2[%dma_start3A_106, %dma_start3A_107] : memref<10000x128xf32, #tpu.memory_space<hbm>> -> memref<10000x128xf32, #tpu.memory_space<hbm>>
      tpu.enqueue_indirect_dma source(%dma_start3A_108 : memref<10000x128xf32, #tpu.memory_space<hbm>>) target(%arg9 : memref<128x128xf32, #tpu.memory_space<vmem>>) offsets(%dma_start3A_105 : memref<128xi32, #tpu.memory_space<vmem>>) semaphore(%arg12 : memref<!tpu.dma_semaphore, #tpu.memory_space<semaphore_mem>>)
      %dma_wait3A_109 = arith.constant 2 : i32
      %dma_wait3A_110 = arith.constant 0 : i32
      %dma_wait3A_111 = tpu.memref_slice %arg6[%dma_wait3A_109, %dma_wait3A_110] : memref<20x128xi32, #tpu.memory_space<vmem>> -> memref<1x128xi32, #tpu.memory_space<vmem>>
      %dma_wait3A_112 = tpu.memref_squeeze %dma_wait3A_111 : memref<1x128xi32, #tpu.memory_space<vmem>> -> memref<128xi32, #tpu.memory_space<vmem>>
      %dma_wait3A_113 = arith.constant 0 : i32
      %dma_wait3A_114 = arith.constant 0 : i32
      %dma_wait3A_115 = tpu.memref_slice %arg2[%dma_wait3A_113, %dma_wait3A_114] : memref<10000x128xf32, #tpu.memory_space<hbm>> -> memref<10000x128xf32, #tpu.memory_space<hbm>>
      tpu.wait_indirect_dma semaphore(%arg11 : memref<!tpu.dma_semaphore, #tpu.memory_space<semaphore_mem>>) src(%dma_wait3A_115 : memref<10000x128xf32, #tpu.memory_space<hbm>>) dst(%arg8 : memref<128x128xf32, #tpu.memory_space<vmem>>)
      %mul3A_116 = arith.constant 20 : i32
      %mul3A_117 = arith.muli %scan3A_36, %mul3A_116 : i32
      %add3A_118 = arith.constant 2 : i32
      %add3A_119 = arith.addi %mul3A_117, %add3A_118 : i32
      %dma_start3A_120 = arith.constant 0 : i32
      %dma_start3A_121 = tpu.memref_slice %arg7[%add3A_119, %dma_start3A_120] : memref<80x128xi32, #tpu.memory_space<vmem>> -> memref<1x128xi32, #tpu.memory_space<vmem>>
      %dma_start3A_122 = tpu.memref_squeeze %dma_start3A_121 : memref<1x128xi32, #tpu.memory_space<vmem>> -> memref<128xi32, #tpu.memory_space<vmem>>
      %dma_start3A_123 = arith.constant 0 : i32
      %dma_start3A_124 = arith.constant 0 : i32
      %dma_start3A_125 = tpu.memref_slice %arg10[%dma_start3A_123, %dma_start3A_124] : memref<10240x128xf32, #tpu.memory_space<vmem_shared>> -> memref<10240x128xf32, #tpu.memory_space<vmem_shared>>
      tpu.enqueue_indirect_dma source(%arg8 : memref<128x128xf32, #tpu.memory_space<vmem>>) target(%dma_start3A_125 : memref<10240x128xf32, #tpu.memory_space<vmem_shared>>) offsets(%dma_start3A_122 : memref<128xi32, #tpu.memory_space<vmem>>) semaphore(%arg13 : memref<!tpu.dma_semaphore, #tpu.memory_space<semaphore_mem>>) {add = true}
      %dma_wait3A_126 = arith.constant 0 : i32
      %dma_wait3A_127 = tpu.memref_slice %arg7[%add3A_119, %dma_wait3A_126] : memref<80x128xi32, #tpu.memory_space<vmem>> -> memref<1x128xi32, #tpu.memory_space<vmem>>
      %dma_wait3A_128 = tpu.memref_squeeze %dma_wait3A_127 : memref<1x128xi32, #tpu.memory_space<vmem>> -> memref<128xi32, #tpu.memory_space<vmem>>
      %dma_wait3A_129 = arith.constant 0 : i32
      %dma_wait3A_130 = arith.constant 0 : i32
      %dma_wait3A_131 = tpu.memref_slice %arg10[%dma_wait3A_129, %dma_wait3A_130] : memref<10240x128xf32, #tpu.memory_space<vmem_shared>> -> memref<10240x128xf32, #tpu.memory_space<vmem_shared>>
      tpu.wait_indirect_dma semaphore(%arg13 : memref<!tpu.dma_semaphore, #tpu.memory_space<semaphore_mem>>) src(%arg8 : memref<128x128xf32, #tpu.memory_space<vmem>>) dst(%dma_wait3A_131 : memref<10240x128xf32, #tpu.memory_space<vmem_shared>>)
      %dma_start3A_132 = arith.constant 4 : i32
      %dma_start3A_133 = arith.constant 0 : i32
      %dma_start3A_134 = tpu.memref_slice %arg6[%dma_start3A_132, %dma_start3A_133] : memref<20x128xi32, #tpu.memory_space<vmem>> -> memref<1x128xi32, #tpu.memory_space<vmem>>
      %dma_start3A_135 = tpu.memref_squeeze %dma_start3A_134 : memref<1x128xi32, #tpu.memory_space<vmem>> -> memref<128xi32, #tpu.memory_space<vmem>>
      %dma_start3A_136 = arith.constant 0 : i32
      %dma_start3A_137 = arith.constant 0 : i32
      %dma_start3A_138 = tpu.memref_slice %arg2[%dma_start3A_136, %dma_start3A_137] : memref<10000x128xf32, #tpu.memory_space<hbm>> -> memref<10000x128xf32, #tpu.memory_space<hbm>>
      tpu.enqueue_indirect_dma source(%dma_start3A_138 : memref<10000x128xf32, #tpu.memory_space<hbm>>) target(%arg8 : memref<128x128xf32, #tpu.memory_space<vmem>>) offsets(%dma_start3A_135 : memref<128xi32, #tpu.memory_space<vmem>>) semaphore(%arg11 : memref<!tpu.dma_semaphore, #tpu.memory_space<semaphore_mem>>)
      %dma_wait3A_139 = arith.constant 3 : i32
      %dma_wait3A_140 = arith.constant 0 : i32
      %dma_wait3A_141 = tpu.memref_slice %arg6[%dma_wait3A_139, %dma_wait3A_140] : memref<20x128xi32, #tpu.memory_space<vmem>> -> memref<1x128xi32, #tpu.memory_space<vmem>>
      %dma_wait3A_142 = tpu.memref_squeeze %dma_wait3A_141 : memref<1x128xi32, #tpu.memory_space<vmem>> -> memref<128xi32, #tpu.memory_space<vmem>>
      %dma_wait3A_143 = arith.constant 0 : i32
      %dma_wait3A_144 = arith.constant 0 : i32
      %dma_wait3A_145 = tpu.memref_slice %arg2[%dma_wait3A_143, %dma_wait3A_144] : memref<10000x128xf32, #tpu.memory_space<hbm>> -> memref<10000x128xf32, #tpu.memory_space<hbm>>
      tpu.wait_indirect_dma semaphore(%arg12 : memref<!tpu.dma_semaphore, #tpu.memory_space<semaphore_mem>>) src(%dma_wait3A_145 : memref<10000x128xf32, #tpu.memory_space<hbm>>) dst(%arg9 : memref<128x128xf32, #tpu.memory_space<vmem>>)
      %mul3A_146 = arith.constant 20 : i32
      %mul3A_147 = arith.muli %scan3A_36, %mul3A_146 : i32
      %add3A_148 = arith.constant 3 : i32
      %add3A_149 = arith.addi %mul3A_147, %add3A_148 : i32
      %dma_start3A_150 = arith.constant 0 : i32
      %dma_start3A_151 = tpu.memref_slice %arg7[%add3A_149, %dma_start3A_150] : memref<80x128xi32, #tpu.memory_space<vmem>> -> memref<1x128xi32, #tpu.memory_space<vmem>>
      %dma_start3A_152 = tpu.memref_squeeze %dma_start3A_151 : memref<1x128xi32, #tpu.memory_space<vmem>> -> memref<128xi32, #tpu.memory_space<vmem>>
      %dma_start3A_153 = arith.constant 0 : i32
      %dma_start3A_154 = arith.constant 0 : i32
      %dma_start3A_155 = tpu.memref_slice %arg10[%dma_start3A_153, %dma_start3A_154] : memref<10240x128xf32, #tpu.memory_space<vmem_shared>> -> memref<10240x128xf32, #tpu.memory_space<vmem_shared>>
      tpu.enqueue_indirect_dma source(%arg9 : memref<128x128xf32, #tpu.memory_space<vmem>>) target(%dma_start3A_155 : memref<10240x128xf32, #tpu.memory_space<vmem_shared>>) offsets(%dma_start3A_152 : memref<128xi32, #tpu.memory_space<vmem>>) semaphore(%arg14 : memref<!tpu.dma_semaphore, #tpu.memory_space<semaphore_mem>>) {add = true}
      %dma_wait3A_156 = arith.constant 0 : i32
      %dma_wait3A_157 = tpu.memref_slice %arg7[%add3A_149, %dma_wait3A_156] : memref<80x128xi32, #tpu.memory_space<vmem>> -> memref<1x128xi32, #tpu.memory_space<vmem>>
      %dma_wait3A_158 = tpu.memref_squeeze %dma_wait3A_157 : memref<1x128xi32, #tpu.memory_space<vmem>> -> memref<128xi32, #tpu.memory_space<vmem>>
      %dma_wait3A_159 = arith.constant 0 : i32
      %dma_wait3A_160 = arith.constant 0 : i32
      %dma_wait3A_161 = tpu.memref_slice %arg10[%dma_wait3A_159, %dma_wait3A_160] : memref<10240x128xf32, #tpu.memory_space<vmem_shared>> -> memref<10240x128xf32, #tpu.memory_space<vmem_shared>>
      tpu.wait_indirect_dma semaphore(%arg14 : memref<!tpu.dma_semaphore, #tpu.memory_space<semaphore_mem>>) src(%arg9 : memref<128x128xf32, #tpu.memory_space<vmem>>) dst(%dma_wait3A_161 : memref<10240x128xf32, #tpu.memory_space<vmem_shared>>)
      %dma_start3A_162 = arith.constant 5 : i32
      %dma_start3A_163 = arith.constant 0 : i32
      %dma_start3A_164 = tpu.memref_slice %arg6[%dma_start3A_162, %dma_start3A_163] : memref<20x128xi32, #tpu.memory_space<vmem>> -> memref<1x128xi32, #tpu.memory_space<vmem>>
      %dma_start3A_165 = tpu.memref_squeeze %dma_start3A_164 : memref<1x128xi32, #tpu.memory_space<vmem>> -> memref<128xi32, #tpu.memory_space<vmem>>
      %dma_start3A_166 = arith.constant 0 : i32
      %dma_start3A_167 = arith.constant 0 : i32
      %dma_start3A_168 = tpu.memref_slice %arg2[%dma_start3A_166, %dma_start3A_167] : memref<10000x128xf32, #tpu.memory_space<hbm>> -> memref<10000x128xf32, #tpu.memory_space<hbm>>
      tpu.enqueue_indirect_dma source(%dma_start3A_168 : memref<10000x128xf32, #tpu.memory_space<hbm>>) target(%arg9 : memref<128x128xf32, #tpu.memory_space<vmem>>) offsets(%dma_start3A_165 : memref<128xi32, #tpu.memory_space<vmem>>) semaphore(%arg12 : memref<!tpu.dma_semaphore, #tpu.memory_space<semaphore_mem>>)
      %dma_wait3A_169 = arith.constant 4 : i32
      %dma_wait3A_170 = arith.constant 0 : i32
      %dma_wait3A_171 = tpu.memref_slice %arg6[%dma_wait3A_169, %dma_wait3A_170] : memref<20x128xi32, #tpu.memory_space<vmem>> -> memref<1x128xi32, #tpu.memory_space<vmem>>
      %dma_wait3A_172 = tpu.memref_squeeze %dma_wait3A_171 : memref<1x128xi32, #tpu.memory_space<vmem>> -> memref<128xi32, #tpu.memory_space<vmem>>
      %dma_wait3A_173 = arith.constant 0 : i32
      %dma_wait3A_174 = arith.constant 0 : i32
      %dma_wait3A_175 = tpu.memref_slice %arg2[%dma_wait3A_173, %dma_wait3A_174] : memref<10000x128xf32, #tpu.memory_space<hbm>> -> memref<10000x128xf32, #tpu.memory_space<hbm>>
      tpu.wait_indirect_dma semaphore(%arg11 : memref<!tpu.dma_semaphore, #tpu.memory_space<semaphore_mem>>) src(%dma_wait3A_175 : memref<10000x128xf32, #tpu.memory_space<hbm>>) dst(%arg8 : memref<128x128xf32, #tpu.memory_space<vmem>>)
      %mul3A_176 = arith.constant 20 : i32
      %mul3A_177 = arith.muli %scan3A_36, %mul3A_176 : i32
      %add3A_178 = arith.constant 4 : i32
      %add3A_179 = arith.addi %mul3A_177, %add3A_178 : i32
      %dma_start3A_180 = arith.constant 0 : i32
      %dma_start3A_181 = tpu.memref_slice %arg7[%add3A_179, %dma_start3A_180] : memref<80x128xi32, #tpu.memory_space<vmem>> -> memref<1x128xi32, #tpu.memory_space<vmem>>
      %dma_start3A_182 = tpu.memref_squeeze %dma_start3A_181 : memref<1x128xi32, #tpu.memory_space<vmem>> -> memref<128xi32, #tpu.memory_space<vmem>>
      %dma_start3A_183 = arith.constant 0 : i32
      %dma_start3A_184 = arith.constant 0 : i32
      %dma_start3A_185 = tpu.memref_slice %arg10[%dma_start3A_183, %dma_start3A_184] : memref<10240x128xf32, #tpu.memory_space<vmem_shared>> -> memref<10240x128xf32, #tpu.memory_space<vmem_shared>>
      tpu.enqueue_indirect_dma source(%arg8 : memref<128x128xf32, #tpu.memory_space<vmem>>) target(%dma_start3A_185 : memref<10240x128xf32, #tpu.memory_space<vmem_shared>>) offsets(%dma_start3A_182 : memref<128xi32, #tpu.memory_space<vmem>>) semaphore(%arg13 : memref<!tpu.dma_semaphore, #tpu.memory_space<semaphore_mem>>) {add = true}
      %dma_wait3A_186 = arith.constant 0 : i32
      %dma_wait3A_187 = tpu.memref_slice %arg7[%add3A_179, %dma_wait3A_186] : memref<80x128xi32, #tpu.memory_space<vmem>> -> memref<1x128xi32, #tpu.memory_space<vmem>>
      %dma_wait3A_188 = tpu.memref_squeeze %dma_wait3A_187 : memref<1x128xi32, #tpu.memory_space<vmem>> -> memref<128xi32, #tpu.memory_space<vmem>>
      %dma_wait3A_189 = arith.constant 0 : i32
      %dma_wait3A_190 = arith.constant 0 : i32
      %dma_wait3A_191 = tpu.memref_slice %arg10[%dma_wait3A_189, %dma_wait3A_190] : memref<10240x128xf32, #tpu.memory_space<vmem_shared>> -> memref<10240x128xf32, #tpu.memory_space<vmem_shared>>
      tpu.wait_indirect_dma semaphore(%arg13 : memref<!tpu.dma_semaphore, #tpu.memory_space<semaphore_mem>>) src(%arg8 : memref<128x128xf32, #tpu.memory_space<vmem>>) dst(%dma_wait3A_191 : memref<10240x128xf32, #tpu.memory_space<vmem_shared>>)
      %dma_start3A_192 = arith.constant 6 : i32
      %dma_start3A_193 = arith.constant 0 : i32
      %dma_start3A_194 = tpu.memref_slice %arg6[%dma_start3A_192, %dma_start3A_193] : memref<20x128xi32, #tpu.memory_space<vmem>> -> memref<1x128xi32, #tpu.memory_space<vmem>>
      %dma_start3A_195 = tpu.memref_squeeze %dma_start3A_194 : memref<1x128xi32, #tpu.memory_space<vmem>> -> memref<128xi32, #tpu.memory_space<vmem>>
      %dma_start3A_196 = arith.constant 0 : i32
      %dma_start3A_197 = arith.constant 0 : i32
      %dma_start3A_198 = tpu.memref_slice %arg2[%dma_start3A_196, %dma_start3A_197] : memref<10000x128xf32, #tpu.memory_space<hbm>> -> memref<10000x128xf32, #tpu.memory_space<hbm>>
      tpu.enqueue_indirect_dma source(%dma_start3A_198 : memref<10000x128xf32, #tpu.memory_space<hbm>>) target(%arg8 : memref<128x128xf32, #tpu.memory_space<vmem>>) offsets(%dma_start3A_195 : memref<128xi32, #tpu.memory_space<vmem>>) semaphore(%arg11 : memref<!tpu.dma_semaphore, #tpu.memory_space<semaphore_mem>>)
      %dma_wait3A_199 = arith.constant 5 : i32
      %dma_wait3A_200 = arith.constant 0 : i32
      %dma_wait3A_201 = tpu.memref_slice %arg6[%dma_wait3A_199, %dma_wait3A_200] : memref<20x128xi32, #tpu.memory_space<vmem>> -> memref<1x128xi32, #tpu.memory_space<vmem>>
      %dma_wait3A_202 = tpu.memref_squeeze %dma_wait3A_201 : memref<1x128xi32, #tpu.memory_space<vmem>> -> memref<128xi32, #tpu.memory_space<vmem>>
      %dma_wait3A_203 = arith.constant 0 : i32
      %dma_wait3A_204 = arith.constant 0 : i32
      %dma_wait3A_205 = tpu.memref_slice %arg2[%dma_wait3A_203, %dma_wait3A_204] : memref<10000x128xf32, #tpu.memory_space<hbm>> -> memref<10000x128xf32, #tpu.memory_space<hbm>>
      tpu.wait_indirect_dma semaphore(%arg12 : memref<!tpu.dma_semaphore, #tpu.memory_space<semaphore_mem>>) src(%dma_wait3A_205 : memref<10000x128xf32, #tpu.memory_space<hbm>>) dst(%arg9 : memref<128x128xf32, #tpu.memory_space<vmem>>)
      %mul3A_206 = arith.constant 20 : i32
      %mul3A_207 = arith.muli %scan3A_36, %mul3A_206 : i32
      %add3A_208 = arith.constant 5 : i32
      %add3A_209 = arith.addi %mul3A_207, %add3A_208 : i32
      %dma_start3A_210 = arith.constant 0 : i32
      %dma_start3A_211 = tpu.memref_slice %arg7[%add3A_209, %dma_start3A_210] : memref<80x128xi32, #tpu.memory_space<vmem>> -> memref<1x128xi32, #tpu.memory_space<vmem>>
      %dma_start3A_212 = tpu.memref_squeeze %dma_start3A_211 : memref<1x128xi32, #tpu.memory_space<vmem>> -> memref<128xi32, #tpu.memory_space<vmem>>
      %dma_start3A_213 = arith.constant 0 : i32
      %dma_start3A_214 = arith.constant 0 : i32
      %dma_start3A_215 = tpu.memref_slice %arg10[%dma_start3A_213, %dma_start3A_214] : memref<10240x128xf32, #tpu.memory_space<vmem_shared>> -> memref<10240x128xf32, #tpu.memory_space<vmem_shared>>
      tpu.enqueue_indirect_dma source(%arg9 : memref<128x128xf32, #tpu.memory_space<vmem>>) target(%dma_start3A_215 : memref<10240x128xf32, #tpu.memory_space<vmem_shared>>) offsets(%dma_start3A_212 : memref<128xi32, #tpu.memory_space<vmem>>) semaphore(%arg14 : memref<!tpu.dma_semaphore, #tpu.memory_space<semaphore_mem>>) {add = true}
      %dma_wait3A_216 = arith.constant 0 : i32
      %dma_wait3A_217 = tpu.memref_slice %arg7[%add3A_209, %dma_wait3A_216] : memref<80x128xi32, #tpu.memory_space<vmem>> -> memref<1x128xi32, #tpu.memory_space<vmem>>
      %dma_wait3A_218 = tpu.memref_squeeze %dma_wait3A_217 : memref<1x128xi32, #tpu.memory_space<vmem>> -> memref<128xi32, #tpu.memory_space<vmem>>
      %dma_wait3A_219 = arith.constant 0 : i32
      %dma_wait3A_220 = arith.constant 0 : i32
      %dma_wait3A_221 = tpu.memref_slice %arg10[%dma_wait3A_219, %dma_wait3A_220] : memref<10240x128xf32, #tpu.memory_space<vmem_shared>> -> memref<10240x128xf32, #tpu.memory_space<vmem_shared>>
      tpu.wait_indirect_dma semaphore(%arg14 : memref<!tpu.dma_semaphore, #tpu.memory_space<semaphore_mem>>) src(%arg9 : memref<128x128xf32, #tpu.memory_space<vmem>>) dst(%dma_wait3A_221 : memref<10240x128xf32, #tpu.memory_space<vmem_shared>>)
      %dma_start3A_222 = arith.constant 7 : i32
      %dma_start3A_223 = arith.constant 0 : i32
      %dma_start3A_224 = tpu.memref_slice %arg6[%dma_start3A_222, %dma_start3A_223] : memref<20x128xi32, #tpu.memory_space<vmem>> -> memref<1x128xi32, #tpu.memory_space<vmem>>
      %dma_start3A_225 = tpu.memref_squeeze %dma_start3A_224 : memref<1x128xi32, #tpu.memory_space<vmem>> -> memref<128xi32, #tpu.memory_space<vmem>>
      %dma_start3A_226 = arith.constant 0 : i32
      %dma_start3A_227 = arith.constant 0 : i32
      %dma_start3A_228 = tpu.memref_slice %arg2[%dma_start3A_226, %dma_start3A_227] : memref<10000x128xf32, #tpu.memory_space<hbm>> -> memref<10000x128xf32, #tpu.memory_space<hbm>>
      tpu.enqueue_indirect_dma source(%dma_start3A_228 : memref<10000x128xf32, #tpu.memory_space<hbm>>) target(%arg9 : memref<128x128xf32, #tpu.memory_space<vmem>>) offsets(%dma_start3A_225 : memref<128xi32, #tpu.memory_space<vmem>>) semaphore(%arg12 : memref<!tpu.dma_semaphore, #tpu.memory_space<semaphore_mem>>)
      %dma_wait3A_229 = arith.constant 6 : i32
      %dma_wait3A_230 = arith.constant 0 : i32
      %dma_wait3A_231 = tpu.memref_slice %arg6[%dma_wait3A_229, %dma_wait3A_230] : memref<20x128xi32, #tpu.memory_space<vmem>> -> memref<1x128xi32, #tpu.memory_space<vmem>>
      %dma_wait3A_232 = tpu.memref_squeeze %dma_wait3A_231 : memref<1x128xi32, #tpu.memory_space<vmem>> -> memref<128xi32, #tpu.memory_space<vmem>>
      %dma_wait3A_233 = arith.constant 0 : i32
      %dma_wait3A_234 = arith.constant 0 : i32
      %dma_wait3A_235 = tpu.memref_slice %arg2[%dma_wait3A_233, %dma_wait3A_234] : memref<10000x128xf32, #tpu.memory_space<hbm>> -> memref<10000x128xf32, #tpu.memory_space<hbm>>
      tpu.wait_indirect_dma semaphore(%arg11 : memref<!tpu.dma_semaphore, #tpu.memory_space<semaphore_mem>>) src(%dma_wait3A_235 : memref<10000x128xf32, #tpu.memory_space<hbm>>) dst(%arg8 : memref<128x128xf32, #tpu.memory_space<vmem>>)
      %mul3A_236 = arith.constant 20 : i32
      %mul3A_237 = arith.muli %scan3A_36, %mul3A_236 : i32
      %add3A_238 = arith.constant 6 : i32
      %add3A_239 = arith.addi %mul3A_237, %add3A_238 : i32
      %dma_start3A_240 = arith.constant 0 : i32
      %dma_start3A_241 = tpu.memref_slice %arg7[%add3A_239, %dma_start3A_240] : memref<80x128xi32, #tpu.memory_space<vmem>> -> memref<1x128xi32, #tpu.memory_space<vmem>>
      %dma_start3A_242 = tpu.memref_squeeze %dma_start3A_241 : memref<1x128xi32, #tpu.memory_space<vmem>> -> memref<128xi32, #tpu.memory_space<vmem>>
      %dma_start3A_243 = arith.constant 0 : i32
      %dma_start3A_244 = arith.constant 0 : i32
      %dma_start3A_245 = tpu.memref_slice %arg10[%dma_start3A_243, %dma_start3A_244] : memref<10240x128xf32, #tpu.memory_space<vmem_shared>> -> memref<10240x128xf32, #tpu.memory_space<vmem_shared>>
      tpu.enqueue_indirect_dma source(%arg8 : memref<128x128xf32, #tpu.memory_space<vmem>>) target(%dma_start3A_245 : memref<10240x128xf32, #tpu.memory_space<vmem_shared>>) offsets(%dma_start3A_242 : memref<128xi32, #tpu.memory_space<vmem>>) semaphore(%arg13 : memref<!tpu.dma_semaphore, #tpu.memory_space<semaphore_mem>>) {add = true}
      %dma_wait3A_246 = arith.constant 0 : i32
      %dma_wait3A_247 = tpu.memref_slice %arg7[%add3A_239, %dma_wait3A_246] : memref<80x128xi32, #tpu.memory_space<vmem>> -> memref<1x128xi32, #tpu.memory_space<vmem>>
      %dma_wait3A_248 = tpu.memref_squeeze %dma_wait3A_247 : memref<1x128xi32, #tpu.memory_space<vmem>> -> memref<128xi32, #tpu.memory_space<vmem>>
      %dma_wait3A_249 = arith.constant 0 : i32
      %dma_wait3A_250 = arith.constant 0 : i32
      %dma_wait3A_251 = tpu.memref_slice %arg10[%dma_wait3A_249, %dma_wait3A_250] : memref<10240x128xf32, #tpu.memory_space<vmem_shared>> -> memref<10240x128xf32, #tpu.memory_space<vmem_shared>>
      tpu.wait_indirect_dma semaphore(%arg13 : memref<!tpu.dma_semaphore, #tpu.memory_space<semaphore_mem>>) src(%arg8 : memref<128x128xf32, #tpu.memory_space<vmem>>) dst(%dma_wait3A_251 : memref<10240x128xf32, #tpu.memory_space<vmem_shared>>)
      %dma_start3A_252 = arith.constant 8 : i32
      %dma_start3A_253 = arith.constant 0 : i32
      %dma_start3A_254 = tpu.memref_slice %arg6[%dma_start3A_252, %dma_start3A_253] : memref<20x128xi32, #tpu.memory_space<vmem>> -> memref<1x128xi32, #tpu.memory_space<vmem>>
      %dma_start3A_255 = tpu.memref_squeeze %dma_start3A_254 : memref<1x128xi32, #tpu.memory_space<vmem>> -> memref<128xi32, #tpu.memory_space<vmem>>
      %dma_start3A_256 = arith.constant 0 : i32
      %dma_start3A_257 = arith.constant 0 : i32
      %dma_start3A_258 = tpu.memref_slice %arg2[%dma_start3A_256, %dma_start3A_257] : memref<10000x128xf32, #tpu.memory_space<hbm>> -> memref<10000x128xf32, #tpu.memory_space<hbm>>
      tpu.enqueue_indirect_dma source(%dma_start3A_258 : memref<10000x128xf32, #tpu.memory_space<hbm>>) target(%arg8 : memref<128x128xf32, #tpu.memory_space<vmem>>) offsets(%dma_start3A_255 : memref<128xi32, #tpu.memory_space<vmem>>) semaphore(%arg11 : memref<!tpu.dma_semaphore, #tpu.memory_space<semaphore_mem>>)
      %dma_wait3A_259 = arith.constant 7 : i32
      %dma_wait3A_260 = arith.constant 0 : i32
      %dma_wait3A_261 = tpu.memref_slice %arg6[%dma_wait3A_259, %dma_wait3A_260] : memref<20x128xi32, #tpu.memory_space<vmem>> -> memref<1x128xi32, #tpu.memory_space<vmem>>
      %dma_wait3A_262 = tpu.memref_squeeze %dma_wait3A_261 : memref<1x128xi32, #tpu.memory_space<vmem>> -> memref<128xi32, #tpu.memory_space<vmem>>
      %dma_wait3A_263 = arith.constant 0 : i32
      %dma_wait3A_264 = arith.constant 0 : i32
      %dma_wait3A_265 = tpu.memref_slice %arg2[%dma_wait3A_263, %dma_wait3A_264] : memref<10000x128xf32, #tpu.memory_space<hbm>> -> memref<10000x128xf32, #tpu.memory_space<hbm>>
      tpu.wait_indirect_dma semaphore(%arg12 : memref<!tpu.dma_semaphore, #tpu.memory_space<semaphore_mem>>) src(%dma_wait3A_265 : memref<10000x128xf32, #tpu.memory_space<hbm>>) dst(%arg9 : memref<128x128xf32, #tpu.memory_space<vmem>>)
      %mul3A_266 = arith.constant 20 : i32
      %mul3A_267 = arith.muli %scan3A_36, %mul3A_266 : i32
      %add3A_268 = arith.constant 7 : i32
      %add3A_269 = arith.addi %mul3A_267, %add3A_268 : i32
      %dma_start3A_270 = arith.constant 0 : i32
      %dma_start3A_271 = tpu.memref_slice %arg7[%add3A_269, %dma_start3A_270] : memref<80x128xi32, #tpu.memory_space<vmem>> -> memref<1x128xi32, #tpu.memory_space<vmem>>
      %dma_start3A_272 = tpu.memref_squeeze %dma_start3A_271 : memref<1x128xi32, #tpu.memory_space<vmem>> -> memref<128xi32, #tpu.memory_space<vmem>>
      %dma_start3A_273 = arith.constant 0 : i32
      %dma_start3A_274 = arith.constant 0 : i32
      %dma_start3A_275 = tpu.memref_slice %arg10[%dma_start3A_273, %dma_start3A_274] : memref<10240x128xf32, #tpu.memory_space<vmem_shared>> -> memref<10240x128xf32, #tpu.memory_space<vmem_shared>>
      tpu.enqueue_indirect_dma source(%arg9 : memref<128x128xf32, #tpu.memory_space<vmem>>) target(%dma_start3A_275 : memref<10240x128xf32, #tpu.memory_space<vmem_shared>>) offsets(%dma_start3A_272 : memref<128xi32, #tpu.memory_space<vmem>>) semaphore(%arg14 : memref<!tpu.dma_semaphore, #tpu.memory_space<semaphore_mem>>) {add = true}
      %dma_wait3A_276 = arith.constant 0 : i32
      %dma_wait3A_277 = tpu.memref_slice %arg7[%add3A_269, %dma_wait3A_276] : memref<80x128xi32, #tpu.memory_space<vmem>> -> memref<1x128xi32, #tpu.memory_space<vmem>>
      %dma_wait3A_278 = tpu.memref_squeeze %dma_wait3A_277 : memref<1x128xi32, #tpu.memory_space<vmem>> -> memref<128xi32, #tpu.memory_space<vmem>>
      %dma_wait3A_279 = arith.constant 0 : i32
      %dma_wait3A_280 = arith.constant 0 : i32
      %dma_wait3A_281 = tpu.memref_slice %arg10[%dma_wait3A_279, %dma_wait3A_280] : memref<10240x128xf32, #tpu.memory_space<vmem_shared>> -> memref<10240x128xf32, #tpu.memory_space<vmem_shared>>
      tpu.wait_indirect_dma semaphore(%arg14 : memref<!tpu.dma_semaphore, #tpu.memory_space<semaphore_mem>>) src(%arg9 : memref<128x128xf32, #tpu.memory_space<vmem>>) dst(%dma_wait3A_281 : memref<10240x128xf32, #tpu.memory_space<vmem_shared>>)
      %dma_start3A_282 = arith.constant 9 : i32
      %dma_start3A_283 = arith.constant 0 : i32
      %dma_start3A_284 = tpu.memref_slice %arg6[%dma_start3A_282, %dma_start3A_283] : memref<20x128xi32, #tpu.memory_space<vmem>> -> memref<1x128xi32, #tpu.memory_space<vmem>>
      %dma_start3A_285 = tpu.memref_squeeze %dma_start3A_284 : memref<1x128xi32, #tpu.memory_space<vmem>> -> memref<128xi32, #tpu.memory_space<vmem>>
      %dma_start3A_286 = arith.constant 0 : i32
      %dma_start3A_287 = arith.constant 0 : i32
      %dma_start3A_288 = tpu.memref_slice %arg2[%dma_start3A_286, %dma_start3A_287] : memref<10000x128xf32, #tpu.memory_space<hbm>> -> memref<10000x128xf32, #tpu.memory_space<hbm>>
      tpu.enqueue_indirect_dma source(%dma_start3A_288 : memref<10000x128xf32, #tpu.memory_space<hbm>>) target(%arg9 : memref<128x128xf32, #tpu.memory_space<vmem>>) offsets(%dma_start3A_285 : memref<128xi32, #tpu.memory_space<vmem>>) semaphore(%arg12 : memref<!tpu.dma_semaphore, #tpu.memory_space<semaphore_mem>>)
      %dma_wait3A_289 = arith.constant 8 : i32
      %dma_wait3A_290 = arith.constant 0 : i32
      %dma_wait3A_291 = tpu.memref_slice %arg6[%dma_wait3A_289, %dma_wait3A_290] : memref<20x128xi32, #tpu.memory_space<vmem>> -> memref<1x128xi32, #tpu.memory_space<vmem>>
      %dma_wait3A_292 = tpu.memref_squeeze %dma_wait3A_291 : memref<1x128xi32, #tpu.memory_space<vmem>> -> memref<128xi32, #tpu.memory_space<vmem>>
      %dma_wait3A_293 = arith.constant 0 : i32
      %dma_wait3A_294 = arith.constant 0 : i32
      %dma_wait3A_295 = tpu.memref_slice %arg2[%dma_wait3A_293, %dma_wait3A_294] : memref<10000x128xf32, #tpu.memory_space<hbm>> -> memref<10000x128xf32, #tpu.memory_space<hbm>>
      tpu.wait_indirect_dma semaphore(%arg11 : memref<!tpu.dma_semaphore, #tpu.memory_space<semaphore_mem>>) src(%dma_wait3A_295 : memref<10000x128xf32, #tpu.memory_space<hbm>>) dst(%arg8 : memref<128x128xf32, #tpu.memory_space<vmem>>)
      %mul3A_296 = arith.constant 20 : i32
      %mul3A_297 = arith.muli %scan3A_36, %mul3A_296 : i32
      %add3A_298 = arith.constant 8 : i32
      %add3A_299 = arith.addi %mul3A_297, %add3A_298 : i32
      %dma_start3A_300 = arith.constant 0 : i32
      %dma_start3A_301 = tpu.memref_slice %arg7[%add3A_299, %dma_start3A_300] : memref<80x128xi32, #tpu.memory_space<vmem>> -> memref<1x128xi32, #tpu.memory_space<vmem>>
      %dma_start3A_302 = tpu.memref_squeeze %dma_start3A_301 : memref<1x128xi32, #tpu.memory_space<vmem>> -> memref<128xi32, #tpu.memory_space<vmem>>
      %dma_start3A_303 = arith.constant 0 : i32
      %dma_start3A_304 = arith.constant 0 : i32
      %dma_start3A_305 = tpu.memref_slice %arg10[%dma_start3A_303, %dma_start3A_304] : memref<10240x128xf32, #tpu.memory_space<vmem_shared>> -> memref<10240x128xf32, #tpu.memory_space<vmem_shared>>
      tpu.enqueue_indirect_dma source(%arg8 : memref<128x128xf32, #tpu.memory_space<vmem>>) target(%dma_start3A_305 : memref<10240x128xf32, #tpu.memory_space<vmem_shared>>) offsets(%dma_start3A_302 : memref<128xi32, #tpu.memory_space<vmem>>) semaphore(%arg13 : memref<!tpu.dma_semaphore, #tpu.memory_space<semaphore_mem>>) {add = true}
      %dma_wait3A_306 = arith.constant 0 : i32
      %dma_wait3A_307 = tpu.memref_slice %arg7[%add3A_299, %dma_wait3A_306] : memref<80x128xi32, #tpu.memory_space<vmem>> -> memref<1x128xi32, #tpu.memory_space<vmem>>
      %dma_wait3A_308 = tpu.memref_squeeze %dma_wait3A_307 : memref<1x128xi32, #tpu.memory_space<vmem>> -> memref<128xi32, #tpu.memory_space<vmem>>
      %dma_wait3A_309 = arith.constant 0 : i32
      %dma_wait3A_310 = arith.constant 0 : i32
      %dma_wait3A_311 = tpu.memref_slice %arg10[%dma_wait3A_309, %dma_wait3A_310] : memref<10240x128xf32, #tpu.memory_space<vmem_shared>> -> memref<10240x128xf32, #tpu.memory_space<vmem_shared>>
      tpu.wait_indirect_dma semaphore(%arg13 : memref<!tpu.dma_semaphore, #tpu.memory_space<semaphore_mem>>) src(%arg8 : memref<128x128xf32, #tpu.memory_space<vmem>>) dst(%dma_wait3A_311 : memref<10240x128xf32, #tpu.memory_space<vmem_shared>>)
      %dma_start3A_312 = arith.constant 10 : i32
      %dma_start3A_313 = arith.constant 0 : i32
      %dma_start3A_314 = tpu.memref_slice %arg6[%dma_start3A_312, %dma_start3A_313] : memref<20x128xi32, #tpu.memory_space<vmem>> -> memref<1x128xi32, #tpu.memory_space<vmem>>
      %dma_start3A_315 = tpu.memref_squeeze %dma_start3A_314 : memref<1x128xi32, #tpu.memory_space<vmem>> -> memref<128xi32, #tpu.memory_space<vmem>>
      %dma_start3A_316 = arith.constant 0 : i32
      %dma_start3A_317 = arith.constant 0 : i32
      %dma_start3A_318 = tpu.memref_slice %arg2[%dma_start3A_316, %dma_start3A_317] : memref<10000x128xf32, #tpu.memory_space<hbm>> -> memref<10000x128xf32, #tpu.memory_space<hbm>>
      tpu.enqueue_indirect_dma source(%dma_start3A_318 : memref<10000x128xf32, #tpu.memory_space<hbm>>) target(%arg8 : memref<128x128xf32, #tpu.memory_space<vmem>>) offsets(%dma_start3A_315 : memref<128xi32, #tpu.memory_space<vmem>>) semaphore(%arg11 : memref<!tpu.dma_semaphore, #tpu.memory_space<semaphore_mem>>)
      %dma_wait3A_319 = arith.constant 9 : i32
      %dma_wait3A_320 = arith.constant 0 : i32
      %dma_wait3A_321 = tpu.memref_slice %arg6[%dma_wait3A_319, %dma_wait3A_320] : memref<20x128xi32, #tpu.memory_space<vmem>> -> memref<1x128xi32, #tpu.memory_space<vmem>>
      %dma_wait3A_322 = tpu.memref_squeeze %dma_wait3A_321 : memref<1x128xi32, #tpu.memory_space<vmem>> -> memref<128xi32, #tpu.memory_space<vmem>>
      %dma_wait3A_323 = arith.constant 0 : i32
      %dma_wait3A_324 = arith.constant 0 : i32
      %dma_wait3A_325 = tpu.memref_slice %arg2[%dma_wait3A_323, %dma_wait3A_324] : memref<10000x128xf32, #tpu.memory_space<hbm>> -> memref<10000x128xf32, #tpu.memory_space<hbm>>
      tpu.wait_indirect_dma semaphore(%arg12 : memref<!tpu.dma_semaphore, #tpu.memory_space<semaphore_mem>>) src(%dma_wait3A_325 : memref<10000x128xf32, #tpu.memory_space<hbm>>) dst(%arg9 : memref<128x128xf32, #tpu.memory_space<vmem>>)
      %mul3A_326 = arith.constant 20 : i32
      %mul3A_327 = arith.muli %scan3A_36, %mul3A_326 : i32
      %add3A_328 = arith.constant 9 : i32
      %add3A_329 = arith.addi %mul3A_327, %add3A_328 : i32
      %dma_start3A_330 = arith.constant 0 : i32
      %dma_start3A_331 = tpu.memref_slice %arg7[%add3A_329, %dma_start3A_330] : memref<80x128xi32, #tpu.memory_space<vmem>> -> memref<1x128xi32, #tpu.memory_space<vmem>>
      %dma_start3A_332 = tpu.memref_squeeze %dma_start3A_331 : memref<1x128xi32, #tpu.memory_space<vmem>> -> memref<128xi32, #tpu.memory_space<vmem>>
      %dma_start3A_333 = arith.constant 0 : i32
      %dma_start3A_334 = arith.constant 0 : i32
      %dma_start3A_335 = tpu.memref_slice %arg10[%dma_start3A_333, %dma_start3A_334] : memref<10240x128xf32, #tpu.memory_space<vmem_shared>> -> memref<10240x128xf32, #tpu.memory_space<vmem_shared>>
      tpu.enqueue_indirect_dma source(%arg9 : memref<128x128xf32, #tpu.memory_space<vmem>>) target(%dma_start3A_335 : memref<10240x128xf32, #tpu.memory_space<vmem_shared>>) offsets(%dma_start3A_332 : memref<128xi32, #tpu.memory_space<vmem>>) semaphore(%arg14 : memref<!tpu.dma_semaphore, #tpu.memory_space<semaphore_mem>>) {add = true}
      %dma_wait3A_336 = arith.constant 0 : i32
      %dma_wait3A_337 = tpu.memref_slice %arg7[%add3A_329, %dma_wait3A_336] : memref<80x128xi32, #tpu.memory_space<vmem>> -> memref<1x128xi32, #tpu.memory_space<vmem>>
      %dma_wait3A_338 = tpu.memref_squeeze %dma_wait3A_337 : memref<1x128xi32, #tpu.memory_space<vmem>> -> memref<128xi32, #tpu.memory_space<vmem>>
      %dma_wait3A_339 = arith.constant 0 : i32
      %dma_wait3A_340 = arith.constant 0 : i32
      %dma_wait3A_341 = tpu.memref_slice %arg10[%dma_wait3A_339, %dma_wait3A_340] : memref<10240x128xf32, #tpu.memory_space<vmem_shared>> -> memref<10240x128xf32, #tpu.memory_space<vmem_shared>>
      tpu.wait_indirect_dma semaphore(%arg14 : memref<!tpu.dma_semaphore, #tpu.memory_space<semaphore_mem>>) src(%arg9 : memref<128x128xf32, #tpu.memory_space<vmem>>) dst(%dma_wait3A_341 : memref<10240x128xf32, #tpu.memory_space<vmem_shared>>)
      %dma_start3A_342 = arith.constant 11 : i32
      %dma_start3A_343 = arith.constant 0 : i32
      %dma_start3A_344 = tpu.memref_slice %arg6[%dma_start3A_342, %dma_start3A_343] : memref<20x128xi32, #tpu.memory_space<vmem>> -> memref<1x128xi32, #tpu.memory_space<vmem>>
      %dma_start3A_345 = tpu.memref_squeeze %dma_start3A_344 : memref<1x128xi32, #tpu.memory_space<vmem>> -> memref<128xi32, #tpu.memory_space<vmem>>
      %dma_start3A_346 = arith.constant 0 : i32
      %dma_start3A_347 = arith.constant 0 : i32
      %dma_start3A_348 = tpu.memref_slice %arg2[%dma_start3A_346, %dma_start3A_347] : memref<10000x128xf32, #tpu.memory_space<hbm>> -> memref<10000x128xf32, #tpu.memory_space<hbm>>
      tpu.enqueue_indirect_dma source(%dma_start3A_348 : memref<10000x128xf32, #tpu.memory_space<hbm>>) target(%arg9 : memref<128x128xf32, #tpu.memory_space<vmem>>) offsets(%dma_start3A_345 : memref<128xi32, #tpu.memory_space<vmem>>) semaphore(%arg12 : memref<!tpu.dma_semaphore, #tpu.memory_space<semaphore_mem>>)
      %dma_wait3A_349 = arith.constant 10 : i32
      %dma_wait3A_350 = arith.constant 0 : i32
      %dma_wait3A_351 = tpu.memref_slice %arg6[%dma_wait3A_349, %dma_wait3A_350] : memref<20x128xi32, #tpu.memory_space<vmem>> -> memref<1x128xi32, #tpu.memory_space<vmem>>
      %dma_wait3A_352 = tpu.memref_squeeze %dma_wait3A_351 : memref<1x128xi32, #tpu.memory_space<vmem>> -> memref<128xi32, #tpu.memory_space<vmem>>
      %dma_wait3A_353 = arith.constant 0 : i32
      %dma_wait3A_354 = arith.constant 0 : i32
      %dma_wait3A_355 = tpu.memref_slice %arg2[%dma_wait3A_353, %dma_wait3A_354] : memref<10000x128xf32, #tpu.memory_space<hbm>> -> memref<10000x128xf32, #tpu.memory_space<hbm>>
      tpu.wait_indirect_dma semaphore(%arg11 : memref<!tpu.dma_semaphore, #tpu.memory_space<semaphore_mem>>) src(%dma_wait3A_355 : memref<10000x128xf32, #tpu.memory_space<hbm>>) dst(%arg8 : memref<128x128xf32, #tpu.memory_space<vmem>>)
      %mul3A_356 = arith.constant 20 : i32
      %mul3A_357 = arith.muli %scan3A_36, %mul3A_356 : i32
      %add3A_358 = arith.constant 10 : i32
      %add3A_359 = arith.addi %mul3A_357, %add3A_358 : i32
      %dma_start3A_360 = arith.constant 0 : i32
      %dma_start3A_361 = tpu.memref_slice %arg7[%add3A_359, %dma_start3A_360] : memref<80x128xi32, #tpu.memory_space<vmem>> -> memref<1x128xi32, #tpu.memory_space<vmem>>
      %dma_start3A_362 = tpu.memref_squeeze %dma_start3A_361 : memref<1x128xi32, #tpu.memory_space<vmem>> -> memref<128xi32, #tpu.memory_space<vmem>>
      %dma_start3A_363 = arith.constant 0 : i32
      %dma_start3A_364 = arith.constant 0 : i32
      %dma_start3A_365 = tpu.memref_slice %arg10[%dma_start3A_363, %dma_start3A_364] : memref<10240x128xf32, #tpu.memory_space<vmem_shared>> -> memref<10240x128xf32, #tpu.memory_space<vmem_shared>>
      tpu.enqueue_indirect_dma source(%arg8 : memref<128x128xf32, #tpu.memory_space<vmem>>) target(%dma_start3A_365 : memref<10240x128xf32, #tpu.memory_space<vmem_shared>>) offsets(%dma_start3A_362 : memref<128xi32, #tpu.memory_space<vmem>>) semaphore(%arg13 : memref<!tpu.dma_semaphore, #tpu.memory_space<semaphore_mem>>) {add = true}
      %dma_wait3A_366 = arith.constant 0 : i32
      %dma_wait3A_367 = tpu.memref_slice %arg7[%add3A_359, %dma_wait3A_366] : memref<80x128xi32, #tpu.memory_space<vmem>> -> memref<1x128xi32, #tpu.memory_space<vmem>>
      %dma_wait3A_368 = tpu.memref_squeeze %dma_wait3A_367 : memref<1x128xi32, #tpu.memory_space<vmem>> -> memref<128xi32, #tpu.memory_space<vmem>>
      %dma_wait3A_369 = arith.constant 0 : i32
      %dma_wait3A_370 = arith.constant 0 : i32
      %dma_wait3A_371 = tpu.memref_slice %arg10[%dma_wait3A_369, %dma_wait3A_370] : memref<10240x128xf32, #tpu.memory_space<vmem_shared>> -> memref<10240x128xf32, #tpu.memory_space<vmem_shared>>
      tpu.wait_indirect_dma semaphore(%arg13 : memref<!tpu.dma_semaphore, #tpu.memory_space<semaphore_mem>>) src(%arg8 : memref<128x128xf32, #tpu.memory_space<vmem>>) dst(%dma_wait3A_371 : memref<10240x128xf32, #tpu.memory_space<vmem_shared>>)
      %dma_start3A_372 = arith.constant 12 : i32
      %dma_start3A_373 = arith.constant 0 : i32
      %dma_start3A_374 = tpu.memref_slice %arg6[%dma_start3A_372, %dma_start3A_373] : memref<20x128xi32, #tpu.memory_space<vmem>> -> memref<1x128xi32, #tpu.memory_space<vmem>>
      %dma_start3A_375 = tpu.memref_squeeze %dma_start3A_374 : memref<1x128xi32, #tpu.memory_space<vmem>> -> memref<128xi32, #tpu.memory_space<vmem>>
      %dma_start3A_376 = arith.constant 0 : i32
      %dma_start3A_377 = arith.constant 0 : i32
      %dma_start3A_378 = tpu.memref_slice %arg2[%dma_start3A_376, %dma_start3A_377] : memref<10000x128xf32, #tpu.memory_space<hbm>> -> memref<10000x128xf32, #tpu.memory_space<hbm>>
      tpu.enqueue_indirect_dma source(%dma_start3A_378 : memref<10000x128xf32, #tpu.memory_space<hbm>>) target(%arg8 : memref<128x128xf32, #tpu.memory_space<vmem>>) offsets(%dma_start3A_375 : memref<128xi32, #tpu.memory_space<vmem>>) semaphore(%arg11 : memref<!tpu.dma_semaphore, #tpu.memory_space<semaphore_mem>>)
      %dma_wait3A_379 = arith.constant 11 : i32
      %dma_wait3A_380 = arith.constant 0 : i32
      %dma_wait3A_381 = tpu.memref_slice %arg6[%dma_wait3A_379, %dma_wait3A_380] : memref<20x128xi32, #tpu.memory_space<vmem>> -> memref<1x128xi32, #tpu.memory_space<vmem>>
      %dma_wait3A_382 = tpu.memref_squeeze %dma_wait3A_381 : memref<1x128xi32, #tpu.memory_space<vmem>> -> memref<128xi32, #tpu.memory_space<vmem>>
      %dma_wait3A_383 = arith.constant 0 : i32
      %dma_wait3A_384 = arith.constant 0 : i32
      %dma_wait3A_385 = tpu.memref_slice %arg2[%dma_wait3A_383, %dma_wait3A_384] : memref<10000x128xf32, #tpu.memory_space<hbm>> -> memref<10000x128xf32, #tpu.memory_space<hbm>>
      tpu.wait_indirect_dma semaphore(%arg12 : memref<!tpu.dma_semaphore, #tpu.memory_space<semaphore_mem>>) src(%dma_wait3A_385 : memref<10000x128xf32, #tpu.memory_space<hbm>>) dst(%arg9 : memref<128x128xf32, #tpu.memory_space<vmem>>)
      %mul3A_386 = arith.constant 20 : i32
      %mul3A_387 = arith.muli %scan3A_36, %mul3A_386 : i32
      %add3A_388 = arith.constant 11 : i32
      %add3A_389 = arith.addi %mul3A_387, %add3A_388 : i32
      %dma_start3A_390 = arith.constant 0 : i32
      %dma_start3A_391 = tpu.memref_slice %arg7[%add3A_389, %dma_start3A_390] : memref<80x128xi32, #tpu.memory_space<vmem>> -> memref<1x128xi32, #tpu.memory_space<vmem>>
      %dma_start3A_392 = tpu.memref_squeeze %dma_start3A_391 : memref<1x128xi32, #tpu.memory_space<vmem>> -> memref<128xi32, #tpu.memory_space<vmem>>
      %dma_start3A_393 = arith.constant 0 : i32
      %dma_start3A_394 = arith.constant 0 : i32
      %dma_start3A_395 = tpu.memref_slice %arg10[%dma_start3A_393, %dma_start3A_394] : memref<10240x128xf32, #tpu.memory_space<vmem_shared>> -> memref<10240x128xf32, #tpu.memory_space<vmem_shared>>
      tpu.enqueue_indirect_dma source(%arg9 : memref<128x128xf32, #tpu.memory_space<vmem>>) target(%dma_start3A_395 : memref<10240x128xf32, #tpu.memory_space<vmem_shared>>) offsets(%dma_start3A_392 : memref<128xi32, #tpu.memory_space<vmem>>) semaphore(%arg14 : memref<!tpu.dma_semaphore, #tpu.memory_space<semaphore_mem>>) {add = true}
      %dma_wait3A_396 = arith.constant 0 : i32
      %dma_wait3A_397 = tpu.memref_slice %arg7[%add3A_389, %dma_wait3A_396] : memref<80x128xi32, #tpu.memory_space<vmem>> -> memref<1x128xi32, #tpu.memory_space<vmem>>
      %dma_wait3A_398 = tpu.memref_squeeze %dma_wait3A_397 : memref<1x128xi32, #tpu.memory_space<vmem>> -> memref<128xi32, #tpu.memory_space<vmem>>
      %dma_wait3A_399 = arith.constant 0 : i32
      %dma_wait3A_400 = arith.constant 0 : i32
      %dma_wait3A_401 = tpu.memref_slice %arg10[%dma_wait3A_399, %dma_wait3A_400] : memref<10240x128xf32, #tpu.memory_space<vmem_shared>> -> memref<10240x128xf32, #tpu.memory_space<vmem_shared>>
      tpu.wait_indirect_dma semaphore(%arg14 : memref<!tpu.dma_semaphore, #tpu.memory_space<semaphore_mem>>) src(%arg9 : memref<128x128xf32, #tpu.memory_space<vmem>>) dst(%dma_wait3A_401 : memref<10240x128xf32, #tpu.memory_space<vmem_shared>>)
      %dma_start3A_402 = arith.constant 13 : i32
      %dma_start3A_403 = arith.constant 0 : i32
      %dma_start3A_404 = tpu.memref_slice %arg6[%dma_start3A_402, %dma_start3A_403] : memref<20x128xi32, #tpu.memory_space<vmem>> -> memref<1x128xi32, #tpu.memory_space<vmem>>
      %dma_start3A_405 = tpu.memref_squeeze %dma_start3A_404 : memref<1x128xi32, #tpu.memory_space<vmem>> -> memref<128xi32, #tpu.memory_space<vmem>>
      %dma_start3A_406 = arith.constant 0 : i32
      %dma_start3A_407 = arith.constant 0 : i32
      %dma_start3A_408 = tpu.memref_slice %arg2[%dma_start3A_406, %dma_start3A_407] : memref<10000x128xf32, #tpu.memory_space<hbm>> -> memref<10000x128xf32, #tpu.memory_space<hbm>>
      tpu.enqueue_indirect_dma source(%dma_start3A_408 : memref<10000x128xf32, #tpu.memory_space<hbm>>) target(%arg9 : memref<128x128xf32, #tpu.memory_space<vmem>>) offsets(%dma_start3A_405 : memref<128xi32, #tpu.memory_space<vmem>>) semaphore(%arg12 : memref<!tpu.dma_semaphore, #tpu.memory_space<semaphore_mem>>)
      %dma_wait3A_409 = arith.constant 12 : i32
      %dma_wait3A_410 = arith.constant 0 : i32
      %dma_wait3A_411 = tpu.memref_slice %arg6[%dma_wait3A_409, %dma_wait3A_410] : memref<20x128xi32, #tpu.memory_space<vmem>> -> memref<1x128xi32, #tpu.memory_space<vmem>>
      %dma_wait3A_412 = tpu.memref_squeeze %dma_wait3A_411 : memref<1x128xi32, #tpu.memory_space<vmem>> -> memref<128xi32, #tpu.memory_space<vmem>>
      %dma_wait3A_413 = arith.constant 0 : i32
      %dma_wait3A_414 = arith.constant 0 : i32
      %dma_wait3A_415 = tpu.memref_slice %arg2[%dma_wait3A_413, %dma_wait3A_414] : memref<10000x128xf32, #tpu.memory_space<hbm>> -> memref<10000x128xf32, #tpu.memory_space<hbm>>
      tpu.wait_indirect_dma semaphore(%arg11 : memref<!tpu.dma_semaphore, #tpu.memory_space<semaphore_mem>>) src(%dma_wait3A_415 : memref<10000x128xf32, #tpu.memory_space<hbm>>) dst(%arg8 : memref<128x128xf32, #tpu.memory_space<vmem>>)
      %mul3A_416 = arith.constant 20 : i32
      %mul3A_417 = arith.muli %scan3A_36, %mul3A_416 : i32
      %add3A_418 = arith.constant 12 : i32
      %add3A_419 = arith.addi %mul3A_417, %add3A_418 : i32
      %dma_start3A_420 = arith.constant 0 : i32
      %dma_start3A_421 = tpu.memref_slice %arg7[%add3A_419, %dma_start3A_420] : memref<80x128xi32, #tpu.memory_space<vmem>> -> memref<1x128xi32, #tpu.memory_space<vmem>>
      %dma_start3A_422 = tpu.memref_squeeze %dma_start3A_421 : memref<1x128xi32, #tpu.memory_space<vmem>> -> memref<128xi32, #tpu.memory_space<vmem>>
      %dma_start3A_423 = arith.constant 0 : i32
      %dma_start3A_424 = arith.constant 0 : i32
      %dma_start3A_425 = tpu.memref_slice %arg10[%dma_start3A_423, %dma_start3A_424] : memref<10240x128xf32, #tpu.memory_space<vmem_shared>> -> memref<10240x128xf32, #tpu.memory_space<vmem_shared>>
      tpu.enqueue_indirect_dma source(%arg8 : memref<128x128xf32, #tpu.memory_space<vmem>>) target(%dma_start3A_425 : memref<10240x128xf32, #tpu.memory_space<vmem_shared>>) offsets(%dma_start3A_422 : memref<128xi32, #tpu.memory_space<vmem>>) semaphore(%arg13 : memref<!tpu.dma_semaphore, #tpu.memory_space<semaphore_mem>>) {add = true}
      %dma_wait3A_426 = arith.constant 0 : i32
      %dma_wait3A_427 = tpu.memref_slice %arg7[%add3A_419, %dma_wait3A_426] : memref<80x128xi32, #tpu.memory_space<vmem>> -> memref<1x128xi32, #tpu.memory_space<vmem>>
      %dma_wait3A_428 = tpu.memref_squeeze %dma_wait3A_427 : memref<1x128xi32, #tpu.memory_space<vmem>> -> memref<128xi32, #tpu.memory_space<vmem>>
      %dma_wait3A_429 = arith.constant 0 : i32
      %dma_wait3A_430 = arith.constant 0 : i32
      %dma_wait3A_431 = tpu.memref_slice %arg10[%dma_wait3A_429, %dma_wait3A_430] : memref<10240x128xf32, #tpu.memory_space<vmem_shared>> -> memref<10240x128xf32, #tpu.memory_space<vmem_shared>>
      tpu.wait_indirect_dma semaphore(%arg13 : memref<!tpu.dma_semaphore, #tpu.memory_space<semaphore_mem>>) src(%arg8 : memref<128x128xf32, #tpu.memory_space<vmem>>) dst(%dma_wait3A_431 : memref<10240x128xf32, #tpu.memory_space<vmem_shared>>)
      %dma_start3A_432 = arith.constant 14 : i32
      %dma_start3A_433 = arith.constant 0 : i32
      %dma_start3A_434 = tpu.memref_slice %arg6[%dma_start3A_432, %dma_start3A_433] : memref<20x128xi32, #tpu.memory_space<vmem>> -> memref<1x128xi32, #tpu.memory_space<vmem>>
      %dma_start3A_435 = tpu.memref_squeeze %dma_start3A_434 : memref<1x128xi32, #tpu.memory_space<vmem>> -> memref<128xi32, #tpu.memory_space<vmem>>
      %dma_start3A_436 = arith.constant 0 : i32
      %dma_start3A_437 = arith.constant 0 : i32
      %dma_start3A_438 = tpu.memref_slice %arg2[%dma_start3A_436, %dma_start3A_437] : memref<10000x128xf32, #tpu.memory_space<hbm>> -> memref<10000x128xf32, #tpu.memory_space<hbm>>
      tpu.enqueue_indirect_dma source(%dma_start3A_438 : memref<10000x128xf32, #tpu.memory_space<hbm>>) target(%arg8 : memref<128x128xf32, #tpu.memory_space<vmem>>) offsets(%dma_start3A_435 : memref<128xi32, #tpu.memory_space<vmem>>) semaphore(%arg11 : memref<!tpu.dma_semaphore, #tpu.memory_space<semaphore_mem>>)
      %dma_wait3A_439 = arith.constant 13 : i32
      %dma_wait3A_440 = arith.constant 0 : i32
      %dma_wait3A_441 = tpu.memref_slice %arg6[%dma_wait3A_439, %dma_wait3A_440] : memref<20x128xi32, #tpu.memory_space<vmem>> -> memref<1x128xi32, #tpu.memory_space<vmem>>
      %dma_wait3A_442 = tpu.memref_squeeze %dma_wait3A_441 : memref<1x128xi32, #tpu.memory_space<vmem>> -> memref<128xi32, #tpu.memory_space<vmem>>
      %dma_wait3A_443 = arith.constant 0 : i32
      %dma_wait3A_444 = arith.constant 0 : i32
      %dma_wait3A_445 = tpu.memref_slice %arg2[%dma_wait3A_443, %dma_wait3A_444] : memref<10000x128xf32, #tpu.memory_space<hbm>> -> memref<10000x128xf32, #tpu.memory_space<hbm>>
      tpu.wait_indirect_dma semaphore(%arg12 : memref<!tpu.dma_semaphore, #tpu.memory_space<semaphore_mem>>) src(%dma_wait3A_445 : memref<10000x128xf32, #tpu.memory_space<hbm>>) dst(%arg9 : memref<128x128xf32, #tpu.memory_space<vmem>>)
      %mul3A_446 = arith.constant 20 : i32
      %mul3A_447 = arith.muli %scan3A_36, %mul3A_446 : i32
      %add3A_448 = arith.constant 13 : i32
      %add3A_449 = arith.addi %mul3A_447, %add3A_448 : i32
      %dma_start3A_450 = arith.constant 0 : i32
      %dma_start3A_451 = tpu.memref_slice %arg7[%add3A_449, %dma_start3A_450] : memref<80x128xi32, #tpu.memory_space<vmem>> -> memref<1x128xi32, #tpu.memory_space<vmem>>
      %dma_start3A_452 = tpu.memref_squeeze %dma_start3A_451 : memref<1x128xi32, #tpu.memory_space<vmem>> -> memref<128xi32, #tpu.memory_space<vmem>>
      %dma_start3A_453 = arith.constant 0 : i32
      %dma_start3A_454 = arith.constant 0 : i32
      %dma_start3A_455 = tpu.memref_slice %arg10[%dma_start3A_453, %dma_start3A_454] : memref<10240x128xf32, #tpu.memory_space<vmem_shared>> -> memref<10240x128xf32, #tpu.memory_space<vmem_shared>>
      tpu.enqueue_indirect_dma source(%arg9 : memref<128x128xf32, #tpu.memory_space<vmem>>) target(%dma_start3A_455 : memref<10240x128xf32, #tpu.memory_space<vmem_shared>>) offsets(%dma_start3A_452 : memref<128xi32, #tpu.memory_space<vmem>>) semaphore(%arg14 : memref<!tpu.dma_semaphore, #tpu.memory_space<semaphore_mem>>) {add = true}
      %dma_wait3A_456 = arith.constant 0 : i32
      %dma_wait3A_457 = tpu.memref_slice %arg7[%add3A_449, %dma_wait3A_456] : memref<80x128xi32, #tpu.memory_space<vmem>> -> memref<1x128xi32, #tpu.memory_space<vmem>>
      %dma_wait3A_458 = tpu.memref_squeeze %dma_wait3A_457 : memref<1x128xi32, #tpu.memory_space<vmem>> -> memref<128xi32, #tpu.memory_space<vmem>>
      %dma_wait3A_459 = arith.constant 0 : i32
      %dma_wait3A_460 = arith.constant 0 : i32
      %dma_wait3A_461 = tpu.memref_slice %arg10[%dma_wait3A_459, %dma_wait3A_460] : memref<10240x128xf32, #tpu.memory_space<vmem_shared>> -> memref<10240x128xf32, #tpu.memory_space<vmem_shared>>
      tpu.wait_indirect_dma semaphore(%arg14 : memref<!tpu.dma_semaphore, #tpu.memory_space<semaphore_mem>>) src(%arg9 : memref<128x128xf32, #tpu.memory_space<vmem>>) dst(%dma_wait3A_461 : memref<10240x128xf32, #tpu.memory_space<vmem_shared>>)
      %dma_start3A_462 = arith.constant 15 : i32
      %dma_start3A_463 = arith.constant 0 : i32
      %dma_start3A_464 = tpu.memref_slice %arg6[%dma_start3A_462, %dma_start3A_463] : memref<20x128xi32, #tpu.memory_space<vmem>> -> memref<1x128xi32, #tpu.memory_space<vmem>>
      %dma_start3A_465 = tpu.memref_squeeze %dma_start3A_464 : memref<1x128xi32, #tpu.memory_space<vmem>> -> memref<128xi32, #tpu.memory_space<vmem>>
      %dma_start3A_466 = arith.constant 0 : i32
      %dma_start3A_467 = arith.constant 0 : i32
      %dma_start3A_468 = tpu.memref_slice %arg2[%dma_start3A_466, %dma_start3A_467] : memref<10000x128xf32, #tpu.memory_space<hbm>> -> memref<10000x128xf32, #tpu.memory_space<hbm>>
      tpu.enqueue_indirect_dma source(%dma_start3A_468 : memref<10000x128xf32, #tpu.memory_space<hbm>>) target(%arg9 : memref<128x128xf32, #tpu.memory_space<vmem>>) offsets(%dma_start3A_465 : memref<128xi32, #tpu.memory_space<vmem>>) semaphore(%arg12 : memref<!tpu.dma_semaphore, #tpu.memory_space<semaphore_mem>>)
      %dma_wait3A_469 = arith.constant 14 : i32
      %dma_wait3A_470 = arith.constant 0 : i32
      %dma_wait3A_471 = tpu.memref_slice %arg6[%dma_wait3A_469, %dma_wait3A_470] : memref<20x128xi32, #tpu.memory_space<vmem>> -> memref<1x128xi32, #tpu.memory_space<vmem>>
      %dma_wait3A_472 = tpu.memref_squeeze %dma_wait3A_471 : memref<1x128xi32, #tpu.memory_space<vmem>> -> memref<128xi32, #tpu.memory_space<vmem>>
      %dma_wait3A_473 = arith.constant 0 : i32
      %dma_wait3A_474 = arith.constant 0 : i32
      %dma_wait3A_475 = tpu.memref_slice %arg2[%dma_wait3A_473, %dma_wait3A_474] : memref<10000x128xf32, #tpu.memory_space<hbm>> -> memref<10000x128xf32, #tpu.memory_space<hbm>>
      tpu.wait_indirect_dma semaphore(%arg11 : memref<!tpu.dma_semaphore, #tpu.memory_space<semaphore_mem>>) src(%dma_wait3A_475 : memref<10000x128xf32, #tpu.memory_space<hbm>>) dst(%arg8 : memref<128x128xf32, #tpu.memory_space<vmem>>)
      %mul3A_476 = arith.constant 20 : i32
      %mul3A_477 = arith.muli %scan3A_36, %mul3A_476 : i32
      %add3A_478 = arith.constant 14 : i32
      %add3A_479 = arith.addi %mul3A_477, %add3A_478 : i32
      %dma_start3A_480 = arith.constant 0 : i32
      %dma_start3A_481 = tpu.memref_slice %arg7[%add3A_479, %dma_start3A_480] : memref<80x128xi32, #tpu.memory_space<vmem>> -> memref<1x128xi32, #tpu.memory_space<vmem>>
      %dma_start3A_482 = tpu.memref_squeeze %dma_start3A_481 : memref<1x128xi32, #tpu.memory_space<vmem>> -> memref<128xi32, #tpu.memory_space<vmem>>
      %dma_start3A_483 = arith.constant 0 : i32
      %dma_start3A_484 = arith.constant 0 : i32
      %dma_start3A_485 = tpu.memref_slice %arg10[%dma_start3A_483, %dma_start3A_484] : memref<10240x128xf32, #tpu.memory_space<vmem_shared>> -> memref<10240x128xf32, #tpu.memory_space<vmem_shared>>
      tpu.enqueue_indirect_dma source(%arg8 : memref<128x128xf32, #tpu.memory_space<vmem>>) target(%dma_start3A_485 : memref<10240x128xf32, #tpu.memory_space<vmem_shared>>) offsets(%dma_start3A_482 : memref<128xi32, #tpu.memory_space<vmem>>) semaphore(%arg13 : memref<!tpu.dma_semaphore, #tpu.memory_space<semaphore_mem>>) {add = true}
      %dma_wait3A_486 = arith.constant 0 : i32
      %dma_wait3A_487 = tpu.memref_slice %arg7[%add3A_479, %dma_wait3A_486] : memref<80x128xi32, #tpu.memory_space<vmem>> -> memref<1x128xi32, #tpu.memory_space<vmem>>
      %dma_wait3A_488 = tpu.memref_squeeze %dma_wait3A_487 : memref<1x128xi32, #tpu.memory_space<vmem>> -> memref<128xi32, #tpu.memory_space<vmem>>
      %dma_wait3A_489 = arith.constant 0 : i32
      %dma_wait3A_490 = arith.constant 0 : i32
      %dma_wait3A_491 = tpu.memref_slice %arg10[%dma_wait3A_489, %dma_wait3A_490] : memref<10240x128xf32, #tpu.memory_space<vmem_shared>> -> memref<10240x128xf32, #tpu.memory_space<vmem_shared>>
      tpu.wait_indirect_dma semaphore(%arg13 : memref<!tpu.dma_semaphore, #tpu.memory_space<semaphore_mem>>) src(%arg8 : memref<128x128xf32, #tpu.memory_space<vmem>>) dst(%dma_wait3A_491 : memref<10240x128xf32, #tpu.memory_space<vmem_shared>>)
      %dma_start3A_492 = arith.constant 16 : i32
      %dma_start3A_493 = arith.constant 0 : i32
      %dma_start3A_494 = tpu.memref_slice %arg6[%dma_start3A_492, %dma_start3A_493] : memref<20x128xi32, #tpu.memory_space<vmem>> -> memref<1x128xi32, #tpu.memory_space<vmem>>
      %dma_start3A_495 = tpu.memref_squeeze %dma_start3A_494 : memref<1x128xi32, #tpu.memory_space<vmem>> -> memref<128xi32, #tpu.memory_space<vmem>>
      %dma_start3A_496 = arith.constant 0 : i32
      %dma_start3A_497 = arith.constant 0 : i32
      %dma_start3A_498 = tpu.memref_slice %arg2[%dma_start3A_496, %dma_start3A_497] : memref<10000x128xf32, #tpu.memory_space<hbm>> -> memref<10000x128xf32, #tpu.memory_space<hbm>>
      tpu.enqueue_indirect_dma source(%dma_start3A_498 : memref<10000x128xf32, #tpu.memory_space<hbm>>) target(%arg8 : memref<128x128xf32, #tpu.memory_space<vmem>>) offsets(%dma_start3A_495 : memref<128xi32, #tpu.memory_space<vmem>>) semaphore(%arg11 : memref<!tpu.dma_semaphore, #tpu.memory_space<semaphore_mem>>)
      %dma_wait3A_499 = arith.constant 15 : i32
      %dma_wait3A_500 = arith.constant 0 : i32
      %dma_wait3A_501 = tpu.memref_slice %arg6[%dma_wait3A_499, %dma_wait3A_500] : memref<20x128xi32, #tpu.memory_space<vmem>> -> memref<1x128xi32, #tpu.memory_space<vmem>>
      %dma_wait3A_502 = tpu.memref_squeeze %dma_wait3A_501 : memref<1x128xi32, #tpu.memory_space<vmem>> -> memref<128xi32, #tpu.memory_space<vmem>>
      %dma_wait3A_503 = arith.constant 0 : i32
      %dma_wait3A_504 = arith.constant 0 : i32
      %dma_wait3A_505 = tpu.memref_slice %arg2[%dma_wait3A_503, %dma_wait3A_504] : memref<10000x128xf32, #tpu.memory_space<hbm>> -> memref<10000x128xf32, #tpu.memory_space<hbm>>
      tpu.wait_indirect_dma semaphore(%arg12 : memref<!tpu.dma_semaphore, #tpu.memory_space<semaphore_mem>>) src(%dma_wait3A_505 : memref<10000x128xf32, #tpu.memory_space<hbm>>) dst(%arg9 : memref<128x128xf32, #tpu.memory_space<vmem>>)
      %mul3A_506 = arith.constant 20 : i32
      %mul3A_507 = arith.muli %scan3A_36, %mul3A_506 : i32
      %add3A_508 = arith.constant 15 : i32
      %add3A_509 = arith.addi %mul3A_507, %add3A_508 : i32
      %dma_start3A_510 = arith.constant 0 : i32
      %dma_start3A_511 = tpu.memref_slice %arg7[%add3A_509, %dma_start3A_510] : memref<80x128xi32, #tpu.memory_space<vmem>> -> memref<1x128xi32, #tpu.memory_space<vmem>>
      %dma_start3A_512 = tpu.memref_squeeze %dma_start3A_511 : memref<1x128xi32, #tpu.memory_space<vmem>> -> memref<128xi32, #tpu.memory_space<vmem>>
      %dma_start3A_513 = arith.constant 0 : i32
      %dma_start3A_514 = arith.constant 0 : i32
      %dma_start3A_515 = tpu.memref_slice %arg10[%dma_start3A_513, %dma_start3A_514] : memref<10240x128xf32, #tpu.memory_space<vmem_shared>> -> memref<10240x128xf32, #tpu.memory_space<vmem_shared>>
      tpu.enqueue_indirect_dma source(%arg9 : memref<128x128xf32, #tpu.memory_space<vmem>>) target(%dma_start3A_515 : memref<10240x128xf32, #tpu.memory_space<vmem_shared>>) offsets(%dma_start3A_512 : memref<128xi32, #tpu.memory_space<vmem>>) semaphore(%arg14 : memref<!tpu.dma_semaphore, #tpu.memory_space<semaphore_mem>>) {add = true}
      %dma_wait3A_516 = arith.constant 0 : i32
      %dma_wait3A_517 = tpu.memref_slice %arg7[%add3A_509, %dma_wait3A_516] : memref<80x128xi32, #tpu.memory_space<vmem>> -> memref<1x128xi32, #tpu.memory_space<vmem>>
      %dma_wait3A_518 = tpu.memref_squeeze %dma_wait3A_517 : memref<1x128xi32, #tpu.memory_space<vmem>> -> memref<128xi32, #tpu.memory_space<vmem>>
      %dma_wait3A_519 = arith.constant 0 : i32
      %dma_wait3A_520 = arith.constant 0 : i32
      %dma_wait3A_521 = tpu.memref_slice %arg10[%dma_wait3A_519, %dma_wait3A_520] : memref<10240x128xf32, #tpu.memory_space<vmem_shared>> -> memref<10240x128xf32, #tpu.memory_space<vmem_shared>>
      tpu.wait_indirect_dma semaphore(%arg14 : memref<!tpu.dma_semaphore, #tpu.memory_space<semaphore_mem>>) src(%arg9 : memref<128x128xf32, #tpu.memory_space<vmem>>) dst(%dma_wait3A_521 : memref<10240x128xf32, #tpu.memory_space<vmem_shared>>)
      %dma_start3A_522 = arith.constant 17 : i32
      %dma_start3A_523 = arith.constant 0 : i32
      %dma_start3A_524 = tpu.memref_slice %arg6[%dma_start3A_522, %dma_start3A_523] : memref<20x128xi32, #tpu.memory_space<vmem>> -> memref<1x128xi32, #tpu.memory_space<vmem>>
      %dma_start3A_525 = tpu.memref_squeeze %dma_start3A_524 : memref<1x128xi32, #tpu.memory_space<vmem>> -> memref<128xi32, #tpu.memory_space<vmem>>
      %dma_start3A_526 = arith.constant 0 : i32
      %dma_start3A_527 = arith.constant 0 : i32
      %dma_start3A_528 = tpu.memref_slice %arg2[%dma_start3A_526, %dma_start3A_527] : memref<10000x128xf32, #tpu.memory_space<hbm>> -> memref<10000x128xf32, #tpu.memory_space<hbm>>
      tpu.enqueue_indirect_dma source(%dma_start3A_528 : memref<10000x128xf32, #tpu.memory_space<hbm>>) target(%arg9 : memref<128x128xf32, #tpu.memory_space<vmem>>) offsets(%dma_start3A_525 : memref<128xi32, #tpu.memory_space<vmem>>) semaphore(%arg12 : memref<!tpu.dma_semaphore, #tpu.memory_space<semaphore_mem>>)
      %dma_wait3A_529 = arith.constant 16 : i32
      %dma_wait3A_530 = arith.constant 0 : i32
      %dma_wait3A_531 = tpu.memref_slice %arg6[%dma_wait3A_529, %dma_wait3A_530] : memref<20x128xi32, #tpu.memory_space<vmem>> -> memref<1x128xi32, #tpu.memory_space<vmem>>
      %dma_wait3A_532 = tpu.memref_squeeze %dma_wait3A_531 : memref<1x128xi32, #tpu.memory_space<vmem>> -> memref<128xi32, #tpu.memory_space<vmem>>
      %dma_wait3A_533 = arith.constant 0 : i32
      %dma_wait3A_534 = arith.constant 0 : i32
      %dma_wait3A_535 = tpu.memref_slice %arg2[%dma_wait3A_533, %dma_wait3A_534] : memref<10000x128xf32, #tpu.memory_space<hbm>> -> memref<10000x128xf32, #tpu.memory_space<hbm>>
      tpu.wait_indirect_dma semaphore(%arg11 : memref<!tpu.dma_semaphore, #tpu.memory_space<semaphore_mem>>) src(%dma_wait3A_535 : memref<10000x128xf32, #tpu.memory_space<hbm>>) dst(%arg8 : memref<128x128xf32, #tpu.memory_space<vmem>>)
      %mul3A_536 = arith.constant 20 : i32
      %mul3A_537 = arith.muli %scan3A_36, %mul3A_536 : i32
      %add3A_538 = arith.constant 16 : i32
      %add3A_539 = arith.addi %mul3A_537, %add3A_538 : i32
      %dma_start3A_540 = arith.constant 0 : i32
      %dma_start3A_541 = tpu.memref_slice %arg7[%add3A_539, %dma_start3A_540] : memref<80x128xi32, #tpu.memory_space<vmem>> -> memref<1x128xi32, #tpu.memory_space<vmem>>
      %dma_start3A_542 = tpu.memref_squeeze %dma_start3A_541 : memref<1x128xi32, #tpu.memory_space<vmem>> -> memref<128xi32, #tpu.memory_space<vmem>>
      %dma_start3A_543 = arith.constant 0 : i32
      %dma_start3A_544 = arith.constant 0 : i32
      %dma_start3A_545 = tpu.memref_slice %arg10[%dma_start3A_543, %dma_start3A_544] : memref<10240x128xf32, #tpu.memory_space<vmem_shared>> -> memref<10240x128xf32, #tpu.memory_space<vmem_shared>>
      tpu.enqueue_indirect_dma source(%arg8 : memref<128x128xf32, #tpu.memory_space<vmem>>) target(%dma_start3A_545 : memref<10240x128xf32, #tpu.memory_space<vmem_shared>>) offsets(%dma_start3A_542 : memref<128xi32, #tpu.memory_space<vmem>>) semaphore(%arg13 : memref<!tpu.dma_semaphore, #tpu.memory_space<semaphore_mem>>) {add = true}
      %dma_wait3A_546 = arith.constant 0 : i32
      %dma_wait3A_547 = tpu.memref_slice %arg7[%add3A_539, %dma_wait3A_546] : memref<80x128xi32, #tpu.memory_space<vmem>> -> memref<1x128xi32, #tpu.memory_space<vmem>>
      %dma_wait3A_548 = tpu.memref_squeeze %dma_wait3A_547 : memref<1x128xi32, #tpu.memory_space<vmem>> -> memref<128xi32, #tpu.memory_space<vmem>>
      %dma_wait3A_549 = arith.constant 0 : i32
      %dma_wait3A_550 = arith.constant 0 : i32
      %dma_wait3A_551 = tpu.memref_slice %arg10[%dma_wait3A_549, %dma_wait3A_550] : memref<10240x128xf32, #tpu.memory_space<vmem_shared>> -> memref<10240x128xf32, #tpu.memory_space<vmem_shared>>
      tpu.wait_indirect_dma semaphore(%arg13 : memref<!tpu.dma_semaphore, #tpu.memory_space<semaphore_mem>>) src(%arg8 : memref<128x128xf32, #tpu.memory_space<vmem>>) dst(%dma_wait3A_551 : memref<10240x128xf32, #tpu.memory_space<vmem_shared>>)
      %dma_start3A_552 = arith.constant 18 : i32
      %dma_start3A_553 = arith.constant 0 : i32
      %dma_start3A_554 = tpu.memref_slice %arg6[%dma_start3A_552, %dma_start3A_553] : memref<20x128xi32, #tpu.memory_space<vmem>> -> memref<1x128xi32, #tpu.memory_space<vmem>>
      %dma_start3A_555 = tpu.memref_squeeze %dma_start3A_554 : memref<1x128xi32, #tpu.memory_space<vmem>> -> memref<128xi32, #tpu.memory_space<vmem>>
      %dma_start3A_556 = arith.constant 0 : i32
      %dma_start3A_557 = arith.constant 0 : i32
      %dma_start3A_558 = tpu.memref_slice %arg2[%dma_start3A_556, %dma_start3A_557] : memref<10000x128xf32, #tpu.memory_space<hbm>> -> memref<10000x128xf32, #tpu.memory_space<hbm>>
      tpu.enqueue_indirect_dma source(%dma_start3A_558 : memref<10000x128xf32, #tpu.memory_space<hbm>>) target(%arg8 : memref<128x128xf32, #tpu.memory_space<vmem>>) offsets(%dma_start3A_555 : memref<128xi32, #tpu.memory_space<vmem>>) semaphore(%arg11 : memref<!tpu.dma_semaphore, #tpu.memory_space<semaphore_mem>>)
      %dma_wait3A_559 = arith.constant 17 : i32
      %dma_wait3A_560 = arith.constant 0 : i32
      %dma_wait3A_561 = tpu.memref_slice %arg6[%dma_wait3A_559, %dma_wait3A_560] : memref<20x128xi32, #tpu.memory_space<vmem>> -> memref<1x128xi32, #tpu.memory_space<vmem>>
      %dma_wait3A_562 = tpu.memref_squeeze %dma_wait3A_561 : memref<1x128xi32, #tpu.memory_space<vmem>> -> memref<128xi32, #tpu.memory_space<vmem>>
      %dma_wait3A_563 = arith.constant 0 : i32
      %dma_wait3A_564 = arith.constant 0 : i32
      %dma_wait3A_565 = tpu.memref_slice %arg2[%dma_wait3A_563, %dma_wait3A_564] : memref<10000x128xf32, #tpu.memory_space<hbm>> -> memref<10000x128xf32, #tpu.memory_space<hbm>>
      tpu.wait_indirect_dma semaphore(%arg12 : memref<!tpu.dma_semaphore, #tpu.memory_space<semaphore_mem>>) src(%dma_wait3A_565 : memref<10000x128xf32, #tpu.memory_space<hbm>>) dst(%arg9 : memref<128x128xf32, #tpu.memory_space<vmem>>)
      %mul3A_566 = arith.constant 20 : i32
      %mul3A_567 = arith.muli %scan3A_36, %mul3A_566 : i32
      %add3A_568 = arith.constant 17 : i32
      %add3A_569 = arith.addi %mul3A_567, %add3A_568 : i32
      %dma_start3A_570 = arith.constant 0 : i32
      %dma_start3A_571 = tpu.memref_slice %arg7[%add3A_569, %dma_start3A_570] : memref<80x128xi32, #tpu.memory_space<vmem>> -> memref<1x128xi32, #tpu.memory_space<vmem>>
      %dma_start3A_572 = tpu.memref_squeeze %dma_start3A_571 : memref<1x128xi32, #tpu.memory_space<vmem>> -> memref<128xi32, #tpu.memory_space<vmem>>
      %dma_start3A_573 = arith.constant 0 : i32
      %dma_start3A_574 = arith.constant 0 : i32
      %dma_start3A_575 = tpu.memref_slice %arg10[%dma_start3A_573, %dma_start3A_574] : memref<10240x128xf32, #tpu.memory_space<vmem_shared>> -> memref<10240x128xf32, #tpu.memory_space<vmem_shared>>
      tpu.enqueue_indirect_dma source(%arg9 : memref<128x128xf32, #tpu.memory_space<vmem>>) target(%dma_start3A_575 : memref<10240x128xf32, #tpu.memory_space<vmem_shared>>) offsets(%dma_start3A_572 : memref<128xi32, #tpu.memory_space<vmem>>) semaphore(%arg14 : memref<!tpu.dma_semaphore, #tpu.memory_space<semaphore_mem>>) {add = true}
      %dma_wait3A_576 = arith.constant 0 : i32
      %dma_wait3A_577 = tpu.memref_slice %arg7[%add3A_569, %dma_wait3A_576] : memref<80x128xi32, #tpu.memory_space<vmem>> -> memref<1x128xi32, #tpu.memory_space<vmem>>
      %dma_wait3A_578 = tpu.memref_squeeze %dma_wait3A_577 : memref<1x128xi32, #tpu.memory_space<vmem>> -> memref<128xi32, #tpu.memory_space<vmem>>
      %dma_wait3A_579 = arith.constant 0 : i32
      %dma_wait3A_580 = arith.constant 0 : i32
      %dma_wait3A_581 = tpu.memref_slice %arg10[%dma_wait3A_579, %dma_wait3A_580] : memref<10240x128xf32, #tpu.memory_space<vmem_shared>> -> memref<10240x128xf32, #tpu.memory_space<vmem_shared>>
      tpu.wait_indirect_dma semaphore(%arg14 : memref<!tpu.dma_semaphore, #tpu.memory_space<semaphore_mem>>) src(%arg9 : memref<128x128xf32, #tpu.memory_space<vmem>>) dst(%dma_wait3A_581 : memref<10240x128xf32, #tpu.memory_space<vmem_shared>>)
      %dma_start3A_582 = arith.constant 19 : i32
      %dma_start3A_583 = arith.constant 0 : i32
      %dma_start3A_584 = tpu.memref_slice %arg6[%dma_start3A_582, %dma_start3A_583] : memref<20x128xi32, #tpu.memory_space<vmem>> -> memref<1x128xi32, #tpu.memory_space<vmem>>
      %dma_start3A_585 = tpu.memref_squeeze %dma_start3A_584 : memref<1x128xi32, #tpu.memory_space<vmem>> -> memref<128xi32, #tpu.memory_space<vmem>>
      %dma_start3A_586 = arith.constant 0 : i32
      %dma_start3A_587 = arith.constant 0 : i32
      %dma_start3A_588 = tpu.memref_slice %arg2[%dma_start3A_586, %dma_start3A_587] : memref<10000x128xf32, #tpu.memory_space<hbm>> -> memref<10000x128xf32, #tpu.memory_space<hbm>>
      tpu.enqueue_indirect_dma source(%dma_start3A_588 : memref<10000x128xf32, #tpu.memory_space<hbm>>) target(%arg9 : memref<128x128xf32, #tpu.memory_space<vmem>>) offsets(%dma_start3A_585 : memref<128xi32, #tpu.memory_space<vmem>>) semaphore(%arg12 : memref<!tpu.dma_semaphore, #tpu.memory_space<semaphore_mem>>)
      %dma_wait3A_589 = arith.constant 18 : i32
      %dma_wait3A_590 = arith.constant 0 : i32
      %dma_wait3A_591 = tpu.memref_slice %arg6[%dma_wait3A_589, %dma_wait3A_590] : memref<20x128xi32, #tpu.memory_space<vmem>> -> memref<1x128xi32, #tpu.memory_space<vmem>>
      %dma_wait3A_592 = tpu.memref_squeeze %dma_wait3A_591 : memref<1x128xi32, #tpu.memory_space<vmem>> -> memref<128xi32, #tpu.memory_space<vmem>>
      %dma_wait3A_593 = arith.constant 0 : i32
      %dma_wait3A_594 = arith.constant 0 : i32
      %dma_wait3A_595 = tpu.memref_slice %arg2[%dma_wait3A_593, %dma_wait3A_594] : memref<10000x128xf32, #tpu.memory_space<hbm>> -> memref<10000x128xf32, #tpu.memory_space<hbm>>
      tpu.wait_indirect_dma semaphore(%arg11 : memref<!tpu.dma_semaphore, #tpu.memory_space<semaphore_mem>>) src(%dma_wait3A_595 : memref<10000x128xf32, #tpu.memory_space<hbm>>) dst(%arg8 : memref<128x128xf32, #tpu.memory_space<vmem>>)
      %mul3A_596 = arith.constant 20 : i32
      %mul3A_597 = arith.muli %scan3A_36, %mul3A_596 : i32
      %add3A_598 = arith.constant 18 : i32
      %add3A_599 = arith.addi %mul3A_597, %add3A_598 : i32
      %dma_start3A_600 = arith.constant 0 : i32
      %dma_start3A_601 = tpu.memref_slice %arg7[%add3A_599, %dma_start3A_600] : memref<80x128xi32, #tpu.memory_space<vmem>> -> memref<1x128xi32, #tpu.memory_space<vmem>>
      %dma_start3A_602 = tpu.memref_squeeze %dma_start3A_601 : memref<1x128xi32, #tpu.memory_space<vmem>> -> memref<128xi32, #tpu.memory_space<vmem>>
      %dma_start3A_603 = arith.constant 0 : i32
      %dma_start3A_604 = arith.constant 0 : i32
      %dma_start3A_605 = tpu.memref_slice %arg10[%dma_start3A_603, %dma_start3A_604] : memref<10240x128xf32, #tpu.memory_space<vmem_shared>> -> memref<10240x128xf32, #tpu.memory_space<vmem_shared>>
      tpu.enqueue_indirect_dma source(%arg8 : memref<128x128xf32, #tpu.memory_space<vmem>>) target(%dma_start3A_605 : memref<10240x128xf32, #tpu.memory_space<vmem_shared>>) offsets(%dma_start3A_602 : memref<128xi32, #tpu.memory_space<vmem>>) semaphore(%arg13 : memref<!tpu.dma_semaphore, #tpu.memory_space<semaphore_mem>>) {add = true}
      %dma_wait3A_606 = arith.constant 19 : i32
      %dma_wait3A_607 = arith.constant 0 : i32
      %dma_wait3A_608 = tpu.memref_slice %arg6[%dma_wait3A_606, %dma_wait3A_607] : memref<20x128xi32, #tpu.memory_space<vmem>> -> memref<1x128xi32, #tpu.memory_space<vmem>>
      %dma_wait3A_609 = tpu.memref_squeeze %dma_wait3A_608 : memref<1x128xi32, #tpu.memory_space<vmem>> -> memref<128xi32, #tpu.memory_space<vmem>>
      %dma_wait3A_610 = arith.constant 0 : i32
      %dma_wait3A_611 = arith.constant 0 : i32
      %dma_wait3A_612 = tpu.memref_slice %arg2[%dma_wait3A_610, %dma_wait3A_611] : memref<10000x128xf32, #tpu.memory_space<hbm>> -> memref<10000x128xf32, #tpu.memory_space<hbm>>
      tpu.wait_indirect_dma semaphore(%arg12 : memref<!tpu.dma_semaphore, #tpu.memory_space<semaphore_mem>>) src(%dma_wait3A_612 : memref<10000x128xf32, #tpu.memory_space<hbm>>) dst(%arg9 : memref<128x128xf32, #tpu.memory_space<vmem>>)
      %mul3A_613 = arith.constant 20 : i32
      %mul3A_614 = arith.muli %scan3A_36, %mul3A_613 : i32
      %add3A_615 = arith.constant 19 : i32
      %add3A_616 = arith.addi %mul3A_614, %add3A_615 : i32
      %dma_start3A_617 = arith.constant 0 : i32
      %dma_start3A_618 = tpu.memref_slice %arg7[%add3A_616, %dma_start3A_617] : memref<80x128xi32, #tpu.memory_space<vmem>> -> memref<1x128xi32, #tpu.memory_space<vmem>>
      %dma_start3A_619 = tpu.memref_squeeze %dma_start3A_618 : memref<1x128xi32, #tpu.memory_space<vmem>> -> memref<128xi32, #tpu.memory_space<vmem>>
      %dma_start3A_620 = arith.constant 0 : i32
      %dma_start3A_621 = arith.constant 0 : i32
      %dma_start3A_622 = tpu.memref_slice %arg10[%dma_start3A_620, %dma_start3A_621] : memref<10240x128xf32, #tpu.memory_space<vmem_shared>> -> memref<10240x128xf32, #tpu.memory_space<vmem_shared>>
      tpu.enqueue_indirect_dma source(%arg9 : memref<128x128xf32, #tpu.memory_space<vmem>>) target(%dma_start3A_622 : memref<10240x128xf32, #tpu.memory_space<vmem_shared>>) offsets(%dma_start3A_619 : memref<128xi32, #tpu.memory_space<vmem>>) semaphore(%arg14 : memref<!tpu.dma_semaphore, #tpu.memory_space<semaphore_mem>>) {add = true}
      %dma_wait3A_623 = arith.constant 0 : i32
      %dma_wait3A_624 = tpu.memref_slice %arg7[%add3A_599, %dma_wait3A_623] : memref<80x128xi32, #tpu.memory_space<vmem>> -> memref<1x128xi32, #tpu.memory_space<vmem>>
      %dma_wait3A_625 = tpu.memref_squeeze %dma_wait3A_624 : memref<1x128xi32, #tpu.memory_space<vmem>> -> memref<128xi32, #tpu.memory_space<vmem>>
      %dma_wait3A_626 = arith.constant 0 : i32
      %dma_wait3A_627 = arith.constant 0 : i32
      %dma_wait3A_628 = tpu.memref_slice %arg10[%dma_wait3A_626, %dma_wait3A_627] : memref<10240x128xf32, #tpu.memory_space<vmem_shared>> -> memref<10240x128xf32, #tpu.memory_space<vmem_shared>>
      tpu.wait_indirect_dma semaphore(%arg13 : memref<!tpu.dma_semaphore, #tpu.memory_space<semaphore_mem>>) src(%arg8 : memref<128x128xf32, #tpu.memory_space<vmem>>) dst(%dma_wait3A_628 : memref<10240x128xf32, #tpu.memory_space<vmem_shared>>)
      %dma_wait3A_629 = arith.constant 0 : i32
      %dma_wait3A_630 = tpu.memref_slice %arg7[%add3A_616, %dma_wait3A_629] : memref<80x128xi32, #tpu.memory_space<vmem>> -> memref<1x128xi32, #tpu.memory_space<vmem>>
      %dma_wait3A_631 = tpu.memref_squeeze %dma_wait3A_630 : memref<1x128xi32, #tpu.memory_space<vmem>> -> memref<128xi32, #tpu.memory_space<vmem>>
      %dma_wait3A_632 = arith.constant 0 : i32
      %dma_wait3A_633 = arith.constant 0 : i32
      %dma_wait3A_634 = tpu.memref_slice %arg10[%dma_wait3A_632, %dma_wait3A_633] : memref<10240x128xf32, #tpu.memory_space<vmem_shared>> -> memref<10240x128xf32, #tpu.memory_space<vmem_shared>>
      tpu.wait_indirect_dma semaphore(%arg14 : memref<!tpu.dma_semaphore, #tpu.memory_space<semaphore_mem>>) src(%arg9 : memref<128x128xf32, #tpu.memory_space<vmem>>) dst(%dma_wait3A_634 : memref<10240x128xf32, #tpu.memory_space<vmem_shared>>)
    }
    %scan3A_24 = arith.constant 4 : i32
    %barrier3A_25 = arith.constant 0 : index
    tpu.barrier barrier_id(%barrier3A_25)
    %add3A_26 = arith.constant 0 : i32
    %add3A_27 = arith.addi %mul3A_8, %add3A_26 : i32
    "tpu.region"() ({
      %run_scoped3A = tpu.sem_alloc : memref<!tpu.dma_semaphore, #tpu.memory_space<semaphore_mem>>
      %dma_start3A = arith.constant 0 : i32
      %dma_start3A_36 = tpu.memref_slice %arg10[%add3A_27, %dma_start3A] : memref<10240x128xf32, #tpu.memory_space<vmem_shared>> -> memref<128x128xf32, #tpu.memory_space<vmem_shared>>
      %dma_start3A_37 = arith.constant 0 : i32
      %dma_start3A_38 = tpu.memref_slice %arg10[%add3A_27, %dma_start3A_37] : memref<10240x128xf32, #tpu.memory_space<vmem_shared>> -> memref<128x128xf32, #tpu.memory_space<vmem_shared>>
      tpu.enqueue_dma source(%dma_start3A_38 : memref<128x128xf32, #tpu.memory_space<vmem_shared>>) target(%arg8 : memref<128x128xf32, #tpu.memory_space<vmem>>) target_semaphore(%run_scoped3A : memref<!tpu.dma_semaphore, #tpu.memory_space<semaphore_mem>>)
      %dma_wait3A = arith.constant 0 : i32
      %dma_wait3A_39 = tpu.memref_slice %arg10[%add3A_27, %dma_wait3A] : memref<10240x128xf32, #tpu.memory_space<vmem_shared>> -> memref<128x128xf32, #tpu.memory_space<vmem_shared>>
      %dma_wait3A_40 = arith.constant 0 : i32
      %dma_wait3A_41 = tpu.memref_slice %arg10[%add3A_27, %dma_wait3A_40] : memref<10240x128xf32, #tpu.memory_space<vmem_shared>> -> memref<128x128xf32, #tpu.memory_space<vmem_shared>>
      tpu.wait_dma2 semaphore(%run_scoped3A : memref<!tpu.dma_semaphore, #tpu.memory_space<semaphore_mem>>) src(%dma_wait3A_41 : memref<128x128xf32, #tpu.memory_space<vmem_shared>>) dst(%arg8 : memref<128x128xf32, #tpu.memory_space<vmem>>)
      tpu.yield
    }) : () -> ()
    "tpu.region"() ({
      %run_scoped3A = tpu.sem_alloc : memref<!tpu.dma_semaphore, #tpu.memory_space<semaphore_mem>>
      %dma_start3A = arith.constant 0 : i32
      %dma_start3A_36 = tpu.memref_slice %arg5[%arg0, %add3A_27, %dma_start3A] : memref<2x10240x128xf32, #tpu.memory_space<hbm>> -> memref<1x128x128xf32, #tpu.memory_space<hbm>>
      %dma_start3A_37 = tpu.memref_squeeze %dma_start3A_36 : memref<1x128x128xf32, #tpu.memory_space<hbm>> -> memref<128x128xf32, #tpu.memory_space<hbm>>
      %dma_start3A_38 = arith.constant 0 : i32
      %dma_start3A_39 = tpu.memref_slice %arg5[%arg0, %add3A_27, %dma_start3A_38] : memref<2x10240x128xf32, #tpu.memory_space<hbm>> -> memref<1x128x128xf32, #tpu.memory_space<hbm>>
      %dma_start3A_40 = tpu.memref_squeeze %dma_start3A_39 : memref<1x128x128xf32, #tpu.memory_space<hbm>> -> memref<128x128xf32, #tpu.memory_space<hbm>>
      tpu.enqueue_dma source(%arg8 : memref<128x128xf32, #tpu.memory_space<vmem>>) target(%dma_start3A_40 : memref<128x128xf32, #tpu.memory_space<hbm>>) target_semaphore(%run_scoped3A : memref<!tpu.dma_semaphore, #tpu.memory_space<semaphore_mem>>)
      %dma_wait3A = arith.constant 0 : i32
      %dma_wait3A_41 = tpu.memref_slice %arg5[%arg0, %add3A_27, %dma_wait3A] : memref<2x10240x128xf32, #tpu.memory_space<hbm>> -> memref<1x128x128xf32, #tpu.memory_space<hbm>>
      %dma_wait3A_42 = tpu.memref_squeeze %dma_wait3A_41 : memref<1x128x128xf32, #tpu.memory_space<hbm>> -> memref<128x128xf32, #tpu.memory_space<hbm>>
      %dma_wait3A_43 = arith.constant 0 : i32
      %dma_wait3A_44 = tpu.memref_slice %arg5[%arg0, %add3A_27, %dma_wait3A_43] : memref<2x10240x128xf32, #tpu.memory_space<hbm>> -> memref<1x128x128xf32, #tpu.memory_space<hbm>>
      %dma_wait3A_45 = tpu.memref_squeeze %dma_wait3A_44 : memref<1x128x128xf32, #tpu.memory_space<hbm>> -> memref<128x128xf32, #tpu.memory_space<hbm>>
      tpu.wait_dma2 semaphore(%run_scoped3A : memref<!tpu.dma_semaphore, #tpu.memory_space<semaphore_mem>>) src(%arg8 : memref<128x128xf32, #tpu.memory_space<vmem>>) dst(%dma_wait3A_45 : memref<128x128xf32, #tpu.memory_space<hbm>>)
      tpu.yield
    }) : () -> ()
    %add3A_28 = arith.constant 128 : i32
    %add3A_29 = arith.addi %mul3A_8, %add3A_28 : i32
    "tpu.region"() ({
      %run_scoped3A = tpu.sem_alloc : memref<!tpu.dma_semaphore, #tpu.memory_space<semaphore_mem>>
      %dma_start3A = arith.constant 0 : i32
      %dma_start3A_36 = tpu.memref_slice %arg10[%add3A_29, %dma_start3A] : memref<10240x128xf32, #tpu.memory_space<vmem_shared>> -> memref<128x128xf32, #tpu.memory_space<vmem_shared>>
      %dma_start3A_37 = arith.constant 0 : i32
      %dma_start3A_38 = tpu.memref_slice %arg10[%add3A_29, %dma_start3A_37] : memref<10240x128xf32, #tpu.memory_space<vmem_shared>> -> memref<128x128xf32, #tpu.memory_space<vmem_shared>>
      tpu.enqueue_dma source(%dma_start3A_38 : memref<128x128xf32, #tpu.memory_space<vmem_shared>>) target(%arg8 : memref<128x128xf32, #tpu.memory_space<vmem>>) target_semaphore(%run_scoped3A : memref<!tpu.dma_semaphore, #tpu.memory_space<semaphore_mem>>)
      %dma_wait3A = arith.constant 0 : i32
      %dma_wait3A_39 = tpu.memref_slice %arg10[%add3A_29, %dma_wait3A] : memref<10240x128xf32, #tpu.memory_space<vmem_shared>> -> memref<128x128xf32, #tpu.memory_space<vmem_shared>>
      %dma_wait3A_40 = arith.constant 0 : i32
      %dma_wait3A_41 = tpu.memref_slice %arg10[%add3A_29, %dma_wait3A_40] : memref<10240x128xf32, #tpu.memory_space<vmem_shared>> -> memref<128x128xf32, #tpu.memory_space<vmem_shared>>
      tpu.wait_dma2 semaphore(%run_scoped3A : memref<!tpu.dma_semaphore, #tpu.memory_space<semaphore_mem>>) src(%dma_wait3A_41 : memref<128x128xf32, #tpu.memory_space<vmem_shared>>) dst(%arg8 : memref<128x128xf32, #tpu.memory_space<vmem>>)
      tpu.yield
    }) : () -> ()
    "tpu.region"() ({
      %run_scoped3A = tpu.sem_alloc : memref<!tpu.dma_semaphore, #tpu.memory_space<semaphore_mem>>
      %dma_start3A = arith.constant 0 : i32
      %dma_start3A_36 = tpu.memref_slice %arg5[%arg0, %add3A_29, %dma_start3A] : memref<2x10240x128xf32, #tpu.memory_space<hbm>> -> memref<1x128x128xf32, #tpu.memory_space<hbm>>
      %dma_start3A_37 = tpu.memref_squeeze %dma_start3A_36 : memref<1x128x128xf32, #tpu.memory_space<hbm>> -> memref<128x128xf32, #tpu.memory_space<hbm>>
      %dma_start3A_38 = arith.constant 0 : i32
      %dma_start3A_39 = tpu.memref_slice %arg5[%arg0, %add3A_29, %dma_start3A_38] : memref<2x10240x128xf32, #tpu.memory_space<hbm>> -> memref<1x128x128xf32, #tpu.memory_space<hbm>>
      %dma_start3A_40 = tpu.memref_squeeze %dma_start3A_39 : memref<1x128x128xf32, #tpu.memory_space<hbm>> -> memref<128x128xf32, #tpu.memory_space<hbm>>
      tpu.enqueue_dma source(%arg8 : memref<128x128xf32, #tpu.memory_space<vmem>>) target(%dma_start3A_40 : memref<128x128xf32, #tpu.memory_space<hbm>>) target_semaphore(%run_scoped3A : memref<!tpu.dma_semaphore, #tpu.memory_space<semaphore_mem>>)
      %dma_wait3A = arith.constant 0 : i32
      %dma_wait3A_41 = tpu.memref_slice %arg5[%arg0, %add3A_29, %dma_wait3A] : memref<2x10240x128xf32, #tpu.memory_space<hbm>> -> memref<1x128x128xf32, #tpu.memory_space<hbm>>
      %dma_wait3A_42 = tpu.memref_squeeze %dma_wait3A_41 : memref<1x128x128xf32, #tpu.memory_space<hbm>> -> memref<128x128xf32, #tpu.memory_space<hbm>>
      %dma_wait3A_43 = arith.constant 0 : i32
      %dma_wait3A_44 = tpu.memref_slice %arg5[%arg0, %add3A_29, %dma_wait3A_43] : memref<2x10240x128xf32, #tpu.memory_space<hbm>> -> memref<1x128x128xf32, #tpu.memory_space<hbm>>
      %dma_wait3A_45 = tpu.memref_squeeze %dma_wait3A_44 : memref<1x128x128xf32, #tpu.memory_space<hbm>> -> memref<128x128xf32, #tpu.memory_space<hbm>>
      tpu.wait_dma2 semaphore(%run_scoped3A : memref<!tpu.dma_semaphore, #tpu.memory_space<semaphore_mem>>) src(%arg8 : memref<128x128xf32, #tpu.memory_space<vmem>>) dst(%dma_wait3A_45 : memref<128x128xf32, #tpu.memory_space<hbm>>)
      tpu.yield
    }) : () -> ()
    %add3A_30 = arith.constant 256 : i32
    %add3A_31 = arith.addi %mul3A_8, %add3A_30 : i32
    "tpu.region"() ({
      %run_scoped3A = tpu.sem_alloc : memref<!tpu.dma_semaphore, #tpu.memory_space<semaphore_mem>>
      %dma_start3A = arith.constant 0 : i32
      %dma_start3A_36 = tpu.memref_slice %arg10[%add3A_31, %dma_start3A] : memref<10240x128xf32, #tpu.memory_space<vmem_shared>> -> memref<128x128xf32, #tpu.memory_space<vmem_shared>>
      %dma_start3A_37 = arith.constant 0 : i32
      %dma_start3A_38 = tpu.memref_slice %arg10[%add3A_31, %dma_start3A_37] : memref<10240x128xf32, #tpu.memory_space<vmem_shared>> -> memref<128x128xf32, #tpu.memory_space<vmem_shared>>
      tpu.enqueue_dma source(%dma_start3A_38 : memref<128x128xf32, #tpu.memory_space<vmem_shared>>) target(%arg8 : memref<128x128xf32, #tpu.memory_space<vmem>>) target_semaphore(%run_scoped3A : memref<!tpu.dma_semaphore, #tpu.memory_space<semaphore_mem>>)
      %dma_wait3A = arith.constant 0 : i32
      %dma_wait3A_39 = tpu.memref_slice %arg10[%add3A_31, %dma_wait3A] : memref<10240x128xf32, #tpu.memory_space<vmem_shared>> -> memref<128x128xf32, #tpu.memory_space<vmem_shared>>
      %dma_wait3A_40 = arith.constant 0 : i32
      %dma_wait3A_41 = tpu.memref_slice %arg10[%add3A_31, %dma_wait3A_40] : memref<10240x128xf32, #tpu.memory_space<vmem_shared>> -> memref<128x128xf32, #tpu.memory_space<vmem_shared>>
      tpu.wait_dma2 semaphore(%run_scoped3A : memref<!tpu.dma_semaphore, #tpu.memory_space<semaphore_mem>>) src(%dma_wait3A_41 : memref<128x128xf32, #tpu.memory_space<vmem_shared>>) dst(%arg8 : memref<128x128xf32, #tpu.memory_space<vmem>>)
      tpu.yield
    }) : () -> ()
    "tpu.region"() ({
      %run_scoped3A = tpu.sem_alloc : memref<!tpu.dma_semaphore, #tpu.memory_space<semaphore_mem>>
      %dma_start3A = arith.constant 0 : i32
      %dma_start3A_36 = tpu.memref_slice %arg5[%arg0, %add3A_31, %dma_start3A] : memref<2x10240x128xf32, #tpu.memory_space<hbm>> -> memref<1x128x128xf32, #tpu.memory_space<hbm>>
      %dma_start3A_37 = tpu.memref_squeeze %dma_start3A_36 : memref<1x128x128xf32, #tpu.memory_space<hbm>> -> memref<128x128xf32, #tpu.memory_space<hbm>>
      %dma_start3A_38 = arith.constant 0 : i32
      %dma_start3A_39 = tpu.memref_slice %arg5[%arg0, %add3A_31, %dma_start3A_38] : memref<2x10240x128xf32, #tpu.memory_space<hbm>> -> memref<1x128x128xf32, #tpu.memory_space<hbm>>
      %dma_start3A_40 = tpu.memref_squeeze %dma_start3A_39 : memref<1x128x128xf32, #tpu.memory_space<hbm>> -> memref<128x128xf32, #tpu.memory_space<hbm>>
      tpu.enqueue_dma source(%arg8 : memref<128x128xf32, #tpu.memory_space<vmem>>) target(%dma_start3A_40 : memref<128x128xf32, #tpu.memory_space<hbm>>) target_semaphore(%run_scoped3A : memref<!tpu.dma_semaphore, #tpu.memory_space<semaphore_mem>>)
      %dma_wait3A = arith.constant 0 : i32
      %dma_wait3A_41 = tpu.memref_slice %arg5[%arg0, %add3A_31, %dma_wait3A] : memref<2x10240x128xf32, #tpu.memory_space<hbm>> -> memref<1x128x128xf32, #tpu.memory_space<hbm>>
      %dma_wait3A_42 = tpu.memref_squeeze %dma_wait3A_41 : memref<1x128x128xf32, #tpu.memory_space<hbm>> -> memref<128x128xf32, #tpu.memory_space<hbm>>
      %dma_wait3A_43 = arith.constant 0 : i32
      %dma_wait3A_44 = tpu.memref_slice %arg5[%arg0, %add3A_31, %dma_wait3A_43] : memref<2x10240x128xf32, #tpu.memory_space<hbm>> -> memref<1x128x128xf32, #tpu.memory_space<hbm>>
      %dma_wait3A_45 = tpu.memref_squeeze %dma_wait3A_44 : memref<1x128x128xf32, #tpu.memory_space<hbm>> -> memref<128x128xf32, #tpu.memory_space<hbm>>
      tpu.wait_dma2 semaphore(%run_scoped3A : memref<!tpu.dma_semaphore, #tpu.memory_space<semaphore_mem>>) src(%arg8 : memref<128x128xf32, #tpu.memory_space<vmem>>) dst(%dma_wait3A_45 : memref<128x128xf32, #tpu.memory_space<hbm>>)
      tpu.yield
    }) : () -> ()
    %add3A_32 = arith.constant 384 : i32
    %add3A_33 = arith.addi %mul3A_8, %add3A_32 : i32
    "tpu.region"() ({
      %run_scoped3A = tpu.sem_alloc : memref<!tpu.dma_semaphore, #tpu.memory_space<semaphore_mem>>
      %dma_start3A = arith.constant 0 : i32
      %dma_start3A_36 = tpu.memref_slice %arg10[%add3A_33, %dma_start3A] : memref<10240x128xf32, #tpu.memory_space<vmem_shared>> -> memref<128x128xf32, #tpu.memory_space<vmem_shared>>
      %dma_start3A_37 = arith.constant 0 : i32
      %dma_start3A_38 = tpu.memref_slice %arg10[%add3A_33, %dma_start3A_37] : memref<10240x128xf32, #tpu.memory_space<vmem_shared>> -> memref<128x128xf32, #tpu.memory_space<vmem_shared>>
      tpu.enqueue_dma source(%dma_start3A_38 : memref<128x128xf32, #tpu.memory_space<vmem_shared>>) target(%arg8 : memref<128x128xf32, #tpu.memory_space<vmem>>) target_semaphore(%run_scoped3A : memref<!tpu.dma_semaphore, #tpu.memory_space<semaphore_mem>>)
      %dma_wait3A = arith.constant 0 : i32
      %dma_wait3A_39 = tpu.memref_slice %arg10[%add3A_33, %dma_wait3A] : memref<10240x128xf32, #tpu.memory_space<vmem_shared>> -> memref<128x128xf32, #tpu.memory_space<vmem_shared>>
      %dma_wait3A_40 = arith.constant 0 : i32
      %dma_wait3A_41 = tpu.memref_slice %arg10[%add3A_33, %dma_wait3A_40] : memref<10240x128xf32, #tpu.memory_space<vmem_shared>> -> memref<128x128xf32, #tpu.memory_space<vmem_shared>>
      tpu.wait_dma2 semaphore(%run_scoped3A : memref<!tpu.dma_semaphore, #tpu.memory_space<semaphore_mem>>) src(%dma_wait3A_41 : memref<128x128xf32, #tpu.memory_space<vmem_shared>>) dst(%arg8 : memref<128x128xf32, #tpu.memory_space<vmem>>)
      tpu.yield
    }) : () -> ()
    "tpu.region"() ({
      %run_scoped3A = tpu.sem_alloc : memref<!tpu.dma_semaphore, #tpu.memory_space<semaphore_mem>>
      %dma_start3A = arith.constant 0 : i32
      %dma_start3A_36 = tpu.memref_slice %arg5[%arg0, %add3A_33, %dma_start3A] : memref<2x10240x128xf32, #tpu.memory_space<hbm>> -> memref<1x128x128xf32, #tpu.memory_space<hbm>>
      %dma_start3A_37 = tpu.memref_squeeze %dma_start3A_36 : memref<1x128x128xf32, #tpu.memory_space<hbm>> -> memref<128x128xf32, #tpu.memory_space<hbm>>
      %dma_start3A_38 = arith.constant 0 : i32
      %dma_start3A_39 = tpu.memref_slice %arg5[%arg0, %add3A_33, %dma_start3A_38] : memref<2x10240x128xf32, #tpu.memory_space<hbm>> -> memref<1x128x128xf32, #tpu.memory_space<hbm>>
      %dma_start3A_40 = tpu.memref_squeeze %dma_start3A_39 : memref<1x128x128xf32, #tpu.memory_space<hbm>> -> memref<128x128xf32, #tpu.memory_space<hbm>>
      tpu.enqueue_dma source(%arg8 : memref<128x128xf32, #tpu.memory_space<vmem>>) target(%dma_start3A_40 : memref<128x128xf32, #tpu.memory_space<hbm>>) target_semaphore(%run_scoped3A : memref<!tpu.dma_semaphore, #tpu.memory_space<semaphore_mem>>)
      %dma_wait3A = arith.constant 0 : i32
      %dma_wait3A_41 = tpu.memref_slice %arg5[%arg0, %add3A_33, %dma_wait3A] : memref<2x10240x128xf32, #tpu.memory_space<hbm>> -> memref<1x128x128xf32, #tpu.memory_space<hbm>>
      %dma_wait3A_42 = tpu.memref_squeeze %dma_wait3A_41 : memref<1x128x128xf32, #tpu.memory_space<hbm>> -> memref<128x128xf32, #tpu.memory_space<hbm>>
      %dma_wait3A_43 = arith.constant 0 : i32
      %dma_wait3A_44 = tpu.memref_slice %arg5[%arg0, %add3A_33, %dma_wait3A_43] : memref<2x10240x128xf32, #tpu.memory_space<hbm>> -> memref<1x128x128xf32, #tpu.memory_space<hbm>>
      %dma_wait3A_45 = tpu.memref_squeeze %dma_wait3A_44 : memref<1x128x128xf32, #tpu.memory_space<hbm>> -> memref<128x128xf32, #tpu.memory_space<hbm>>
      tpu.wait_dma2 semaphore(%run_scoped3A : memref<!tpu.dma_semaphore, #tpu.memory_space<semaphore_mem>>) src(%arg8 : memref<128x128xf32, #tpu.memory_space<vmem>>) dst(%dma_wait3A_45 : memref<128x128xf32, #tpu.memory_space<hbm>>)
      tpu.yield
    }) : () -> ()
    %add3A_34 = arith.constant 512 : i32
    %add3A_35 = arith.addi %mul3A_8, %add3A_34 : i32
    "tpu.region"() ({
      %run_scoped3A = tpu.sem_alloc : memref<!tpu.dma_semaphore, #tpu.memory_space<semaphore_mem>>
      %dma_start3A = arith.constant 0 : i32
      %dma_start3A_36 = tpu.memref_slice %arg10[%add3A_35, %dma_start3A] : memref<10240x128xf32, #tpu.memory_space<vmem_shared>> -> memref<128x128xf32, #tpu.memory_space<vmem_shared>>
      %dma_start3A_37 = arith.constant 0 : i32
      %dma_start3A_38 = tpu.memref_slice %arg10[%add3A_35, %dma_start3A_37] : memref<10240x128xf32, #tpu.memory_space<vmem_shared>> -> memref<128x128xf32, #tpu.memory_space<vmem_shared>>
      tpu.enqueue_dma source(%dma_start3A_38 : memref<128x128xf32, #tpu.memory_space<vmem_shared>>) target(%arg8 : memref<128x128xf32, #tpu.memory_space<vmem>>) target_semaphore(%run_scoped3A : memref<!tpu.dma_semaphore, #tpu.memory_space<semaphore_mem>>)
      %dma_wait3A = arith.constant 0 : i32
      %dma_wait3A_39 = tpu.memref_slice %arg10[%add3A_35, %dma_wait3A] : memref<10240x128xf32, #tpu.memory_space<vmem_shared>> -> memref<128x128xf32, #tpu.memory_space<vmem_shared>>
      %dma_wait3A_40 = arith.constant 0 : i32
      %dma_wait3A_41 = tpu.memref_slice %arg10[%add3A_35, %dma_wait3A_40] : memref<10240x128xf32, #tpu.memory_space<vmem_shared>> -> memref<128x128xf32, #tpu.memory_space<vmem_shared>>
      tpu.wait_dma2 semaphore(%run_scoped3A : memref<!tpu.dma_semaphore, #tpu.memory_space<semaphore_mem>>) src(%dma_wait3A_41 : memref<128x128xf32, #tpu.memory_space<vmem_shared>>) dst(%arg8 : memref<128x128xf32, #tpu.memory_space<vmem>>)
      tpu.yield
    }) : () -> ()
    "tpu.region"() ({
      %run_scoped3A = tpu.sem_alloc : memref<!tpu.dma_semaphore, #tpu.memory_space<semaphore_mem>>
      %dma_start3A = arith.constant 0 : i32
      %dma_start3A_36 = tpu.memref_slice %arg5[%arg0, %add3A_35, %dma_start3A] : memref<2x10240x128xf32, #tpu.memory_space<hbm>> -> memref<1x128x128xf32, #tpu.memory_space<hbm>>
      %dma_start3A_37 = tpu.memref_squeeze %dma_start3A_36 : memref<1x128x128xf32, #tpu.memory_space<hbm>> -> memref<128x128xf32, #tpu.memory_space<hbm>>
      %dma_start3A_38 = arith.constant 0 : i32
      %dma_start3A_39 = tpu.memref_slice %arg5[%arg0, %add3A_35, %dma_start3A_38] : memref<2x10240x128xf32, #tpu.memory_space<hbm>> -> memref<1x128x128xf32, #tpu.memory_space<hbm>>
      %dma_start3A_40 = tpu.memref_squeeze %dma_start3A_39 : memref<1x128x128xf32, #tpu.memory_space<hbm>> -> memref<128x128xf32, #tpu.memory_space<hbm>>
      tpu.enqueue_dma source(%arg8 : memref<128x128xf32, #tpu.memory_space<vmem>>) target(%dma_start3A_40 : memref<128x128xf32, #tpu.memory_space<hbm>>) target_semaphore(%run_scoped3A : memref<!tpu.dma_semaphore, #tpu.memory_space<semaphore_mem>>)
      %dma_wait3A = arith.constant 0 : i32
      %dma_wait3A_41 = tpu.memref_slice %arg5[%arg0, %add3A_35, %dma_wait3A] : memref<2x10240x128xf32, #tpu.memory_space<hbm>> -> memref<1x128x128xf32, #tpu.memory_space<hbm>>
      %dma_wait3A_42 = tpu.memref_squeeze %dma_wait3A_41 : memref<1x128x128xf32, #tpu.memory_space<hbm>> -> memref<128x128xf32, #tpu.memory_space<hbm>>
      %dma_wait3A_43 = arith.constant 0 : i32
      %dma_wait3A_44 = tpu.memref_slice %arg5[%arg0, %add3A_35, %dma_wait3A_43] : memref<2x10240x128xf32, #tpu.memory_space<hbm>> -> memref<1x128x128xf32, #tpu.memory_space<hbm>>
      %dma_wait3A_45 = tpu.memref_squeeze %dma_wait3A_44 : memref<1x128x128xf32, #tpu.memory_space<hbm>> -> memref<128x128xf32, #tpu.memory_space<hbm>>
      tpu.wait_dma2 semaphore(%run_scoped3A : memref<!tpu.dma_semaphore, #tpu.memory_space<semaphore_mem>>) src(%arg8 : memref<128x128xf32, #tpu.memory_space<vmem>>) dst(%dma_wait3A_45 : memref<128x128xf32, #tpu.memory_space<hbm>>)
      tpu.yield
    }) : () -> ()
    return
  }
}

module attributes {stable_mosaic.version = 14 : i64} {
  func.func @_prep_body(%arg0: i32, %arg1: memref<1000x128xf32, #tpu.memory_space<vmem>>, %arg2: memref<2x1000x128xf32, #tpu.memory_space<vmem>>, %arg3: memref<1000x128xf32, #tpu.memory_space<vmem>>, %arg4: memref<1000x8xf32, #tpu.memory_space<vmem>>) attributes {dimension_semantics = [#tpu.dimension_semantics<arbitrary>], iteration_bounds = array<i64: 10>, scalar_prefetch = 0 : i64, scratch_operands = 0 : i64, tpu.core_type = #tpu.core_type<tc>, window_params = [{transform_indices = @transform_0, window_bounds = array<i64: 1000, 128>}, {transform_indices = @transform_1, window_bounds = array<i64: 2, 1000, 128>}, {transform_indices = @transform_2, window_bounds = array<i64: 1000, 128>}, {transform_indices = @transform_3, window_bounds = array<i64: 1000, 8>}]} {
    %get3A = arith.constant 0 : index
    %get3A_0 = arith.constant 0 : index
    %get3A_1 = arith.constant 0 : index
    %get3A_2 = vector.load %arg2[%get3A, %get3A_0, %get3A_1] : memref<2x1000x128xf32, #tpu.memory_space<vmem>>, vector<1x1000x128xf32>
    %get3A_3 = vector.shape_cast %get3A_2 : vector<1x1000x128xf32> to vector<1000x128xf32>
    %slice3A = vector.extract_strided_slice %get3A_3 {offsets = [0, 0], sizes = [1000, 1], strides = [1, 1]} : vector<1000x128xf32> to vector<1000x1xf32>
    %get3A_4 = arith.constant 1 : index
    %get3A_5 = arith.constant 0 : index
    %get3A_6 = arith.constant 0 : index
    %get3A_7 = vector.load %arg2[%get3A_4, %get3A_5, %get3A_6] : memref<2x1000x128xf32, #tpu.memory_space<vmem>>, vector<1x1000x128xf32>
    %get3A_8 = vector.shape_cast %get3A_7 : vector<1x1000x128xf32> to vector<1000x128xf32>
    %slice3A_9 = vector.extract_strided_slice %get3A_8 {offsets = [0, 0], sizes = [1000, 1], strides = [1, 1]} : vector<1000x128xf32> to vector<1000x1xf32>
    %add3A = arith.addf %slice3A, %slice3A_9 : vector<1000x1xf32>
    %max3A = arith.constant 1.000000e+00 : f32
    %max3A_10 = vector.broadcast %max3A : f32 to vector<1000x1xf32>
    %max3A_11 = arith.maximumf %add3A, %max3A_10 : vector<1000x1xf32>
    %rsqrt3A = math.rsqrt %max3A_11 : vector<1000x1xf32>
    %div3A = arith.constant 1.000000e+00 : f32
    %div3A_12 = vector.broadcast %div3A : f32 to vector<1000x1xf32>
    %div3A_13 = arith.divf %div3A_12, %max3A_11 : vector<1000x1xf32>
    %get3A_14 = arith.constant 0 : index
    %get3A_15 = arith.constant 0 : index
    %get3A_16 = vector.load %arg1[%get3A_14, %get3A_15] : memref<1000x128xf32, #tpu.memory_space<vmem>>, vector<1000x128xf32>
    %mul3A = vector.broadcast %rsqrt3A : vector<1000x1xf32> to vector<1000x128xf32>
    %mul3A_17 = arith.mulf %get3A_16, %mul3A : vector<1000x128xf32>
    %swap3A = arith.constant 0 : index
    %swap3A_18 = arith.constant 0 : index
    %swap3A_19 = vector.load %arg3[%swap3A, %swap3A_18] : memref<1000x128xf32, #tpu.memory_space<vmem>>, vector<1000x128xf32>
    tpu.vector_store %arg3[%swap3A, %swap3A_18], %mul3A_17 {strides = array<i32>} : memref<1000x128xf32, #tpu.memory_space<vmem>>, vector<1000x128xf32>,
    %concatenate3A = tpu.concatenate %rsqrt3A, %div3A_13, %rsqrt3A, %div3A_13, %rsqrt3A, %div3A_13, %rsqrt3A, %div3A_13 in 1 : vector<1000x1xf32>, vector<1000x1xf32>, vector<1000x1xf32>, vector<1000x1xf32>, vector<1000x1xf32>, vector<1000x1xf32>, vector<1000x1xf32>, vector<1000x1xf32> -> vector<1000x8xf32>
    %swap3A_20 = arith.constant 0 : index
    %swap3A_21 = arith.constant 0 : index
    %swap3A_22 = vector.load %arg4[%swap3A_20, %swap3A_21] : memref<1000x8xf32, #tpu.memory_space<vmem>>, vector<1000x8xf32>
    tpu.vector_store %arg4[%swap3A_20, %swap3A_21], %concatenate3A {strides = array<i32>} : memref<1000x8xf32, #tpu.memory_space<vmem>>, vector<1000x8xf32>,
    return
  }
  func.func @transform_0(%arg0: i32) -> (i32, i32) {
    %c0_i32 = arith.constant 0 : i32
    %c0_i32_0 = arith.constant 0 : i32
    return %arg0, %c0_i32 : i32, i32
  }
  func.func @transform_1(%arg0: i32) -> (i32, i32, i32) {
    %c0_i32 = arith.constant 0 : i32
    %c0_i32_0 = arith.constant 0 : i32
    %c0_i32_1 = arith.constant 0 : i32
    return %c0_i32, %arg0, %c0_i32_0 : i32, i32, i32
  }
  func.func @transform_2(%arg0: i32) -> (i32, i32) {
    %c0_i32 = arith.constant 0 : i32
    %c0_i32_0 = arith.constant 0 : i32
    return %arg0, %c0_i32 : i32, i32
  }
  func.func @transform_3(%arg0: i32) -> (i32, i32) {
    %c0_i32 = arith.constant 0 : i32
    %c0_i32_0 = arith.constant 0 : i32
    return %arg0, %c0_i32 : i32, i32
  }
}

module attributes {stable_mosaic.version = 14 : i64} {
  func.func @_mid_body(%arg0: i32, %arg1: memref<2x1000x128xf32, #tpu.memory_space<vmem>>, %arg2: memref<1000x8xf32, #tpu.memory_space<vmem>>, %arg3: memref<1000x128xf32, #tpu.memory_space<vmem>>) attributes {dimension_semantics = [#tpu.dimension_semantics<arbitrary>], iteration_bounds = array<i64: 10>, scalar_prefetch = 0 : i64, scratch_operands = 0 : i64, tpu.core_type = #tpu.core_type<tc>, window_params = [{transform_indices = @transform_0, window_bounds = array<i64: 2, 1000, 128>}, {transform_indices = @transform_1, window_bounds = array<i64: 1000, 8>}, {transform_indices = @transform_2, window_bounds = array<i64: 1000, 128>}]} {
    %get3A = arith.constant 0 : index
    %get3A_0 = arith.constant 0 : index
    %get3A_1 = arith.constant 0 : index
    %get3A_2 = vector.load %arg1[%get3A, %get3A_0, %get3A_1] : memref<2x1000x128xf32, #tpu.memory_space<vmem>>, vector<1x1000x128xf32>
    %get3A_3 = vector.shape_cast %get3A_2 : vector<1x1000x128xf32> to vector<1000x128xf32>
    %get3A_4 = arith.constant 1 : index
    %get3A_5 = arith.constant 0 : index
    %get3A_6 = arith.constant 0 : index
    %get3A_7 = vector.load %arg1[%get3A_4, %get3A_5, %get3A_6] : memref<2x1000x128xf32, #tpu.memory_space<vmem>>, vector<1x1000x128xf32>
    %get3A_8 = vector.shape_cast %get3A_7 : vector<1x1000x128xf32> to vector<1000x128xf32>
    %add3A = arith.addf %get3A_3, %get3A_8 : vector<1000x128xf32>
    %get3A_9 = arith.constant 0 : index
    %get3A_10 = arith.constant 1 : index
    %get3A_11 = vector.load %arg2[%get3A_9, %get3A_10] : memref<1000x8xf32, #tpu.memory_space<vmem>>, vector<1000x1xf32>
    %mul3A = vector.broadcast %get3A_11 : vector<1000x1xf32> to vector<1000x128xf32>
    %mul3A_12 = arith.mulf %add3A, %mul3A : vector<1000x128xf32>
    %swap3A = arith.constant 0 : index
    %swap3A_13 = arith.constant 0 : index
    %swap3A_14 = vector.load %arg3[%swap3A, %swap3A_13] : memref<1000x128xf32, #tpu.memory_space<vmem>>, vector<1000x128xf32>
    tpu.vector_store %arg3[%swap3A, %swap3A_13], %mul3A_12 {strides = array<i32>} : memref<1000x128xf32, #tpu.memory_space<vmem>>, vector<1000x128xf32>,
    return
  }
  func.func @transform_0(%arg0: i32) -> (i32, i32, i32) {
    %c0_i32 = arith.constant 0 : i32
    %c0_i32_0 = arith.constant 0 : i32
    %c0_i32_1 = arith.constant 0 : i32
    return %c0_i32, %arg0, %c0_i32_0 : i32, i32, i32
  }
  func.func @transform_1(%arg0: i32) -> (i32, i32) {
    %c0_i32 = arith.constant 0 : i32
    %c0_i32_0 = arith.constant 0 : i32
    return %arg0, %c0_i32 : i32, i32
  }
  func.func @transform_2(%arg0: i32) -> (i32, i32) {
    %c0_i32 = arith.constant 0 : i32
    %c0_i32_0 = arith.constant 0 : i32
    return %arg0, %c0_i32 : i32, i32
  }
}

module attributes {stable_mosaic.version = 14 : i64} {
  func.func @_head_body(%arg0: i32, %arg1: memref<2x1000x128xf32, #tpu.memory_space<vmem>>, %arg2: memref<1000x8xf32, #tpu.memory_space<vmem>>, %arg3: memref<128x128xf32, #tpu.memory_space<vmem>>, %arg4: memref<1x128xf32, #tpu.memory_space<vmem>>, %arg5: memref<128x40xf32, #tpu.memory_space<vmem>>, %arg6: memref<1x40xf32, #tpu.memory_space<vmem>>, %arg7: memref<1000x40xf32, #tpu.memory_space<vmem>>) attributes {dimension_semantics = [#tpu.dimension_semantics<arbitrary>], iteration_bounds = array<i64: 10>, scalar_prefetch = 0 : i64, scratch_operands = 0 : i64, tpu.core_type = #tpu.core_type<tc>, window_params = [{transform_indices = @transform_0, window_bounds = array<i64: 2, 1000, 128>}, {transform_indices = @transform_1, window_bounds = array<i64: 1000, 8>}, {pipeline_mode = #tpu.pipeline_mode<synchronous>, transform_indices = @transform_2, window_bounds = array<i64: 128, 128>}, {pipeline_mode = #tpu.pipeline_mode<synchronous>, transform_indices = @transform_3, window_bounds = array<i64: 1, 128>}, {pipeline_mode = #tpu.pipeline_mode<synchronous>, transform_indices = @transform_4, window_bounds = array<i64: 128, 40>}, {pipeline_mode = #tpu.pipeline_mode<synchronous>, transform_indices = @transform_5, window_bounds = array<i64: 1, 40>}, {transform_indices = @transform_6, window_bounds = array<i64: 1000, 40>}]} {
    %get3A = arith.constant 0 : index
    %get3A_0 = arith.constant 0 : index
    %get3A_1 = arith.constant 0 : index
    %get3A_2 = vector.load %arg1[%get3A, %get3A_0, %get3A_1] : memref<2x1000x128xf32, #tpu.memory_space<vmem>>, vector<1x1000x128xf32>
    %get3A_3 = vector.shape_cast %get3A_2 : vector<1x1000x128xf32> to vector<1000x128xf32>
    %get3A_4 = arith.constant 1 : index
    %get3A_5 = arith.constant 0 : index
    %get3A_6 = arith.constant 0 : index
    %get3A_7 = vector.load %arg1[%get3A_4, %get3A_5, %get3A_6] : memref<2x1000x128xf32, #tpu.memory_space<vmem>>, vector<1x1000x128xf32>
    %get3A_8 = vector.shape_cast %get3A_7 : vector<1x1000x128xf32> to vector<1000x128xf32>
    %add3A = arith.addf %get3A_3, %get3A_8 : vector<1000x128xf32>
    %get3A_9 = arith.constant 0 : index
    %get3A_10 = arith.constant 0 : index
    %get3A_11 = vector.load %arg2[%get3A_9, %get3A_10] : memref<1000x8xf32, #tpu.memory_space<vmem>>, vector<1000x1xf32>
    %mul3A = vector.broadcast %get3A_11 : vector<1000x1xf32> to vector<1000x128xf32>
    %mul3A_12 = arith.mulf %add3A, %mul3A : vector<1000x128xf32>
    %get3A_13 = arith.constant 0 : index
    %get3A_14 = arith.constant 0 : index
    %get3A_15 = vector.load %arg3[%get3A_13, %get3A_14] : memref<128x128xf32, #tpu.memory_space<vmem>>, vector<128x128xf32>
    %dot_general3A = arith.constant dense<0.000000e+00> : vector<1000x128xf32>
    %dot_general3A_16 = tpu.matmul %mul3A_12, %get3A_15, %dot_general3A {dimension_numbers = #tpu.dot_dimension_numbers<[1], [0], [0], [1], [0, 0, 1, 1], [], []>, transpose_lhs_hint = false} : vector<1000x128xf32>, vector<128x128xf32>, vector<1000x128xf32> -> vector<1000x128xf32>
    %get3A_17 = arith.constant 0 : index
    %get3A_18 = arith.constant 0 : index
    %get3A_19 = vector.load %arg4[%get3A_17, %get3A_18] : memref<1x128xf32, #tpu.memory_space<vmem>>, vector<1x128xf32>
    %add3A_20 = vector.broadcast %get3A_19 : vector<1x128xf32> to vector<1000x128xf32>
    %add3A_21 = arith.addf %dot_general3A_16, %add3A_20 : vector<1000x128xf32>
    %max3A = arith.constant 0.000000e+00 : f32
    %max3A_22 = vector.broadcast %max3A : f32 to vector<1000x128xf32>
    %max3A_23 = arith.maximumf %add3A_21, %max3A_22 : vector<1000x128xf32>
    %get3A_24 = arith.constant 0 : index
    %get3A_25 = arith.constant 0 : index
    %get3A_26 = vector.load %arg5[%get3A_24, %get3A_25] : memref<128x40xf32, #tpu.memory_space<vmem>>, vector<128x40xf32>
    %dot_general3A_27 = arith.constant dense<0.000000e+00> : vector<1000x40xf32>
    %dot_general3A_28 = tpu.matmul %max3A_23, %get3A_26, %dot_general3A_27 {dimension_numbers = #tpu.dot_dimension_numbers<[1], [0], [0], [1], [0, 0, 1, 1], [], []>, transpose_lhs_hint = false} : vector<1000x128xf32>, vector<128x40xf32>, vector<1000x40xf32> -> vector<1000x40xf32>
    %get3A_29 = arith.constant 0 : index
    %get3A_30 = arith.constant 0 : index
    %get3A_31 = vector.load %arg6[%get3A_29, %get3A_30] : memref<1x40xf32, #tpu.memory_space<vmem>>, vector<1x40xf32>
    %add3A_32 = vector.broadcast %get3A_31 : vector<1x40xf32> to vector<1000x40xf32>
    %add3A_33 = arith.addf %dot_general3A_28, %add3A_32 : vector<1000x40xf32>
    %swap3A = arith.constant 0 : index
    %swap3A_34 = arith.constant 0 : index
    %swap3A_35 = vector.load %arg7[%swap3A, %swap3A_34] : memref<1000x40xf32, #tpu.memory_space<vmem>>, vector<1000x40xf32>
    tpu.vector_store %arg7[%swap3A, %swap3A_34], %add3A_33 {strides = array<i32>} : memref<1000x40xf32, #tpu.memory_space<vmem>>, vector<1000x40xf32>,
    return
  }
  func.func @transform_0(%arg0: i32) -> (i32, i32, i32) {
    %c0_i32 = arith.constant 0 : i32
    %c0_i32_0 = arith.constant 0 : i32
    %c0_i32_1 = arith.constant 0 : i32
    return %c0_i32, %arg0, %c0_i32_0 : i32, i32, i32
  }
  func.func @transform_1(%arg0: i32) -> (i32, i32) {
    %c0_i32 = arith.constant 0 : i32
    %c0_i32_0 = arith.constant 0 : i32
    return %arg0, %c0_i32 : i32, i32
  }
  func.func @transform_2(%arg0: i32) -> (i32, i32) {
    %c0_i32 = arith.constant 0 : i32
    %c0_i32_0 = arith.constant 0 : i32
    %c0_i32_1 = arith.constant 0 : i32
    return %c0_i32, %c0_i32_0 : i32, i32
  }
  func.func @transform_3(%arg0: i32) -> (i32, i32) {
    %c0_i32 = arith.constant 0 : i32
    %c0_i32_0 = arith.constant 0 : i32
    %c0_i32_1 = arith.constant 0 : i32
    return %c0_i32, %c0_i32_0 : i32, i32
  }
  func.func @transform_4(%arg0: i32) -> (i32, i32) {
    %c0_i32 = arith.constant 0 : i32
    %c0_i32_0 = arith.constant 0 : i32
    %c0_i32_1 = arith.constant 0 : i32
    return %c0_i32, %c0_i32_0 : i32, i32
  }
  func.func @transform_5(%arg0: i32) -> (i32, i32) {
    %c0_i32 = arith.constant 0 : i32
    %c0_i32_0 = arith.constant 0 : i32
    %c0_i32_1 = arith.constant 0 : i32
    return %c0_i32, %c0_i32_0 : i32, i32
  }
  func.func @transform_6(%arg0: i32) -> (i32, i32) {
    %c0_i32 = arith.constant 0 : i32
    %c0_i32_0 = arith.constant 0 : i32
    return %arg0, %c0_i32 : i32, i32
  }
}

</mosaic_0001>

<sc_bundles>
// kernel: kernel.11.cloned.1.call-start
scs
__scs_entry_jumppad:
0x0: {  	(pc) =	sbr.rel $0x88, $3  }
0x1: {  	(tag) =	ssettag $0x0;
	lr =	simm.s32 $0x1  }
0x2: {  	[smem:$0x3F9B] =	sst lr;
	_ =	strace $0xD0000000  }
0x3: {  	_ = 	snop  }
0x4: {  	_ = 	snop  }
0x5: {  	_ = 	snop  }
0x6: {  	_ = 	snop  }
0x7: {  	_ = 	snop  }
__scs_overlays_trampoline_lowered:
0x8: {  	[smem:$0x3FAA] =	sst s0  }
0x9: {  	[smem:$0x3FAB] =	sst s1  }
0xa: {  	[smem:$0x3FAC] =	sst s2  }
0xb: {  	[smem:$0x3FAD] =	sst s3  }
0xc: {  	[smem:$0x3FAE] =	sst s4  }
0xd: {  	[smem:$0x3FAF] =	sst s5  }
0xe: {  	[smem:$0x3FB0] =	sst s6  }
0xf: {  	[smem:$0x3FB1] =	sst s7  }
0x10: {  	[smem:$0x3FB2] =	sst s8  }
0x11: {  	[smem:$0x3FB3] =	sst s9;
	s0 =	simm.s32 @!p0 $0x0  }
0x12: {  	s1 =	sld [smem:$0x3F99];
	s0 =	simm.s32 @p0 $0x1  }
0x13: {  	[smem:$0x3FB4] =	sst s0;
	s0 =	simm.s32 @!p1 $0x0  }
0x14: {  	s2 =	sld [smem:$0x3F98];
	s0 =	simm.s32 @p1 $0x1  }
0x15: {  	[smem:$0x3FB5] =	sst s0;
	s0 =	simm.s32 @!p2 $0x0  }
0x16: {  	s3 =	sld [smem:$0x3FDB];
	s0 =	simm.s32 @p2 $0x1  }
0x17: {  	s4 =	simm.s32 $0x1BF5;
	[smem:$0x3FB7] =	sst s0  }
0x18: {  	s0 =	sld [smem:$0x3F9A];
	_ =	swait.ge [sflag:s4], $0x0  }
0x19: {  	s7 =	sld [smem:$0x3F9B]  }
0x1a: {  	s8 =	sadd.s32 $0xFFFFE003, lr  }
0x1b: {  	s9 =	sadd.s32 $0xFFFFFEF7, lr;
	s5 =	simm.s32 $0xFFFFFFFF;
	p2 =	slt.u32 s8, $0xFFFFF086  }
0x1c: {  	p1 =	slt.u32 s9, $0xF7A;
	s5 =	simm.s32 @!p2 $0x0  }
0x1d: {  	s5 =	simm.s32 @p1 $0x1;
	p0 =	seq.s32 s7, s2  }
0x1e: {  	s7 =	smul.u32 @!p0 $0xF7A, s2;
	p2 =	seq.s32 @!p0 s5, $0x0  }
0x1f: {  	s9 =	smul.u32 $0xF7A, s1;
	s8 =	simm.s32 @!p0 $0x1BF5;
	p2 =	por !p2, p0  }
0x20: {  	[sflag:s8] =	ssyncset.s32 @!p0 $0xFFFFF086;
	s6 =	sadd.s32 @!p0 s3, s7;
	s7 =	simm.s32 @!p0 $0x108  }
0x21: {  	s3 =	sadd.s32 s3, s9;
	s6 =	sadd.s32 @!p0 $0x88, s6;
	s7 =	simm.s32 @p2 $0x1082  }
0x22: {  	[simem:s7], [sflag:s8] =	dma.local @!p0 [hbm:s6], $0xF7A  }
0x23: {  	s9 =	sor.u32 $0xD0000000, s2;
	s6 =	simm.s32 $0x108;
	_ =	swait.ge @!p0 [sflag:s8], $0x0  }
0x24: {  	s3 =	sadd.s32 $0x88, s3;
	s6 =	simm.s32 @!p1 $0x1082;
	[sflag:s4] =	ssyncset.s32 $0xFFFFF086  }
0x25: {  	[simem:s6], [sflag:s4] =	dma.local [hbm:s3], $0xF7A  }
0x26: {  	[smem:$0x3F9B] =	sst s1;
	(tag) =	ssettag s2;
	_ =	strace s9  }
0x27: {  	s1 =	sld [smem:$0x3FAB]  }
0x28: {  	s2 =	sld [smem:$0x3FAC]  }
0x29: {  	s4 =	sld [smem:$0x3FAE]  }
0x2a: {  	p0 =	seq.s32 s5, $0x0;
	s5 =	sld [smem:$0x3FAF]  }
0x2b: {  	s6 =	sld [smem:$0x3FB0]  }
0x2c: {  	s7 =	sld [smem:$0x3FB1]  }
0x2d: {  	s3 =	simm.s32 $0x108;
	s8 =	sld [smem:$0x3FB2]  }
0x2e: {  	s3 =	simm.s32 @!p0 $0x1082;
	s9 =	sld [smem:$0x3FB3]  }
0x2f: {  	lr =	sadd.s32 s0, s3;
	s0 =	sld [smem:$0x3FAA]  }
0x30: {  	s3 =	sld [smem:$0x3FAD]  }
0x31: {  	[smem:$0x3FB6] =	sst s10  }
0x32: {  	s10 =	sld [smem:$0x3FB4];
	_ =	sdelay $0x3  }
0x33: {  	p0 =	seq.s32 s10, $0x1;
	s10 =	sld [smem:$0x3FB6];
	_ =	sdelay $0x3  }
0x34: {  	[smem:$0x3FB6] =	sst s10  }
0x35: {  	s10 =	sld [smem:$0x3FB5];
	_ =	sdelay $0x3  }
0x36: {  	p1 =	seq.s32 s10, $0x1;
	s10 =	sld [smem:$0x3FB6];
	_ =	sdelay $0x3  }
0x37: {  	[smem:$0x3FB6] =	sst s10  }
0x38: {  	s10 =	sld [smem:$0x3FB7]  }
0x39: {  	_ = 	snop;
	(pc) =	sbr.ind lr, $3  }
0x3a: {  	_ = 	snop  }
0x3b: {  	_ = 	snop  }
0x3c: {  	p2 =	seq.s32 s10, $0x1;
	s10 =	sld [smem:$0x3FB6]  }
0x3d: {  	_ =	shalt  }
0x3e: {  	_ =	shalt  }
0x3f: {  	_ =	shalt  }
0x40: {  	_ =	shalt  }
0x41: {  	_ =	shalt  }
0x42: {  	_ =	shalt  }
0x43: {  	_ =	shalt  }
0x44: {  	_ =	shalt  }
0x45: {  	_ =	shalt  }
0x46: {  	_ =	shalt  }
0x47: {  	_ =	shalt  }
0x48: {  	_ =	shalt  }
0x49: {  	_ =	shalt  }
0x4a: {  	_ =	shalt  }
0x4b: {  	_ =	shalt  }
0x4c: {  	_ =	shalt  }
0x4d: {  	_ =	shalt  }
0x4e: {  	_ =	shalt  }
0x4f: {  	_ =	shalt  }
0x50: {  	_ =	shalt  }
0x51: {  	_ =	shalt  }
0x52: {  	_ =	shalt  }
0x53: {  	_ =	shalt  }
0x54: {  	_ =	shalt  }
0x55: {  	_ =	shalt  }
0x56: {  	_ =	shalt  }
0x57: {  	_ =	shalt  }
0x58: {  	_ =	shalt  }
0x59: {  	_ =	shalt  }
0x5a: {  	_ =	shalt  }
0x5b: {  	_ =	shalt  }
0x5c: {  	_ =	shalt  }
0x5d: {  	_ =	shalt  }
0x5e: {  	_ =	shalt  }
0x5f: {  	_ =	shalt  }
0x60: {  	_ =	shalt  }
0x61: {  	_ =	shalt  }
0x62: {  	_ =	shalt  }
0x63: {  	_ =	shalt  }
0x64: {  	_ =	shalt  }
0x65: {  	_ =	shalt  }
0x66: {  	_ =	shalt  }
0x67: {  	_ =	shalt  }
0x68: {  	_ =	shalt  }
0x69: {  	_ =	shalt  }
0x6a: {  	_ =	shalt  }
0x6b: {  	_ =	shalt  }
0x6c: {  	_ =	shalt  }
0x6d: {  	_ =	shalt  }
0x6e: {  	_ =	shalt  }
0x6f: {  	_ =	shalt  }
0x70: {  	_ =	shalt  }
0x71: {  	_ =	shalt  }
0x72: {  	_ =	shalt  }
0x73: {  	_ =	shalt  }
0x74: {  	_ =	shalt  }
0x75: {  	_ =	shalt  }
0x76: {  	_ =	shalt  }
0x77: {  	_ =	shalt  }
0x78: {  	_ =	shalt  }
0x79: {  	_ =	shalt  }
0x7a: {  	_ =	shalt  }
0x7b: {  	_ =	shalt  }
0x7c: {  	_ =	shalt  }
0x7d: {  	_ =	shalt  }
0x7e: {  	_ =	shalt  }
0x7f: {  	_ =	shalt  }
0x80: {  	_ =	shalt  }
0x81: {  	_ =	shalt  }
0x82: {  	_ =	shalt  }
0x83: {  	_ =	shalt  }
0x84: {  	_ =	shalt  }
0x85: {  	_ =	shalt  }
0x86: {  	_ =	shalt  }
0x87: {  	_ =	shalt  }
.Lfunc_end0:
.L_simem_size_0:
called_computation.1_lowered:
.L_overlay_start_0:
0x88: {  	s2 =	sld [smem:$0x3FD9]  }
0x89: {  	s3 =	sld [smem:$0x3FFE];
	_ =	sdelay $0x1  }
0x8a: {  	s1 =	srdreg.scid  }
0x8b: {  	s0 =	sand.u32 $0x1, s1  }
0x8c: {  	s17 =	sshll.u32 s0, $0xA;
	s2 =	sadd.s32 s3, s2  }
0x8d: {  	s2 =	sadd.s32 s2, s17  }
0x8e: {  	[smem:$0x3FC2] =	sst s2  }
0x8f: {  	_ = 	snop  }
0x90: {  	s2 =	sld [smem:$0x3FD0];
	(tm) =	ssettm $0x1  }
0x91: {  	s18 =	sld [smem:$0x3FFB];
	_ =	sdelay $0x3  }
0x92: {  	_ =	strace s18  }
0x93: {  	s3 =	sld [smem:$0x3FFC];
	_ =	sdelay $0x3  }
0x94: {  	_ =	strace s3  }
0x95: {  	s3 =	sld [smem:$0x3FFD];
	_ =	sdelay $0x3  }
0x96: {  	_ =	strace s3  }
0x97: {  	_ =	strace $0x8FFFFFFF  }
0x98: {  	s19 =	sld [smem:$0x3FDB];
	_ =	sdelay $0x1  }
0x99: {  	s4 =	simm.s32 $_scs_section_size  }
0x9a: {  	s5 =	simm.s32 $_size__tile_overlayer_lowered;
	s6 =	simm.s32 $_tile_overlayer_lowered  }
0x9b: {  	s22 =	simm.s32 $0x1BFF;
	s21 =	sshll.u32 s6, $0x1;
	s3 =	sadd.s32 s4, s19  }
0x9c: {  	s7 =	simm.s32 $0x0;
	s20 =	sshll.u32 s5, $0x1;
	s5 =	sadd.s32 s21, s3  }
0x9d: {  	[timem:s7], [sflag:s22] =	dma.local [hbm:s5], s20  }
0x9e: {  	_ =	swait.ge [sflag:s22], s20  }
0x9f: {  	s4 =	ssub.s32 $0x0, s20;
	[sflag:s22] =	ssyncset.done $0x0  }
0xa0: {  	[sflag:s22] =	ssyncadd.s32 s4;
	_ =	sdelay $0x1  }
0xa1: {  	s23 =	simm.s32 $0x1B8B  }
0xa2: {  	_ =	swait.ge [sflag:s23], $0x1  }
0xa3: {  	[sflag:s23] =	ssyncset.done $0x0  }
0xa4: {  	s25 =	simm.s32 $0x1B8E;
	s24 =	sld [smem:$0x3FFE];
	[sflag:s23] =	ssyncadd.s32 $0xFFFFFFFF  }
0xa5: {  	s26 =	simm.s32 $execute0_lowered;
	[smem:$0x3FD2] =	sst s25  }
0xa6: {  	s5 =	sshll.u32 s26, $0x1;
	_ =	strace $0x80000049;
	[dreg:$0x1] =	wrdreg $0xFFFFFFFF  }
0xa7: {  	s28 =	simm.s32 $_size_execute0_lowered;
	s3 =	sadd.s32 s3, s5;
	[dreg:$0x0] =	wrdreg $0x0  }
0xa8: {  	s5 =	sshll.u32 s28, $0x1;
	[dreg:$0x2] =	wrdreg s3  }
0xa9: {  	[dreg:$0x3] =	wrdreg s5  }
0xaa: {  	[dreg:$0x4] =	wrdreg $0xC0  }
0xab: {  	_ =	task [dreg:s7], $0x5FFFF  }
0xac: {  	[dreg:$0x1] =	wrdreg $0xFFFFFFFF  }
0xad: {  	[dreg:$0x0] =	wrdreg $0x60  }
0xae: {  	[dreg:$0x2] =	wrdreg s24  }
0xaf: {  	[dreg:$0x3] =	wrdreg s2  }
0xb0: {  	[dreg:$0x4] =	wrdreg $0xB4000  }
0xb1: {  	[dreg:$0x5] =	wrdreg $0x9  }
0xb2: {  	_ =	task.clear_ibuf [dreg:s7], $0x6FFFF;
	_ =	strace $0x90000049  }
0xb3: {  	s29 =	simm.s32 $0x9;
	_ =	strace $0x8000004B  }
0xb4: {  	_ =	swait.ge [sflag:s29], $0x1  }
0xb5: {  	[sflag:s29] =	ssyncadd.s32 $0xFFFFFFFF  }
0xb6: {  	_ =	strace $0x9000004B  }
0xb7: {  	_ =	sfence  }
0xb8: {  	s30 =	sld [smem:$0x0];
	_ =	sdelay $0x2  }
0xb9: {  	s31 =	sshll.u32 s1, $0xD;
	s1 =	sshrl.u32 s1, $0x2  }
0xba: {  	s3 =	sand.u32 $0x4000, s31;
	s1 =	sadd.s32 s1, s30  }
0xbb: {  	s0 =	sor.u32 s3, s0;
	s1 =	sshll.u32 s1, $0x11  }
0xbc: {  	s0 =	sor.u32 s1, s0  }
0xbd: {  	s0 =	sadd.s32 $0x8F2B, s0  }
0xbe: {  	[sflag:s0] =	ssyncadd.remote.s32 $0x1  }
0xbf: {  	_ =	sfence.sel $0xFFFF  }
0xc0: {  	[dreg:$0x0] =	wrdreg $0xFFFFFFFF;
	(pc) =	sbr.abs _section_cstart, $3  }
0xc1: {  	[dreg:$0x1] =	wrdreg $0xFFFFFFFF  }
0xc2: {  	_ =	task.clear_ibuf [dreg:s7], $0x2FFFF;
	_ =	strace $0x9FFFFFFF  }
0xc3: {  	(tm) =	ssettm $0x7FFFFFFF  }
tec
execute0_lowered:
.L_overlay_start_1:
0x0: {  	(tag) =	ssettag $0x1  }
0x1: {  	s5 =	rddreg [dreg:$0x0]  }
0x2: {  	s17 =	rddreg [dreg:$0x1]  }
0x3: {  	s2 =	rddreg [dreg:$0x2];
	s3 =	simm.s32 $0x0  }
0x4: {  	s21 =	simm.s32 $0x100;
	[smem:$0x7FF] =	sst s3  }
0x5: {  	s24 =	simm.s32 $0x180;
	_ =	strace $0x8000004A;
	[dreg:$0x4] =	wrdreg s21  }
0x6: {  	s0 =	srdreg.scid;
	s25 =	simm.s32 $0x200;
	[dreg:$0x5] =	wrdreg s24  }
0x7: {  	s26 =	simm.s32 $0x280;
	s29 =	simm.s32 $0x300;
	[dreg:$0x6] =	wrdreg s25  }
0x8: {  	s30 =	simm.s32 $0x380;
	s31 =	simm.s32 $0x400;
	[dreg:$0x7] =	wrdreg s26  }
0x9: {  	s28 =	simm.s32 $0x0;
	s16 =	sand.u32 $0x1, s0;
	[dreg:$0x8] =	wrdreg s29  }
0xa: {  	s0 =	stileid.u32;
	s15 =	sadd.s32 $0x33200, s5;
	[dreg:$0x9] =	wrdreg s30  }
0xb: {  	s1 =	sshll.u32 s16, $0x4;
	[dreg:$0xa] =	wrdreg s31;
	s21 =	simm.s32 $0x480  }
0xc: {  	s7 =	smul.u32 $0x50000, s0;
	s24 =	simm.s32 $0x580;
	[dreg:$0xb] =	wrdreg s21  }
0xd: {  	s11 =	smul.u32 $0x14000, s0;
	s25 =	simm.s32 $0x600;
	[dreg:$0xd] =	wrdreg s24  }
0xe: {  	s22 =	ssub.s32 $0x2, s16;
	s26 =	simm.s32 $0x680;
	[dreg:$0xe] =	wrdreg s25  }
0xf: {  	s19 =	smul.u32 $0x140000, s16;
	s29 =	simm.s32 $0x700;
	[dreg:$0xf] =	wrdreg s26  }
0x10: {  	s30 =	simm.s32 $0x780;
	s31 =	simm.s32 $0x800;
	[dreg:$0x10] =	wrdreg s29  }
0x11: {  	s4 =	sor.u32 s0, s1;
	s23 =	sshrl.u32 s22, $0x1;
	[dreg:$0x11] =	wrdreg s30  }
0x12: {  	s1 =	smul.u32 $0x30000, s16;
	[dreg:$0x12] =	wrdreg s31;
	s21 =	simm.s32 $0x80  }
0x13: {  	s25 =	simm.s32 $0x980;
	s24 =	simm.s32 $0x3;
	s26 =	simm.s32 $0x4  }
0x14: {  	s6 =	smul.u32 $0x500, s4;
	s4 =	sadd.s32 $0xC000, s5;
	s7 =	sshrl.u32 s7, $0x2  }
0x15: {  	s12 =	sadd.s32 $0x4000, s11;
	s18 =	ssub.s32 s22, s23;
	s13 =	sadd.s32 $0x8000, s11  }
0x16: {  	s14 =	sadd.s32 $0xC000, s11;
	s20 =	sadd.s32 $0x10000, s11;
	s11 =	sadd.s32 s11, s19  }
0x17: {  	s22 =	smul.u32 $0x3000, s0;
	s23 =	simm.s32 $0x500;
	[dreg:$0x15] =	wrdreg s25  }
0x18: {  	s25 =	simm.s32 $0x2;
	s8 =	sadd.s32 s14, s2;
	s9 =	sadd.s32 s20, s2  }
0x19: {  	s11 =	sshrl.u32 s11, $0x3;
	s14 =	sadd.s32 s19, s14;
	s16 =	smax.u32 s18, $0x1  }
0x1a: {  	[dreg:$0xc] =	wrdreg s23;
	s18 =	simm.s32 $0x3400;
	s23 =	simm.s32 $0x900  }
0x1b: {  	s10 =	sadd.s32 s6, s5;
	s5 =	sadd.s32 s7, s2;
	s6 =	sadd.s32 s12, s2  }
0x1c: {  	s7 =	sadd.s32 s13, s2;
	s12 =	sadd.s32 s19, s12;
	s13 =	sadd.s32 s19, s13  }
0x1d: {  	s11 =	sadd.s32 s15, s11;
	s14 =	sshrl.u32 s14, $0x3;
	s19 =	sadd.s32 s19, s20  }
0x1e: {  	s20 =	simm.s32 $0xC00;
	[dreg:$0x14] =	wrdreg s23;
	s23 =	simm.s32 $0x1  }
0x1f: {  	s12 =	sshrl.u32 s12, $0x3;
	s13 =	sshrl.u32 s13, $0x3;
	s14 =	sadd.s32 s15, s14  }
0x20: {  	s19 =	sshrl.u32 s19, $0x3;
	s12 =	sadd.s32 s15, s12;
	s13 =	sadd.s32 s15, s13  }
0x21: {  	s15 =	sadd.s32 s15, s19;
	s19 =	sadd.s32 s22, s1;
	s22 =	simm.s32 $0x880  }
0x22: {  	s10 =	sadd.s32 $0x2000, s10;
	s19 =	sshrl.u32 s19, $0x3;
	[dreg:$0x13] =	wrdreg s22  }
0x23: {  	v0 =	vimm.f32 $0.0e+00;
	s22 =	simm.s32 $0x7400;
	s17 =	sadd.s32 s19, s17;
	s19 =	simm.s32 $0x5  }
.LBB2_1:
0x24: {  	s29 =	simm.s32 $0x0;
	s30 =	simm.s32 $0x200  }
.LBB2_2:
0x25: {  	p0 =	sne.s32 s30, $0xFE00;
	[tilespmem:s29+$0x3470] =	vst v0  }
0x26: {  	[tilespmem:s29+$0x3400] =	vst v0  }
0x27: {  	[tilespmem:s29+$0x3410] =	vst v0  }
.Ltmp0:
0x28: {  	[tilespmem:s29+$0x3420] =	vst v0;
	(pc) =	sbr.rel @p0 .LBB2_2-.Ltmp0, $4  }
0x29: {  	[tilespmem:s29+$0x3430] =	vst v0  }
0x2a: {  	[tilespmem:s29+$0x3440] =	vst v0  }
0x2b: {  	[tilespmem:s29+$0x3450] =	vst v0  }
0x2c: {  	[tilespmem:s29+$0x3460] =	vst v0;
	s29 =	sshra.s32 s30, $0x2;
	s30 =	sadd.s32 $0x200, s30  }
0x2d: {  	[tilespmem:s29+$0x3470] =	vst v0  }
0x2e: {  	[tilespmem:s29+$0x3400] =	vst v0  }
0x2f: {  	[tilespmem:s29+$0x3410] =	vst v0  }
0x30: {  	[tilespmem:s29+$0x3420] =	vst v0  }
0x31: {  	[tilespmem:s29+$0x3430] =	vst v0  }
0x32: {  	[tilespmem:s29+$0x3440] =	vst v0  }
0x33: {  	[tilespmem:s29+$0x3450] =	vst v0  }
0x34: {  	[tilespmem:s29+$0x3460] =	vst v0  }
0x35: {  	[spmem:s5] =	stream.linear.scatter [tilespmem:s18], [sflag:$0x5], $0x4000, $0x38;
	[tilespmem:$0x1F400] =	vst v63  }
0x36: {  	_ =	swait.ge [sflag:s19], $0x4000  }
0x37: {  	[sflag:s19] =	ssyncset.done $0x0  }
0x38: {  	[sflag:s19] =	ssyncadd.s32 $0xFFFFC000  }
0x39: {  	[spmem:s6] =	stream.linear.scatter [tilespmem:s18], [sflag:$0x5], $0x4000, $0x38;
	[tilespmem:$0x1F400] =	vst v63  }
0x3a: {  	_ =	swait.ge [sflag:s19], $0x4000  }
0x3b: {  	[sflag:s19] =	ssyncset.done $0x0  }
0x3c: {  	[sflag:s19] =	ssyncadd.s32 $0xFFFFC000  }
0x3d: {  	[spmem:s7] =	stream.linear.scatter [tilespmem:s18], [sflag:$0x5], $0x4000, $0x38;
	[tilespmem:$0x1F400] =	vst v63  }
0x3e: {  	_ =	swait.ge [sflag:s19], $0x4000  }
0x3f: {  	[sflag:s19] =	ssyncset.done $0x0  }
0x40: {  	[sflag:s19] =	ssyncadd.s32 $0xFFFFC000  }
0x41: {  	[spmem:s8] =	stream.linear.scatter [tilespmem:s18], [sflag:$0x5], $0x4000, $0x38;
	[tilespmem:$0x1F400] =	vst v63  }
0x42: {  	_ =	swait.ge [sflag:s19], $0x4000  }
0x43: {  	[sflag:s19] =	ssyncset.done $0x0  }
0x44: {  	[sflag:s19] =	ssyncadd.s32 $0xFFFFC000  }
0x45: {  	[spmem:s9] =	stream.linear.scatter [tilespmem:s18], [sflag:$0x5], $0x4000, $0x38;
	[tilespmem:$0x1F400] =	vst v63  }
0x46: {  	_ =	swait.ge [sflag:s19], $0x4000  }
0x47: {  	[sflag:s19] =	ssyncset.done $0x0  }
0x48: {  	[sflag:s19] =	ssyncadd.s32 $0xFFFFC000  }
0x49: {  	s29 =	simm.s32 $0x0;
	[bflag:$0x0] =	sbarrier.arrive $0xFFFF  }
0x4a: {  	[tilespmem:s20], [sflag:$0x5] =	stream.linear.gather [hbm4b:s10+s29], $0x2800, $0x38;
	[tilespmem:$0x1F400] =	vst v63  }
0x4b: {  	_ =	swait.ge [sflag:s19], $0x2800  }
0x4c: {  	[sflag:s19] =	ssyncset.done $0x0  }
0x4d: {  	[sflag:s19] =	ssyncadd.s32 $0xFFFFD800  }
0x4e: {  	[tilespmem:s3], [sflag:$0x5] =	stream.linear.gather [hbm4b:s17+s3], $0xA00, $0x38;
	[tilespmem:$0x1F400] =	vst v63  }
0x4f: {  	_ =	swait.ge [sflag:s19], $0xA00  }
0x50: {  	[sflag:s19] =	ssyncset.done $0x0  }
0x51: {  	[sflag:s19] =	ssyncadd.s32 $0xFFFFF600  }
0x52: {  	[tilespmem:s18], [sflag:$0x1] =	stream.indirect.gather [hbm4b:s4+s21], $0x80, s3, s21, $0xb8;
	[tilespmem:$0x1F400] =	vst v63  }
0x53: {  	_ = 	snop  }
0x54: {  	[tilespmem:s22], [sflag:$0x2] =	stream.indirect.gather [hbm4b:s4+s21], $0x80, s21, s21, $0xb8;
	[tilespmem:$0x1F400] =	vst v63  }
0x55: {  	_ =	swait.ge [sflag:s23], $0x4000  }
0x56: {  	[sflag:s23] =	ssyncset.done $0x0  }
0x57: {  	s29 =	simm.s32 $0xC00;
	[sflag:s23] =	ssyncadd.s32 $0xFFFFC000  }
0x58: {  	[spmem:s2] =	stream.indirect.scatter.add.f32 [tilespmem:s18], [sflag:$0x3], $0x80, s29, s21, $0xb8;
	[tilespmem:$0x1F400] =	vst v63  }
0x59: {  	_ =	swait.ge [sflag:s24], $0x4000  }
0x5a: {  	[sflag:s24] =	ssyncset.done $0x0  }
0x5b: {  	s29 =	rddreg [dreg:$0x4];
	[sflag:s24] =	ssyncadd.s32 $0xFFFFC000  }
0x5c: {  	[tilespmem:s18], [sflag:$0x1] =	stream.indirect.gather [hbm4b:s4+s21], $0x80, s29, s21, $0xb8;
	[tilespmem:$0x1F400] =	vst v63  }
0x5d: {  	_ =	swait.ge [sflag:s25], $0x4000  }
0x5e: {  	[sflag:s25] =	ssyncset.done $0x0  }
0x5f: {  	s29 =	simm.s32 $0xC80;
	[sflag:s25] =	ssyncadd.s32 $0xFFFFC000  }
0x60: {  	[spmem:s2] =	stream.indirect.scatter.add.f32 [tilespmem:s22], [sflag:$0x4], $0x80, s29, s21, $0xb8;
	[tilespmem:$0x1F400] =	vst v63  }
0x61: {  	_ =	swait.ge [sflag:s26], $0x4000  }
0x62: {  	[sflag:s26] =	ssyncset.done $0x0  }
0x63: {  	s29 =	rddreg [dreg:$0x5];
	[sflag:s26] =	ssyncadd.s32 $0xFFFFC000  }
0x64: {  	[tilespmem:s22], [sflag:$0x2] =	stream.indirect.gather [hbm4b:s4+s21], $0x80, s29, s21, $0xb8;
	[tilespmem:$0x1F400] =	vst v63  }
0x65: {  	_ =	swait.ge [sflag:s23], $0x4000  }
0x66: {  	[sflag:s23] =	ssyncset.done $0x0  }
0x67: {  	s29 =	simm.s32 $0xD00;
	[sflag:s23] =	ssyncadd.s32 $0xFFFFC000  }
0x68: {  	[spmem:s2] =	stream.indirect.scatter.add.f32 [tilespmem:s18], [sflag:$0x3], $0x80, s29, s21, $0xb8;
	[tilespmem:$0x1F400] =	vst v63  }
0x69: {  	_ =	swait.ge [sflag:s24], $0x4000  }
0x6a: {  	[sflag:s24] =	ssyncset.done $0x0  }
0x6b: {  	s29 =	rddreg [dreg:$0x6];
	[sflag:s24] =	ssyncadd.s32 $0xFFFFC000  }
0x6c: {  	[tilespmem:s18], [sflag:$0x1] =	stream.indirect.gather [hbm4b:s4+s21], $0x80, s29, s21, $0xb8;
	[tilespmem:$0x1F400] =	vst v63  }
0x6d: {  	_ =	swait.ge [sflag:s25], $0x4000  }
0x6e: {  	[sflag:s25] =	ssyncset.done $0x0  }
0x6f: {  	s29 =	simm.s32 $0xD80;
	[sflag:s25] =	ssyncadd.s32 $0xFFFFC000  }
0x70: {  	[spmem:s2] =	stream.indirect.scatter.add.f32 [tilespmem:s22], [sflag:$0x4], $0x80, s29, s21, $0xb8;
	[tilespmem:$0x1F400] =	vst v63  }
0x71: {  	_ =	swait.ge [sflag:s26], $0x4000  }
0x72: {  	[sflag:s26] =	ssyncset.done $0x0  }
0x73: {  	s29 =	rddreg [dreg:$0x7];
	[sflag:s26] =	ssyncadd.s32 $0xFFFFC000  }
0x74: {  	[tilespmem:s22], [sflag:$0x2] =	stream.indirect.gather [hbm4b:s4+s21], $0x80, s29, s21, $0xb8;
	[tilespmem:$0x1F400] =	vst v63  }
0x75: {  	_ =	swait.ge [sflag:s23], $0x4000  }
0x76: {  	[sflag:s23] =	ssyncset.done $0x0  }
0x77: {  	s29 =	simm.s32 $0xE00;
	[sflag:s23] =	ssyncadd.s32 $0xFFFFC000  }
0x78: {  	[spmem:s2] =	stream.indirect.scatter.add.f32 [tilespmem:s18], [sflag:$0x3], $0x80, s29, s21, $0xb8;
	[tilespmem:$0x1F400] =	vst v63  }
0x79: {  	_ =	swait.ge [sflag:s24], $0x4000  }
0x7a: {  	[sflag:s24] =	ssyncset.done $0x0  }
0x7b: {  	s29 =	rddreg [dreg:$0x8];
	[sflag:s24] =	ssyncadd.s32 $0xFFFFC000  }
0x7c: {  	[tilespmem:s18], [sflag:$0x1] =	stream.indirect.gather [hbm4b:s4+s21], $0x80, s29, s21, $0xb8;
	[tilespmem:$0x1F400] =	vst v63  }
0x7d: {  	_ =	swait.ge [sflag:s25], $0x4000  }
0x7e: {  	[sflag:s25] =	ssyncset.done $0x0  }
0x7f: {  	s29 =	simm.s32 $0xE80;
	[sflag:s25] =	ssyncadd.s32 $0xFFFFC000  }
0x80: {  	[spmem:s2] =	stream.indirect.scatter.add.f32 [tilespmem:s22], [sflag:$0x4], $0x80, s29, s21, $0xb8;
	[tilespmem:$0x1F400] =	vst v63  }
0x81: {  	_ =	swait.ge [sflag:s26], $0x4000  }
0x82: {  	[sflag:s26] =	ssyncset.done $0x0  }
0x83: {  	s29 =	rddreg [dreg:$0x9];
	[sflag:s26] =	ssyncadd.s32 $0xFFFFC000  }
0x84: {  	[tilespmem:s22], [sflag:$0x2] =	stream.indirect.gather [hbm4b:s4+s21], $0x80, s29, s21, $0xb8;
	[tilespmem:$0x1F400] =	vst v63  }
0x85: {  	_ =	swait.ge [sflag:s23], $0x4000  }
0x86: {  	[sflag:s23] =	ssyncset.done $0x0  }
0x87: {  	s29 =	simm.s32 $0xF00;
	[sflag:s23] =	ssyncadd.s32 $0xFFFFC000  }
0x88: {  	[spmem:s2] =	stream.indirect.scatter.add.f32 [tilespmem:s18], [sflag:$0x3], $0x80, s29, s21, $0xb8;
	[tilespmem:$0x1F400] =	vst v63  }
0x89: {  	_ =	swait.ge [sflag:s24], $0x4000  }
0x8a: {  	[sflag:s24] =	ssyncset.done $0x0  }
0x8b: {  	s29 =	rddreg [dreg:$0xa];
	[sflag:s24] =	ssyncadd.s32 $0xFFFFC000  }
0x8c: {  	[tilespmem:s18], [sflag:$0x1] =	stream.indirect.gather [hbm4b:s4+s21], $0x80, s29, s21, $0xb8;
	[tilespmem:$0x1F400] =	vst v63  }
0x8d: {  	_ =	swait.ge [sflag:s25], $0x4000  }
0x8e: {  	[sflag:s25] =	ssyncset.done $0x0  }
0x8f: {  	s29 =	simm.s32 $0xF80;
	[sflag:s25] =	ssyncadd.s32 $0xFFFFC000  }
0x90: {  	[spmem:s2] =	stream.indirect.scatter.add.f32 [tilespmem:s22], [sflag:$0x4], $0x80, s29, s21, $0xb8;
	[tilespmem:$0x1F400] =	vst v63  }
0x91: {  	_ =	swait.ge [sflag:s26], $0x4000  }
0x92: {  	[sflag:s26] =	ssyncset.done $0x0  }
0x93: {  	s29 =	rddreg [dreg:$0xb];
	[sflag:s26] =	ssyncadd.s32 $0xFFFFC000  }
0x94: {  	[tilespmem:s22], [sflag:$0x2] =	stream.indirect.gather [hbm4b:s4+s21], $0x80, s29, s21, $0xb8;
	[tilespmem:$0x1F400] =	vst v63  }
0x95: {  	_ =	swait.ge [sflag:s23], $0x4000  }
0x96: {  	[sflag:s23] =	ssyncset.done $0x0  }
0x97: {  	s29 =	simm.s32 $0x1000;
	[sflag:s23] =	ssyncadd.s32 $0xFFFFC000  }
0x98: {  	[spmem:s2] =	stream.indirect.scatter.add.f32 [tilespmem:s18], [sflag:$0x3], $0x80, s29, s21, $0xb8;
	[tilespmem:$0x1F400] =	vst v63  }
0x99: {  	_ =	swait.ge [sflag:s24], $0x4000  }
0x9a: {  	[sflag:s24] =	ssyncset.done $0x0  }
0x9b: {  	s29 =	rddreg [dreg:$0xc];
	[sflag:s24] =	ssyncadd.s32 $0xFFFFC000  }
0x9c: {  	[tilespmem:s18], [sflag:$0x1] =	stream.indirect.gather [hbm4b:s4+s21], $0x80, s29, s21, $0xb8;
	[tilespmem:$0x1F400] =	vst v63  }
0x9d: {  	_ =	swait.ge [sflag:s25], $0x4000  }
0x9e: {  	[sflag:s25] =	ssyncset.done $0x0  }
0x9f: {  	s29 =	simm.s32 $0x1080;
	[sflag:s25] =	ssyncadd.s32 $0xFFFFC000  }
0xa0: {  	[spmem:s2] =	stream.indirect.scatter.add.f32 [tilespmem:s22], [sflag:$0x4], $0x80, s29, s21, $0xb8;
	[tilespmem:$0x1F400] =	vst v63  }
0xa1: {  	_ =	swait.ge [sflag:s26], $0x4000  }
0xa2: {  	[sflag:s26] =	ssyncset.done $0x0  }
0xa3: {  	s29 =	rddreg [dreg:$0xd];
	[sflag:s26] =	ssyncadd.s32 $0xFFFFC000  }
0xa4: {  	[tilespmem:s22], [sflag:$0x2] =	stream.indirect.gather [hbm4b:s4+s21], $0x80, s29, s21, $0xb8;
	[tilespmem:$0x1F400] =	vst v63  }
0xa5: {  	_ =	swait.ge [sflag:s23], $0x4000  }
0xa6: {  	[sflag:s23] =	ssyncset.done $0x0  }
0xa7: {  	s29 =	simm.s32 $0x1100;
	[sflag:s23] =	ssyncadd.s32 $0xFFFFC000  }
0xa8: {  	[spmem:s2] =	stream.indirect.scatter.add.f32 [tilespmem:s18], [sflag:$0x3], $0x80, s29, s21, $0xb8;
	[tilespmem:$0x1F400] =	vst v63  }
0xa9: {  	_ =	swait.ge [sflag:s24], $0x4000  }
0xaa: {  	[sflag:s24] =	ssyncset.done $0x0  }
0xab: {  	s29 =	rddreg [dreg:$0xe];
	[sflag:s24] =	ssyncadd.s32 $0xFFFFC000  }
0xac: {  	[tilespmem:s18], [sflag:$0x1] =	stream.indirect.gather [hbm4b:s4+s21], $0x80, s29, s21, $0xb8;
	[tilespmem:$0x1F400] =	vst v63  }
0xad: {  	_ =	swait.ge [sflag:s25], $0x4000  }
0xae: {  	[sflag:s25] =	ssyncset.done $0x0  }
0xaf: {  	s29 =	simm.s32 $0x1180;
	[sflag:s25] =	ssyncadd.s32 $0xFFFFC000  }
0xb0: {  	[spmem:s2] =	stream.indirect.scatter.add.f32 [tilespmem:s22], [sflag:$0x4], $0x80, s29, s21, $0xb8;
	[tilespmem:$0x1F400] =	vst v63  }
0xb1: {  	_ =	swait.ge [sflag:s26], $0x4000  }
0xb2: {  	[sflag:s26] =	ssyncset.done $0x0  }
0xb3: {  	s29 =	rddreg [dreg:$0xf];
	[sflag:s26] =	ssyncadd.s32 $0xFFFFC000  }
0xb4: {  	[tilespmem:s22], [sflag:$0x2] =	stream.indirect.gather [hbm4b:s4+s21], $0x80, s29, s21, $0xb8;
	[tilespmem:$0x1F400] =	vst v63  }
0xb5: {  	_ =	swait.ge [sflag:s23], $0x4000  }
0xb6: {  	[sflag:s23] =	ssyncset.done $0x0  }
0xb7: {  	s29 =	simm.s32 $0x1200;
	[sflag:s23] =	ssyncadd.s32 $0xFFFFC000  }
0xb8: {  	[spmem:s2] =	stream.indirect.scatter.add.f32 [tilespmem:s18], [sflag:$0x3], $0x80, s29, s21, $0xb8;
	[tilespmem:$0x1F400] =	vst v63  }
0xb9: {  	_ =	swait.ge [sflag:s24], $0x4000  }
0xba: {  	[sflag:s24] =	ssyncset.done $0x0  }
0xbb: {  	s29 =	rddreg [dreg:$0x10];
	[sflag:s24] =	ssyncadd.s32 $0xFFFFC000  }
0xbc: {  	[tilespmem:s18], [sflag:$0x1] =	stream.indirect.gather [hbm4b:s4+s21], $0x80, s29, s21, $0xb8;
	[tilespmem:$0x1F400] =	vst v63  }
0xbd: {  	_ =	swait.ge [sflag:s25], $0x4000  }
0xbe: {  	[sflag:s25] =	ssyncset.done $0x0  }
0xbf: {  	s29 =	simm.s32 $0x1280;
	[sflag:s25] =	ssyncadd.s32 $0xFFFFC000  }
0xc0: {  	[spmem:s2] =	stream.indirect.scatter.add.f32 [tilespmem:s22], [sflag:$0x4], $0x80, s29, s21, $0xb8;
	[tilespmem:$0x1F400] =	vst v63  }
0xc1: {  	_ =	swait.ge [sflag:s26], $0x4000  }
0xc2: {  	[sflag:s26] =	ssyncset.done $0x0  }
0xc3: {  	s29 =	rddreg [dreg:$0x11];
	[sflag:s26] =	ssyncadd.s32 $0xFFFFC000  }
0xc4: {  	[tilespmem:s22], [sflag:$0x2] =	stream.indirect.gather [hbm4b:s4+s21], $0x80, s29, s21, $0xb8;
	[tilespmem:$0x1F400] =	vst v63  }
0xc5: {  	_ =	swait.ge [sflag:s23], $0x4000  }
0xc6: {  	[sflag:s23] =	ssyncset.done $0x0  }
0xc7: {  	s29 =	simm.s32 $0x1300;
	[sflag:s23] =	ssyncadd.s32 $0xFFFFC000  }
0xc8: {  	[spmem:s2] =	stream.indirect.scatter.add.f32 [tilespmem:s18], [sflag:$0x3], $0x80, s29, s21, $0xb8;
	[tilespmem:$0x1F400] =	vst v63  }
0xc9: {  	_ =	swait.ge [sflag:s24], $0x4000  }
0xca: {  	[sflag:s24] =	ssyncset.done $0x0  }
0xcb: {  	s29 =	rddreg [dreg:$0x12];
	[sflag:s24] =	ssyncadd.s32 $0xFFFFC000  }
0xcc: {  	[tilespmem:s18], [sflag:$0x1] =	stream.indirect.gather [hbm4b:s4+s21], $0x80, s29, s21, $0xb8;
	[tilespmem:$0x1F400] =	vst v63  }
0xcd: {  	_ =	swait.ge [sflag:s25], $0x4000  }
0xce: {  	[sflag:s25] =	ssyncset.done $0x0  }
0xcf: {  	s29 =	simm.s32 $0x1380;
	[sflag:s25] =	ssyncadd.s32 $0xFFFFC000  }
0xd0: {  	[spmem:s2] =	stream.indirect.scatter.add.f32 [tilespmem:s22], [sflag:$0x4], $0x80, s29, s21, $0xb8;
	[tilespmem:$0x1F400] =	vst v63  }
0xd1: {  	_ =	swait.ge [sflag:s26], $0x4000  }
0xd2: {  	[sflag:s26] =	ssyncset.done $0x0  }
0xd3: {  	s29 =	rddreg [dreg:$0x13];
	[sflag:s26] =	ssyncadd.s32 $0xFFFFC000  }
0xd4: {  	[tilespmem:s22], [sflag:$0x2] =	stream.indirect.gather [hbm4b:s4+s21], $0x80, s29, s21, $0xb8;
	[tilespmem:$0x1F400] =	vst v63  }
0xd5: {  	_ =	swait.ge [sflag:s23], $0x4000  }
0xd6: {  	[sflag:s23] =	ssyncset.done $0x0  }
0xd7: {  	s29 =	simm.s32 $0x1400;
	[sflag:s23] =	ssyncadd.s32 $0xFFFFC000  }
0xd8: {  	[spmem:s2] =	stream.indirect.scatter.add.f32 [tilespmem:s18], [sflag:$0x3], $0x80, s29, s21, $0xb8;
	[tilespmem:$0x1F400] =	vst v63  }
0xd9: {  	_ =	swait.ge [sflag:s24], $0x4000  }
0xda: {  	[sflag:s24] =	ssyncset.done $0x0  }
0xdb: {  	s29 =	rddreg [dreg:$0x14];
	[sflag:s24] =	ssyncadd.s32 $0xFFFFC000  }
0xdc: {  	[tilespmem:s18], [sflag:$0x1] =	stream.indirect.gather [hbm4b:s4+s21], $0x80, s29, s21, $0xb8;
	[tilespmem:$0x1F400] =	vst v63  }
0xdd: {  	_ =	swait.ge [sflag:s25], $0x4000  }
0xde: {  	[sflag:s25] =	ssyncset.done $0x0  }
0xdf: {  	s29 =	simm.s32 $0x1480;
	[sflag:s25] =	ssyncadd.s32 $0xFFFFC000  }
0xe0: {  	[spmem:s2] =	stream.indirect.scatter.add.f32 [tilespmem:s22], [sflag:$0x4], $0x80, s29, s21, $0xb8;
	[tilespmem:$0x1F400] =	vst v63  }
0xe1: {  	_ =	swait.ge [sflag:s26], $0x4000  }
0xe2: {  	[sflag:s26] =	ssyncset.done $0x0  }
0xe3: {  	s29 =	rddreg [dreg:$0x15];
	[sflag:s26] =	ssyncadd.s32 $0xFFFFC000  }
0xe4: {  	[tilespmem:s22], [sflag:$0x2] =	stream.indirect.gather [hbm4b:s4+s21], $0x80, s29, s21, $0xb8;
	[tilespmem:$0x1F400] =	vst v63  }
0xe5: {  	_ =	swait.ge [sflag:s23], $0x4000  }
0xe6: {  	[sflag:s23] =	ssyncset.done $0x0  }
0xe7: {  	s29 =	simm.s32 $0x1500;
	[sflag:s23] =	ssyncadd.s32 $0xFFFFC000  }
0xe8: {  	[spmem:s2] =	stream.indirect.scatter.add.f32 [tilespmem:s18], [sflag:$0x3], $0x80, s29, s21, $0xb8;
	[tilespmem:$0x1F400] =	vst v63  }
0xe9: {  	_ =	swait.ge [sflag:s25], $0x4000  }
0xea: {  	[sflag:s25] =	ssyncset.done $0x0  }
0xeb: {  	s29 =	simm.s32 $0x1580;
	[sflag:s25] =	ssyncadd.s32 $0xFFFFC000  }
0xec: {  	[spmem:s2] =	stream.indirect.scatter.add.f32 [tilespmem:s22], [sflag:$0x4], $0x80, s29, s21, $0xb8;
	[tilespmem:$0x1F400] =	vst v63  }
0xed: {  	_ =	swait.ge [sflag:s24], $0x4000  }
0xee: {  	[sflag:s24] =	ssyncset.done $0x0  }
0xef: {  	[sflag:s24] =	ssyncadd.s32 $0xFFFFC000  }
0xf0: {  	_ =	swait.ge [sflag:s26], $0x4000  }
0xf1: {  	s30 =	smov.u32 s17;
	s29 =	simm.s32 $0x2800;
	[sflag:s26] =	ssyncset.done $0x0  }
.LBB2_4:
0xf2: {  	[sflag:s26] =	ssyncadd.s32 $0xFFFFC000;
	s30 =	sadd.s32 $0x180, s30  }
0xf3: {  	[tilespmem:s3], [sflag:$0x5] =	stream.linear.gather [hbm4b:s30+s3], $0xA00, $0x38;
	[tilespmem:$0x1F400] =	vst v63  }
0xf4: {  	_ =	swait.ge [sflag:s19], $0xA00  }
0xf5: {  	[sflag:s19] =	ssyncset.done $0x0  }
0xf6: {  	[sflag:s19] =	ssyncadd.s32 $0xFFFFF600  }
0xf7: {  	[tilespmem:s18], [sflag:$0x1] =	stream.indirect.gather [hbm4b:s4+s21], $0x80, s3, s21, $0xb8;
	[tilespmem:$0x1F400] =	vst v63  }
0xf8: {  	_ = 	snop  }
0xf9: {  	[tilespmem:s22], [sflag:$0x2] =	stream.indirect.gather [hbm4b:s4+s21], $0x80, s21, s21, $0xb8;
	[tilespmem:$0x1F400] =	vst v63  }
0xfa: {  	s31 =	smov.u32 s29;
	_ =	swait.ge [sflag:s23], $0x4000  }
0xfb: {  	s31 =	sshra.s32 s31, $0x2;
	[sflag:s23] =	ssyncset.done $0x0  }
0xfc: {  	s1 =	sadd.s32 $0xC00, s31;
	[sflag:s23] =	ssyncadd.s32 $0xFFFFC000  }
0xfd: {  	[spmem:s2] =	stream.indirect.scatter.add.f32 [tilespmem:s18], [sflag:$0x3], $0x80, s1, s21, $0xb8;
	[tilespmem:$0x1F400] =	vst v63  }
0xfe: {  	_ =	swait.ge [sflag:s24], $0x4000  }
0xff: {  	[sflag:s24] =	ssyncset.done $0x0  }
0x100: {  	s1 =	rddreg [dreg:$0x4];
	[sflag:s24] =	ssyncadd.s32 $0xFFFFC000  }
0x101: {  	[tilespmem:s18], [sflag:$0x1] =	stream.indirect.gather [hbm4b:s4+s21], $0x80, s1, s21, $0xb8;
	[tilespmem:$0x1F400] =	vst v63  }
0x102: {  	_ =	swait.ge [sflag:s25], $0x4000  }
0x103: {  	[sflag:s25] =	ssyncset.done $0x0  }
0x104: {  	s1 =	sadd.s32 $0xC80, s31;
	[sflag:s25] =	ssyncadd.s32 $0xFFFFC000  }
0x105: {  	[spmem:s2] =	stream.indirect.scatter.add.f32 [tilespmem:s22], [sflag:$0x4], $0x80, s1, s21, $0xb8;
	[tilespmem:$0x1F400] =	vst v63  }
0x106: {  	_ =	swait.ge [sflag:s26], $0x4000  }
0x107: {  	[sflag:s26] =	ssyncset.done $0x0  }
0x108: {  	s1 =	rddreg [dreg:$0x5];
	[sflag:s26] =	ssyncadd.s32 $0xFFFFC000  }
0x109: {  	[tilespmem:s22], [sflag:$0x2] =	stream.indirect.gather [hbm4b:s4+s21], $0x80, s1, s21, $0xb8;
	[tilespmem:$0x1F400] =	vst v63  }
0x10a: {  	_ =	swait.ge [sflag:s23], $0x4000  }
0x10b: {  	[sflag:s23] =	ssyncset.done $0x0  }
0x10c: {  	s1 =	sadd.s32 $0xD00, s31;
	[sflag:s23] =	ssyncadd.s32 $0xFFFFC000  }
0x10d: {  	[spmem:s2] =	stream.indirect.scatter.add.f32 [tilespmem:s18], [sflag:$0x3], $0x80, s1, s21, $0xb8;
	[tilespmem:$0x1F400] =	vst v63  }
0x10e: {  	_ =	swait.ge [sflag:s24], $0x4000  }
0x10f: {  	[sflag:s24] =	ssyncset.done $0x0  }
0x110: {  	s1 =	rddreg [dreg:$0x6];
	[sflag:s24] =	ssyncadd.s32 $0xFFFFC000  }
0x111: {  	[tilespmem:s18], [sflag:$0x1] =	stream.indirect.gather [hbm4b:s4+s21], $0x80, s1, s21, $0xb8;
	[tilespmem:$0x1F400] =	vst v63  }
0x112: {  	_ =	swait.ge [sflag:s25], $0x4000  }
0x113: {  	[sflag:s25] =	ssyncset.done $0x0  }
0x114: {  	s1 =	sadd.s32 $0xD80, s31;
	[sflag:s25] =	ssyncadd.s32 $0xFFFFC000  }
0x115: {  	[spmem:s2] =	stream.indirect.scatter.add.f32 [tilespmem:s22], [sflag:$0x4], $0x80, s1, s21, $0xb8;
	[tilespmem:$0x1F400] =	vst v63  }
0x116: {  	_ =	swait.ge [sflag:s26], $0x4000  }
0x117: {  	[sflag:s26] =	ssyncset.done $0x0  }
0x118: {  	s1 =	rddreg [dreg:$0x7];
	[sflag:s26] =	ssyncadd.s32 $0xFFFFC000  }
0x119: {  	[tilespmem:s22], [sflag:$0x2] =	stream.indirect.gather [hbm4b:s4+s21], $0x80, s1, s21, $0xb8;
	[tilespmem:$0x1F400] =	vst v63  }
0x11a: {  	_ =	swait.ge [sflag:s23], $0x4000  }
0x11b: {  	[sflag:s23] =	ssyncset.done $0x0  }
0x11c: {  	s1 =	sadd.s32 $0xE00, s31;
	[sflag:s23] =	ssyncadd.s32 $0xFFFFC000  }
0x11d: {  	[spmem:s2] =	stream.indirect.scatter.add.f32 [tilespmem:s18], [sflag:$0x3], $0x80, s1, s21, $0xb8;
	[tilespmem:$0x1F400] =	vst v63  }
0x11e: {  	_ =	swait.ge [sflag:s24], $0x4000  }
0x11f: {  	[sflag:s24] =	ssyncset.done $0x0  }
0x120: {  	s1 =	rddreg [dreg:$0x8];
	[sflag:s24] =	ssyncadd.s32 $0xFFFFC000  }
0x121: {  	[tilespmem:s18], [sflag:$0x1] =	stream.indirect.gather [hbm4b:s4+s21], $0x80, s1, s21, $0xb8;
	[tilespmem:$0x1F400] =	vst v63  }
0x122: {  	_ =	swait.ge [sflag:s25], $0x4000  }
0x123: {  	[sflag:s25] =	ssyncset.done $0x0  }
0x124: {  	s1 =	sadd.s32 $0xE80, s31;
	[sflag:s25] =	ssyncadd.s32 $0xFFFFC000  }
0x125: {  	[spmem:s2] =	stream.indirect.scatter.add.f32 [tilespmem:s22], [sflag:$0x4], $0x80, s1, s21, $0xb8;
	[tilespmem:$0x1F400] =	vst v63  }
0x126: {  	_ =	swait.ge [sflag:s26], $0x4000  }
0x127: {  	[sflag:s26] =	ssyncset.done $0x0  }
0x128: {  	s1 =	rddreg [dreg:$0x9];
	[sflag:s26] =	ssyncadd.s32 $0xFFFFC000  }
0x129: {  	[tilespmem:s22], [sflag:$0x2] =	stream.indirect.gather [hbm4b:s4+s21], $0x80, s1, s21, $0xb8;
	[tilespmem:$0x1F400] =	vst v63  }
0x12a: {  	_ =	swait.ge [sflag:s23], $0x4000  }
0x12b: {  	[sflag:s23] =	ssyncset.done $0x0  }
0x12c: {  	s1 =	sadd.s32 $0xF00, s31;
	[sflag:s23] =	ssyncadd.s32 $0xFFFFC000  }
0x12d: {  	[spmem:s2] =	stream.indirect.scatter.add.f32 [tilespmem:s18], [sflag:$0x3], $0x80, s1, s21, $0xb8;
	[tilespmem:$0x1F400] =	vst v63  }
0x12e: {  	_ =	swait.ge [sflag:s24], $0x4000  }
0x12f: {  	[sflag:s24] =	ssyncset.done $0x0  }
0x130: {  	s1 =	rddreg [dreg:$0xa];
	[sflag:s24] =	ssyncadd.s32 $0xFFFFC000  }
0x131: {  	[tilespmem:s18], [sflag:$0x1] =	stream.indirect.gather [hbm4b:s4+s21], $0x80, s1, s21, $0xb8;
	[tilespmem:$0x1F400] =	vst v63  }
0x132: {  	_ =	swait.ge [sflag:s25], $0x4000  }
0x133: {  	[sflag:s25] =	ssyncset.done $0x0  }
0x134: {  	s1 =	sadd.s32 $0xF80, s31;
	[sflag:s25] =	ssyncadd.s32 $0xFFFFC000  }
0x135: {  	[spmem:s2] =	stream.indirect.scatter.add.f32 [tilespmem:s22], [sflag:$0x4], $0x80, s1, s21, $0xb8;
	[tilespmem:$0x1F400] =	vst v63  }
0x136: {  	_ =	swait.ge [sflag:s26], $0x4000  }
0x137: {  	[sflag:s26] =	ssyncset.done $0x0  }
0x138: {  	s1 =	rddreg [dreg:$0xb];
	[sflag:s26] =	ssyncadd.s32 $0xFFFFC000  }
0x139: {  	[tilespmem:s22], [sflag:$0x2] =	stream.indirect.gather [hbm4b:s4+s21], $0x80, s1, s21, $0xb8;
	[tilespmem:$0x1F400] =	vst v63  }
0x13a: {  	_ =	swait.ge [sflag:s23], $0x4000  }
0x13b: {  	[sflag:s23] =	ssyncset.done $0x0  }
0x13c: {  	s1 =	sadd.s32 $0x1000, s31;
	[sflag:s23] =	ssyncadd.s32 $0xFFFFC000  }
0x13d: {  	[spmem:s2] =	stream.indirect.scatter.add.f32 [tilespmem:s18], [sflag:$0x3], $0x80, s1, s21, $0xb8;
	[tilespmem:$0x1F400] =	vst v63  }
0x13e: {  	_ =	swait.ge [sflag:s24], $0x4000  }
0x13f: {  	[sflag:s24] =	ssyncset.done $0x0  }
0x140: {  	s1 =	rddreg [dreg:$0xc];
	[sflag:s24] =	ssyncadd.s32 $0xFFFFC000  }
0x141: {  	[tilespmem:s18], [sflag:$0x1] =	stream.indirect.gather [hbm4b:s4+s21], $0x80, s1, s21, $0xb8;
	[tilespmem:$0x1F400] =	vst v63  }
0x142: {  	_ =	swait.ge [sflag:s25], $0x4000  }
0x143: {  	[sflag:s25] =	ssyncset.done $0x0  }
0x144: {  	s1 =	sadd.s32 $0x1080, s31;
	[sflag:s25] =	ssyncadd.s32 $0xFFFFC000  }
0x145: {  	[spmem:s2] =	stream.indirect.scatter.add.f32 [tilespmem:s22], [sflag:$0x4], $0x80, s1, s21, $0xb8;
	[tilespmem:$0x1F400] =	vst v63  }
0x146: {  	_ =	swait.ge [sflag:s26], $0x4000  }
0x147: {  	[sflag:s26] =	ssyncset.done $0x0  }
0x148: {  	s1 =	rddreg [dreg:$0xd];
	[sflag:s26] =	ssyncadd.s32 $0xFFFFC000  }
0x149: {  	[tilespmem:s22], [sflag:$0x2] =	stream.indirect.gather [hbm4b:s4+s21], $0x80, s1, s21, $0xb8;
	[tilespmem:$0x1F400] =	vst v63  }
0x14a: {  	_ =	swait.ge [sflag:s23], $0x4000  }
0x14b: {  	[sflag:s23] =	ssyncset.done $0x0  }
0x14c: {  	s1 =	sadd.s32 $0x1100, s31;
	[sflag:s23] =	ssyncadd.s32 $0xFFFFC000  }
0x14d: {  	[spmem:s2] =	stream.indirect.scatter.add.f32 [tilespmem:s18], [sflag:$0x3], $0x80, s1, s21, $0xb8;
	[tilespmem:$0x1F400] =	vst v63  }
0x14e: {  	_ =	swait.ge [sflag:s24], $0x4000  }
0x14f: {  	[sflag:s24] =	ssyncset.done $0x0  }
0x150: {  	s1 =	rddreg [dreg:$0xe];
	[sflag:s24] =	ssyncadd.s32 $0xFFFFC000  }
0x151: {  	[tilespmem:s18], [sflag:$0x1] =	stream.indirect.gather [hbm4b:s4+s21], $0x80, s1, s21, $0xb8;
	[tilespmem:$0x1F400] =	vst v63  }
0x152: {  	_ =	swait.ge [sflag:s25], $0x4000  }
0x153: {  	[sflag:s25] =	ssyncset.done $0x0  }
0x154: {  	s1 =	sadd.s32 $0x1180, s31;
	[sflag:s25] =	ssyncadd.s32 $0xFFFFC000  }
0x155: {  	[spmem:s2] =	stream.indirect.scatter.add.f32 [tilespmem:s22], [sflag:$0x4], $0x80, s1, s21, $0xb8;
	[tilespmem:$0x1F400] =	vst v63  }
0x156: {  	_ =	swait.ge [sflag:s26], $0x4000  }
0x157: {  	[sflag:s26] =	ssyncset.done $0x0  }
0x158: {  	s1 =	rddreg [dreg:$0xf];
	[sflag:s26] =	ssyncadd.s32 $0xFFFFC000  }
0x159: {  	[tilespmem:s22], [sflag:$0x2] =	stream.indirect.gather [hbm4b:s4+s21], $0x80, s1, s21, $0xb8;
	[tilespmem:$0x1F400] =	vst v63  }
0x15a: {  	_ =	swait.ge [sflag:s23], $0x4000  }
0x15b: {  	[sflag:s23] =	ssyncset.done $0x0  }
0x15c: {  	s1 =	sadd.s32 $0x1200, s31;
	[sflag:s23] =	ssyncadd.s32 $0xFFFFC000  }
0x15d: {  	[spmem:s2] =	stream.indirect.scatter.add.f32 [tilespmem:s18], [sflag:$0x3], $0x80, s1, s21, $0xb8;
	[tilespmem:$0x1F400] =	vst v63  }
0x15e: {  	_ =	swait.ge [sflag:s24], $0x4000  }
0x15f: {  	[sflag:s24] =	ssyncset.done $0x0  }
0x160: {  	s1 =	rddreg [dreg:$0x10];
	[sflag:s24] =	ssyncadd.s32 $0xFFFFC000  }
0x161: {  	[tilespmem:s18], [sflag:$0x1] =	stream.indirect.gather [hbm4b:s4+s21], $0x80, s1, s21, $0xb8;
	[tilespmem:$0x1F400] =	vst v63  }
0x162: {  	_ =	swait.ge [sflag:s25], $0x4000  }
0x163: {  	[sflag:s25] =	ssyncset.done $0x0  }
0x164: {  	s1 =	sadd.s32 $0x1280, s31;
	[sflag:s25] =	ssyncadd.s32 $0xFFFFC000  }
0x165: {  	[spmem:s2] =	stream.indirect.scatter.add.f32 [tilespmem:s22], [sflag:$0x4], $0x80, s1, s21, $0xb8;
	[tilespmem:$0x1F400] =	vst v63  }
0x166: {  	_ =	swait.ge [sflag:s26], $0x4000  }
0x167: {  	[sflag:s26] =	ssyncset.done $0x0  }
0x168: {  	s1 =	rddreg [dreg:$0x11];
	[sflag:s26] =	ssyncadd.s32 $0xFFFFC000  }
0x169: {  	[tilespmem:s22], [sflag:$0x2] =	stream.indirect.gather [hbm4b:s4+s21], $0x80, s1, s21, $0xb8;
	[tilespmem:$0x1F400] =	vst v63  }
0x16a: {  	_ =	swait.ge [sflag:s23], $0x4000  }
0x16b: {  	[sflag:s23] =	ssyncset.done $0x0  }
0x16c: {  	s1 =	sadd.s32 $0x1300, s31;
	[sflag:s23] =	ssyncadd.s32 $0xFFFFC000  }
0x16d: {  	[spmem:s2] =	stream.indirect.scatter.add.f32 [tilespmem:s18], [sflag:$0x3], $0x80, s1, s21, $0xb8;
	[tilespmem:$0x1F400] =	vst v63  }
0x16e: {  	_ =	swait.ge [sflag:s24], $0x4000  }
0x16f: {  	[sflag:s24] =	ssyncset.done $0x0  }
0x170: {  	s1 =	rddreg [dreg:$0x12];
	[sflag:s24] =	ssyncadd.s32 $0xFFFFC000  }
0x171: {  	[tilespmem:s18], [sflag:$0x1] =	stream.indirect.gather [hbm4b:s4+s21], $0x80, s1, s21, $0xb8;
	[tilespmem:$0x1F400] =	vst v63  }
0x172: {  	_ =	swait.ge [sflag:s25], $0x4000  }
0x173: {  	[sflag:s25] =	ssyncset.done $0x0  }
0x174: {  	s1 =	sadd.s32 $0x1380, s31;
	[sflag:s25] =	ssyncadd.s32 $0xFFFFC000  }
0x175: {  	[spmem:s2] =	stream.indirect.scatter.add.f32 [tilespmem:s22], [sflag:$0x4], $0x80, s1, s21, $0xb8;
	[tilespmem:$0x1F400] =	vst v63  }
0x176: {  	_ =	swait.ge [sflag:s26], $0x4000  }
0x177: {  	[sflag:s26] =	ssyncset.done $0x0  }
0x178: {  	s1 =	rddreg [dreg:$0x13];
	[sflag:s26] =	ssyncadd.s32 $0xFFFFC000  }
0x179: {  	[tilespmem:s22], [sflag:$0x2] =	stream.indirect.gather [hbm4b:s4+s21], $0x80, s1, s21, $0xb8;
	[tilespmem:$0x1F400] =	vst v63  }
0x17a: {  	_ =	swait.ge [sflag:s23], $0x4000  }
0x17b: {  	[sflag:s23] =	ssyncset.done $0x0  }
0x17c: {  	s1 =	sadd.s32 $0x1400, s31;
	[sflag:s23] =	ssyncadd.s32 $0xFFFFC000  }
0x17d: {  	[spmem:s2] =	stream.indirect.scatter.add.f32 [tilespmem:s18], [sflag:$0x3], $0x80, s1, s21, $0xb8;
	[tilespmem:$0x1F400] =	vst v63  }
0x17e: {  	_ =	swait.ge [sflag:s24], $0x4000  }
0x17f: {  	[sflag:s24] =	ssyncset.done $0x0  }
0x180: {  	s1 =	rddreg [dreg:$0x14];
	[sflag:s24] =	ssyncadd.s32 $0xFFFFC000  }
0x181: {  	[tilespmem:s18], [sflag:$0x1] =	stream.indirect.gather [hbm4b:s4+s21], $0x80, s1, s21, $0xb8;
	[tilespmem:$0x1F400] =	vst v63  }
0x182: {  	_ =	swait.ge [sflag:s25], $0x4000  }
0x183: {  	[sflag:s25] =	ssyncset.done $0x0  }
0x184: {  	s1 =	sadd.s32 $0x1480, s31;
	[sflag:s25] =	ssyncadd.s32 $0xFFFFC000  }
0x185: {  	[spmem:s2] =	stream.indirect.scatter.add.f32 [tilespmem:s22], [sflag:$0x4], $0x80, s1, s21, $0xb8;
	[tilespmem:$0x1F400] =	vst v63  }
0x186: {  	_ =	swait.ge [sflag:s26], $0x4000  }
0x187: {  	[sflag:s26] =	ssyncset.done $0x0  }
0x188: {  	s1 =	rddreg [dreg:$0x15];
	[sflag:s26] =	ssyncadd.s32 $0xFFFFC000  }
0x189: {  	[tilespmem:s22], [sflag:$0x2] =	stream.indirect.gather [hbm4b:s4+s21], $0x80, s1, s21, $0xb8;
	[tilespmem:$0x1F400] =	vst v63  }
0x18a: {  	_ =	swait.ge [sflag:s23], $0x4000  }
0x18b: {  	[sflag:s23] =	ssyncset.done $0x0  }
0x18c: {  	s1 =	sadd.s32 $0x1500, s31;
	[sflag:s23] =	ssyncadd.s32 $0xFFFFC000  }
0x18d: {  	[spmem:s2] =	stream.indirect.scatter.add.f32 [tilespmem:s18], [sflag:$0x3], $0x80, s1, s21, $0xb8;
	[tilespmem:$0x1F400] =	vst v63  }
0x18e: {  	_ =	swait.ge [sflag:s25], $0x4000  }
0x18f: {  	[sflag:s25] =	ssyncset.done $0x0  }
0x190: {  	p0 =	sne.s32 s29, $0x7800;
	s31 =	sadd.s32 $0x1580, s31;
	[sflag:s25] =	ssyncadd.s32 $0xFFFFC000  }
0x191: {  	[spmem:s2] =	stream.indirect.scatter.add.f32 [tilespmem:s22], [sflag:$0x4], $0x80, s31, s21, $0xb8;
	[tilespmem:$0x1F400] =	vst v63  }
.Ltmp1:
0x192: {  	_ =	swait.ge [sflag:s24], $0x4000;
	(pc) =	sbr.rel @p0 .LBB2_4-.Ltmp1, $4  }
0x193: {  	[sflag:s24] =	ssyncset.done $0x0  }
0x194: {  	[sflag:s24] =	ssyncadd.s32 $0xFFFFC000  }
0x195: {  	_ =	swait.ge [sflag:s26], $0x4000  }
0x196: {  	s29 =	sadd.s32 $0x2800, s29;
	[sflag:s26] =	ssyncset.done $0x0  }
0x197: {  	[sflag:s26] =	ssyncadd.s32 $0xFFFFC000  }
0x198: {  	[bflag:$0x0] =	sbarrier.arrive $0xFFFF  }
0x199: {  	[tilespmem:s18], [sflag:$0x5] =	stream.linear.gather [spmem:s5], $0x4000, $0x38;
	[tilespmem:$0x1F400] =	vst v63  }
0x19a: {  	_ =	swait.ge [sflag:s19], $0x4000  }
0x19b: {  	[sflag:s19] =	ssyncset.done $0x0  }
0x19c: {  	[sflag:s19] =	ssyncadd.s32 $0xFFFFC000  }
0x19d: {  	[hbm4b:s11+s3] =	stream.linear.scatter [tilespmem:s18], [sflag:$0x5], $0x4000, $0x38;
	[tilespmem:$0x1F400] =	vst v63  }
0x19e: {  	_ =	swait.ge [sflag:s19], $0x4000  }
0x19f: {  	[sflag:s19] =	ssyncset.done $0x0  }
0x1a0: {  	[sflag:s19] =	ssyncadd.s32 $0xFFFFC000  }
0x1a1: {  	[tilespmem:s18], [sflag:$0x5] =	stream.linear.gather [spmem:s6], $0x4000, $0x38;
	[tilespmem:$0x1F400] =	vst v63  }
0x1a2: {  	_ =	swait.ge [sflag:s19], $0x4000  }
0x1a3: {  	[sflag:s19] =	ssyncset.done $0x0  }
0x1a4: {  	[sflag:s19] =	ssyncadd.s32 $0xFFFFC000  }
0x1a5: {  	[hbm4b:s12+s3] =	stream.linear.scatter [tilespmem:s18], [sflag:$0x5], $0x4000, $0x38;
	[tilespmem:$0x1F400] =	vst v63  }
0x1a6: {  	_ =	swait.ge [sflag:s19], $0x4000  }
0x1a7: {  	[sflag:s19] =	ssyncset.done $0x0  }
0x1a8: {  	[sflag:s19] =	ssyncadd.s32 $0xFFFFC000  }
0x1a9: {  	[tilespmem:s18], [sflag:$0x5] =	stream.linear.gather [spmem:s7], $0x4000, $0x38;
	[tilespmem:$0x1F400] =	vst v63  }
0x1aa: {  	_ =	swait.ge [sflag:s19], $0x4000  }
0x1ab: {  	[sflag:s19] =	ssyncset.done $0x0  }
0x1ac: {  	[sflag:s19] =	ssyncadd.s32 $0xFFFFC000  }
0x1ad: {  	[hbm4b:s13+s3] =	stream.linear.scatter [tilespmem:s18], [sflag:$0x5], $0x4000, $0x38;
	[tilespmem:$0x1F400] =	vst v63  }
0x1ae: {  	_ =	swait.ge [sflag:s19], $0x4000  }
0x1af: {  	[sflag:s19] =	ssyncset.done $0x0  }
0x1b0: {  	[sflag:s19] =	ssyncadd.s32 $0xFFFFC000  }
0x1b1: {  	[tilespmem:s18], [sflag:$0x5] =	stream.linear.gather [spmem:s8], $0x4000, $0x38;
	[tilespmem:$0x1F400] =	vst v63  }
0x1b2: {  	_ =	swait.ge [sflag:s19], $0x4000  }
0x1b3: {  	[sflag:s19] =	ssyncset.done $0x0  }
0x1b4: {  	[sflag:s19] =	ssyncadd.s32 $0xFFFFC000  }
0x1b5: {  	[hbm4b:s14+s3] =	stream.linear.scatter [tilespmem:s18], [sflag:$0x5], $0x4000, $0x38;
	[tilespmem:$0x1F400] =	vst v63  }
0x1b6: {  	_ =	swait.ge [sflag:s19], $0x4000  }
0x1b7: {  	[sflag:s19] =	ssyncset.done $0x0  }
0x1b8: {  	[sflag:s19] =	ssyncadd.s32 $0xFFFFC000  }
0x1b9: {  	[tilespmem:s18], [sflag:$0x5] =	stream.linear.gather [spmem:s9], $0x4000, $0x38;
	[tilespmem:$0x1F400] =	vst v63  }
0x1ba: {  	s28 =	sadd.s32 $0x1, s28;
	_ =	swait.ge [sflag:s19], $0x4000  }
0x1bb: {  	p0 =	sne.s32 s28, s16;
	[sflag:s19] =	ssyncset.done $0x0  }
.Ltmp2:
0x1bc: {  	[sflag:s19] =	ssyncadd.s32 $0xFFFFC000;
	(pc) =	sbr.rel @p0 .LBB2_1-.Ltmp2, $4  }
0x1bd: {  	[hbm4b:s15+s3] =	stream.linear.scatter [tilespmem:s18], [sflag:$0x5], $0x4000, $0x38;
	[tilespmem:$0x1F400] =	vst v63  }
0x1be: {  	_ =	swait.ge [sflag:s19], $0x4000  }
0x1bf: {  	[sflag:s19] =	ssyncset.done $0x0  }
0x1c0: {  	[sflag:s19] =	ssyncadd.s32 $0xFFFFC000  }
0x1c1: {  	_ =	sfence.sel $0x180000  }
0x1c2: {  	[bflag:$0x0] =	sbarrier.arrive $0xFFFF  }
0x1c3: {  	_ =	strace $0x9000004A  }
0x1c4: {  	[bflag:$0x2] =	sbarrier.arrive $0xFFFF  }
0x1c5: {  	p0 =	sne.s32 s0, $0x0;
	s0 =	rddreg [dreg:$0x3]  }
0x1c6: {  	s0 =	sadd.s32 @!p0 $0x100000, s0  }
0x1c7: {  	[sflag:s0] =	ssyncadd.tile.s32 @!p0 $0x1;
	_ =	shalt  }
.Lfunc_end2:
_tile_overlayer_lowered:
.L_overlay_start_2:
0x1c8: {  	(tag) =	ssettag $0x2  }
0x1c9: {  	s0 =	rddreg [dreg:$0x0];
	s2 =	stileid.u32  }
0x1ca: {  	s1 =	rddreg [dreg:$0x1];
	p0 =	sne.s32 s2, $0x0  }
0x1cb: {  	s3 =	rddreg [dreg:$0x2];
	[bflag:$0x3] =	sbarrier.arrive $0xFFFF;
	s2 =	simm.s32 @!p0 $0x1C05  }
0x1cc: {  	[timem:s3], [sflag:s2] =	dma.local @!p0 [hbm:s0], s1  }
0x1cd: {  	s0 =	simm.s32 @!p0 $0x5  }
0x1ce: {  	_ =	swait.ge @!p0 [sflag:s0], s1  }
0x1cf: {  	s1 =	ssub.s32 @!p0 $0x0, s1;
	[sflag:s0] =	ssyncset.done @!p0 $0x0  }
0x1d0: {  	[sflag:s0] =	ssyncadd.s32 @!p0 s1  }
0x1d1: {  	[bflag:$0x3] =	sbarrier.arrive $0xFFFF  }
0x1d2: {  	_ =	shalt  }

// kernel: kernel.14.cloned.1.call-start
scs
__scs_entry_jumppad:
0x0: {  	(pc) =	sbr.rel $0x88, $3  }
0x1: {  	(tag) =	ssettag $0x0;
	lr =	simm.s32 $0x1  }
0x2: {  	[smem:$0x3F9B] =	sst lr;
	_ =	strace $0xD0000000  }
0x3: {  	_ = 	snop  }
0x4: {  	_ = 	snop  }
0x5: {  	_ = 	snop  }
0x6: {  	_ = 	snop  }
0x7: {  	_ = 	snop  }
__scs_overlays_trampoline_lowered:
0x8: {  	[smem:$0x3FAA] =	sst s0  }
0x9: {  	[smem:$0x3FAB] =	sst s1  }
0xa: {  	[smem:$0x3FAC] =	sst s2  }
0xb: {  	[smem:$0x3FAD] =	sst s3  }
0xc: {  	[smem:$0x3FAE] =	sst s4  }
0xd: {  	[smem:$0x3FAF] =	sst s5  }
0xe: {  	[smem:$0x3FB0] =	sst s6  }
0xf: {  	[smem:$0x3FB1] =	sst s7  }
0x10: {  	[smem:$0x3FB2] =	sst s8  }
0x11: {  	[smem:$0x3FB3] =	sst s9;
	s0 =	simm.s32 @!p0 $0x0  }
0x12: {  	s1 =	sld [smem:$0x3F99];
	s0 =	simm.s32 @p0 $0x1  }
0x13: {  	[smem:$0x3FB4] =	sst s0;
	s0 =	simm.s32 @!p1 $0x0  }
0x14: {  	s2 =	sld [smem:$0x3F98];
	s0 =	simm.s32 @p1 $0x1  }
0x15: {  	[smem:$0x3FB5] =	sst s0;
	s0 =	simm.s32 @!p2 $0x0  }
0x16: {  	s3 =	sld [smem:$0x3FDB];
	s0 =	simm.s32 @p2 $0x1  }
0x17: {  	s4 =	simm.s32 $0x1BF5;
	[smem:$0x3FB7] =	sst s0  }
0x18: {  	s0 =	sld [smem:$0x3F9A];
	_ =	swait.ge [sflag:s4], $0x0  }
0x19: {  	s7 =	sld [smem:$0x3F9B]  }
0x1a: {  	s8 =	sadd.s32 $0xFFFFE003, lr  }
0x1b: {  	s9 =	sadd.s32 $0xFFFFFEF7, lr;
	s5 =	simm.s32 $0xFFFFFFFF;
	p2 =	slt.u32 s8, $0xFFFFF086  }
0x1c: {  	p1 =	slt.u32 s9, $0xF7A;
	s5 =	simm.s32 @!p2 $0x0  }
0x1d: {  	s5 =	simm.s32 @p1 $0x1;
	p0 =	seq.s32 s7, s2  }
0x1e: {  	s7 =	smul.u32 @!p0 $0xF7A, s2;
	p2 =	seq.s32 @!p0 s5, $0x0  }
0x1f: {  	s9 =	smul.u32 $0xF7A, s1;
	s8 =	simm.s32 @!p0 $0x1BF5;
	p2 =	por !p2, p0  }
0x20: {  	[sflag:s8] =	ssyncset.s32 @!p0 $0xFFFFF086;
	s6 =	sadd.s32 @!p0 s3, s7;
	s7 =	simm.s32 @!p0 $0x108  }
0x21: {  	s3 =	sadd.s32 s3, s9;
	s6 =	sadd.s32 @!p0 $0x88, s6;
	s7 =	simm.s32 @p2 $0x1082  }
0x22: {  	[simem:s7], [sflag:s8] =	dma.local @!p0 [hbm:s6], $0xF7A  }
0x23: {  	s9 =	sor.u32 $0xD0000000, s2;
	s6 =	simm.s32 $0x108;
	_ =	swait.ge @!p0 [sflag:s8], $0x0  }
0x24: {  	s3 =	sadd.s32 $0x88, s3;
	s6 =	simm.s32 @!p1 $0x1082;
	[sflag:s4] =	ssyncset.s32 $0xFFFFF086  }
0x25: {  	[simem:s6], [sflag:s4] =	dma.local [hbm:s3], $0xF7A  }
0x26: {  	[smem:$0x3F9B] =	sst s1;
	(tag) =	ssettag s2;
	_ =	strace s9  }
0x27: {  	s1 =	sld [smem:$0x3FAB]  }
0x28: {  	s2 =	sld [smem:$0x3FAC]  }
0x29: {  	s4 =	sld [smem:$0x3FAE]  }
0x2a: {  	p0 =	seq.s32 s5, $0x0;
	s5 =	sld [smem:$0x3FAF]  }
0x2b: {  	s6 =	sld [smem:$0x3FB0]  }
0x2c: {  	s7 =	sld [smem:$0x3FB1]  }
0x2d: {  	s3 =	simm.s32 $0x108;
	s8 =	sld [smem:$0x3FB2]  }
0x2e: {  	s3 =	simm.s32 @!p0 $0x1082;
	s9 =	sld [smem:$0x3FB3]  }
0x2f: {  	lr =	sadd.s32 s0, s3;
	s0 =	sld [smem:$0x3FAA]  }
0x30: {  	s3 =	sld [smem:$0x3FAD]  }
0x31: {  	[smem:$0x3FB6] =	sst s10  }
0x32: {  	s10 =	sld [smem:$0x3FB4];
	_ =	sdelay $0x3  }
0x33: {  	p0 =	seq.s32 s10, $0x1;
	s10 =	sld [smem:$0x3FB6];
	_ =	sdelay $0x3  }
0x34: {  	[smem:$0x3FB6] =	sst s10  }
0x35: {  	s10 =	sld [smem:$0x3FB5];
	_ =	sdelay $0x3  }
0x36: {  	p1 =	seq.s32 s10, $0x1;
	s10 =	sld [smem:$0x3FB6];
	_ =	sdelay $0x3  }
0x37: {  	[smem:$0x3FB6] =	sst s10  }
0x38: {  	s10 =	sld [smem:$0x3FB7]  }
0x39: {  	_ = 	snop;
	(pc) =	sbr.ind lr, $3  }
0x3a: {  	_ = 	snop  }
0x3b: {  	_ = 	snop  }
0x3c: {  	p2 =	seq.s32 s10, $0x1;
	s10 =	sld [smem:$0x3FB6]  }
0x3d: {  	_ =	shalt  }
0x3e: {  	_ =	shalt  }
0x3f: {  	_ =	shalt  }
0x40: {  	_ =	shalt  }
0x41: {  	_ =	shalt  }
0x42: {  	_ =	shalt  }
0x43: {  	_ =	shalt  }
0x44: {  	_ =	shalt  }
0x45: {  	_ =	shalt  }
0x46: {  	_ =	shalt  }
0x47: {  	_ =	shalt  }
0x48: {  	_ =	shalt  }
0x49: {  	_ =	shalt  }
0x4a: {  	_ =	shalt  }
0x4b: {  	_ =	shalt  }
0x4c: {  	_ =	shalt  }
0x4d: {  	_ =	shalt  }
0x4e: {  	_ =	shalt  }
0x4f: {  	_ =	shalt  }
0x50: {  	_ =	shalt  }
0x51: {  	_ =	shalt  }
0x52: {  	_ =	shalt  }
0x53: {  	_ =	shalt  }
0x54: {  	_ =	shalt  }
0x55: {  	_ =	shalt  }
0x56: {  	_ =	shalt  }
0x57: {  	_ =	shalt  }
0x58: {  	_ =	shalt  }
0x59: {  	_ =	shalt  }
0x5a: {  	_ =	shalt  }
0x5b: {  	_ =	shalt  }
0x5c: {  	_ =	shalt  }
0x5d: {  	_ =	shalt  }
0x5e: {  	_ =	shalt  }
0x5f: {  	_ =	shalt  }
0x60: {  	_ =	shalt  }
0x61: {  	_ =	shalt  }
0x62: {  	_ =	shalt  }
0x63: {  	_ =	shalt  }
0x64: {  	_ =	shalt  }
0x65: {  	_ =	shalt  }
0x66: {  	_ =	shalt  }
0x67: {  	_ =	shalt  }
0x68: {  	_ =	shalt  }
0x69: {  	_ =	shalt  }
0x6a: {  	_ =	shalt  }
0x6b: {  	_ =	shalt  }
0x6c: {  	_ =	shalt  }
0x6d: {  	_ =	shalt  }
0x6e: {  	_ =	shalt  }
0x6f: {  	_ =	shalt  }
0x70: {  	_ =	shalt  }
0x71: {  	_ =	shalt  }
0x72: {  	_ =	shalt  }
0x73: {  	_ =	shalt  }
0x74: {  	_ =	shalt  }
0x75: {  	_ =	shalt  }
0x76: {  	_ =	shalt  }
0x77: {  	_ =	shalt  }
0x78: {  	_ =	shalt  }
0x79: {  	_ =	shalt  }
0x7a: {  	_ =	shalt  }
0x7b: {  	_ =	shalt  }
0x7c: {  	_ =	shalt  }
0x7d: {  	_ =	shalt  }
0x7e: {  	_ =	shalt  }
0x7f: {  	_ =	shalt  }
0x80: {  	_ =	shalt  }
0x81: {  	_ =	shalt  }
0x82: {  	_ =	shalt  }
0x83: {  	_ =	shalt  }
0x84: {  	_ =	shalt  }
0x85: {  	_ =	shalt  }
0x86: {  	_ =	shalt  }
0x87: {  	_ =	shalt  }
.Lfunc_end0:
.L_simem_size_0:
called_computation.2_lowered:
.L_overlay_start_0:
0x88: {  	s2 =	sld [smem:$0x3FD9]  }
0x89: {  	s3 =	sld [smem:$0x3FFE];
	_ =	sdelay $0x1  }
0x8a: {  	s1 =	srdreg.scid  }
0x8b: {  	s0 =	sand.u32 $0x1, s1  }
0x8c: {  	s17 =	sshll.u32 s0, $0xA;
	s2 =	sadd.s32 s3, s2  }
0x8d: {  	s2 =	sadd.s32 s2, s17  }
0x8e: {  	[smem:$0x3FC2] =	sst s2  }
0x8f: {  	_ = 	snop  }
0x90: {  	s2 =	sld [smem:$0x3FD0];
	(tm) =	ssettm $0x1  }
0x91: {  	s18 =	sld [smem:$0x3FFB];
	_ =	sdelay $0x3  }
0x92: {  	_ =	strace s18  }
0x93: {  	s3 =	sld [smem:$0x3FFC];
	_ =	sdelay $0x3  }
0x94: {  	_ =	strace s3  }
0x95: {  	s3 =	sld [smem:$0x3FFD];
	_ =	sdelay $0x3  }
0x96: {  	_ =	strace s3  }
0x97: {  	_ =	strace $0x8FFFFFFF  }
0x98: {  	s19 =	sld [smem:$0x3FDB];
	_ =	sdelay $0x1  }
0x99: {  	s4 =	simm.s32 $_scs_section_size  }
0x9a: {  	s5 =	simm.s32 $_size__tile_overlayer_lowered;
	s6 =	simm.s32 $_tile_overlayer_lowered  }
0x9b: {  	s22 =	simm.s32 $0x1BFF;
	s21 =	sshll.u32 s6, $0x1;
	s3 =	sadd.s32 s4, s19  }
0x9c: {  	s7 =	simm.s32 $0x0;
	s20 =	sshll.u32 s5, $0x1;
	s5 =	sadd.s32 s21, s3  }
0x9d: {  	[timem:s7], [sflag:s22] =	dma.local [hbm:s5], s20  }
0x9e: {  	_ =	swait.ge [sflag:s22], s20  }
0x9f: {  	s4 =	ssub.s32 $0x0, s20;
	[sflag:s22] =	ssyncset.done $0x0  }
0xa0: {  	[sflag:s22] =	ssyncadd.s32 s4;
	_ =	sdelay $0x1  }
0xa1: {  	s23 =	simm.s32 $0x1B8B  }
0xa2: {  	_ =	swait.ge [sflag:s23], $0x1  }
0xa3: {  	[sflag:s23] =	ssyncset.done $0x0  }
0xa4: {  	s25 =	simm.s32 $0x1B8E;
	s24 =	sld [smem:$0x3FFE];
	[sflag:s23] =	ssyncadd.s32 $0xFFFFFFFF  }
0xa5: {  	s26 =	simm.s32 $execute0_lowered;
	[smem:$0x3FD2] =	sst s25  }
0xa6: {  	s5 =	sshll.u32 s26, $0x1;
	_ =	strace $0x8000004C;
	[dreg:$0x1] =	wrdreg $0xFFFFFFFF  }
0xa7: {  	s28 =	simm.s32 $_size_execute0_lowered;
	s3 =	sadd.s32 s3, s5;
	[dreg:$0x0] =	wrdreg $0x0  }
0xa8: {  	s5 =	sshll.u32 s28, $0x1;
	[dreg:$0x2] =	wrdreg s3  }
0xa9: {  	[dreg:$0x3] =	wrdreg s5  }
0xaa: {  	[dreg:$0x4] =	wrdreg $0xC0  }
0xab: {  	_ =	task [dreg:s7], $0x5FFFF  }
0xac: {  	[dreg:$0x1] =	wrdreg $0xFFFFFFFF  }
0xad: {  	[dreg:$0x0] =	wrdreg $0x60  }
0xae: {  	[dreg:$0x2] =	wrdreg s24  }
0xaf: {  	[dreg:$0x3] =	wrdreg s2  }
0xb0: {  	[dreg:$0x4] =	wrdreg $0xB4000  }
0xb1: {  	[dreg:$0x5] =	wrdreg $0x9  }
0xb2: {  	_ =	task.clear_ibuf [dreg:s7], $0x6FFFF;
	_ =	strace $0x9000004C  }
0xb3: {  	s29 =	simm.s32 $0x9;
	_ =	strace $0x8000004E  }
0xb4: {  	_ =	swait.ge [sflag:s29], $0x1  }
0xb5: {  	[sflag:s29] =	ssyncadd.s32 $0xFFFFFFFF  }
0xb6: {  	_ =	strace $0x9000004E  }
0xb7: {  	_ =	sfence  }
0xb8: {  	s30 =	sld [smem:$0x0];
	_ =	sdelay $0x2  }
0xb9: {  	s31 =	sshll.u32 s1, $0xD;
	s1 =	sshrl.u32 s1, $0x2  }
0xba: {  	s3 =	sand.u32 $0x4000, s31;
	s1 =	sadd.s32 s1, s30  }
0xbb: {  	s0 =	sor.u32 s3, s0;
	s1 =	sshll.u32 s1, $0x11  }
0xbc: {  	s0 =	sor.u32 s1, s0  }
0xbd: {  	s0 =	sadd.s32 $0x8F2B, s0  }
0xbe: {  	[sflag:s0] =	ssyncadd.remote.s32 $0x1  }
0xbf: {  	_ =	sfence.sel $0xFFFF  }
0xc0: {  	[dreg:$0x0] =	wrdreg $0xFFFFFFFF;
	(pc) =	sbr.abs _section_cstart, $3  }
0xc1: {  	[dreg:$0x1] =	wrdreg $0xFFFFFFFF  }
0xc2: {  	_ =	task.clear_ibuf [dreg:s7], $0x2FFFF;
	_ =	strace $0x9FFFFFFF  }
0xc3: {  	(tm) =	ssettm $0x7FFFFFFF  }
tec
execute0_lowered:
.L_overlay_start_1:
0x0: {  	(tag) =	ssettag $0x1  }
0x1: {  	s5 =	rddreg [dreg:$0x0]  }
0x2: {  	s17 =	rddreg [dreg:$0x1]  }
0x3: {  	s2 =	rddreg [dreg:$0x2];
	s3 =	simm.s32 $0x0  }
0x4: {  	s21 =	simm.s32 $0x100;
	[smem:$0x7FF] =	sst s3  }
0x5: {  	s24 =	simm.s32 $0x180;
	_ =	strace $0x8000004D;
	[dreg:$0x4] =	wrdreg s21  }
0x6: {  	s0 =	srdreg.scid;
	s25 =	simm.s32 $0x200;
	[dreg:$0x5] =	wrdreg s24  }
0x7: {  	s26 =	simm.s32 $0x280;
	s29 =	simm.s32 $0x300;
	[dreg:$0x6] =	wrdreg s25  }
0x8: {  	s30 =	simm.s32 $0x380;
	s31 =	simm.s32 $0x400;
	[dreg:$0x7] =	wrdreg s26  }
0x9: {  	s28 =	simm.s32 $0x0;
	s16 =	sand.u32 $0x1, s0;
	[dreg:$0x8] =	wrdreg s29  }
0xa: {  	s0 =	stileid.u32;
	s15 =	sadd.s32 $0x33200, s5;
	[dreg:$0x9] =	wrdreg s30  }
0xb: {  	s1 =	sshll.u32 s16, $0x4;
	[dreg:$0xa] =	wrdreg s31;
	s21 =	simm.s32 $0x480  }
0xc: {  	s7 =	smul.u32 $0x50000, s0;
	s24 =	simm.s32 $0x580;
	[dreg:$0xb] =	wrdreg s21  }
0xd: {  	s11 =	smul.u32 $0x14000, s0;
	s25 =	simm.s32 $0x600;
	[dreg:$0xd] =	wrdreg s24  }
0xe: {  	s22 =	ssub.s32 $0x2, s16;
	s26 =	simm.s32 $0x680;
	[dreg:$0xe] =	wrdreg s25  }
0xf: {  	s19 =	smul.u32 $0x140000, s16;
	s29 =	simm.s32 $0x700;
	[dreg:$0xf] =	wrdreg s26  }
0x10: {  	s30 =	simm.s32 $0x780;
	s31 =	simm.s32 $0x800;
	[dreg:$0x10] =	wrdreg s29  }
0x11: {  	s4 =	sor.u32 s0, s1;
	s23 =	sshrl.u32 s22, $0x1;
	[dreg:$0x11] =	wrdreg s30  }
0x12: {  	s1 =	smul.u32 $0x30000, s16;
	[dreg:$0x12] =	wrdreg s31;
	s21 =	simm.s32 $0x80  }
0x13: {  	s25 =	simm.s32 $0x980;
	s24 =	simm.s32 $0x3;
	s26 =	simm.s32 $0x4  }
0x14: {  	s6 =	smul.u32 $0x500, s4;
	s4 =	sadd.s32 $0xC000, s5;
	s7 =	sshrl.u32 s7, $0x2  }
0x15: {  	s12 =	sadd.s32 $0x4000, s11;
	s18 =	ssub.s32 s22, s23;
	s13 =	sadd.s32 $0x8000, s11  }
0x16: {  	s14 =	sadd.s32 $0xC000, s11;
	s20 =	sadd.s32 $0x10000, s11;
	s11 =	sadd.s32 s11, s19  }
0x17: {  	s22 =	smul.u32 $0x3000, s0;
	s23 =	simm.s32 $0x500;
	[dreg:$0x15] =	wrdreg s25  }
0x18: {  	s25 =	simm.s32 $0x2;
	s8 =	sadd.s32 s14, s2;
	s9 =	sadd.s32 s20, s2  }
0x19: {  	s11 =	sshrl.u32 s11, $0x3;
	s14 =	sadd.s32 s19, s14;
	s16 =	smax.u32 s18, $0x1  }
0x1a: {  	[dreg:$0xc] =	wrdreg s23;
	s18 =	simm.s32 $0x3400;
	s23 =	simm.s32 $0x900  }
0x1b: {  	s10 =	sadd.s32 s6, s5;
	s5 =	sadd.s32 s7, s2;
	s6 =	sadd.s32 s12, s2  }
0x1c: {  	s7 =	sadd.s32 s13, s2;
	s12 =	sadd.s32 s19, s12;
	s13 =	sadd.s32 s19, s13  }
0x1d: {  	s11 =	sadd.s32 s15, s11;
	s14 =	sshrl.u32 s14, $0x3;
	s19 =	sadd.s32 s19, s20  }
0x1e: {  	s20 =	simm.s32 $0xC00;
	[dreg:$0x14] =	wrdreg s23;
	s23 =	simm.s32 $0x1  }
0x1f: {  	s12 =	sshrl.u32 s12, $0x3;
	s13 =	sshrl.u32 s13, $0x3;
	s14 =	sadd.s32 s15, s14  }
0x20: {  	s19 =	sshrl.u32 s19, $0x3;
	s12 =	sadd.s32 s15, s12;
	s13 =	sadd.s32 s15, s13  }
0x21: {  	s15 =	sadd.s32 s15, s19;
	s19 =	sadd.s32 s22, s1;
	s22 =	simm.s32 $0x880  }
0x22: {  	s10 =	sadd.s32 $0x2000, s10;
	s19 =	sshrl.u32 s19, $0x3;
	[dreg:$0x13] =	wrdreg s22  }
0x23: {  	v0 =	vimm.f32 $0.0e+00;
	s22 =	simm.s32 $0x7400;
	s17 =	sadd.s32 s19, s17;
	s19 =	simm.s32 $0x5  }
.LBB2_1:
0x24: {  	s29 =	simm.s32 $0x0;
	s30 =	simm.s32 $0x200  }
.LBB2_2:
0x25: {  	p0 =	sne.s32 s30, $0xFE00;
	[tilespmem:s29+$0x3470] =	vst v0  }
0x26: {  	[tilespmem:s29+$0x3400] =	vst v0  }
0x27: {  	[tilespmem:s29+$0x3410] =	vst v0  }
.Ltmp0:
0x28: {  	[tilespmem:s29+$0x3420] =	vst v0;
	(pc) =	sbr.rel @p0 .LBB2_2-.Ltmp0, $4  }
0x29: {  	[tilespmem:s29+$0x3430] =	vst v0  }
0x2a: {  	[tilespmem:s29+$0x3440] =	vst v0  }
0x2b: {  	[tilespmem:s29+$0x3450] =	vst v0  }
0x2c: {  	[tilespmem:s29+$0x3460] =	vst v0;
	s29 =	sshra.s32 s30, $0x2;
	s30 =	sadd.s32 $0x200, s30  }
0x2d: {  	[tilespmem:s29+$0x3470] =	vst v0  }
0x2e: {  	[tilespmem:s29+$0x3400] =	vst v0  }
0x2f: {  	[tilespmem:s29+$0x3410] =	vst v0  }
0x30: {  	[tilespmem:s29+$0x3420] =	vst v0  }
0x31: {  	[tilespmem:s29+$0x3430] =	vst v0  }
0x32: {  	[tilespmem:s29+$0x3440] =	vst v0  }
0x33: {  	[tilespmem:s29+$0x3450] =	vst v0  }
0x34: {  	[tilespmem:s29+$0x3460] =	vst v0  }
0x35: {  	[spmem:s5] =	stream.linear.scatter [tilespmem:s18], [sflag:$0x5], $0x4000, $0x38;
	[tilespmem:$0x1F400] =	vst v63  }
0x36: {  	_ =	swait.ge [sflag:s19], $0x4000  }
0x37: {  	[sflag:s19] =	ssyncset.done $0x0  }
0x38: {  	[sflag:s19] =	ssyncadd.s32 $0xFFFFC000  }
0x39: {  	[spmem:s6] =	stream.linear.scatter [tilespmem:s18], [sflag:$0x5], $0x4000, $0x38;
	[tilespmem:$0x1F400] =	vst v63  }
0x3a: {  	_ =	swait.ge [sflag:s19], $0x4000  }
0x3b: {  	[sflag:s19] =	ssyncset.done $0x0  }
0x3c: {  	[sflag:s19] =	ssyncadd.s32 $0xFFFFC000  }
0x3d: {  	[spmem:s7] =	stream.linear.scatter [tilespmem:s18], [sflag:$0x5], $0x4000, $0x38;
	[tilespmem:$0x1F400] =	vst v63  }
0x3e: {  	_ =	swait.ge [sflag:s19], $0x4000  }
0x3f: {  	[sflag:s19] =	ssyncset.done $0x0  }
0x40: {  	[sflag:s19] =	ssyncadd.s32 $0xFFFFC000  }
0x41: {  	[spmem:s8] =	stream.linear.scatter [tilespmem:s18], [sflag:$0x5], $0x4000, $0x38;
	[tilespmem:$0x1F400] =	vst v63  }
0x42: {  	_ =	swait.ge [sflag:s19], $0x4000  }
0x43: {  	[sflag:s19] =	ssyncset.done $0x0  }
0x44: {  	[sflag:s19] =	ssyncadd.s32 $0xFFFFC000  }
0x45: {  	[spmem:s9] =	stream.linear.scatter [tilespmem:s18], [sflag:$0x5], $0x4000, $0x38;
	[tilespmem:$0x1F400] =	vst v63  }
0x46: {  	_ =	swait.ge [sflag:s19], $0x4000  }
0x47: {  	[sflag:s19] =	ssyncset.done $0x0  }
0x48: {  	[sflag:s19] =	ssyncadd.s32 $0xFFFFC000  }
0x49: {  	s29 =	simm.s32 $0x0;
	[bflag:$0x0] =	sbarrier.arrive $0xFFFF  }
0x4a: {  	[tilespmem:s20], [sflag:$0x5] =	stream.linear.gather [hbm4b:s10+s29], $0x2800, $0x38;
	[tilespmem:$0x1F400] =	vst v63  }
0x4b: {  	_ =	swait.ge [sflag:s19], $0x2800  }
0x4c: {  	[sflag:s19] =	ssyncset.done $0x0  }
0x4d: {  	[sflag:s19] =	ssyncadd.s32 $0xFFFFD800  }
0x4e: {  	[tilespmem:s3], [sflag:$0x5] =	stream.linear.gather [hbm4b:s17+s3], $0xA00, $0x38;
	[tilespmem:$0x1F400] =	vst v63  }
0x4f: {  	_ =	swait.ge [sflag:s19], $0xA00  }
0x50: {  	[sflag:s19] =	ssyncset.done $0x0  }
0x51: {  	[sflag:s19] =	ssyncadd.s32 $0xFFFFF600  }
0x52: {  	[tilespmem:s18], [sflag:$0x1] =	stream.indirect.gather [hbm4b:s4+s21], $0x80, s3, s21, $0xb8;
	[tilespmem:$0x1F400] =	vst v63  }
0x53: {  	_ = 	snop  }
0x54: {  	[tilespmem:s22], [sflag:$0x2] =	stream.indirect.gather [hbm4b:s4+s21], $0x80, s21, s21, $0xb8;
	[tilespmem:$0x1F400] =	vst v63  }
0x55: {  	_ =	swait.ge [sflag:s23], $0x4000  }
0x56: {  	[sflag:s23] =	ssyncset.done $0x0  }
0x57: {  	s29 =	simm.s32 $0xC00;
	[sflag:s23] =	ssyncadd.s32 $0xFFFFC000  }
0x58: {  	[spmem:s2] =	stream.indirect.scatter.add.f32 [tilespmem:s18], [sflag:$0x3], $0x80, s29, s21, $0xb8;
	[tilespmem:$0x1F400] =	vst v63  }
0x59: {  	_ =	swait.ge [sflag:s24], $0x4000  }
0x5a: {  	[sflag:s24] =	ssyncset.done $0x0  }
0x5b: {  	s29 =	rddreg [dreg:$0x4];
	[sflag:s24] =	ssyncadd.s32 $0xFFFFC000  }
0x5c: {  	[tilespmem:s18], [sflag:$0x1] =	stream.indirect.gather [hbm4b:s4+s21], $0x80, s29, s21, $0xb8;
	[tilespmem:$0x1F400] =	vst v63  }
0x5d: {  	_ =	swait.ge [sflag:s25], $0x4000  }
0x5e: {  	[sflag:s25] =	ssyncset.done $0x0  }
0x5f: {  	s29 =	simm.s32 $0xC80;
	[sflag:s25] =	ssyncadd.s32 $0xFFFFC000  }
0x60: {  	[spmem:s2] =	stream.indirect.scatter.add.f32 [tilespmem:s22], [sflag:$0x4], $0x80, s29, s21, $0xb8;
	[tilespmem:$0x1F400] =	vst v63  }
0x61: {  	_ =	swait.ge [sflag:s26], $0x4000  }
0x62: {  	[sflag:s26] =	ssyncset.done $0x0  }
0x63: {  	s29 =	rddreg [dreg:$0x5];
	[sflag:s26] =	ssyncadd.s32 $0xFFFFC000  }
0x64: {  	[tilespmem:s22], [sflag:$0x2] =	stream.indirect.gather [hbm4b:s4+s21], $0x80, s29, s21, $0xb8;
	[tilespmem:$0x1F400] =	vst v63  }
0x65: {  	_ =	swait.ge [sflag:s23], $0x4000  }
0x66: {  	[sflag:s23] =	ssyncset.done $0x0  }
0x67: {  	s29 =	simm.s32 $0xD00;
	[sflag:s23] =	ssyncadd.s32 $0xFFFFC000  }
0x68: {  	[spmem:s2] =	stream.indirect.scatter.add.f32 [tilespmem:s18], [sflag:$0x3], $0x80, s29, s21, $0xb8;
	[tilespmem:$0x1F400] =	vst v63  }
0x69: {  	_ =	swait.ge [sflag:s24], $0x4000  }
0x6a: {  	[sflag:s24] =	ssyncset.done $0x0  }
0x6b: {  	s29 =	rddreg [dreg:$0x6];
	[sflag:s24] =	ssyncadd.s32 $0xFFFFC000  }
0x6c: {  	[tilespmem:s18], [sflag:$0x1] =	stream.indirect.gather [hbm4b:s4+s21], $0x80, s29, s21, $0xb8;
	[tilespmem:$0x1F400] =	vst v63  }
0x6d: {  	_ =	swait.ge [sflag:s25], $0x4000  }
0x6e: {  	[sflag:s25] =	ssyncset.done $0x0  }
0x6f: {  	s29 =	simm.s32 $0xD80;
	[sflag:s25] =	ssyncadd.s32 $0xFFFFC000  }
0x70: {  	[spmem:s2] =	stream.indirect.scatter.add.f32 [tilespmem:s22], [sflag:$0x4], $0x80, s29, s21, $0xb8;
	[tilespmem:$0x1F400] =	vst v63  }
0x71: {  	_ =	swait.ge [sflag:s26], $0x4000  }
0x72: {  	[sflag:s26] =	ssyncset.done $0x0  }
0x73: {  	s29 =	rddreg [dreg:$0x7];
	[sflag:s26] =	ssyncadd.s32 $0xFFFFC000  }
0x74: {  	[tilespmem:s22], [sflag:$0x2] =	stream.indirect.gather [hbm4b:s4+s21], $0x80, s29, s21, $0xb8;
	[tilespmem:$0x1F400] =	vst v63  }
0x75: {  	_ =	swait.ge [sflag:s23], $0x4000  }
0x76: {  	[sflag:s23] =	ssyncset.done $0x0  }
0x77: {  	s29 =	simm.s32 $0xE00;
	[sflag:s23] =	ssyncadd.s32 $0xFFFFC000  }
0x78: {  	[spmem:s2] =	stream.indirect.scatter.add.f32 [tilespmem:s18], [sflag:$0x3], $0x80, s29, s21, $0xb8;
	[tilespmem:$0x1F400] =	vst v63  }
0x79: {  	_ =	swait.ge [sflag:s24], $0x4000  }
0x7a: {  	[sflag:s24] =	ssyncset.done $0x0  }
0x7b: {  	s29 =	rddreg [dreg:$0x8];
	[sflag:s24] =	ssyncadd.s32 $0xFFFFC000  }
0x7c: {  	[tilespmem:s18], [sflag:$0x1] =	stream.indirect.gather [hbm4b:s4+s21], $0x80, s29, s21, $0xb8;
	[tilespmem:$0x1F400] =	vst v63  }
0x7d: {  	_ =	swait.ge [sflag:s25], $0x4000  }
0x7e: {  	[sflag:s25] =	ssyncset.done $0x0  }
0x7f: {  	s29 =	simm.s32 $0xE80;
	[sflag:s25] =	ssyncadd.s32 $0xFFFFC000  }
0x80: {  	[spmem:s2] =	stream.indirect.scatter.add.f32 [tilespmem:s22], [sflag:$0x4], $0x80, s29, s21, $0xb8;
	[tilespmem:$0x1F400] =	vst v63  }
0x81: {  	_ =	swait.ge [sflag:s26], $0x4000  }
0x82: {  	[sflag:s26] =	ssyncset.done $0x0  }
0x83: {  	s29 =	rddreg [dreg:$0x9];
	[sflag:s26] =	ssyncadd.s32 $0xFFFFC000  }
0x84: {  	[tilespmem:s22], [sflag:$0x2] =	stream.indirect.gather [hbm4b:s4+s21], $0x80, s29, s21, $0xb8;
	[tilespmem:$0x1F400] =	vst v63  }
0x85: {  	_ =	swait.ge [sflag:s23], $0x4000  }
0x86: {  	[sflag:s23] =	ssyncset.done $0x0  }
0x87: {  	s29 =	simm.s32 $0xF00;
	[sflag:s23] =	ssyncadd.s32 $0xFFFFC000  }
0x88: {  	[spmem:s2] =	stream.indirect.scatter.add.f32 [tilespmem:s18], [sflag:$0x3], $0x80, s29, s21, $0xb8;
	[tilespmem:$0x1F400] =	vst v63  }
0x89: {  	_ =	swait.ge [sflag:s24], $0x4000  }
0x8a: {  	[sflag:s24] =	ssyncset.done $0x0  }
0x8b: {  	s29 =	rddreg [dreg:$0xa];
	[sflag:s24] =	ssyncadd.s32 $0xFFFFC000  }
0x8c: {  	[tilespmem:s18], [sflag:$0x1] =	stream.indirect.gather [hbm4b:s4+s21], $0x80, s29, s21, $0xb8;
	[tilespmem:$0x1F400] =	vst v63  }
0x8d: {  	_ =	swait.ge [sflag:s25], $0x4000  }
0x8e: {  	[sflag:s25] =	ssyncset.done $0x0  }
0x8f: {  	s29 =	simm.s32 $0xF80;
	[sflag:s25] =	ssyncadd.s32 $0xFFFFC000  }
0x90: {  	[spmem:s2] =	stream.indirect.scatter.add.f32 [tilespmem:s22], [sflag:$0x4], $0x80, s29, s21, $0xb8;
	[tilespmem:$0x1F400] =	vst v63  }
0x91: {  	_ =	swait.ge [sflag:s26], $0x4000  }
0x92: {  	[sflag:s26] =	ssyncset.done $0x0  }
0x93: {  	s29 =	rddreg [dreg:$0xb];
	[sflag:s26] =	ssyncadd.s32 $0xFFFFC000  }
0x94: {  	[tilespmem:s22], [sflag:$0x2] =	stream.indirect.gather [hbm4b:s4+s21], $0x80, s29, s21, $0xb8;
	[tilespmem:$0x1F400] =	vst v63  }
0x95: {  	_ =	swait.ge [sflag:s23], $0x4000  }
0x96: {  	[sflag:s23] =	ssyncset.done $0x0  }
0x97: {  	s29 =	simm.s32 $0x1000;
	[sflag:s23] =	ssyncadd.s32 $0xFFFFC000  }
0x98: {  	[spmem:s2] =	stream.indirect.scatter.add.f32 [tilespmem:s18], [sflag:$0x3], $0x80, s29, s21, $0xb8;
	[tilespmem:$0x1F400] =	vst v63  }
0x99: {  	_ =	swait.ge [sflag:s24], $0x4000  }
0x9a: {  	[sflag:s24] =	ssyncset.done $0x0  }
0x9b: {  	s29 =	rddreg [dreg:$0xc];
	[sflag:s24] =	ssyncadd.s32 $0xFFFFC000  }
0x9c: {  	[tilespmem:s18], [sflag:$0x1] =	stream.indirect.gather [hbm4b:s4+s21], $0x80, s29, s21, $0xb8;
	[tilespmem:$0x1F400] =	vst v63  }
0x9d: {  	_ =	swait.ge [sflag:s25], $0x4000  }
0x9e: {  	[sflag:s25] =	ssyncset.done $0x0  }
0x9f: {  	s29 =	simm.s32 $0x1080;
	[sflag:s25] =	ssyncadd.s32 $0xFFFFC000  }
0xa0: {  	[spmem:s2] =	stream.indirect.scatter.add.f32 [tilespmem:s22], [sflag:$0x4], $0x80, s29, s21, $0xb8;
	[tilespmem:$0x1F400] =	vst v63  }
0xa1: {  	_ =	swait.ge [sflag:s26], $0x4000  }
0xa2: {  	[sflag:s26] =	ssyncset.done $0x0  }
0xa3: {  	s29 =	rddreg [dreg:$0xd];
	[sflag:s26] =	ssyncadd.s32 $0xFFFFC000  }
0xa4: {  	[tilespmem:s22], [sflag:$0x2] =	stream.indirect.gather [hbm4b:s4+s21], $0x80, s29, s21, $0xb8;
	[tilespmem:$0x1F400] =	vst v63  }
0xa5: {  	_ =	swait.ge [sflag:s23], $0x4000  }
0xa6: {  	[sflag:s23] =	ssyncset.done $0x0  }
0xa7: {  	s29 =	simm.s32 $0x1100;
	[sflag:s23] =	ssyncadd.s32 $0xFFFFC000  }
0xa8: {  	[spmem:s2] =	stream.indirect.scatter.add.f32 [tilespmem:s18], [sflag:$0x3], $0x80, s29, s21, $0xb8;
	[tilespmem:$0x1F400] =	vst v63  }
0xa9: {  	_ =	swait.ge [sflag:s24], $0x4000  }
0xaa: {  	[sflag:s24] =	ssyncset.done $0x0  }
0xab: {  	s29 =	rddreg [dreg:$0xe];
	[sflag:s24] =	ssyncadd.s32 $0xFFFFC000  }
0xac: {  	[tilespmem:s18], [sflag:$0x1] =	stream.indirect.gather [hbm4b:s4+s21], $0x80, s29, s21, $0xb8;
	[tilespmem:$0x1F400] =	vst v63  }
0xad: {  	_ =	swait.ge [sflag:s25], $0x4000  }
0xae: {  	[sflag:s25] =	ssyncset.done $0x0  }
0xaf: {  	s29 =	simm.s32 $0x1180;
	[sflag:s25] =	ssyncadd.s32 $0xFFFFC000  }
0xb0: {  	[spmem:s2] =	stream.indirect.scatter.add.f32 [tilespmem:s22], [sflag:$0x4], $0x80, s29, s21, $0xb8;
	[tilespmem:$0x1F400] =	vst v63  }
0xb1: {  	_ =	swait.ge [sflag:s26], $0x4000  }
0xb2: {  	[sflag:s26] =	ssyncset.done $0x0  }
0xb3: {  	s29 =	rddreg [dreg:$0xf];
	[sflag:s26] =	ssyncadd.s32 $0xFFFFC000  }
0xb4: {  	[tilespmem:s22], [sflag:$0x2] =	stream.indirect.gather [hbm4b:s4+s21], $0x80, s29, s21, $0xb8;
	[tilespmem:$0x1F400] =	vst v63  }
0xb5: {  	_ =	swait.ge [sflag:s23], $0x4000  }
0xb6: {  	[sflag:s23] =	ssyncset.done $0x0  }
0xb7: {  	s29 =	simm.s32 $0x1200;
	[sflag:s23] =	ssyncadd.s32 $0xFFFFC000  }
0xb8: {  	[spmem:s2] =	stream.indirect.scatter.add.f32 [tilespmem:s18], [sflag:$0x3], $0x80, s29, s21, $0xb8;
	[tilespmem:$0x1F400] =	vst v63  }
0xb9: {  	_ =	swait.ge [sflag:s24], $0x4000  }
0xba: {  	[sflag:s24] =	ssyncset.done $0x0  }
0xbb: {  	s29 =	rddreg [dreg:$0x10];
	[sflag:s24] =	ssyncadd.s32 $0xFFFFC000  }
0xbc: {  	[tilespmem:s18], [sflag:$0x1] =	stream.indirect.gather [hbm4b:s4+s21], $0x80, s29, s21, $0xb8;
	[tilespmem:$0x1F400] =	vst v63  }
0xbd: {  	_ =	swait.ge [sflag:s25], $0x4000  }
0xbe: {  	[sflag:s25] =	ssyncset.done $0x0  }
0xbf: {  	s29 =	simm.s32 $0x1280;
	[sflag:s25] =	ssyncadd.s32 $0xFFFFC000  }
0xc0: {  	[spmem:s2] =	stream.indirect.scatter.add.f32 [tilespmem:s22], [sflag:$0x4], $0x80, s29, s21, $0xb8;
	[tilespmem:$0x1F400] =	vst v63  }
0xc1: {  	_ =	swait.ge [sflag:s26], $0x4000  }
0xc2: {  	[sflag:s26] =	ssyncset.done $0x0  }
0xc3: {  	s29 =	rddreg [dreg:$0x11];
	[sflag:s26] =	ssyncadd.s32 $0xFFFFC000  }
0xc4: {  	[tilespmem:s22], [sflag:$0x2] =	stream.indirect.gather [hbm4b:s4+s21], $0x80, s29, s21, $0xb8;
	[tilespmem:$0x1F400] =	vst v63  }
0xc5: {  	_ =	swait.ge [sflag:s23], $0x4000  }
0xc6: {  	[sflag:s23] =	ssyncset.done $0x0  }
0xc7: {  	s29 =	simm.s32 $0x1300;
	[sflag:s23] =	ssyncadd.s32 $0xFFFFC000  }
0xc8: {  	[spmem:s2] =	stream.indirect.scatter.add.f32 [tilespmem:s18], [sflag:$0x3], $0x80, s29, s21, $0xb8;
	[tilespmem:$0x1F400] =	vst v63  }
0xc9: {  	_ =	swait.ge [sflag:s24], $0x4000  }
0xca: {  	[sflag:s24] =	ssyncset.done $0x0  }
0xcb: {  	s29 =	rddreg [dreg:$0x12];
	[sflag:s24] =	ssyncadd.s32 $0xFFFFC000  }
0xcc: {  	[tilespmem:s18], [sflag:$0x1] =	stream.indirect.gather [hbm4b:s4+s21], $0x80, s29, s21, $0xb8;
	[tilespmem:$0x1F400] =	vst v63  }
0xcd: {  	_ =	swait.ge [sflag:s25], $0x4000  }
0xce: {  	[sflag:s25] =	ssyncset.done $0x0  }
0xcf: {  	s29 =	simm.s32 $0x1380;
	[sflag:s25] =	ssyncadd.s32 $0xFFFFC000  }
0xd0: {  	[spmem:s2] =	stream.indirect.scatter.add.f32 [tilespmem:s22], [sflag:$0x4], $0x80, s29, s21, $0xb8;
	[tilespmem:$0x1F400] =	vst v63  }
0xd1: {  	_ =	swait.ge [sflag:s26], $0x4000  }
0xd2: {  	[sflag:s26] =	ssyncset.done $0x0  }
0xd3: {  	s29 =	rddreg [dreg:$0x13];
	[sflag:s26] =	ssyncadd.s32 $0xFFFFC000  }
0xd4: {  	[tilespmem:s22], [sflag:$0x2] =	stream.indirect.gather [hbm4b:s4+s21], $0x80, s29, s21, $0xb8;
	[tilespmem:$0x1F400] =	vst v63  }
0xd5: {  	_ =	swait.ge [sflag:s23], $0x4000  }
0xd6: {  	[sflag:s23] =	ssyncset.done $0x0  }
0xd7: {  	s29 =	simm.s32 $0x1400;
	[sflag:s23] =	ssyncadd.s32 $0xFFFFC000  }
0xd8: {  	[spmem:s2] =	stream.indirect.scatter.add.f32 [tilespmem:s18], [sflag:$0x3], $0x80, s29, s21, $0xb8;
	[tilespmem:$0x1F400] =	vst v63  }
0xd9: {  	_ =	swait.ge [sflag:s24], $0x4000  }
0xda: {  	[sflag:s24] =	ssyncset.done $0x0  }
0xdb: {  	s29 =	rddreg [dreg:$0x14];
	[sflag:s24] =	ssyncadd.s32 $0xFFFFC000  }
0xdc: {  	[tilespmem:s18], [sflag:$0x1] =	stream.indirect.gather [hbm4b:s4+s21], $0x80, s29, s21, $0xb8;
	[tilespmem:$0x1F400] =	vst v63  }
0xdd: {  	_ =	swait.ge [sflag:s25], $0x4000  }
0xde: {  	[sflag:s25] =	ssyncset.done $0x0  }
0xdf: {  	s29 =	simm.s32 $0x1480;
	[sflag:s25] =	ssyncadd.s32 $0xFFFFC000  }
0xe0: {  	[spmem:s2] =	stream.indirect.scatter.add.f32 [tilespmem:s22], [sflag:$0x4], $0x80, s29, s21, $0xb8;
	[tilespmem:$0x1F400] =	vst v63  }
0xe1: {  	_ =	swait.ge [sflag:s26], $0x4000  }
0xe2: {  	[sflag:s26] =	ssyncset.done $0x0  }
0xe3: {  	s29 =	rddreg [dreg:$0x15];
	[sflag:s26] =	ssyncadd.s32 $0xFFFFC000  }
0xe4: {  	[tilespmem:s22], [sflag:$0x2] =	stream.indirect.gather [hbm4b:s4+s21], $0x80, s29, s21, $0xb8;
	[tilespmem:$0x1F400] =	vst v63  }
0xe5: {  	_ =	swait.ge [sflag:s23], $0x4000  }
0xe6: {  	[sflag:s23] =	ssyncset.done $0x0  }
0xe7: {  	s29 =	simm.s32 $0x1500;
	[sflag:s23] =	ssyncadd.s32 $0xFFFFC000  }
0xe8: {  	[spmem:s2] =	stream.indirect.scatter.add.f32 [tilespmem:s18], [sflag:$0x3], $0x80, s29, s21, $0xb8;
	[tilespmem:$0x1F400] =	vst v63  }
0xe9: {  	_ =	swait.ge [sflag:s25], $0x4000  }
0xea: {  	[sflag:s25] =	ssyncset.done $0x0  }
0xeb: {  	s29 =	simm.s32 $0x1580;
	[sflag:s25] =	ssyncadd.s32 $0xFFFFC000  }
0xec: {  	[spmem:s2] =	stream.indirect.scatter.add.f32 [tilespmem:s22], [sflag:$0x4], $0x80, s29, s21, $0xb8;
	[tilespmem:$0x1F400] =	vst v63  }
0xed: {  	_ =	swait.ge [sflag:s24], $0x4000  }
0xee: {  	[sflag:s24] =	ssyncset.done $0x0  }
0xef: {  	[sflag:s24] =	ssyncadd.s32 $0xFFFFC000  }
0xf0: {  	_ =	swait.ge [sflag:s26], $0x4000  }
0xf1: {  	s30 =	smov.u32 s17;
	s29 =	simm.s32 $0x2800;
	[sflag:s26] =	ssyncset.done $0x0  }
.LBB2_4:
0xf2: {  	[sflag:s26] =	ssyncadd.s32 $0xFFFFC000;
	s30 =	sadd.s32 $0x180, s30  }
0xf3: {  	[tilespmem:s3], [sflag:$0x5] =	stream.linear.gather [hbm4b:s30+s3], $0xA00, $0x38;
	[tilespmem:$0x1F400] =	vst v63  }
0xf4: {  	_ =	swait.ge [sflag:s19], $0xA00  }
0xf5: {  	[sflag:s19] =	ssyncset.done $0x0  }
0xf6: {  	[sflag:s19] =	ssyncadd.s32 $0xFFFFF600  }
0xf7: {  	[tilespmem:s18], [sflag:$0x1] =	stream.indirect.gather [hbm4b:s4+s21], $0x80, s3, s21, $0xb8;
	[tilespmem:$0x1F400] =	vst v63  }
0xf8: {  	_ = 	snop  }
0xf9: {  	[tilespmem:s22], [sflag:$0x2] =	stream.indirect.gather [hbm4b:s4+s21], $0x80, s21, s21, $0xb8;
	[tilespmem:$0x1F400] =	vst v63  }
0xfa: {  	s31 =	smov.u32 s29;
	_ =	swait.ge [sflag:s23], $0x4000  }
0xfb: {  	s31 =	sshra.s32 s31, $0x2;
	[sflag:s23] =	ssyncset.done $0x0  }
0xfc: {  	s1 =	sadd.s32 $0xC00, s31;
	[sflag:s23] =	ssyncadd.s32 $0xFFFFC000  }
0xfd: {  	[spmem:s2] =	stream.indirect.scatter.add.f32 [tilespmem:s18], [sflag:$0x3], $0x80, s1, s21, $0xb8;
	[tilespmem:$0x1F400] =	vst v63  }
0xfe: {  	_ =	swait.ge [sflag:s24], $0x4000  }
0xff: {  	[sflag:s24] =	ssyncset.done $0x0  }
0x100: {  	s1 =	rddreg [dreg:$0x4];
	[sflag:s24] =	ssyncadd.s32 $0xFFFFC000  }
0x101: {  	[tilespmem:s18], [sflag:$0x1] =	stream.indirect.gather [hbm4b:s4+s21], $0x80, s1, s21, $0xb8;
	[tilespmem:$0x1F400] =	vst v63  }
0x102: {  	_ =	swait.ge [sflag:s25], $0x4000  }
0x103: {  	[sflag:s25] =	ssyncset.done $0x0  }
0x104: {  	s1 =	sadd.s32 $0xC80, s31;
	[sflag:s25] =	ssyncadd.s32 $0xFFFFC000  }
0x105: {  	[spmem:s2] =	stream.indirect.scatter.add.f32 [tilespmem:s22], [sflag:$0x4], $0x80, s1, s21, $0xb8;
	[tilespmem:$0x1F400] =	vst v63  }
0x106: {  	_ =	swait.ge [sflag:s26], $0x4000  }
0x107: {  	[sflag:s26] =	ssyncset.done $0x0  }
0x108: {  	s1 =	rddreg [dreg:$0x5];
	[sflag:s26] =	ssyncadd.s32 $0xFFFFC000  }
0x109: {  	[tilespmem:s22], [sflag:$0x2] =	stream.indirect.gather [hbm4b:s4+s21], $0x80, s1, s21, $0xb8;
	[tilespmem:$0x1F400] =	vst v63  }
0x10a: {  	_ =	swait.ge [sflag:s23], $0x4000  }
0x10b: {  	[sflag:s23] =	ssyncset.done $0x0  }
0x10c: {  	s1 =	sadd.s32 $0xD00, s31;
	[sflag:s23] =	ssyncadd.s32 $0xFFFFC000  }
0x10d: {  	[spmem:s2] =	stream.indirect.scatter.add.f32 [tilespmem:s18], [sflag:$0x3], $0x80, s1, s21, $0xb8;
	[tilespmem:$0x1F400] =	vst v63  }
0x10e: {  	_ =	swait.ge [sflag:s24], $0x4000  }
0x10f: {  	[sflag:s24] =	ssyncset.done $0x0  }
0x110: {  	s1 =	rddreg [dreg:$0x6];
	[sflag:s24] =	ssyncadd.s32 $0xFFFFC000  }
0x111: {  	[tilespmem:s18], [sflag:$0x1] =	stream.indirect.gather [hbm4b:s4+s21], $0x80, s1, s21, $0xb8;
	[tilespmem:$0x1F400] =	vst v63  }
0x112: {  	_ =	swait.ge [sflag:s25], $0x4000  }
0x113: {  	[sflag:s25] =	ssyncset.done $0x0  }
0x114: {  	s1 =	sadd.s32 $0xD80, s31;
	[sflag:s25] =	ssyncadd.s32 $0xFFFFC000  }
0x115: {  	[spmem:s2] =	stream.indirect.scatter.add.f32 [tilespmem:s22], [sflag:$0x4], $0x80, s1, s21, $0xb8;
	[tilespmem:$0x1F400] =	vst v63  }
0x116: {  	_ =	swait.ge [sflag:s26], $0x4000  }
0x117: {  	[sflag:s26] =	ssyncset.done $0x0  }
0x118: {  	s1 =	rddreg [dreg:$0x7];
	[sflag:s26] =	ssyncadd.s32 $0xFFFFC000  }
0x119: {  	[tilespmem:s22], [sflag:$0x2] =	stream.indirect.gather [hbm4b:s4+s21], $0x80, s1, s21, $0xb8;
	[tilespmem:$0x1F400] =	vst v63  }
0x11a: {  	_ =	swait.ge [sflag:s23], $0x4000  }
0x11b: {  	[sflag:s23] =	ssyncset.done $0x0  }
0x11c: {  	s1 =	sadd.s32 $0xE00, s31;
	[sflag:s23] =	ssyncadd.s32 $0xFFFFC000  }
0x11d: {  	[spmem:s2] =	stream.indirect.scatter.add.f32 [tilespmem:s18], [sflag:$0x3], $0x80, s1, s21, $0xb8;
	[tilespmem:$0x1F400] =	vst v63  }
0x11e: {  	_ =	swait.ge [sflag:s24], $0x4000  }
0x11f: {  	[sflag:s24] =	ssyncset.done $0x0  }
0x120: {  	s1 =	rddreg [dreg:$0x8];
	[sflag:s24] =	ssyncadd.s32 $0xFFFFC000  }
0x121: {  	[tilespmem:s18], [sflag:$0x1] =	stream.indirect.gather [hbm4b:s4+s21], $0x80, s1, s21, $0xb8;
	[tilespmem:$0x1F400] =	vst v63  }
0x122: {  	_ =	swait.ge [sflag:s25], $0x4000  }
0x123: {  	[sflag:s25] =	ssyncset.done $0x0  }
0x124: {  	s1 =	sadd.s32 $0xE80, s31;
	[sflag:s25] =	ssyncadd.s32 $0xFFFFC000  }
0x125: {  	[spmem:s2] =	stream.indirect.scatter.add.f32 [tilespmem:s22], [sflag:$0x4], $0x80, s1, s21, $0xb8;
	[tilespmem:$0x1F400] =	vst v63  }
0x126: {  	_ =	swait.ge [sflag:s26], $0x4000  }
0x127: {  	[sflag:s26] =	ssyncset.done $0x0  }
0x128: {  	s1 =	rddreg [dreg:$0x9];
	[sflag:s26] =	ssyncadd.s32 $0xFFFFC000  }
0x129: {  	[tilespmem:s22], [sflag:$0x2] =	stream.indirect.gather [hbm4b:s4+s21], $0x80, s1, s21, $0xb8;
	[tilespmem:$0x1F400] =	vst v63  }
0x12a: {  	_ =	swait.ge [sflag:s23], $0x4000  }
0x12b: {  	[sflag:s23] =	ssyncset.done $0x0  }
0x12c: {  	s1 =	sadd.s32 $0xF00, s31;
	[sflag:s23] =	ssyncadd.s32 $0xFFFFC000  }
0x12d: {  	[spmem:s2] =	stream.indirect.scatter.add.f32 [tilespmem:s18], [sflag:$0x3], $0x80, s1, s21, $0xb8;
	[tilespmem:$0x1F400] =	vst v63  }
0x12e: {  	_ =	swait.ge [sflag:s24], $0x4000  }
0x12f: {  	[sflag:s24] =	ssyncset.done $0x0  }
0x130: {  	s1 =	rddreg [dreg:$0xa];
	[sflag:s24] =	ssyncadd.s32 $0xFFFFC000  }
0x131: {  	[tilespmem:s18], [sflag:$0x1] =	stream.indirect.gather [hbm4b:s4+s21], $0x80, s1, s21, $0xb8;
	[tilespmem:$0x1F400] =	vst v63  }
0x132: {  	_ =	swait.ge [sflag:s25], $0x4000  }
0x133: {  	[sflag:s25] =	ssyncset.done $0x0  }
0x134: {  	s1 =	sadd.s32 $0xF80, s31;
	[sflag:s25] =	ssyncadd.s32 $0xFFFFC000  }
0x135: {  	[spmem:s2] =	stream.indirect.scatter.add.f32 [tilespmem:s22], [sflag:$0x4], $0x80, s1, s21, $0xb8;
	[tilespmem:$0x1F400] =	vst v63  }
0x136: {  	_ =	swait.ge [sflag:s26], $0x4000  }
0x137: {  	[sflag:s26] =	ssyncset.done $0x0  }
0x138: {  	s1 =	rddreg [dreg:$0xb];
	[sflag:s26] =	ssyncadd.s32 $0xFFFFC000  }
0x139: {  	[tilespmem:s22], [sflag:$0x2] =	stream.indirect.gather [hbm4b:s4+s21], $0x80, s1, s21, $0xb8;
	[tilespmem:$0x1F400] =	vst v63  }
0x13a: {  	_ =	swait.ge [sflag:s23], $0x4000  }
0x13b: {  	[sflag:s23] =	ssyncset.done $0x0  }
0x13c: {  	s1 =	sadd.s32 $0x1000, s31;
	[sflag:s23] =	ssyncadd.s32 $0xFFFFC000  }
0x13d: {  	[spmem:s2] =	stream.indirect.scatter.add.f32 [tilespmem:s18], [sflag:$0x3], $0x80, s1, s21, $0xb8;
	[tilespmem:$0x1F400] =	vst v63  }
0x13e: {  	_ =	swait.ge [sflag:s24], $0x4000  }
0x13f: {  	[sflag:s24] =	ssyncset.done $0x0  }
0x140: {  	s1 =	rddreg [dreg:$0xc];
	[sflag:s24] =	ssyncadd.s32 $0xFFFFC000  }
0x141: {  	[tilespmem:s18], [sflag:$0x1] =	stream.indirect.gather [hbm4b:s4+s21], $0x80, s1, s21, $0xb8;
	[tilespmem:$0x1F400] =	vst v63  }
0x142: {  	_ =	swait.ge [sflag:s25], $0x4000  }
0x143: {  	[sflag:s25] =	ssyncset.done $0x0  }
0x144: {  	s1 =	sadd.s32 $0x1080, s31;
	[sflag:s25] =	ssyncadd.s32 $0xFFFFC000  }
0x145: {  	[spmem:s2] =	stream.indirect.scatter.add.f32 [tilespmem:s22], [sflag:$0x4], $0x80, s1, s21, $0xb8;
	[tilespmem:$0x1F400] =	vst v63  }
0x146: {  	_ =	swait.ge [sflag:s26], $0x4000  }
0x147: {  	[sflag:s26] =	ssyncset.done $0x0  }
0x148: {  	s1 =	rddreg [dreg:$0xd];
	[sflag:s26] =	ssyncadd.s32 $0xFFFFC000  }
0x149: {  	[tilespmem:s22], [sflag:$0x2] =	stream.indirect.gather [hbm4b:s4+s21], $0x80, s1, s21, $0xb8;
	[tilespmem:$0x1F400] =	vst v63  }
0x14a: {  	_ =	swait.ge [sflag:s23], $0x4000  }
0x14b: {  	[sflag:s23] =	ssyncset.done $0x0  }
0x14c: {  	s1 =	sadd.s32 $0x1100, s31;
	[sflag:s23] =	ssyncadd.s32 $0xFFFFC000  }
0x14d: {  	[spmem:s2] =	stream.indirect.scatter.add.f32 [tilespmem:s18], [sflag:$0x3], $0x80, s1, s21, $0xb8;
	[tilespmem:$0x1F400] =	vst v63  }
0x14e: {  	_ =	swait.ge [sflag:s24], $0x4000  }
0x14f: {  	[sflag:s24] =	ssyncset.done $0x0  }
0x150: {  	s1 =	rddreg [dreg:$0xe];
	[sflag:s24] =	ssyncadd.s32 $0xFFFFC000  }
0x151: {  	[tilespmem:s18], [sflag:$0x1] =	stream.indirect.gather [hbm4b:s4+s21], $0x80, s1, s21, $0xb8;
	[tilespmem:$0x1F400] =	vst v63  }
0x152: {  	_ =	swait.ge [sflag:s25], $0x4000  }
0x153: {  	[sflag:s25] =	ssyncset.done $0x0  }
0x154: {  	s1 =	sadd.s32 $0x1180, s31;
	[sflag:s25] =	ssyncadd.s32 $0xFFFFC000  }
0x155: {  	[spmem:s2] =	stream.indirect.scatter.add.f32 [tilespmem:s22], [sflag:$0x4], $0x80, s1, s21, $0xb8;
	[tilespmem:$0x1F400] =	vst v63  }
0x156: {  	_ =	swait.ge [sflag:s26], $0x4000  }
0x157: {  	[sflag:s26] =	ssyncset.done $0x0  }
0x158: {  	s1 =	rddreg [dreg:$0xf];
	[sflag:s26] =	ssyncadd.s32 $0xFFFFC000  }
0x159: {  	[tilespmem:s22], [sflag:$0x2] =	stream.indirect.gather [hbm4b:s4+s21], $0x80, s1, s21, $0xb8;
	[tilespmem:$0x1F400] =	vst v63  }
0x15a: {  	_ =	swait.ge [sflag:s23], $0x4000  }
0x15b: {  	[sflag:s23] =	ssyncset.done $0x0  }
0x15c: {  	s1 =	sadd.s32 $0x1200, s31;
	[sflag:s23] =	ssyncadd.s32 $0xFFFFC000  }
0x15d: {  	[spmem:s2] =	stream.indirect.scatter.add.f32 [tilespmem:s18], [sflag:$0x3], $0x80, s1, s21, $0xb8;
	[tilespmem:$0x1F400] =	vst v63  }
0x15e: {  	_ =	swait.ge [sflag:s24], $0x4000  }
0x15f: {  	[sflag:s24] =	ssyncset.done $0x0  }
0x160: {  	s1 =	rddreg [dreg:$0x10];
	[sflag:s24] =	ssyncadd.s32 $0xFFFFC000  }
0x161: {  	[tilespmem:s18], [sflag:$0x1] =	stream.indirect.gather [hbm4b:s4+s21], $0x80, s1, s21, $0xb8;
	[tilespmem:$0x1F400] =	vst v63  }
0x162: {  	_ =	swait.ge [sflag:s25], $0x4000  }
0x163: {  	[sflag:s25] =	ssyncset.done $0x0  }
0x164: {  	s1 =	sadd.s32 $0x1280, s31;
	[sflag:s25] =	ssyncadd.s32 $0xFFFFC000  }
0x165: {  	[spmem:s2] =	stream.indirect.scatter.add.f32 [tilespmem:s22], [sflag:$0x4], $0x80, s1, s21, $0xb8;
	[tilespmem:$0x1F400] =	vst v63  }
0x166: {  	_ =	swait.ge [sflag:s26], $0x4000  }
0x167: {  	[sflag:s26] =	ssyncset.done $0x0  }
0x168: {  	s1 =	rddreg [dreg:$0x11];
	[sflag:s26] =	ssyncadd.s32 $0xFFFFC000  }
0x169: {  	[tilespmem:s22], [sflag:$0x2] =	stream.indirect.gather [hbm4b:s4+s21], $0x80, s1, s21, $0xb8;
	[tilespmem:$0x1F400] =	vst v63  }
0x16a: {  	_ =	swait.ge [sflag:s23], $0x4000  }
0x16b: {  	[sflag:s23] =	ssyncset.done $0x0  }
0x16c: {  	s1 =	sadd.s32 $0x1300, s31;
	[sflag:s23] =	ssyncadd.s32 $0xFFFFC000  }
0x16d: {  	[spmem:s2] =	stream.indirect.scatter.add.f32 [tilespmem:s18], [sflag:$0x3], $0x80, s1, s21, $0xb8;
	[tilespmem:$0x1F400] =	vst v63  }
0x16e: {  	_ =	swait.ge [sflag:s24], $0x4000  }
0x16f: {  	[sflag:s24] =	ssyncset.done $0x0  }
0x170: {  	s1 =	rddreg [dreg:$0x12];
	[sflag:s24] =	ssyncadd.s32 $0xFFFFC000  }
0x171: {  	[tilespmem:s18], [sflag:$0x1] =	stream.indirect.gather [hbm4b:s4+s21], $0x80, s1, s21, $0xb8;
	[tilespmem:$0x1F400] =	vst v63  }
0x172: {  	_ =	swait.ge [sflag:s25], $0x4000  }
0x173: {  	[sflag:s25] =	ssyncset.done $0x0  }
0x174: {  	s1 =	sadd.s32 $0x1380, s31;
	[sflag:s25] =	ssyncadd.s32 $0xFFFFC000  }
0x175: {  	[spmem:s2] =	stream.indirect.scatter.add.f32 [tilespmem:s22], [sflag:$0x4], $0x80, s1, s21, $0xb8;
	[tilespmem:$0x1F400] =	vst v63  }
0x176: {  	_ =	swait.ge [sflag:s26], $0x4000  }
0x177: {  	[sflag:s26] =	ssyncset.done $0x0  }
0x178: {  	s1 =	rddreg [dreg:$0x13];
	[sflag:s26] =	ssyncadd.s32 $0xFFFFC000  }
0x179: {  	[tilespmem:s22], [sflag:$0x2] =	stream.indirect.gather [hbm4b:s4+s21], $0x80, s1, s21, $0xb8;
	[tilespmem:$0x1F400] =	vst v63  }
0x17a: {  	_ =	swait.ge [sflag:s23], $0x4000  }
0x17b: {  	[sflag:s23] =	ssyncset.done $0x0  }
0x17c: {  	s1 =	sadd.s32 $0x1400, s31;
	[sflag:s23] =	ssyncadd.s32 $0xFFFFC000  }
0x17d: {  	[spmem:s2] =	stream.indirect.scatter.add.f32 [tilespmem:s18], [sflag:$0x3], $0x80, s1, s21, $0xb8;
	[tilespmem:$0x1F400] =	vst v63  }
0x17e: {  	_ =	swait.ge [sflag:s24], $0x4000  }
0x17f: {  	[sflag:s24] =	ssyncset.done $0x0  }
0x180: {  	s1 =	rddreg [dreg:$0x14];
	[sflag:s24] =	ssyncadd.s32 $0xFFFFC000  }
0x181: {  	[tilespmem:s18], [sflag:$0x1] =	stream.indirect.gather [hbm4b:s4+s21], $0x80, s1, s21, $0xb8;
	[tilespmem:$0x1F400] =	vst v63  }
0x182: {  	_ =	swait.ge [sflag:s25], $0x4000  }
0x183: {  	[sflag:s25] =	ssyncset.done $0x0  }
0x184: {  	s1 =	sadd.s32 $0x1480, s31;
	[sflag:s25] =	ssyncadd.s32 $0xFFFFC000  }
0x185: {  	[spmem:s2] =	stream.indirect.scatter.add.f32 [tilespmem:s22], [sflag:$0x4], $0x80, s1, s21, $0xb8;
	[tilespmem:$0x1F400] =	vst v63  }
0x186: {  	_ =	swait.ge [sflag:s26], $0x4000  }
0x187: {  	[sflag:s26] =	ssyncset.done $0x0  }
0x188: {  	s1 =	rddreg [dreg:$0x15];
	[sflag:s26] =	ssyncadd.s32 $0xFFFFC000  }
0x189: {  	[tilespmem:s22], [sflag:$0x2] =	stream.indirect.gather [hbm4b:s4+s21], $0x80, s1, s21, $0xb8;
	[tilespmem:$0x1F400] =	vst v63  }
0x18a: {  	_ =	swait.ge [sflag:s23], $0x4000  }
0x18b: {  	[sflag:s23] =	ssyncset.done $0x0  }
0x18c: {  	s1 =	sadd.s32 $0x1500, s31;
	[sflag:s23] =	ssyncadd.s32 $0xFFFFC000  }
0x18d: {  	[spmem:s2] =	stream.indirect.scatter.add.f32 [tilespmem:s18], [sflag:$0x3], $0x80, s1, s21, $0xb8;
	[tilespmem:$0x1F400] =	vst v63  }
0x18e: {  	_ =	swait.ge [sflag:s25], $0x4000  }
0x18f: {  	[sflag:s25] =	ssyncset.done $0x0  }
0x190: {  	p0 =	sne.s32 s29, $0x7800;
	s31 =	sadd.s32 $0x1580, s31;
	[sflag:s25] =	ssyncadd.s32 $0xFFFFC000  }
0x191: {  	[spmem:s2] =	stream.indirect.scatter.add.f32 [tilespmem:s22], [sflag:$0x4], $0x80, s31, s21, $0xb8;
	[tilespmem:$0x1F400] =	vst v63  }
.Ltmp1:
0x192: {  	_ =	swait.ge [sflag:s24], $0x4000;
	(pc) =	sbr.rel @p0 .LBB2_4-.Ltmp1, $4  }
0x193: {  	[sflag:s24] =	ssyncset.done $0x0  }
0x194: {  	[sflag:s24] =	ssyncadd.s32 $0xFFFFC000  }
0x195: {  	_ =	swait.ge [sflag:s26], $0x4000  }
0x196: {  	s29 =	sadd.s32 $0x2800, s29;
	[sflag:s26] =	ssyncset.done $0x0  }
0x197: {  	[sflag:s26] =	ssyncadd.s32 $0xFFFFC000  }
0x198: {  	[bflag:$0x0] =	sbarrier.arrive $0xFFFF  }
0x199: {  	[tilespmem:s18], [sflag:$0x5] =	stream.linear.gather [spmem:s5], $0x4000, $0x38;
	[tilespmem:$0x1F400] =	vst v63  }
0x19a: {  	_ =	swait.ge [sflag:s19], $0x4000  }
0x19b: {  	[sflag:s19] =	ssyncset.done $0x0  }
0x19c: {  	[sflag:s19] =	ssyncadd.s32 $0xFFFFC000  }
0x19d: {  	[hbm4b:s11+s3] =	stream.linear.scatter [tilespmem:s18], [sflag:$0x5], $0x4000, $0x38;
	[tilespmem:$0x1F400] =	vst v63  }
0x19e: {  	_ =	swait.ge [sflag:s19], $0x4000  }
0x19f: {  	[sflag:s19] =	ssyncset.done $0x0  }
0x1a0: {  	[sflag:s19] =	ssyncadd.s32 $0xFFFFC000  }
0x1a1: {  	[tilespmem:s18], [sflag:$0x5] =	stream.linear.gather [spmem:s6], $0x4000, $0x38;
	[tilespmem:$0x1F400] =	vst v63  }
0x1a2: {  	_ =	swait.ge [sflag:s19], $0x4000  }
0x1a3: {  	[sflag:s19] =	ssyncset.done $0x0  }
0x1a4: {  	[sflag:s19] =	ssyncadd.s32 $0xFFFFC000  }
0x1a5: {  	[hbm4b:s12+s3] =	stream.linear.scatter [tilespmem:s18], [sflag:$0x5], $0x4000, $0x38;
	[tilespmem:$0x1F400] =	vst v63  }
0x1a6: {  	_ =	swait.ge [sflag:s19], $0x4000  }
0x1a7: {  	[sflag:s19] =	ssyncset.done $0x0  }
0x1a8: {  	[sflag:s19] =	ssyncadd.s32 $0xFFFFC000  }
0x1a9: {  	[tilespmem:s18], [sflag:$0x5] =	stream.linear.gather [spmem:s7], $0x4000, $0x38;
	[tilespmem:$0x1F400] =	vst v63  }
0x1aa: {  	_ =	swait.ge [sflag:s19], $0x4000  }
0x1ab: {  	[sflag:s19] =	ssyncset.done $0x0  }
0x1ac: {  	[sflag:s19] =	ssyncadd.s32 $0xFFFFC000  }
0x1ad: {  	[hbm4b:s13+s3] =	stream.linear.scatter [tilespmem:s18], [sflag:$0x5], $0x4000, $0x38;
	[tilespmem:$0x1F400] =	vst v63  }
0x1ae: {  	_ =	swait.ge [sflag:s19], $0x4000  }
0x1af: {  	[sflag:s19] =	ssyncset.done $0x0  }
0x1b0: {  	[sflag:s19] =	ssyncadd.s32 $0xFFFFC000  }
0x1b1: {  	[tilespmem:s18], [sflag:$0x5] =	stream.linear.gather [spmem:s8], $0x4000, $0x38;
	[tilespmem:$0x1F400] =	vst v63  }
0x1b2: {  	_ =	swait.ge [sflag:s19], $0x4000  }
0x1b3: {  	[sflag:s19] =	ssyncset.done $0x0  }
0x1b4: {  	[sflag:s19] =	ssyncadd.s32 $0xFFFFC000  }
0x1b5: {  	[hbm4b:s14+s3] =	stream.linear.scatter [tilespmem:s18], [sflag:$0x5], $0x4000, $0x38;
	[tilespmem:$0x1F400] =	vst v63  }
0x1b6: {  	_ =	swait.ge [sflag:s19], $0x4000  }
0x1b7: {  	[sflag:s19] =	ssyncset.done $0x0  }
0x1b8: {  	[sflag:s19] =	ssyncadd.s32 $0xFFFFC000  }
0x1b9: {  	[tilespmem:s18], [sflag:$0x5] =	stream.linear.gather [spmem:s9], $0x4000, $0x38;
	[tilespmem:$0x1F400] =	vst v63  }
0x1ba: {  	s28 =	sadd.s32 $0x1, s28;
	_ =	swait.ge [sflag:s19], $0x4000  }
0x1bb: {  	p0 =	sne.s32 s28, s16;
	[sflag:s19] =	ssyncset.done $0x0  }
.Ltmp2:
0x1bc: {  	[sflag:s19] =	ssyncadd.s32 $0xFFFFC000;
	(pc) =	sbr.rel @p0 .LBB2_1-.Ltmp2, $4  }
0x1bd: {  	[hbm4b:s15+s3] =	stream.linear.scatter [tilespmem:s18], [sflag:$0x5], $0x4000, $0x38;
	[tilespmem:$0x1F400] =	vst v63  }
0x1be: {  	_ =	swait.ge [sflag:s19], $0x4000  }
0x1bf: {  	[sflag:s19] =	ssyncset.done $0x0  }
0x1c0: {  	[sflag:s19] =	ssyncadd.s32 $0xFFFFC000  }
0x1c1: {  	_ =	sfence.sel $0x180000  }
0x1c2: {  	[bflag:$0x0] =	sbarrier.arrive $0xFFFF  }
0x1c3: {  	_ =	strace $0x9000004D  }
0x1c4: {  	[bflag:$0x2] =	sbarrier.arrive $0xFFFF  }
0x1c5: {  	p0 =	sne.s32 s0, $0x0;
	s0 =	rddreg [dreg:$0x3]  }
0x1c6: {  	s0 =	sadd.s32 @!p0 $0x100000, s0  }
0x1c7: {  	[sflag:s0] =	ssyncadd.tile.s32 @!p0 $0x1;
	_ =	shalt  }
.Lfunc_end2:
_tile_overlayer_lowered:
.L_overlay_start_2:
0x1c8: {  	(tag) =	ssettag $0x2  }
0x1c9: {  	s0 =	rddreg [dreg:$0x0];
	s2 =	stileid.u32  }
0x1ca: {  	s1 =	rddreg [dreg:$0x1];
	p0 =	sne.s32 s2, $0x0  }
0x1cb: {  	s3 =	rddreg [dreg:$0x2];
	[bflag:$0x3] =	sbarrier.arrive $0xFFFF;
	s2 =	simm.s32 @!p0 $0x1C05  }
0x1cc: {  	[timem:s3], [sflag:s2] =	dma.local @!p0 [hbm:s0], s1  }
0x1cd: {  	s0 =	simm.s32 @!p0 $0x5  }
0x1ce: {  	_ =	swait.ge @!p0 [sflag:s0], s1  }
0x1cf: {  	s1 =	ssub.s32 @!p0 $0x0, s1;
	[sflag:s0] =	ssyncset.done @!p0 $0x0  }
0x1d0: {  	[sflag:s0] =	ssyncadd.s32 @!p0 s1  }
0x1d1: {  	[bflag:$0x3] =	sbarrier.arrive $0xFFFF  }
0x1d2: {  	_ =	shalt  }

// kernel: kernel.8.cloned.1.call-start
scs
__scs_entry_jumppad:
0x0: {  	(pc) =	sbr.rel $0x88, $3  }
0x1: {  	(tag) =	ssettag $0x0;
	lr =	simm.s32 $0x1  }
0x2: {  	[smem:$0x3F9B] =	sst lr;
	_ =	strace $0xD0000000  }
0x3: {  	_ = 	snop  }
0x4: {  	_ = 	snop  }
0x5: {  	_ = 	snop  }
0x6: {  	_ = 	snop  }
0x7: {  	_ = 	snop  }
__scs_overlays_trampoline_lowered:
0x8: {  	[smem:$0x3FAA] =	sst s0  }
0x9: {  	[smem:$0x3FAB] =	sst s1  }
0xa: {  	[smem:$0x3FAC] =	sst s2  }
0xb: {  	[smem:$0x3FAD] =	sst s3  }
0xc: {  	[smem:$0x3FAE] =	sst s4  }
0xd: {  	[smem:$0x3FAF] =	sst s5  }
0xe: {  	[smem:$0x3FB0] =	sst s6  }
0xf: {  	[smem:$0x3FB1] =	sst s7  }
0x10: {  	[smem:$0x3FB2] =	sst s8  }
0x11: {  	[smem:$0x3FB3] =	sst s9;
	s0 =	simm.s32 @!p0 $0x0  }
0x12: {  	s1 =	sld [smem:$0x3F99];
	s0 =	simm.s32 @p0 $0x1  }
0x13: {  	[smem:$0x3FB4] =	sst s0;
	s0 =	simm.s32 @!p1 $0x0  }
0x14: {  	s2 =	sld [smem:$0x3F98];
	s0 =	simm.s32 @p1 $0x1  }
0x15: {  	[smem:$0x3FB5] =	sst s0;
	s0 =	simm.s32 @!p2 $0x0  }
0x16: {  	s3 =	sld [smem:$0x3FDB];
	s0 =	simm.s32 @p2 $0x1  }
0x17: {  	s4 =	simm.s32 $0x1BF5;
	[smem:$0x3FB7] =	sst s0  }
0x18: {  	s0 =	sld [smem:$0x3F9A];
	_ =	swait.ge [sflag:s4], $0x0  }
0x19: {  	s7 =	sld [smem:$0x3F9B]  }
0x1a: {  	s8 =	sadd.s32 $0xFFFFE003, lr  }
0x1b: {  	s9 =	sadd.s32 $0xFFFFFEF7, lr;
	s5 =	simm.s32 $0xFFFFFFFF;
	p2 =	slt.u32 s8, $0xFFFFF086  }
0x1c: {  	p1 =	slt.u32 s9, $0xF7A;
	s5 =	simm.s32 @!p2 $0x0  }
0x1d: {  	s5 =	simm.s32 @p1 $0x1;
	p0 =	seq.s32 s7, s2  }
0x1e: {  	s7 =	smul.u32 @!p0 $0xF7A, s2;
	p2 =	seq.s32 @!p0 s5, $0x0  }
0x1f: {  	s9 =	smul.u32 $0xF7A, s1;
	s8 =	simm.s32 @!p0 $0x1BF5;
	p2 =	por !p2, p0  }
0x20: {  	[sflag:s8] =	ssyncset.s32 @!p0 $0xFFFFF086;
	s6 =	sadd.s32 @!p0 s3, s7;
	s7 =	simm.s32 @!p0 $0x108  }
0x21: {  	s3 =	sadd.s32 s3, s9;
	s6 =	sadd.s32 @!p0 $0x88, s6;
	s7 =	simm.s32 @p2 $0x1082  }
0x22: {  	[simem:s7], [sflag:s8] =	dma.local @!p0 [hbm:s6], $0xF7A  }
0x23: {  	s9 =	sor.u32 $0xD0000000, s2;
	s6 =	simm.s32 $0x108;
	_ =	swait.ge @!p0 [sflag:s8], $0x0  }
0x24: {  	s3 =	sadd.s32 $0x88, s3;
	s6 =	simm.s32 @!p1 $0x1082;
	[sflag:s4] =	ssyncset.s32 $0xFFFFF086  }
0x25: {  	[simem:s6], [sflag:s4] =	dma.local [hbm:s3], $0xF7A  }
0x26: {  	[smem:$0x3F9B] =	sst s1;
	(tag) =	ssettag s2;
	_ =	strace s9  }
0x27: {  	s1 =	sld [smem:$0x3FAB]  }
0x28: {  	s2 =	sld [smem:$0x3FAC]  }
0x29: {  	s4 =	sld [smem:$0x3FAE]  }
0x2a: {  	p0 =	seq.s32 s5, $0x0;
	s5 =	sld [smem:$0x3FAF]  }
0x2b: {  	s6 =	sld [smem:$0x3FB0]  }
0x2c: {  	s7 =	sld [smem:$0x3FB1]  }
0x2d: {  	s3 =	simm.s32 $0x108;
	s8 =	sld [smem:$0x3FB2]  }
0x2e: {  	s3 =	simm.s32 @!p0 $0x1082;
	s9 =	sld [smem:$0x3FB3]  }
0x2f: {  	lr =	sadd.s32 s0, s3;
	s0 =	sld [smem:$0x3FAA]  }
0x30: {  	s3 =	sld [smem:$0x3FAD]  }
0x31: {  	[smem:$0x3FB6] =	sst s10  }
0x32: {  	s10 =	sld [smem:$0x3FB4];
	_ =	sdelay $0x3  }
0x33: {  	p0 =	seq.s32 s10, $0x1;
	s10 =	sld [smem:$0x3FB6];
	_ =	sdelay $0x3  }
0x34: {  	[smem:$0x3FB6] =	sst s10  }
0x35: {  	s10 =	sld [smem:$0x3FB5];
	_ =	sdelay $0x3  }
0x36: {  	p1 =	seq.s32 s10, $0x1;
	s10 =	sld [smem:$0x3FB6];
	_ =	sdelay $0x3  }
0x37: {  	[smem:$0x3FB6] =	sst s10  }
0x38: {  	s10 =	sld [smem:$0x3FB7]  }
0x39: {  	_ = 	snop;
	(pc) =	sbr.ind lr, $3  }
0x3a: {  	_ = 	snop  }
0x3b: {  	_ = 	snop  }
0x3c: {  	p2 =	seq.s32 s10, $0x1;
	s10 =	sld [smem:$0x3FB6]  }
0x3d: {  	_ =	shalt  }
0x3e: {  	_ =	shalt  }
0x3f: {  	_ =	shalt  }
0x40: {  	_ =	shalt  }
0x41: {  	_ =	shalt  }
0x42: {  	_ =	shalt  }
0x43: {  	_ =	shalt  }
0x44: {  	_ =	shalt  }
0x45: {  	_ =	shalt  }
0x46: {  	_ =	shalt  }
0x47: {  	_ =	shalt  }
0x48: {  	_ =	shalt  }
0x49: {  	_ =	shalt  }
0x4a: {  	_ =	shalt  }
0x4b: {  	_ =	shalt  }
0x4c: {  	_ =	shalt  }
0x4d: {  	_ =	shalt  }
0x4e: {  	_ =	shalt  }
0x4f: {  	_ =	shalt  }
0x50: {  	_ =	shalt  }
0x51: {  	_ =	shalt  }
0x52: {  	_ =	shalt  }
0x53: {  	_ =	shalt  }
0x54: {  	_ =	shalt  }
0x55: {  	_ =	shalt  }
0x56: {  	_ =	shalt  }
0x57: {  	_ =	shalt  }
0x58: {  	_ =	shalt  }
0x59: {  	_ =	shalt  }
0x5a: {  	_ =	shalt  }
0x5b: {  	_ =	shalt  }
0x5c: {  	_ =	shalt  }
0x5d: {  	_ =	shalt  }
0x5e: {  	_ =	shalt  }
0x5f: {  	_ =	shalt  }
0x60: {  	_ =	shalt  }
0x61: {  	_ =	shalt  }
0x62: {  	_ =	shalt  }
0x63: {  	_ =	shalt  }
0x64: {  	_ =	shalt  }
0x65: {  	_ =	shalt  }
0x66: {  	_ =	shalt  }
0x67: {  	_ =	shalt  }
0x68: {  	_ =	shalt  }
0x69: {  	_ =	shalt  }
0x6a: {  	_ =	shalt  }
0x6b: {  	_ =	shalt  }
0x6c: {  	_ =	shalt  }
0x6d: {  	_ =	shalt  }
0x6e: {  	_ =	shalt  }
0x6f: {  	_ =	shalt  }
0x70: {  	_ =	shalt  }
0x71: {  	_ =	shalt  }
0x72: {  	_ =	shalt  }
0x73: {  	_ =	shalt  }
0x74: {  	_ =	shalt  }
0x75: {  	_ =	shalt  }
0x76: {  	_ =	shalt  }
0x77: {  	_ =	shalt  }
0x78: {  	_ =	shalt  }
0x79: {  	_ =	shalt  }
0x7a: {  	_ =	shalt  }
0x7b: {  	_ =	shalt  }
0x7c: {  	_ =	shalt  }
0x7d: {  	_ =	shalt  }
0x7e: {  	_ =	shalt  }
0x7f: {  	_ =	shalt  }
0x80: {  	_ =	shalt  }
0x81: {  	_ =	shalt  }
0x82: {  	_ =	shalt  }
0x83: {  	_ =	shalt  }
0x84: {  	_ =	shalt  }
0x85: {  	_ =	shalt  }
0x86: {  	_ =	shalt  }
0x87: {  	_ =	shalt  }
.Lfunc_end0:
.L_simem_size_0:
called_computation_lowered:
.L_overlay_start_0:
0x88: {  	s2 =	sld [smem:$0x3FD9]  }
0x89: {  	s3 =	sld [smem:$0x3FFE];
	_ =	sdelay $0x1  }
0x8a: {  	s1 =	srdreg.scid  }
0x8b: {  	s0 =	sand.u32 $0x1, s1  }
0x8c: {  	s16 =	sshll.u32 s0, $0xA;
	s2 =	sadd.s32 s3, s2  }
0x8d: {  	s2 =	sadd.s32 s2, s16  }
0x8e: {  	[smem:$0x3FC2] =	sst s2  }
0x8f: {  	_ = 	snop  }
0x90: {  	(tm) =	ssettm $0x1  }
0x91: {  	s17 =	sld [smem:$0x3FFB];
	_ =	sdelay $0x3  }
0x92: {  	_ =	strace s17  }
0x93: {  	s2 =	sld [smem:$0x3FFC];
	_ =	sdelay $0x3  }
0x94: {  	_ =	strace s2  }
0x95: {  	s2 =	sld [smem:$0x3FFD];
	_ =	sdelay $0x3  }
0x96: {  	_ =	strace s2  }
0x97: {  	_ =	strace $0x8FFFFFFF  }
0x98: {  	s18 =	sld [smem:$0x3FDB];
	_ =	sdelay $0x1  }
0x99: {  	s19 =	simm.s32 $_scs_section_size  }
0x9a: {  	s4 =	simm.s32 $_size__tile_overlayer_lowered;
	s5 =	simm.s32 $_tile_overlayer_lowered  }
0x9b: {  	s22 =	simm.s32 $0x1BFF;
	s21 =	sshll.u32 s5, $0x1;
	s2 =	sadd.s32 s19, s18  }
0x9c: {  	s6 =	simm.s32 $0x0;
	s20 =	sshll.u32 s4, $0x1;
	s4 =	sadd.s32 s21, s2  }
0x9d: {  	[timem:s6], [sflag:s22] =	dma.local [hbm:s4], s20  }
0x9e: {  	_ =	swait.ge [sflag:s22], s20  }
0x9f: {  	s3 =	ssub.s32 $0x0, s20;
	[sflag:s22] =	ssyncset.done $0x0  }
0xa0: {  	[sflag:s22] =	ssyncadd.s32 s3;
	_ =	sdelay $0x1  }
0xa1: {  	s23 =	simm.s32 $0x1B8B  }
0xa2: {  	_ =	swait.ge [sflag:s23], $0x1  }
0xa3: {  	[sflag:s23] =	ssyncset.done $0x0  }
0xa4: {  	s25 =	simm.s32 $0x1B8E;
	s24 =	sld [smem:$0x3FFE];
	[sflag:s23] =	ssyncadd.s32 $0xFFFFFFFF  }
0xa5: {  	s26 =	simm.s32 $execute0_lowered;
	[smem:$0x3FD2] =	sst s25  }
0xa6: {  	s4 =	sshll.u32 s26, $0x1;
	_ =	strace $0x80000046;
	[dreg:$0x1] =	wrdreg $0xFFFFFFFF  }
0xa7: {  	s28 =	simm.s32 $_size_execute0_lowered;
	s2 =	sadd.s32 s2, s4;
	[dreg:$0x0] =	wrdreg $0x0  }
0xa8: {  	s4 =	sshll.u32 s28, $0x1;
	[dreg:$0x2] =	wrdreg s2  }
0xa9: {  	[dreg:$0x3] =	wrdreg s4  }
0xaa: {  	[dreg:$0x4] =	wrdreg $0xC0  }
0xab: {  	_ =	task [dreg:s6], $0x5FFFF  }
0xac: {  	[dreg:$0x1] =	wrdreg $0xFFFFFFFF  }
0xad: {  	[dreg:$0x0] =	wrdreg $0x60  }
0xae: {  	[dreg:$0x2] =	wrdreg s24  }
0xaf: {  	[dreg:$0x3] =	wrdreg $0xA8000  }
0xb0: {  	[dreg:$0x4] =	wrdreg $0x9  }
0xb1: {  	_ =	task.clear_ibuf [dreg:s6], $0x5FFFF;
	_ =	strace $0x90000046  }
0xb2: {  	s29 =	simm.s32 $0x9;
	_ =	strace $0x80000048  }
0xb3: {  	_ =	swait.ge [sflag:s29], $0x1  }
0xb4: {  	[sflag:s29] =	ssyncadd.s32 $0xFFFFFFFF  }
0xb5: {  	_ =	strace $0x90000048  }
0xb6: {  	_ =	sfence  }
0xb7: {  	s30 =	sld [smem:$0x0];
	_ =	sdelay $0x2  }
0xb8: {  	s31 =	sshll.u32 s1, $0xD;
	s1 =	sshrl.u32 s1, $0x2  }
0xb9: {  	s3 =	sand.u32 $0x4000, s31;
	s1 =	sadd.s32 s1, s30  }
0xba: {  	s0 =	sor.u32 s3, s0;
	s1 =	sshll.u32 s1, $0x11  }
0xbb: {  	s0 =	sor.u32 s1, s0  }
0xbc: {  	s0 =	sadd.s32 $0x8F2B, s0  }
0xbd: {  	[sflag:s0] =	ssyncadd.remote.s32 $0x1  }
0xbe: {  	_ =	sfence.sel $0xFFFF  }
0xbf: {  	[dreg:$0x0] =	wrdreg $0xFFFFFFFF;
	(pc) =	sbr.abs _section_cstart, $3  }
0xc0: {  	[dreg:$0x1] =	wrdreg $0xFFFFFFFF  }
0xc1: {  	_ =	task.clear_ibuf [dreg:s6], $0x2FFFF;
	_ =	strace $0x9FFFFFFF  }
0xc2: {  	(tm) =	ssettm $0x7FFFFFFF  }
0xc3: {  	_ =	shalt  }
tec
execute0_lowered:
.L_overlay_start_1:
0x0: {  	(tag) =	ssettag $0x1  }
0x1: {  	s0 =	srdreg.scid;
	s4 =	rddreg [dreg:$0x0]  }
0x2: {  	s2 =	rddreg [dreg:$0x1];
	s1 =	stileid.u32  }
0x3: {  	s3 =	simm.s32 $0x0;
	s19 =	simm.s32 $0x2800;
	s20 =	simm.s32 $0x0  }
0x4: {  	s5 =	sand.u32 $0x1, s0;
	s0 =	rddreg [dreg:$0x2];
	s7 =	smul.u32 $0x50000, s1  }
0x5: {  	[smem:$0x7FF] =	sst s3;
	s8 =	smul.u32 $0x14000, s1;
	s14 =	sadd.s32 $0xC000, s4  }
0x6: {  	s6 =	sshll.u32 s5, $0x4;
	_ =	strace $0x80000047;
	s30 =	ssub.s32 $0x2, s5  }
0x7: {  	s16 =	smul.u32 $0x140000, s5;
	s6 =	sor.u32 s1, s6;
	s31 =	sshrl.u32 s30, $0x1  }
0x8: {  	s7 =	sshrl.u32 s7, $0x2;
	s10 =	sadd.s32 $0x4000, s8;
	s12 =	sadd.s32 $0x8000, s8  }
0x9: {  	s13 =	sadd.s32 $0xC000, s8;
	s17 =	sadd.s32 $0x10000, s8;
	s6 =	smul.u32 $0x500, s6  }
0xa: {  	s15 =	ssub.s32 s30, s31;
	s5 =	sadd.s32 s10, s2;
	s11 =	sadd.s32 s8, s16  }
0xb: {  	s10 =	sadd.s32 s16, s10;
	s8 =	sadd.s32 s17, s2;
	s11 =	sshrl.u32 s11, $0x3  }
0xc: {  	s18 =	sshrl.u32 s10, $0x3;
	s15 =	smax.u32 s15, $0x1;
	s9 =	sadd.s32 s6, s4  }
0xd: {  	s4 =	sadd.s32 s7, s2;
	s6 =	sadd.s32 s12, s2;
	s7 =	sadd.s32 s13, s2  }
0xe: {  	s10 =	sadd.s32 s14, s11;
	s11 =	sadd.s32 s14, s18;
	s12 =	sadd.s32 s16, s12  }
0xf: {  	s13 =	sadd.s32 s16, s13;
	s16 =	sadd.s32 s16, s17;
	s17 =	simm.s32 $0x1  }
0x10: {  	s18 =	simm.s32 $0x80;
	s9 =	sadd.s32 $0x2000, s9;
	s12 =	sshrl.u32 s12, $0x3  }
0x11: {  	s13 =	sshrl.u32 s13, $0x3;
	s16 =	sshrl.u32 s16, $0x3;
	s12 =	sadd.s32 s14, s12  }
0x12: {  	v0 =	vimm.f32 $1.000000000e+00;
	v1 =	vimm.f32 $0.0e+00;
	s13 =	sadd.s32 s14, s13;
	s14 =	sadd.s32 s14, s16;
	s16 =	simm.s32 $0x6800  }
.LBB2_1:
0x13: {  	s21 =	simm.s32 $0x0;
	s22 =	simm.s32 $0x200  }
.LBB2_2:
0x14: {  	p0 =	sne.s32 s22, $0xFE00;
	[tilespmem:s21+$0x2870] =	vst v0  }
0x15: {  	[tilespmem:s21+$0x2800] =	vst v0  }
0x16: {  	[tilespmem:s21+$0x2810] =	vst v0  }
.Ltmp0:
0x17: {  	[tilespmem:s21+$0x2820] =	vst v0;
	(pc) =	sbr.rel @p0 .LBB2_2-.Ltmp0, $4  }
0x18: {  	[tilespmem:s21+$0x2830] =	vst v0  }
0x19: {  	[tilespmem:s21+$0x2840] =	vst v0  }
0x1a: {  	[tilespmem:s21+$0x2850] =	vst v0  }
0x1b: {  	[tilespmem:s21+$0x2860] =	vst v0;
	s21 =	sshra.s32 s22, $0x2;
	s22 =	sadd.s32 $0x200, s22  }
0x1c: {  	[tilespmem:s21+$0x2870] =	vst v0  }
0x1d: {  	[tilespmem:s21+$0x2800] =	vst v0  }
0x1e: {  	[tilespmem:s21+$0x2810] =	vst v0  }
0x1f: {  	[tilespmem:s21+$0x2820] =	vst v0  }
0x20: {  	[tilespmem:s21+$0x2830] =	vst v0  }
0x21: {  	[tilespmem:s21+$0x2840] =	vst v0  }
0x22: {  	[tilespmem:s21+$0x2850] =	vst v0  }
0x23: {  	[tilespmem:s21+$0x2860] =	vst v0;
	s21 =	simm.s32 $0x0;
	s22 =	simm.s32 $0x200  }
.LBB2_4:
0x24: {  	p0 =	sne.s32 s22, $0xFE00;
	[tilespmem:s21+$0x6870] =	vst v1  }
0x25: {  	[tilespmem:s21+$0x6800] =	vst v1  }
0x26: {  	[tilespmem:s21+$0x6810] =	vst v1  }
.Ltmp1:
0x27: {  	[tilespmem:s21+$0x6820] =	vst v1;
	(pc) =	sbr.rel @p0 .LBB2_4-.Ltmp1, $4  }
0x28: {  	[tilespmem:s21+$0x6830] =	vst v1  }
0x29: {  	[tilespmem:s21+$0x6840] =	vst v1  }
0x2a: {  	[tilespmem:s21+$0x6850] =	vst v1  }
0x2b: {  	[tilespmem:s21+$0x6860] =	vst v1;
	s21 =	sshra.s32 s22, $0x2;
	s22 =	sadd.s32 $0x200, s22  }
0x2c: {  	[tilespmem:s21+$0x6870] =	vst v1  }
0x2d: {  	[tilespmem:s21+$0x6800] =	vst v1  }
0x2e: {  	[tilespmem:s21+$0x6810] =	vst v1  }
0x2f: {  	[tilespmem:s21+$0x6820] =	vst v1  }
0x30: {  	[tilespmem:s21+$0x6830] =	vst v1  }
0x31: {  	[tilespmem:s21+$0x6840] =	vst v1  }
0x32: {  	[tilespmem:s21+$0x6850] =	vst v1  }
0x33: {  	[tilespmem:s21+$0x6860] =	vst v1  }
0x34: {  	[spmem:s4] =	stream.linear.scatter [tilespmem:s16], [sflag:$0x1], $0x4000, $0x38;
	[tilespmem:$0x1E800] =	vst v63  }
0x35: {  	_ =	swait.ge [sflag:s17], $0x4000  }
0x36: {  	[sflag:s17] =	ssyncset.done $0x0  }
0x37: {  	[sflag:s17] =	ssyncadd.s32 $0xFFFFC000  }
0x38: {  	[spmem:s5] =	stream.linear.scatter [tilespmem:s16], [sflag:$0x1], $0x4000, $0x38;
	[tilespmem:$0x1E800] =	vst v63  }
0x39: {  	_ =	swait.ge [sflag:s17], $0x4000  }
0x3a: {  	[sflag:s17] =	ssyncset.done $0x0  }
0x3b: {  	[sflag:s17] =	ssyncadd.s32 $0xFFFFC000  }
0x3c: {  	[spmem:s6] =	stream.linear.scatter [tilespmem:s16], [sflag:$0x1], $0x4000, $0x38;
	[tilespmem:$0x1E800] =	vst v63  }
0x3d: {  	_ =	swait.ge [sflag:s17], $0x4000  }
0x3e: {  	[sflag:s17] =	ssyncset.done $0x0  }
0x3f: {  	[sflag:s17] =	ssyncadd.s32 $0xFFFFC000  }
0x40: {  	[spmem:s7] =	stream.linear.scatter [tilespmem:s16], [sflag:$0x1], $0x4000, $0x38;
	[tilespmem:$0x1E800] =	vst v63  }
0x41: {  	_ =	swait.ge [sflag:s17], $0x4000  }
0x42: {  	[sflag:s17] =	ssyncset.done $0x0  }
0x43: {  	[sflag:s17] =	ssyncadd.s32 $0xFFFFC000  }
0x44: {  	[spmem:s8] =	stream.linear.scatter [tilespmem:s16], [sflag:$0x1], $0x4000, $0x38;
	[tilespmem:$0x1E800] =	vst v63  }
0x45: {  	_ =	swait.ge [sflag:s17], $0x4000  }
0x46: {  	[sflag:s17] =	ssyncset.done $0x0  }
0x47: {  	[sflag:s17] =	ssyncadd.s32 $0xFFFFC000  }
0x48: {  	s30 =	simm.s32 $0x0;
	[bflag:$0x0] =	sbarrier.arrive $0xFFFF  }
0x49: {  	[tilespmem:s30], [sflag:$0x1] =	stream.linear.gather [hbm4b:s9+s30], $0x2800, $0x38;
	[tilespmem:$0x1E800] =	vst v63  }
0x4a: {  	_ =	swait.ge [sflag:s17], $0x2800  }
0x4b: {  	[sflag:s17] =	ssyncset.done $0x0  }
0x4c: {  	s31 =	simm.s32 $0x0;
	[sflag:s17] =	ssyncadd.s32 $0xFFFFD800  }
0x4d: {  	[spmem:s2] =	stream.indirect.scatter.add.f32 [tilespmem:s19], [sflag:$0x1], $0x80, s31, s18, $0xb8;
	[tilespmem:$0x1E800] =	vst v63  }
0x4e: {  	_ =	swait.ge [sflag:s17], $0x4000  }
0x4f: {  	s21 =	simm.s32 $0x200;
	[sflag:s17] =	ssyncset.done $0x0  }
.LBB2_6:
0x50: {  	s22 =	sshra.s32 s21, $0x2;
	[sflag:s17] =	ssyncadd.s32 $0xFFFFC000;
	p0 =	sne.s32 s21, $0x9E00  }
0x51: {  	[spmem:s2] =	stream.indirect.scatter.add.f32 [tilespmem:s19], [sflag:$0x1], $0x80, s22, s18, $0xb8;
	[tilespmem:$0x1E800] =	vst v63  }
.Ltmp2:
0x52: {  	_ = 	snop;
	(pc) =	sbr.rel @p0 .LBB2_6-.Ltmp2, $4  }
0x53: {  	_ = 	snop  }
0x54: {  	s21 =	sadd.s32 $0x200, s21  }
0x55: {  	_ =	swait.ge [sflag:s17], $0x4000  }
0x56: {  	[sflag:s17] =	ssyncset.done $0x0  }
0x57: {  	[sflag:s17] =	ssyncadd.s32 $0xFFFFC000  }
0x58: {  	[bflag:$0x0] =	sbarrier.arrive $0xFFFF  }
0x59: {  	[tilespmem:s16], [sflag:$0x1] =	stream.linear.gather [spmem:s4], $0x4000, $0x38;
	[tilespmem:$0x1E800] =	vst v63  }
0x5a: {  	_ =	swait.ge [sflag:s17], $0x4000  }
0x5b: {  	[sflag:s17] =	ssyncset.done $0x0  }
0x5c: {  	[sflag:s17] =	ssyncadd.s32 $0xFFFFC000  }
0x5d: {  	[hbm4b:s10+s3] =	stream.linear.scatter [tilespmem:s16], [sflag:$0x1], $0x4000, $0x38;
	[tilespmem:$0x1E800] =	vst v63  }
0x5e: {  	_ =	swait.ge [sflag:s17], $0x4000  }
0x5f: {  	[sflag:s17] =	ssyncset.done $0x0  }
0x60: {  	[sflag:s17] =	ssyncadd.s32 $0xFFFFC000  }
0x61: {  	[tilespmem:s16], [sflag:$0x1] =	stream.linear.gather [spmem:s5], $0x4000, $0x38;
	[tilespmem:$0x1E800] =	vst v63  }
0x62: {  	_ =	swait.ge [sflag:s17], $0x4000  }
0x63: {  	[sflag:s17] =	ssyncset.done $0x0  }
0x64: {  	[sflag:s17] =	ssyncadd.s32 $0xFFFFC000  }
0x65: {  	[hbm4b:s11+s3] =	stream.linear.scatter [tilespmem:s16], [sflag:$0x1], $0x4000, $0x38;
	[tilespmem:$0x1E800] =	vst v63  }
0x66: {  	_ =	swait.ge [sflag:s17], $0x4000  }
0x67: {  	[sflag:s17] =	ssyncset.done $0x0  }
0x68: {  	[sflag:s17] =	ssyncadd.s32 $0xFFFFC000  }
0x69: {  	[tilespmem:s16], [sflag:$0x1] =	stream.linear.gather [spmem:s6], $0x4000, $0x38;
	[tilespmem:$0x1E800] =	vst v63  }
0x6a: {  	_ =	swait.ge [sflag:s17], $0x4000  }
0x6b: {  	[sflag:s17] =	ssyncset.done $0x0  }
0x6c: {  	[sflag:s17] =	ssyncadd.s32 $0xFFFFC000  }
0x6d: {  	[hbm4b:s12+s3] =	stream.linear.scatter [tilespmem:s16], [sflag:$0x1], $0x4000, $0x38;
	[tilespmem:$0x1E800] =	vst v63  }
0x6e: {  	_ =	swait.ge [sflag:s17], $0x4000  }
0x6f: {  	[sflag:s17] =	ssyncset.done $0x0  }
0x70: {  	[sflag:s17] =	ssyncadd.s32 $0xFFFFC000  }
0x71: {  	[tilespmem:s16], [sflag:$0x1] =	stream.linear.gather [spmem:s7], $0x4000, $0x38;
	[tilespmem:$0x1E800] =	vst v63  }
0x72: {  	_ =	swait.ge [sflag:s17], $0x4000  }
0x73: {  	[sflag:s17] =	ssyncset.done $0x0  }
0x74: {  	[sflag:s17] =	ssyncadd.s32 $0xFFFFC000  }
0x75: {  	[hbm4b:s13+s3] =	stream.linear.scatter [tilespmem:s16], [sflag:$0x1], $0x4000, $0x38;
	[tilespmem:$0x1E800] =	vst v63  }
0x76: {  	_ =	swait.ge [sflag:s17], $0x4000  }
0x77: {  	[sflag:s17] =	ssyncset.done $0x0  }
0x78: {  	[sflag:s17] =	ssyncadd.s32 $0xFFFFC000  }
0x79: {  	[tilespmem:s16], [sflag:$0x1] =	stream.linear.gather [spmem:s8], $0x4000, $0x38;
	[tilespmem:$0x1E800] =	vst v63  }
0x7a: {  	s20 =	sadd.s32 $0x1, s20;
	_ =	swait.ge [sflag:s17], $0x4000  }
0x7b: {  	p0 =	sne.s32 s20, s15;
	[sflag:s17] =	ssyncset.done $0x0  }
.Ltmp3:
0x7c: {  	[sflag:s17] =	ssyncadd.s32 $0xFFFFC000;
	(pc) =	sbr.rel @p0 .LBB2_1-.Ltmp3, $4  }
0x7d: {  	[hbm4b:s14+s3] =	stream.linear.scatter [tilespmem:s16], [sflag:$0x1], $0x4000, $0x38;
	[tilespmem:$0x1E800] =	vst v63  }
0x7e: {  	_ =	swait.ge [sflag:s17], $0x4000  }
0x7f: {  	[sflag:s17] =	ssyncset.done $0x0  }
0x80: {  	[sflag:s17] =	ssyncadd.s32 $0xFFFFC000  }
0x81: {  	_ =	sfence.sel $0x180000  }
0x82: {  	[bflag:$0x0] =	sbarrier.arrive $0xFFFF  }
0x83: {  	p0 =	sne.s32 s1, $0x0;
	_ =	strace $0x90000047  }
0x84: {  	s0 =	sadd.s32 @!p0 $0x100000, s0;
	[bflag:$0x2] =	sbarrier.arrive $0xFFFF  }
0x85: {  	[sflag:s0] =	ssyncadd.tile.s32 @!p0 $0x1;
	_ =	shalt  }
.Lfunc_end2:
_tile_overlayer_lowered:
.L_overlay_start_2:
0x86: {  	(tag) =	ssettag $0x2  }
0x87: {  	s0 =	rddreg [dreg:$0x0];
	s2 =	stileid.u32  }
0x88: {  	s1 =	rddreg [dreg:$0x1];
	p0 =	sne.s32 s2, $0x0  }
0x89: {  	s3 =	rddreg [dreg:$0x2];
	[bflag:$0x3] =	sbarrier.arrive $0xFFFF;
	s2 =	simm.s32 @!p0 $0x1C01  }
0x8a: {  	[timem:s3], [sflag:s2] =	dma.local @!p0 [hbm:s0], s1  }
0x8b: {  	s0 =	simm.s32 @!p0 $0x1  }
0x8c: {  	_ =	swait.ge @!p0 [sflag:s0], s1  }
0x8d: {  	s1 =	ssub.s32 @!p0 $0x0, s1;
	[sflag:s0] =	ssyncset.done @!p0 $0x0  }
0x8e: {  	[sflag:s0] =	ssyncadd.s32 @!p0 s1  }
0x8f: {  	[bflag:$0x3] =	sbarrier.arrive $0xFFFF  }
0x90: {  	_ =	shalt  }

</sc_bundles>
